<compile_context>
chip_gen: v7x
topology: tpu7x:2x2x1
jax: 0.10.2.dev20260603
libtpu: 0.0.44.dev20260713+nightly
codegen_flags: <defaults>
</compile_context>

<pallas_src>
import functools
import jax
import jax.numpy as jnp
from jax import lax
from jax.experimental import pallas as pl
from jax.experimental.pallas import tpu as pltpu
from jax.experimental.pallas import tpu_sc as plsc

N = 10000
E = 320000
NC = 2
NS = 16
NW = NC * NS
EW = E // NW
C = 80
NCHUNK = EW // C
NP = 10240
RPW = NP // NS

_slope = 0.2


def _lrelu(x):
    return jnp.where(x >= 0, x, _slope * x)


def _pack2(lo, hi):
    lob = lax.bitcast_convert_type(lo.astype(jnp.bfloat16), jnp.uint16)
    hib = lax.bitcast_convert_type(hi.astype(jnp.bfloat16), jnp.uint16)
    return lob.astype(jnp.uint32) | (hib.astype(jnp.uint32) << 16)


def _unpack2(v):
    lo = lax.bitcast_convert_type((v & 0xFFFF).astype(jnp.uint16),
                                  jnp.bfloat16)
    hi = lax.bitcast_convert_type((v >> 16).astype(jnp.uint16),
                                  jnp.bfloat16)
    return lo, hi


def _tc_matmul(x, w, bn_rows):
    n, k = x.shape
    m = w.shape[1]
    m2 = m // 2
    pack = (m2 % 128 == 0)

    def body(x_ref, w_ref, o_ref):
        h = jnp.dot(x_ref[...], w_ref[...],
                    preferred_element_type=jnp.float32)
        if pack:
            o_ref[...] = _pack2(h[:, :m2], h[:, m2:])
        else:
            o_ref[...] = h

    mo = m2 if pack else m
    return pl.pallas_call(
        body,
        grid=(n // bn_rows,),
        in_specs=[pl.BlockSpec((bn_rows, k), lambda i: (i, 0)),
                  pl.BlockSpec((k, m), lambda i: (0, 0))],
        out_specs=pl.BlockSpec((bn_rows, mo), lambda i: (i, 0)),
        out_shape=jax.ShapeDtypeStruct(
            (n, mo), jnp.uint32 if pack else jnp.float32),
    )(x, w)


def _tc_mlp_stage(a, b_in, w, bias, scale, shift, absdiff, preact, be):
    m = w.shape[1]
    d = w.shape[0]

    def body(*refs):
        i = pl.program_id(0)
        packed = a.dtype == jnp.uint32
        if absdiff:
            a_ref, b_ref, w_ref, bias_ref = refs[:4]
            y_ref, s_ref = refs[4:]
            if packed:
                alo, ahi = _unpack2(a_ref[...])
                blo, bhi = _unpack2(b_ref[...])
                ulo = jnp.abs(alo - blo)
                uhi = jnp.abs(ahi - bhi)
            else:
                u = jnp.abs(a_ref[...] - b_ref[...]).astype(jnp.bfloat16)
        elif preact:
            a_ref, w_ref, bias_ref, sc_ref, sh_ref = refs[:5]
            y_ref, s_ref = refs[5:]
            u = _lrelu(a_ref[...] * sc_ref[...] + sh_ref[...])
        else:
            a_ref, w_ref, bias_ref = refs[:3]
            y_ref, s_ref = refs[3:]
            u = a_ref[...]
        if absdiff and packed:
            w = w_ref[...].astype(jnp.bfloat16)
            d2 = d // 2
            y = jnp.dot(ulo, w[:d2], preferred_element_type=jnp.float32) \
                + jnp.dot(uhi, w[d2:], preferred_element_type=jnp.float32) \
                + bias_ref[...]
        elif absdiff:
            y = jnp.dot(u, w_ref[...].astype(jnp.bfloat16),
                        preferred_element_type=jnp.float32) + bias_ref[...]
        else:
            y = jnp.dot(u, w_ref[...],
                        preferred_element_type=jnp.float32) + bias_ref[...]
        y_ref[...] = y

        @pl.when(i == 0)
        def _():
            s_ref[...] = jnp.zeros_like(s_ref)

        s_ref[0:1, :] += jnp.sum(y, axis=0, keepdims=True)
        s_ref[1:2, :] += jnp.sum(y * y, axis=0, keepdims=True)

    da = d // 2 if (absdiff and a.dtype == jnp.uint32) else d
    ins = [a]
    in_specs = [pl.BlockSpec((be, da), lambda i: (i, 0))]
    if absdiff:
        ins.append(b_in)
        in_specs.append(pl.BlockSpec((be, da), lambda i: (i, 0)))
    ins += [w, bias.reshape(1, m)]
    in_specs += [pl.BlockSpec((d, m), lambda i: (0, 0)),
                 pl.BlockSpec((1, m), lambda i: (0, 0))]
    if preact:
        ins += [scale.reshape(1, d), shift.reshape(1, d)]
        in_specs += [pl.BlockSpec((1, d), lambda i: (0, 0)),
                     pl.BlockSpec((1, d), lambda i: (0, 0))]

    y, s = pl.pallas_call(
        body,
        grid=(E // be,),
        in_specs=in_specs,
        out_specs=[pl.BlockSpec((be, m), lambda i: (i, 0)),
                   pl.BlockSpec((8, m), lambda i: (0, 0))],
        out_shape=[jax.ShapeDtypeStruct((E, m), jnp.float32),
                   jax.ShapeDtypeStruct((8, m), jnp.float32)],
    )(*ins)
    return y, s


def _tc_edge_final(y2, scale, shift, w3, b3, src2, dst2, hg, gidx_is_src,
                   be):
    d = y2.shape[1]
    dg = hg.shape[1]
    packed = hg.dtype == jnp.uint32
    nh = 2 if packed else 1
    nq = NP // 128

    def body(y_ref, sc_ref, sh_ref, w_ref, b3_ref, s_ref, d_ref, hg_ref,
             *out_refs):
        i = pl.program_id(0)
        z = _lrelu(y_ref[...] * sc_ref[...] + sh_ref[...])
        z3 = jnp.dot(z, w_ref[...], preferred_element_type=jnp.float32) \
            + b3_ref[...]
        z3 = _lrelu(z3)
        sd = (s_ref[...] == d_ref[...]).astype(jnp.float32)
        ew = jnp.exp(-z3) + sd
        if packed:
            hlo, hhi = _unpack2(hg_ref[...])
            out_refs[0][:, 0:128] = ew * hlo.astype(jnp.float32)
            out_refs[0][:, 128:256] = ew * hhi.astype(jnp.float32)
        else:
            out_refs[0][...] = ew * hg_ref[...]

        rs_ref = out_refs[-1]
        gidx = s_ref[...] if gidx_is_src else d_ref[...]
        q = gidx // 128
        r = gidx % 128
        ohq = (q == lax.broadcasted_iota(jnp.int32, (1, nq), 1)) \
            .astype(jnp.bfloat16)
        ohr = (r == lax.broadcasted_iota(jnp.int32, (1, 128), 1)) \
            .astype(jnp.float32)
        contrib = lax.dot_general(ohq, (ohr * ew).astype(jnp.bfloat16),
                                  (((0,), (0,)), ((), ())),
                                  preferred_element_type=jnp.float32)

        @pl.when(i == 0)
        def _():
            rs_ref[...] = jnp.zeros_like(rs_ref)

        rs_ref[...] += contrib

    dpay = 128 * nh
    out_specs = [pl.BlockSpec((be, dpay), lambda i: (i, 0)),
                 pl.BlockSpec((nq, 128), lambda i: (0, 0))]
    out_shape = [jax.ShapeDtypeStruct((E, dpay), jnp.float32),
                 jax.ShapeDtypeStruct((nq, 128), jnp.float32)]

    return pl.pallas_call(
        body,
        grid=(E // be,),
        in_specs=[pl.BlockSpec((be, d), lambda i: (i, 0)),
                  pl.BlockSpec((1, d), lambda i: (0, 0)),
                  pl.BlockSpec((1, d), lambda i: (0, 0)),
                  pl.BlockSpec((d, 128), lambda i: (0, 0)),
                  pl.BlockSpec((1, 1), lambda i: (0, 0)),
                  pl.BlockSpec((be, 1), lambda i: (i, 0)),
                  pl.BlockSpec((be, 1), lambda i: (i, 0)),
                  pl.BlockSpec((be, dg), lambda i: (i, 0))],
        out_specs=out_specs,
        out_shape=out_shape,
    )(y2, scale.reshape(1, d), shift.reshape(1, d),
      jnp.broadcast_to(w3, (d, 128)), b3.reshape(1, 1),
      src2, dst2, hg)


def _sc_gather2(h, src, dst):
    d = h.shape[1]
    mesh = plsc.VectorSubcoreMesh(core_axis_name="c", subcore_axis_name="s")

    dt = h.dtype

    @functools.partial(
        pl.kernel, mesh=mesh,
        out_type=[jax.ShapeDtypeStruct((E, d), dt),
                  jax.ShapeDtypeStruct((E, d), dt)],
        scratch_types=[
            pltpu.VMEM((NCHUNK, C), jnp.int32),
            pltpu.VMEM((NCHUNK, C), jnp.int32),
            pltpu.VMEM((2, C, d), dt),
            pltpu.VMEM((2, C, d), dt),
            pltpu.SemaphoreType.DMA,
            pltpu.SemaphoreType.DMA,
            pltpu.SemaphoreType.DMA,
            pltpu.SemaphoreType.DMA,
        ],
    )
    def k(h_hbm, src_hbm, dst_hbm, hs_hbm, hd_hbm,
          idx_s, idx_d, rows_s, rows_d, g0, g1, w0, w1):
        wid = lax.axis_index("s") * NC + lax.axis_index("c")
        base = wid * EW
        sem_g = (g0, g1)
        sem_w = (w0, w1)

        pltpu.sync_copy(src_hbm.at[wid], idx_s)
        pltpu.sync_copy(dst_hbm.at[wid], idx_d)

        def fire(c, b):
            pltpu.async_copy(h_hbm.at[idx_s.at[c]], rows_s.at[b], sem_g[b])
            pltpu.async_copy(h_hbm.at[idx_d.at[c]], rows_d.at[b], sem_g[b])

        def wait_gather(b):
            pltpu.make_async_copy(h_hbm.at[idx_s.at[0]], rows_s.at[b],
                                  sem_g[b]).wait()
            pltpu.make_async_copy(h_hbm.at[idx_d.at[0]], rows_d.at[b],
                                  sem_g[b]).wait()

        def writeback(c, b):
            off = base + c * C
            pltpu.async_copy(rows_s.at[b], hs_hbm.at[pl.ds(off, C)],
                             sem_w[b])
            pltpu.async_copy(rows_d.at[b], hd_hbm.at[pl.ds(off, C)],
                             sem_w[b])

        def wait_write(b):
            pltpu.make_async_copy(rows_s.at[b], hs_hbm.at[pl.ds(base, C)],
                                  sem_w[b]).wait()
            pltpu.make_async_copy(rows_d.at[b], hd_hbm.at[pl.ds(base, C)],
                                  sem_w[b]).wait()

        fire(0, 0)

        def pair(t, _):
            c0 = 2 * t

            @pl.when(t >= 1)
            def _():
                wait_write(1)

            fire(c0 + 1, 1)
            wait_gather(0)
            writeback(c0, 0)
            wait_write(0)
            fire(c0 + 2, 0)
            wait_gather(1)
            writeback(c0 + 1, 1)
            return ()

        lax.fori_loop(0, NCHUNK // 2, pair, ())
        wait_write(1)
        wait_gather(0)
        writeback(NCHUNK - 1, 0)
        wait_write(0)

    return k(h, src.reshape(NW, NCHUNK, C), dst.reshape(NW, NCHUNK, C))


def _make_sc_scatter(f):
    mesh = plsc.VectorSubcoreMesh(core_axis_name="c", subcore_axis_name="s")

    @functools.partial(
        pl.kernel, mesh=mesh,
        out_type=[jax.ShapeDtypeStruct((NC, NP, f), jnp.float32)],
        scratch_types=[
            pltpu.VMEM((NCHUNK, C), jnp.int32),
            pltpu.VMEM((2, C, f), jnp.float32),
            pltpu.VMEM_SHARED((NP, f), jnp.float32),
            pltpu.SemaphoreType.DMA,
            pltpu.SemaphoreType.DMA,
        ],
    )
    def k(rows_hbm, gidx_hbm, zero_hbm, acc_hbm, gidx_v, rows_v, acc_sh,
          r0, r1):
        cid = lax.axis_index("c")
        sid = lax.axis_index("s")
        wid = sid * NC + cid
        base = wid * EW
        sem_r = (r0, r1)

        pltpu.sync_copy(zero_hbm.at[pl.ds(sid * RPW, RPW)],
                        acc_sh.at[pl.ds(sid * RPW, RPW)])
        pltpu.sync_copy(gidx_hbm.at[wid], gidx_v)
        plsc.subcore_barrier()

        def fire(c, b):
            off = base + c * C
            pltpu.async_copy(rows_hbm.at[pl.ds(off, C)], rows_v.at[b],
                             sem_r[b])

        def scat(c, b):
            pltpu.make_async_copy(rows_hbm.at[pl.ds(base, C)],
                                  rows_v.at[b], sem_r[b]).wait()
            pltpu.sync_copy(rows_v.at[b], acc_sh.at[gidx_v.at[c]],
                            add=True)

        fire(0, 0)

        def pair(t, _):
            c0 = 2 * t
            fire(c0 + 1, 1)
            scat(c0, 0)
            fire(c0 + 2, 0)
            scat(c0 + 1, 1)
            return ()

        lax.fori_loop(0, NCHUNK // 2, pair, ())
        scat(NCHUNK - 1, 0)
        plsc.subcore_barrier()

        pltpu.sync_copy(acc_sh.at[pl.ds(sid * RPW, RPW)],
                        acc_hbm.at[cid, pl.ds(sid * RPW, RPW)])

    return k


def _sc_scatter(rows, gidx):
    f = rows.shape[1]
    k = _make_sc_scatter(f)
    zeros = jnp.zeros((NP, f), jnp.float32)
    out = k(rows, gidx.reshape(NW, NCHUNK, C), zeros)
    if isinstance(out, (list, tuple)):
        out = out[0]
    return out


EW2 = E // NS
NCHUNK2 = EW2 // C


def _make_sc_scatter_halves():
    mesh = plsc.VectorSubcoreMesh(core_axis_name="c", subcore_axis_name="s")

    nph = NCHUNK2 // 2

    @functools.partial(
        pl.kernel, mesh=mesh,
        out_type=[jax.ShapeDtypeStruct((2, NP, 128), jnp.float32)],
        scratch_types=[
            pltpu.VMEM((nph, C), jnp.int32),
            pltpu.VMEM((2, C, 128), jnp.float32),
            pltpu.VMEM_SHARED((NP, 128), jnp.float32),
            pltpu.SemaphoreType.DMA,
            pltpu.SemaphoreType.DMA,
        ],
    )
    def k(rab_hbm, gidx_hbm, zero_hbm, acc_hbm, gidx_v, rows_v,
          acc_sh, r0, r1):
        cid = lax.axis_index("c")
        sid = lax.axis_index("s")
        col = pl.multiple_of(cid * 128, 128)
        sem_r = (r0, r1)

        pltpu.sync_copy(zero_hbm.at[pl.ds(sid * RPW, RPW)],
                        acc_sh.at[pl.ds(sid * RPW, RPW)])
        plsc.subcore_barrier()

        def run_phase(ph):
            pltpu.sync_copy(gidx_hbm.at[sid, ph], gidx_v)
            base = sid * EW2 + ph * (nph * C)

            def fire(c, b):
                off = base + c * C
                pltpu.async_copy(rab_hbm.at[pl.ds(off, C),
                                            pl.ds(col, 128)],
                                 rows_v.at[b], sem_r[b])

            def scat(c, b):
                pltpu.make_async_copy(rab_hbm.at[pl.ds(base, C),
                                                 pl.ds(col, 128)],
                                      rows_v.at[b], sem_r[b]).wait()
                pltpu.sync_copy(rows_v.at[b], acc_sh.at[gidx_v.at[c]],
                                add=True)

            fire(0, 0)

            def pair(t, _):
                c0 = 2 * t
                fire(c0 + 1, 1)
                scat(c0, 0)

                @pl.when(c0 + 2 < nph)
                def _():
                    fire(c0 + 2, 0)

                scat(c0 + 1, 1)
                return ()

            lax.fori_loop(0, nph // 2, pair, ())
            scat(nph - 1, 0)

        run_phase(0)
        run_phase(1)

        plsc.subcore_barrier()
        pltpu.sync_copy(acc_sh.at[pl.ds(sid * RPW, RPW)],
                        acc_hbm.at[cid, pl.ds(sid * RPW, RPW)])

    return k


def _sc_scatter_halves(rows_ab, gidx):
    k = _make_sc_scatter_halves()
    zeros = jnp.zeros((NP, 128), jnp.float32)
    out = k(rows_ab, gidx.reshape(NS, 2, NCHUNK2 // 2, C), zeros)
    if isinstance(out, (list, tuple)):
        out = out[0]
    return out


def _tc_combine(acc, rs_vec, relu, final_norm, halves, w_next):
    bn = 2560
    d_out = 256 if halves else 128
    mo = w_next.shape[1] if w_next is not None else d_out

    def body(*refs):
        if w_next is not None:
            a_ref, rsb_ref, rsf_ref, w_ref, o_ref = refs
        else:
            a_ref, rsb_ref, rsf_ref, o_ref = refs
        i = pl.program_id(0)
        rsb = rsb_ref[...]
        has_nz = jnp.any(rsf_ref[...] != 0.0)
        mask = jnp.where(rsb != 0.0, 0.0, 1.0)
        row = lax.broadcasted_iota(jnp.int32, mask.shape, 0) + i * bn
        mask = jnp.where((row == 0) & has_nz, 0.0, mask)
        r = rsb + mask
        if halves:
            h = jnp.concatenate([a_ref[0] / r, a_ref[1] / r], axis=1)
        else:
            h = (a_ref[0] + a_ref[1]) / r
        if relu:
            h = _lrelu(h)
        if final_norm:
            nrm = jnp.sqrt(jnp.sum(h * h, axis=1, keepdims=True))
            h = h / jnp.maximum(nrm, 1e-12)
        if w_next is not None:
            h = jnp.dot(h, w_ref[...], preferred_element_type=jnp.float32)
        o_ref[...] = h

    ins = [acc, rs_vec, rs_vec]
    in_specs = [pl.BlockSpec((2, bn, 128), lambda i: (0, i, 0)),
                pl.BlockSpec((bn, 1), lambda i: (i, 0)),
                pl.BlockSpec((NP, 1), lambda i: (0, 0))]
    if w_next is not None:
        ins.append(w_next)
        in_specs.append(pl.BlockSpec(w_next.shape, lambda i: (0, 0)))
    return pl.pallas_call(
        body,
        grid=(NP // bn,),
        in_specs=in_specs,
        out_specs=pl.BlockSpec((bn, mo), lambda i: (i, 0)),
        out_shape=jax.ShapeDtypeStruct((NP, mo), jnp.float32),
    )(*ins)


def _bn_affine(stats, gamma, beta, eps=1e-5):
    s, ss = stats[0], stats[1]
    mean = s / E
    var = ss / E - mean * mean
    scale = gamma / jnp.sqrt(var + eps)
    shift = beta - mean * scale
    return scale, shift


def _gat_layer_opt(table, src, dst, gidx, gather_dst, src2, dst2, p, relu,
                   final_norm, w_next):
    d = p['W'].shape[1]
    hs, hd = _sc_gather2(table, src, dst)
    y1, st1 = _tc_mlp_stage(hs, hd, p['w1'], p['b1'], None, None,
                            True, False, 8000)
    sc1, sh1 = _bn_affine(st1, p['g1'], p['be1'])
    y2, st2 = _tc_mlp_stage(y1, None, p['w2'], p['b2'], sc1, sh1,
                            False, True, 8000)
    sc2, sh2 = _bn_affine(st2, p['g2'], p['be2'])
    hg = hd if gather_dst else hs
    scaled = _tc_edge_final(y2, sc2, sh2, p['w3'], p['b3'][0], src2, dst2,
                            hg, gather_dst, 4000)
    rs_vec = scaled[-1].reshape(NP, 1)
    if d == 256:
        acc = _sc_scatter_halves(scaled[0], gidx)
        halves = True
    else:
        acc = _sc_scatter(scaled[0], gidx)
        halves = False
    return _tc_combine(acc, rs_vec, relu, final_norm, halves, w_next)


def kernel(x, edge_index,
           l1_W, l1_w1, l1_b1, l1_g1, l1_be1, l1_w2, l1_b2, l1_g2, l1_be2,
           l1_w3, l1_b3,
           l2_W, l2_w1, l2_b1, l2_g1, l2_be1, l2_w2, l2_b2, l2_g2, l2_be2,
           l2_w3, l2_b3):
    p1 = {'W': l1_W, 'w1': l1_w1, 'b1': l1_b1, 'g1': l1_g1, 'be1': l1_be1,
          'w2': l1_w2, 'b2': l1_b2, 'g2': l1_g2, 'be2': l1_be2,
          'w3': l1_w3, 'b3': l1_b3}
    p2 = {'W': l2_W, 'w1': l2_w1, 'b1': l2_b1, 'g1': l2_g1, 'be1': l2_be1,
          'w2': l2_w2, 'b2': l2_b2, 'g2': l2_g2, 'be2': l2_be2,
          'w3': l2_w3, 'b3': l2_b3}
    src = edge_index[0]
    dst = edge_index[1]
    src2 = src.reshape(E, 1)
    dst2 = dst.reshape(E, 1)
    t1 = _tc_matmul(x, p1['W'], 2000)
    t2 = _gat_layer_opt(t1, src, dst, src, True, src2, dst2, p1, True,
                        False, p2['W'])
    out = _gat_layer_opt(t2, src, dst, dst, False, src2, dst2, p2, False,
                         True, None)
    return out[:N]

# --- scband reference (transcript-rebuilt; emitter-appended) ---
"""Pipeline reference for scband-gat-dense-7627861917710 (READ-ONLY COPY).

The authoritative reference and input builder live on the scoring server;
editing this copy changes nothing except your own understanding.
"""

import jax, jax.numpy as jnp
import numpy as np

N = 10000
E = 320000
D_IN = 128
D_HID = 256
D_OUT = 128


def _lrelu(x, slope=0.2):
    return jnp.where(x >= 0, x, slope * x)


def _bn(x, gamma, beta, eps=1e-5):
    # BatchNorm1d in training mode (module default state): batch statistics
    mu = jnp.mean(x, axis=0)
    var = jnp.var(x, axis=0)
    return gamma * (x - mu) / jnp.sqrt(var + eps) + beta


def _gat_layer(x, src, dst, p, relu):
    # SpGraphAttentionLayer.forward (dropout=False for these layers)
    n = x.shape[0]
    h = x @ p['W']
    edge_h = jnp.abs(h[src] - h[dst])
    z = _lrelu(_bn(edge_h @ p['w1'] + p['b1'], p['g1'], p['be1']))
    z = _lrelu(_bn(z @ p['w2'] + p['b2'], p['g2'], p['be2']))
    z = _lrelu(z @ p['w3'] + p['b3'])
    e = jnp.exp(-z[:, 0]) + (src == dst).astype(jnp.float32)
    # special_spmm(edge, e, (N,N), ones) == row sums grouped by src
    rowsum = jax.ops.segment_sum(e, src, num_segments=n)[:, None]
    # mask[i]=1 where rowsum==0 else 0; torch.nonzero indexing also zeroes row 0 if any nonzero exists
    mask = jnp.where(rowsum != 0, 0.0, 1.0)
    has_nz = jnp.any(rowsum != 0)
    mask = mask.at[0, 0].set(jnp.where(has_nz, 0.0, mask[0, 0]))
    rowsum = rowsum + mask
    h_prime = jax.ops.segment_sum(e[:, None] * h[dst], src, num_segments=n) / rowsum
    if relu:
        h_prime = _lrelu(h_prime)
    return h_prime


def _init_layer(key, d_in, d_out):
    ks = jax.random.split(key, 4)

    def xav(k, shp):
        lim = float(np.sqrt(6.0 / (shp[0] + shp[1])))
        return jax.random.uniform(k, shp, jnp.float32, -lim, lim)

    d2 = d_out // 2
    d4 = d_out // 4
    return {'W': xav(ks[0], (d_in, d_out)),
            'w1': xav(ks[1], (d_out, d2)), 'b1': jnp.zeros((d2,), jnp.float32),
            'g1': jnp.ones((d2,), jnp.float32), 'be1': jnp.zeros((d2,), jnp.float32),
            'w2': xav(ks[2], (d2, d4)), 'b2': jnp.zeros((d4,), jnp.float32),
            'g2': jnp.ones((d4,), jnp.float32), 'be2': jnp.zeros((d4,), jnp.float32),
            'w3': xav(ks[3], (d4, 1)), 'b3': jnp.zeros((1,), jnp.float32)}


def setup_inputs(seed: int = 0):
    key = jax.random.key(seed)
    kx, ke, k1, k2 = jax.random.split(key, 4)
    x = jax.random.normal(kx, (N, D_IN), jnp.float32)
    edge_index = jax.random.randint(ke, (2, E), 0, N)
    p1 = _init_layer(k1, D_IN, D_HID)
    p2 = _init_layer(k2, D_HID, D_OUT)
    inp = {'x': x, 'edge_index': edge_index}
    for tag, p in (('l1', p1), ('l2', p2)):
        for k, v in p.items():
            inp[tag + '_' + k] = v
    return inp


def reference(x, edge_index,
              l1_W, l1_w1, l1_b1, l1_g1, l1_be1, l1_w2, l1_b2, l1_g2, l1_be2,
              l1_w3, l1_b3,
              l2_W, l2_w1, l2_b1, l2_g1, l2_be1, l2_w2, l2_b2, l2_g2, l2_be2,
              l2_w3, l2_b3):
    p1 = {'W': l1_W, 'w1': l1_w1, 'b1': l1_b1, 'g1': l1_g1, 'be1': l1_be1,
          'w2': l1_w2, 'b2': l1_b2, 'g2': l1_g2, 'be2': l1_be2,
          'w3': l1_w3, 'b3': l1_b3}
    p2 = {'W': l2_W, 'w1': l2_w1, 'b1': l2_b1, 'g1': l2_g1, 'be1': l2_be1,
          'w2': l2_w2, 'b2': l2_b2, 'g2': l2_g2, 'be2': l2_be2,
          'w3': l2_w3, 'b3': l2_b3}
    src, dst = edge_index[0], edge_index[1]
    # layer 1 uses adj (src->dst); layer 2 uses r_adj (transposed indices)
    h = _gat_layer(x, src, dst, p1, True)
    h = _gat_layer(h, dst, src, p2, False)
    # F.normalize: L2 row-normalize with eps clamp
    norm = jnp.sqrt(jnp.sum(h * h, axis=1, keepdims=True))
    return h / jnp.maximum(norm, 1e-12)

if __name__ == "__main__":
    import jax
    _d = setup_inputs()
    print(jax.jit(kernel)(*tuple(_d.values())))

</pallas_src>

<mosaic_0001>
#map = affine_map<(d0, d1) -> (0, 0)>
#map1 = affine_map<(d0, d1) -> (0, 0, 0)>
module attributes {stable_mosaic.version = 14 : i64} {
  func.func @k(%arg0: i32, %arg1: i32, %arg2: memref<10000x128xi32, #tpu.memory_space<hbm>>, %arg3: memref<32x125x80xi32, #tpu.memory_space<hbm>>, %arg4: memref<32x125x80xi32, #tpu.memory_space<hbm>>, %arg5: memref<320000x128xi32, #tpu.memory_space<hbm>>, %arg6: memref<320000x128xi32, #tpu.memory_space<hbm>>, %arg7: memref<125x80xi32, #tpu.memory_space<vmem>>, %arg8: memref<125x80xi32, #tpu.memory_space<vmem>>, %arg9: memref<2x80x128xi32, #tpu.memory_space<vmem>>, %arg10: memref<2x80x128xi32, #tpu.memory_space<vmem>>, %arg11: memref<!tpu.dma_semaphore, #tpu.memory_space<semaphore_mem>>, %arg12: memref<!tpu.dma_semaphore, #tpu.memory_space<semaphore_mem>>, %arg13: memref<!tpu.dma_semaphore, #tpu.memory_space<semaphore_mem>>, %arg14: memref<!tpu.dma_semaphore, #tpu.memory_space<semaphore_mem>>) attributes {dimension_semantics = [#tpu.dimension_semantics<core_parallel>, #tpu.dimension_semantics<subcore_parallel>], iteration_bounds = array<i64: 2, 16>, scalar_prefetch = 0 : i64, scratch_operands = 8 : i64, tpu.core_type = #tpu.core_type<sc_vector_subcore>, window_params = [{transform_indices = #map}, {transform_indices = #map1}, {transform_indices = #map1}, {transform_indices = #map}, {transform_indices = #map}]} {
    %mul3A = arith.constant 2 : i32
    %mul3A_0 = arith.muli %arg1, %mul3A : i32
    %add3A = arith.addi %mul3A_0, %arg0 : i32
    %mul3A_1 = arith.constant 10000 : i32
    %mul3A_2 = arith.muli %add3A, %mul3A_1 : i32
    "tpu.region"() ({
      %run_scoped3A = tpu.sem_alloc : memref<!tpu.dma_semaphore, #tpu.memory_space<semaphore_mem>>
      %dma_start3A_133 = arith.constant 0 : i32
      %dma_start3A_134 = arith.constant 0 : i32
      %dma_start3A_135 = tpu.memref_slice %arg3[%add3A, %dma_start3A_133, %dma_start3A_134] : memref<32x125x80xi32, #tpu.memory_space<hbm>> -> memref<1x125x80xi32, #tpu.memory_space<hbm>>
      %dma_start3A_136 = tpu.memref_squeeze %dma_start3A_135 : memref<1x125x80xi32, #tpu.memory_space<hbm>> -> memref<125x80xi32, #tpu.memory_space<hbm>>
      %dma_start3A_137 = arith.constant 0 : i32
      %dma_start3A_138 = arith.constant 0 : i32
      %dma_start3A_139 = tpu.memref_slice %arg3[%add3A, %dma_start3A_137, %dma_start3A_138] : memref<32x125x80xi32, #tpu.memory_space<hbm>> -> memref<1x125x80xi32, #tpu.memory_space<hbm>>
      %dma_start3A_140 = tpu.memref_squeeze %dma_start3A_139 : memref<1x125x80xi32, #tpu.memory_space<hbm>> -> memref<125x80xi32, #tpu.memory_space<hbm>>
      tpu.enqueue_dma source(%dma_start3A_140 : memref<125x80xi32, #tpu.memory_space<hbm>>) target(%arg7 : memref<125x80xi32, #tpu.memory_space<vmem>>) target_semaphore(%run_scoped3A : memref<!tpu.dma_semaphore, #tpu.memory_space<semaphore_mem>>)
      %dma_wait3A_141 = arith.constant 0 : i32
      %dma_wait3A_142 = arith.constant 0 : i32
      %dma_wait3A_143 = tpu.memref_slice %arg3[%add3A, %dma_wait3A_141, %dma_wait3A_142] : memref<32x125x80xi32, #tpu.memory_space<hbm>> -> memref<1x125x80xi32, #tpu.memory_space<hbm>>
      %dma_wait3A_144 = tpu.memref_squeeze %dma_wait3A_143 : memref<1x125x80xi32, #tpu.memory_space<hbm>> -> memref<125x80xi32, #tpu.memory_space<hbm>>
      %dma_wait3A_145 = arith.constant 0 : i32
      %dma_wait3A_146 = arith.constant 0 : i32
      %dma_wait3A_147 = tpu.memref_slice %arg3[%add3A, %dma_wait3A_145, %dma_wait3A_146] : memref<32x125x80xi32, #tpu.memory_space<hbm>> -> memref<1x125x80xi32, #tpu.memory_space<hbm>>
      %dma_wait3A_148 = tpu.memref_squeeze %dma_wait3A_147 : memref<1x125x80xi32, #tpu.memory_space<hbm>> -> memref<125x80xi32, #tpu.memory_space<hbm>>
      tpu.wait_dma2 semaphore(%run_scoped3A : memref<!tpu.dma_semaphore, #tpu.memory_space<semaphore_mem>>) src(%dma_wait3A_148 : memref<125x80xi32, #tpu.memory_space<hbm>>) dst(%arg7 : memref<125x80xi32, #tpu.memory_space<vmem>>)
      tpu.yield
    }) : () -> ()
    "tpu.region"() ({
      %run_scoped3A = tpu.sem_alloc : memref<!tpu.dma_semaphore, #tpu.memory_space<semaphore_mem>>
      %dma_start3A_133 = arith.constant 0 : i32
      %dma_start3A_134 = arith.constant 0 : i32
      %dma_start3A_135 = tpu.memref_slice %arg4[%add3A, %dma_start3A_133, %dma_start3A_134] : memref<32x125x80xi32, #tpu.memory_space<hbm>> -> memref<1x125x80xi32, #tpu.memory_space<hbm>>
      %dma_start3A_136 = tpu.memref_squeeze %dma_start3A_135 : memref<1x125x80xi32, #tpu.memory_space<hbm>> -> memref<125x80xi32, #tpu.memory_space<hbm>>
      %dma_start3A_137 = arith.constant 0 : i32
      %dma_start3A_138 = arith.constant 0 : i32
      %dma_start3A_139 = tpu.memref_slice %arg4[%add3A, %dma_start3A_137, %dma_start3A_138] : memref<32x125x80xi32, #tpu.memory_space<hbm>> -> memref<1x125x80xi32, #tpu.memory_space<hbm>>
      %dma_start3A_140 = tpu.memref_squeeze %dma_start3A_139 : memref<1x125x80xi32, #tpu.memory_space<hbm>> -> memref<125x80xi32, #tpu.memory_space<hbm>>
      tpu.enqueue_dma source(%dma_start3A_140 : memref<125x80xi32, #tpu.memory_space<hbm>>) target(%arg8 : memref<125x80xi32, #tpu.memory_space<vmem>>) target_semaphore(%run_scoped3A : memref<!tpu.dma_semaphore, #tpu.memory_space<semaphore_mem>>)
      %dma_wait3A_141 = arith.constant 0 : i32
      %dma_wait3A_142 = arith.constant 0 : i32
      %dma_wait3A_143 = tpu.memref_slice %arg4[%add3A, %dma_wait3A_141, %dma_wait3A_142] : memref<32x125x80xi32, #tpu.memory_space<hbm>> -> memref<1x125x80xi32, #tpu.memory_space<hbm>>
      %dma_wait3A_144 = tpu.memref_squeeze %dma_wait3A_143 : memref<1x125x80xi32, #tpu.memory_space<hbm>> -> memref<125x80xi32, #tpu.memory_space<hbm>>
      %dma_wait3A_145 = arith.constant 0 : i32
      %dma_wait3A_146 = arith.constant 0 : i32
      %dma_wait3A_147 = tpu.memref_slice %arg4[%add3A, %dma_wait3A_145, %dma_wait3A_146] : memref<32x125x80xi32, #tpu.memory_space<hbm>> -> memref<1x125x80xi32, #tpu.memory_space<hbm>>
      %dma_wait3A_148 = tpu.memref_squeeze %dma_wait3A_147 : memref<1x125x80xi32, #tpu.memory_space<hbm>> -> memref<125x80xi32, #tpu.memory_space<hbm>>
      tpu.wait_dma2 semaphore(%run_scoped3A : memref<!tpu.dma_semaphore, #tpu.memory_space<semaphore_mem>>) src(%dma_wait3A_148 : memref<125x80xi32, #tpu.memory_space<hbm>>) dst(%arg8 : memref<125x80xi32, #tpu.memory_space<vmem>>)
      tpu.yield
    }) : () -> ()
    %dma_start3A = arith.constant 0 : i32
    %dma_start3A_3 = arith.constant 0 : i32
    %dma_start3A_4 = arith.constant 0 : i32
    %dma_start3A_5 = arith.constant 0 : i32
    %dma_start3A_6 = tpu.memref_slice %arg9[%dma_start3A_3, %dma_start3A_4, %dma_start3A_5] : memref<2x80x128xi32, #tpu.memory_space<vmem>> -> memref<1x80x128xi32, #tpu.memory_space<vmem>>
    %dma_start3A_7 = tpu.memref_squeeze %dma_start3A_6 : memref<1x80x128xi32, #tpu.memory_space<vmem>> -> memref<80x128xi32, #tpu.memory_space<vmem>>
    %dma_start3A_8 = arith.constant 0 : i32
    %dma_start3A_9 = tpu.memref_slice %arg7[%dma_start3A, %dma_start3A_8] : memref<125x80xi32, #tpu.memory_space<vmem>> -> memref<1x80xi32, #tpu.memory_space<vmem>>
    %dma_start3A_10 = tpu.memref_squeeze %dma_start3A_9 : memref<1x80xi32, #tpu.memory_space<vmem>> -> memref<80xi32, #tpu.memory_space<vmem>>
    %dma_start3A_11 = arith.constant 0 : i32
    %dma_start3A_12 = arith.constant 0 : i32
    %dma_start3A_13 = tpu.memref_slice %arg2[%dma_start3A_11, %dma_start3A_12] : memref<10000x128xi32, #tpu.memory_space<hbm>> -> memref<10000x128xi32, #tpu.memory_space<hbm>>
    tpu.enqueue_indirect_dma source(%dma_start3A_13 : memref<10000x128xi32, #tpu.memory_space<hbm>>) target(%dma_start3A_7 : memref<80x128xi32, #tpu.memory_space<vmem>>) offsets(%dma_start3A_10 : memref<80xi32, #tpu.memory_space<vmem>>) semaphore(%arg11 : memref<!tpu.dma_semaphore, #tpu.memory_space<semaphore_mem>>)
    %dma_start3A_14 = arith.constant 0 : i32
    %dma_start3A_15 = arith.constant 0 : i32
    %dma_start3A_16 = arith.constant 0 : i32
    %dma_start3A_17 = arith.constant 0 : i32
    %dma_start3A_18 = tpu.memref_slice %arg10[%dma_start3A_15, %dma_start3A_16, %dma_start3A_17] : memref<2x80x128xi32, #tpu.memory_space<vmem>> -> memref<1x80x128xi32, #tpu.memory_space<vmem>>
    %dma_start3A_19 = tpu.memref_squeeze %dma_start3A_18 : memref<1x80x128xi32, #tpu.memory_space<vmem>> -> memref<80x128xi32, #tpu.memory_space<vmem>>
    %dma_start3A_20 = arith.constant 0 : i32
    %dma_start3A_21 = tpu.memref_slice %arg8[%dma_start3A_14, %dma_start3A_20] : memref<125x80xi32, #tpu.memory_space<vmem>> -> memref<1x80xi32, #tpu.memory_space<vmem>>
    %dma_start3A_22 = tpu.memref_squeeze %dma_start3A_21 : memref<1x80xi32, #tpu.memory_space<vmem>> -> memref<80xi32, #tpu.memory_space<vmem>>
    %dma_start3A_23 = arith.constant 0 : i32
    %dma_start3A_24 = arith.constant 0 : i32
    %dma_start3A_25 = tpu.memref_slice %arg2[%dma_start3A_23, %dma_start3A_24] : memref<10000x128xi32, #tpu.memory_space<hbm>> -> memref<10000x128xi32, #tpu.memory_space<hbm>>
    tpu.enqueue_indirect_dma source(%dma_start3A_25 : memref<10000x128xi32, #tpu.memory_space<hbm>>) target(%dma_start3A_19 : memref<80x128xi32, #tpu.memory_space<vmem>>) offsets(%dma_start3A_22 : memref<80xi32, #tpu.memory_space<vmem>>) semaphore(%arg11 : memref<!tpu.dma_semaphore, #tpu.memory_space<semaphore_mem>>)
    %scan3A = arith.constant 0 : i32
    %scan3A_26 = arith.constant 62 : i32
    %scan3A_27 = arith.addi %scan3A, %scan3A_26 : i32
    %scan3A_28 = arith.constant 1 : i32
    scf.for %scan3A_133 = %scan3A to %scan3A_27 step %scan3A_28  : i32 {
      %mul3A_134 = arith.constant 2 : i32
      %mul3A_135 = arith.muli %mul3A_134, %scan3A_133 : i32
      %ge3A = arith.constant 1 : i32
      %ge3A_136 = arith.cmpi sge, %scan3A_133, %ge3A : i32
      %convert_element_type3A = arith.extui %ge3A_136 : i1 to i32
      %cond3A = arith.constant 0 : i32
      %cond3A_137 = arith.cmpi ne, %convert_element_type3A, %cond3A : i32
      scf.if %cond3A_137 {
        %dma_wait3A_320 = arith.constant 1 : i32
        %dma_wait3A_321 = arith.constant 0 : i32
        %dma_wait3A_322 = arith.constant 0 : i32
        %dma_wait3A_323 = tpu.memref_slice %arg9[%dma_wait3A_320, %dma_wait3A_321, %dma_wait3A_322] : memref<2x80x128xi32, #tpu.memory_space<vmem>> -> memref<1x80x128xi32, #tpu.memory_space<vmem>>
        %dma_wait3A_324 = tpu.memref_squeeze %dma_wait3A_323 : memref<1x80x128xi32, #tpu.memory_space<vmem>> -> memref<80x128xi32, #tpu.memory_space<vmem>>
        %dma_wait3A_325 = arith.constant 0 : i32
        %dma_wait3A_326 = tpu.memref_slice %arg5[%mul3A_2, %dma_wait3A_325] : memref<320000x128xi32, #tpu.memory_space<hbm>> -> memref<80x128xi32, #tpu.memory_space<hbm>>
        %dma_wait3A_327 = arith.constant 0 : i32
        %dma_wait3A_328 = tpu.memref_slice %arg5[%mul3A_2, %dma_wait3A_327] : memref<320000x128xi32, #tpu.memory_space<hbm>> -> memref<80x128xi32, #tpu.memory_space<hbm>>
        %dma_wait3A_329 = arith.constant 0 : i32
        %dma_wait3A_330 = arith.constant 0 : i32
        %dma_wait3A_331 = tpu.memref_slice %arg9[%dma_wait3A_320, %dma_wait3A_329, %dma_wait3A_330] : memref<2x80x128xi32, #tpu.memory_space<vmem>> -> memref<1x80x128xi32, #tpu.memory_space<vmem>>
        %dma_wait3A_332 = tpu.memref_squeeze %dma_wait3A_331 : memref<1x80x128xi32, #tpu.memory_space<vmem>> -> memref<80x128xi32, #tpu.memory_space<vmem>>
        tpu.wait_dma2 semaphore(%arg14 : memref<!tpu.dma_semaphore, #tpu.memory_space<semaphore_mem>>) src(%dma_wait3A_332 : memref<80x128xi32, #tpu.memory_space<vmem>>) dst(%dma_wait3A_328 : memref<80x128xi32, #tpu.memory_space<hbm>>)
        %dma_wait3A_333 = arith.constant 1 : i32
        %dma_wait3A_334 = arith.constant 0 : i32
        %dma_wait3A_335 = arith.constant 0 : i32
        %dma_wait3A_336 = tpu.memref_slice %arg10[%dma_wait3A_333, %dma_wait3A_334, %dma_wait3A_335] : memref<2x80x128xi32, #tpu.memory_space<vmem>> -> memref<1x80x128xi32, #tpu.memory_space<vmem>>
        %dma_wait3A_337 = tpu.memref_squeeze %dma_wait3A_336 : memref<1x80x128xi32, #tpu.memory_space<vmem>> -> memref<80x128xi32, #tpu.memory_space<vmem>>
        %dma_wait3A_338 = arith.constant 0 : i32
        %dma_wait3A_339 = tpu.memref_slice %arg6[%mul3A_2, %dma_wait3A_338] : memref<320000x128xi32, #tpu.memory_space<hbm>> -> memref<80x128xi32, #tpu.memory_space<hbm>>
        %dma_wait3A_340 = arith.constant 0 : i32
        %dma_wait3A_341 = tpu.memref_slice %arg6[%mul3A_2, %dma_wait3A_340] : memref<320000x128xi32, #tpu.memory_space<hbm>> -> memref<80x128xi32, #tpu.memory_space<hbm>>
        %dma_wait3A_342 = arith.constant 0 : i32
        %dma_wait3A_343 = arith.constant 0 : i32
        %dma_wait3A_344 = tpu.memref_slice %arg10[%dma_wait3A_333, %dma_wait3A_342, %dma_wait3A_343] : memref<2x80x128xi32, #tpu.memory_space<vmem>> -> memref<1x80x128xi32, #tpu.memory_space<vmem>>
        %dma_wait3A_345 = tpu.memref_squeeze %dma_wait3A_344 : memref<1x80x128xi32, #tpu.memory_space<vmem>> -> memref<80x128xi32, #tpu.memory_space<vmem>>
        tpu.wait_dma2 semaphore(%arg14 : memref<!tpu.dma_semaphore, #tpu.memory_space<semaphore_mem>>) src(%dma_wait3A_345 : memref<80x128xi32, #tpu.memory_space<vmem>>) dst(%dma_wait3A_341 : memref<80x128xi32, #tpu.memory_space<hbm>>)
      } else {
      }
      %add3A_138 = arith.constant 1 : i32
      %add3A_139 = arith.addi %mul3A_135, %add3A_138 : i32
      %dma_start3A_140 = arith.constant 1 : i32
      %dma_start3A_141 = arith.constant 0 : i32
      %dma_start3A_142 = arith.constant 0 : i32
      %dma_start3A_143 = tpu.memref_slice %arg9[%dma_start3A_140, %dma_start3A_141, %dma_start3A_142] : memref<2x80x128xi32, #tpu.memory_space<vmem>> -> memref<1x80x128xi32, #tpu.memory_space<vmem>>
      %dma_start3A_144 = tpu.memref_squeeze %dma_start3A_143 : memref<1x80x128xi32, #tpu.memory_space<vmem>> -> memref<80x128xi32, #tpu.memory_space<vmem>>
      %dma_start3A_145 = arith.constant 0 : i32
      %dma_start3A_146 = tpu.memref_slice %arg7[%add3A_139, %dma_start3A_145] : memref<125x80xi32, #tpu.memory_space<vmem>> -> memref<1x80xi32, #tpu.memory_space<vmem>>
      %dma_start3A_147 = tpu.memref_squeeze %dma_start3A_146 : memref<1x80xi32, #tpu.memory_space<vmem>> -> memref<80xi32, #tpu.memory_space<vmem>>
      %dma_start3A_148 = arith.constant 0 : i32
      %dma_start3A_149 = arith.constant 0 : i32
      %dma_start3A_150 = tpu.memref_slice %arg2[%dma_start3A_148, %dma_start3A_149] : memref<10000x128xi32, #tpu.memory_space<hbm>> -> memref<10000x128xi32, #tpu.memory_space<hbm>>
      tpu.enqueue_indirect_dma source(%dma_start3A_150 : memref<10000x128xi32, #tpu.memory_space<hbm>>) target(%dma_start3A_144 : memref<80x128xi32, #tpu.memory_space<vmem>>) offsets(%dma_start3A_147 : memref<80xi32, #tpu.memory_space<vmem>>) semaphore(%arg12 : memref<!tpu.dma_semaphore, #tpu.memory_space<semaphore_mem>>)
      %dma_start3A_151 = arith.constant 1 : i32
      %dma_start3A_152 = arith.constant 0 : i32
      %dma_start3A_153 = arith.constant 0 : i32
      %dma_start3A_154 = tpu.memref_slice %arg10[%dma_start3A_151, %dma_start3A_152, %dma_start3A_153] : memref<2x80x128xi32, #tpu.memory_space<vmem>> -> memref<1x80x128xi32, #tpu.memory_space<vmem>>
      %dma_start3A_155 = tpu.memref_squeeze %dma_start3A_154 : memref<1x80x128xi32, #tpu.memory_space<vmem>> -> memref<80x128xi32, #tpu.memory_space<vmem>>
      %dma_start3A_156 = arith.constant 0 : i32
      %dma_start3A_157 = tpu.memref_slice %arg8[%add3A_139, %dma_start3A_156] : memref<125x80xi32, #tpu.memory_space<vmem>> -> memref<1x80xi32, #tpu.memory_space<vmem>>
      %dma_start3A_158 = tpu.memref_squeeze %dma_start3A_157 : memref<1x80xi32, #tpu.memory_space<vmem>> -> memref<80xi32, #tpu.memory_space<vmem>>
      %dma_start3A_159 = arith.constant 0 : i32
      %dma_start3A_160 = arith.constant 0 : i32
      %dma_start3A_161 = tpu.memref_slice %arg2[%dma_start3A_159, %dma_start3A_160] : memref<10000x128xi32, #tpu.memory_space<hbm>> -> memref<10000x128xi32, #tpu.memory_space<hbm>>
      tpu.enqueue_indirect_dma source(%dma_start3A_161 : memref<10000x128xi32, #tpu.memory_space<hbm>>) target(%dma_start3A_155 : memref<80x128xi32, #tpu.memory_space<vmem>>) offsets(%dma_start3A_158 : memref<80xi32, #tpu.memory_space<vmem>>) semaphore(%arg12 : memref<!tpu.dma_semaphore, #tpu.memory_space<semaphore_mem>>)
      %dma_wait3A_162 = arith.constant 0 : i32
      %dma_wait3A_163 = arith.constant 0 : i32
      %dma_wait3A_164 = arith.constant 0 : i32
      %dma_wait3A_165 = arith.constant 0 : i32
      %dma_wait3A_166 = tpu.memref_slice %arg9[%dma_wait3A_163, %dma_wait3A_164, %dma_wait3A_165] : memref<2x80x128xi32, #tpu.memory_space<vmem>> -> memref<1x80x128xi32, #tpu.memory_space<vmem>>
      %dma_wait3A_167 = tpu.memref_squeeze %dma_wait3A_166 : memref<1x80x128xi32, #tpu.memory_space<vmem>> -> memref<80x128xi32, #tpu.memory_space<vmem>>
      %dma_wait3A_168 = arith.constant 0 : i32
      %dma_wait3A_169 = tpu.memref_slice %arg7[%dma_wait3A_162, %dma_wait3A_168] : memref<125x80xi32, #tpu.memory_space<vmem>> -> memref<1x80xi32, #tpu.memory_space<vmem>>
      %dma_wait3A_170 = tpu.memref_squeeze %dma_wait3A_169 : memref<1x80xi32, #tpu.memory_space<vmem>> -> memref<80xi32, #tpu.memory_space<vmem>>
      %dma_wait3A_171 = arith.constant 0 : i32
      %dma_wait3A_172 = arith.constant 0 : i32
      %dma_wait3A_173 = tpu.memref_slice %arg2[%dma_wait3A_171, %dma_wait3A_172] : memref<10000x128xi32, #tpu.memory_space<hbm>> -> memref<10000x128xi32, #tpu.memory_space<hbm>>
      tpu.wait_indirect_dma semaphore(%arg11 : memref<!tpu.dma_semaphore, #tpu.memory_space<semaphore_mem>>) src(%dma_wait3A_173 : memref<10000x128xi32, #tpu.memory_space<hbm>>) dst(%dma_wait3A_167 : memref<80x128xi32, #tpu.memory_space<vmem>>)
      %dma_wait3A_174 = arith.constant 0 : i32
      %dma_wait3A_175 = arith.constant 0 : i32
      %dma_wait3A_176 = arith.constant 0 : i32
      %dma_wait3A_177 = arith.constant 0 : i32
      %dma_wait3A_178 = tpu.memref_slice %arg10[%dma_wait3A_175, %dma_wait3A_176, %dma_wait3A_177] : memref<2x80x128xi32, #tpu.memory_space<vmem>> -> memref<1x80x128xi32, #tpu.memory_space<vmem>>
      %dma_wait3A_179 = tpu.memref_squeeze %dma_wait3A_178 : memref<1x80x128xi32, #tpu.memory_space<vmem>> -> memref<80x128xi32, #tpu.memory_space<vmem>>
      %dma_wait3A_180 = arith.constant 0 : i32
      %dma_wait3A_181 = tpu.memref_slice %arg8[%dma_wait3A_174, %dma_wait3A_180] : memref<125x80xi32, #tpu.memory_space<vmem>> -> memref<1x80xi32, #tpu.memory_space<vmem>>
      %dma_wait3A_182 = tpu.memref_squeeze %dma_wait3A_181 : memref<1x80xi32, #tpu.memory_space<vmem>> -> memref<80xi32, #tpu.memory_space<vmem>>
      %dma_wait3A_183 = arith.constant 0 : i32
      %dma_wait3A_184 = arith.constant 0 : i32
      %dma_wait3A_185 = tpu.memref_slice %arg2[%dma_wait3A_183, %dma_wait3A_184] : memref<10000x128xi32, #tpu.memory_space<hbm>> -> memref<10000x128xi32, #tpu.memory_space<hbm>>
      tpu.wait_indirect_dma semaphore(%arg11 : memref<!tpu.dma_semaphore, #tpu.memory_space<semaphore_mem>>) src(%dma_wait3A_185 : memref<10000x128xi32, #tpu.memory_space<hbm>>) dst(%dma_wait3A_179 : memref<80x128xi32, #tpu.memory_space<vmem>>)
      %mul3A_186 = arith.constant 80 : i32
      %mul3A_187 = arith.muli %mul3A_135, %mul3A_186 : i32
      %add3A_188 = arith.addi %mul3A_2, %mul3A_187 : i32
      %dma_start3A_189 = arith.constant 0 : i32
      %dma_start3A_190 = arith.constant 0 : i32
      %dma_start3A_191 = arith.constant 0 : i32
      %dma_start3A_192 = tpu.memref_slice %arg9[%dma_start3A_189, %dma_start3A_190, %dma_start3A_191] : memref<2x80x128xi32, #tpu.memory_space<vmem>> -> memref<1x80x128xi32, #tpu.memory_space<vmem>>
      %dma_start3A_193 = tpu.memref_squeeze %dma_start3A_192 : memref<1x80x128xi32, #tpu.memory_space<vmem>> -> memref<80x128xi32, #tpu.memory_space<vmem>>
      %dma_start3A_194 = arith.constant 0 : i32
      %dma_start3A_195 = tpu.memref_slice %arg5[%add3A_188, %dma_start3A_194] : memref<320000x128xi32, #tpu.memory_space<hbm>> -> memref<80x128xi32, #tpu.memory_space<hbm>>
      %dma_start3A_196 = arith.constant 0 : i32
      %dma_start3A_197 = tpu.memref_slice %arg5[%add3A_188, %dma_start3A_196] : memref<320000x128xi32, #tpu.memory_space<hbm>> -> memref<80x128xi32, #tpu.memory_space<hbm>>
      %dma_start3A_198 = arith.constant 0 : i32
      %dma_start3A_199 = arith.constant 0 : i32
      %dma_start3A_200 = tpu.memref_slice %arg9[%dma_start3A_189, %dma_start3A_198, %dma_start3A_199] : memref<2x80x128xi32, #tpu.memory_space<vmem>> -> memref<1x80x128xi32, #tpu.memory_space<vmem>>
      %dma_start3A_201 = tpu.memref_squeeze %dma_start3A_200 : memref<1x80x128xi32, #tpu.memory_space<vmem>> -> memref<80x128xi32, #tpu.memory_space<vmem>>
      tpu.enqueue_dma source(%dma_start3A_201 : memref<80x128xi32, #tpu.memory_space<vmem>>) target(%dma_start3A_197 : memref<80x128xi32, #tpu.memory_space<hbm>>) target_semaphore(%arg13 : memref<!tpu.dma_semaphore, #tpu.memory_space<semaphore_mem>>)
      %dma_start3A_202 = arith.constant 0 : i32
      %dma_start3A_203 = arith.constant 0 : i32
      %dma_start3A_204 = arith.constant 0 : i32
      %dma_start3A_205 = tpu.memref_slice %arg10[%dma_start3A_202, %dma_start3A_203, %dma_start3A_204] : memref<2x80x128xi32, #tpu.memory_space<vmem>> -> memref<1x80x128xi32, #tpu.memory_space<vmem>>
      %dma_start3A_206 = tpu.memref_squeeze %dma_start3A_205 : memref<1x80x128xi32, #tpu.memory_space<vmem>> -> memref<80x128xi32, #tpu.memory_space<vmem>>
      %dma_start3A_207 = arith.constant 0 : i32
      %dma_start3A_208 = tpu.memref_slice %arg6[%add3A_188, %dma_start3A_207] : memref<320000x128xi32, #tpu.memory_space<hbm>> -> memref<80x128xi32, #tpu.memory_space<hbm>>
      %dma_start3A_209 = arith.constant 0 : i32
      %dma_start3A_210 = tpu.memref_slice %arg6[%add3A_188, %dma_start3A_209] : memref<320000x128xi32, #tpu.memory_space<hbm>> -> memref<80x128xi32, #tpu.memory_space<hbm>>
      %dma_start3A_211 = arith.constant 0 : i32
      %dma_start3A_212 = arith.constant 0 : i32
      %dma_start3A_213 = tpu.memref_slice %arg10[%dma_start3A_202, %dma_start3A_211, %dma_start3A_212] : memref<2x80x128xi32, #tpu.memory_space<vmem>> -> memref<1x80x128xi32, #tpu.memory_space<vmem>>
      %dma_start3A_214 = tpu.memref_squeeze %dma_start3A_213 : memref<1x80x128xi32, #tpu.memory_space<vmem>> -> memref<80x128xi32, #tpu.memory_space<vmem>>
      tpu.enqueue_dma source(%dma_start3A_214 : memref<80x128xi32, #tpu.memory_space<vmem>>) target(%dma_start3A_210 : memref<80x128xi32, #tpu.memory_space<hbm>>) target_semaphore(%arg13 : memref<!tpu.dma_semaphore, #tpu.memory_space<semaphore_mem>>)
      %dma_wait3A_215 = arith.constant 0 : i32
      %dma_wait3A_216 = arith.constant 0 : i32
      %dma_wait3A_217 = arith.constant 0 : i32
      %dma_wait3A_218 = tpu.memref_slice %arg9[%dma_wait3A_215, %dma_wait3A_216, %dma_wait3A_217] : memref<2x80x128xi32, #tpu.memory_space<vmem>> -> memref<1x80x128xi32, #tpu.memory_space<vmem>>
      %dma_wait3A_219 = tpu.memref_squeeze %dma_wait3A_218 : memref<1x80x128xi32, #tpu.memory_space<vmem>> -> memref<80x128xi32, #tpu.memory_space<vmem>>
      %dma_wait3A_220 = arith.constant 0 : i32
      %dma_wait3A_221 = tpu.memref_slice %arg5[%mul3A_2, %dma_wait3A_220] : memref<320000x128xi32, #tpu.memory_space<hbm>> -> memref<80x128xi32, #tpu.memory_space<hbm>>
      %dma_wait3A_222 = arith.constant 0 : i32
      %dma_wait3A_223 = tpu.memref_slice %arg5[%mul3A_2, %dma_wait3A_222] : memref<320000x128xi32, #tpu.memory_space<hbm>> -> memref<80x128xi32, #tpu.memory_space<hbm>>
      %dma_wait3A_224 = arith.constant 0 : i32
      %dma_wait3A_225 = arith.constant 0 : i32
      %dma_wait3A_226 = tpu.memref_slice %arg9[%dma_wait3A_215, %dma_wait3A_224, %dma_wait3A_225] : memref<2x80x128xi32, #tpu.memory_space<vmem>> -> memref<1x80x128xi32, #tpu.memory_space<vmem>>
      %dma_wait3A_227 = tpu.memref_squeeze %dma_wait3A_226 : memref<1x80x128xi32, #tpu.memory_space<vmem>> -> memref<80x128xi32, #tpu.memory_space<vmem>>
      tpu.wait_dma2 semaphore(%arg13 : memref<!tpu.dma_semaphore, #tpu.memory_space<semaphore_mem>>) src(%dma_wait3A_227 : memref<80x128xi32, #tpu.memory_space<vmem>>) dst(%dma_wait3A_223 : memref<80x128xi32, #tpu.memory_space<hbm>>)
      %dma_wait3A_228 = arith.constant 0 : i32
      %dma_wait3A_229 = arith.constant 0 : i32
      %dma_wait3A_230 = arith.constant 0 : i32
      %dma_wait3A_231 = tpu.memref_slice %arg10[%dma_wait3A_228, %dma_wait3A_229, %dma_wait3A_230] : memref<2x80x128xi32, #tpu.memory_space<vmem>> -> memref<1x80x128xi32, #tpu.memory_space<vmem>>
      %dma_wait3A_232 = tpu.memref_squeeze %dma_wait3A_231 : memref<1x80x128xi32, #tpu.memory_space<vmem>> -> memref<80x128xi32, #tpu.memory_space<vmem>>
      %dma_wait3A_233 = arith.constant 0 : i32
      %dma_wait3A_234 = tpu.memref_slice %arg6[%mul3A_2, %dma_wait3A_233] : memref<320000x128xi32, #tpu.memory_space<hbm>> -> memref<80x128xi32, #tpu.memory_space<hbm>>
      %dma_wait3A_235 = arith.constant 0 : i32
      %dma_wait3A_236 = tpu.memref_slice %arg6[%mul3A_2, %dma_wait3A_235] : memref<320000x128xi32, #tpu.memory_space<hbm>> -> memref<80x128xi32, #tpu.memory_space<hbm>>
      %dma_wait3A_237 = arith.constant 0 : i32
      %dma_wait3A_238 = arith.constant 0 : i32
      %dma_wait3A_239 = tpu.memref_slice %arg10[%dma_wait3A_228, %dma_wait3A_237, %dma_wait3A_238] : memref<2x80x128xi32, #tpu.memory_space<vmem>> -> memref<1x80x128xi32, #tpu.memory_space<vmem>>
      %dma_wait3A_240 = tpu.memref_squeeze %dma_wait3A_239 : memref<1x80x128xi32, #tpu.memory_space<vmem>> -> memref<80x128xi32, #tpu.memory_space<vmem>>
      tpu.wait_dma2 semaphore(%arg13 : memref<!tpu.dma_semaphore, #tpu.memory_space<semaphore_mem>>) src(%dma_wait3A_240 : memref<80x128xi32, #tpu.memory_space<vmem>>) dst(%dma_wait3A_236 : memref<80x128xi32, #tpu.memory_space<hbm>>)
      %add3A_241 = arith.constant 2 : i32
      %add3A_242 = arith.addi %mul3A_135, %add3A_241 : i32
      %dma_start3A_243 = arith.constant 0 : i32
      %dma_start3A_244 = arith.constant 0 : i32
      %dma_start3A_245 = arith.constant 0 : i32
      %dma_start3A_246 = tpu.memref_slice %arg9[%dma_start3A_243, %dma_start3A_244, %dma_start3A_245] : memref<2x80x128xi32, #tpu.memory_space<vmem>> -> memref<1x80x128xi32, #tpu.memory_space<vmem>>
      %dma_start3A_247 = tpu.memref_squeeze %dma_start3A_246 : memref<1x80x128xi32, #tpu.memory_space<vmem>> -> memref<80x128xi32, #tpu.memory_space<vmem>>
      %dma_start3A_248 = arith.constant 0 : i32
      %dma_start3A_249 = tpu.memref_slice %arg7[%add3A_242, %dma_start3A_248] : memref<125x80xi32, #tpu.memory_space<vmem>> -> memref<1x80xi32, #tpu.memory_space<vmem>>
      %dma_start3A_250 = tpu.memref_squeeze %dma_start3A_249 : memref<1x80xi32, #tpu.memory_space<vmem>> -> memref<80xi32, #tpu.memory_space<vmem>>
      %dma_start3A_251 = arith.constant 0 : i32
      %dma_start3A_252 = arith.constant 0 : i32
      %dma_start3A_253 = tpu.memref_slice %arg2[%dma_start3A_251, %dma_start3A_252] : memref<10000x128xi32, #tpu.memory_space<hbm>> -> memref<10000x128xi32, #tpu.memory_space<hbm>>
      tpu.enqueue_indirect_dma source(%dma_start3A_253 : memref<10000x128xi32, #tpu.memory_space<hbm>>) target(%dma_start3A_247 : memref<80x128xi32, #tpu.memory_space<vmem>>) offsets(%dma_start3A_250 : memref<80xi32, #tpu.memory_space<vmem>>) semaphore(%arg11 : memref<!tpu.dma_semaphore, #tpu.memory_space<semaphore_mem>>)
      %dma_start3A_254 = arith.constant 0 : i32
      %dma_start3A_255 = arith.constant 0 : i32
      %dma_start3A_256 = arith.constant 0 : i32
      %dma_start3A_257 = tpu.memref_slice %arg10[%dma_start3A_254, %dma_start3A_255, %dma_start3A_256] : memref<2x80x128xi32, #tpu.memory_space<vmem>> -> memref<1x80x128xi32, #tpu.memory_space<vmem>>
      %dma_start3A_258 = tpu.memref_squeeze %dma_start3A_257 : memref<1x80x128xi32, #tpu.memory_space<vmem>> -> memref<80x128xi32, #tpu.memory_space<vmem>>
      %dma_start3A_259 = arith.constant 0 : i32
      %dma_start3A_260 = tpu.memref_slice %arg8[%add3A_242, %dma_start3A_259] : memref<125x80xi32, #tpu.memory_space<vmem>> -> memref<1x80xi32, #tpu.memory_space<vmem>>
      %dma_start3A_261 = tpu.memref_squeeze %dma_start3A_260 : memref<1x80xi32, #tpu.memory_space<vmem>> -> memref<80xi32, #tpu.memory_space<vmem>>
      %dma_start3A_262 = arith.constant 0 : i32
      %dma_start3A_263 = arith.constant 0 : i32
      %dma_start3A_264 = tpu.memref_slice %arg2[%dma_start3A_262, %dma_start3A_263] : memref<10000x128xi32, #tpu.memory_space<hbm>> -> memref<10000x128xi32, #tpu.memory_space<hbm>>
      tpu.enqueue_indirect_dma source(%dma_start3A_264 : memref<10000x128xi32, #tpu.memory_space<hbm>>) target(%dma_start3A_258 : memref<80x128xi32, #tpu.memory_space<vmem>>) offsets(%dma_start3A_261 : memref<80xi32, #tpu.memory_space<vmem>>) semaphore(%arg11 : memref<!tpu.dma_semaphore, #tpu.memory_space<semaphore_mem>>)
      %dma_wait3A_265 = arith.constant 0 : i32
      %dma_wait3A_266 = arith.constant 1 : i32
      %dma_wait3A_267 = arith.constant 0 : i32
      %dma_wait3A_268 = arith.constant 0 : i32
      %dma_wait3A_269 = tpu.memref_slice %arg9[%dma_wait3A_266, %dma_wait3A_267, %dma_wait3A_268] : memref<2x80x128xi32, #tpu.memory_space<vmem>> -> memref<1x80x128xi32, #tpu.memory_space<vmem>>
      %dma_wait3A_270 = tpu.memref_squeeze %dma_wait3A_269 : memref<1x80x128xi32, #tpu.memory_space<vmem>> -> memref<80x128xi32, #tpu.memory_space<vmem>>
      %dma_wait3A_271 = arith.constant 0 : i32
      %dma_wait3A_272 = tpu.memref_slice %arg7[%dma_wait3A_265, %dma_wait3A_271] : memref<125x80xi32, #tpu.memory_space<vmem>> -> memref<1x80xi32, #tpu.memory_space<vmem>>
      %dma_wait3A_273 = tpu.memref_squeeze %dma_wait3A_272 : memref<1x80xi32, #tpu.memory_space<vmem>> -> memref<80xi32, #tpu.memory_space<vmem>>
      %dma_wait3A_274 = arith.constant 0 : i32
      %dma_wait3A_275 = arith.constant 0 : i32
      %dma_wait3A_276 = tpu.memref_slice %arg2[%dma_wait3A_274, %dma_wait3A_275] : memref<10000x128xi32, #tpu.memory_space<hbm>> -> memref<10000x128xi32, #tpu.memory_space<hbm>>
      tpu.wait_indirect_dma semaphore(%arg12 : memref<!tpu.dma_semaphore, #tpu.memory_space<semaphore_mem>>) src(%dma_wait3A_276 : memref<10000x128xi32, #tpu.memory_space<hbm>>) dst(%dma_wait3A_270 : memref<80x128xi32, #tpu.memory_space<vmem>>)
      %dma_wait3A_277 = arith.constant 0 : i32
      %dma_wait3A_278 = arith.constant 1 : i32
      %dma_wait3A_279 = arith.constant 0 : i32
      %dma_wait3A_280 = arith.constant 0 : i32
      %dma_wait3A_281 = tpu.memref_slice %arg10[%dma_wait3A_278, %dma_wait3A_279, %dma_wait3A_280] : memref<2x80x128xi32, #tpu.memory_space<vmem>> -> memref<1x80x128xi32, #tpu.memory_space<vmem>>
      %dma_wait3A_282 = tpu.memref_squeeze %dma_wait3A_281 : memref<1x80x128xi32, #tpu.memory_space<vmem>> -> memref<80x128xi32, #tpu.memory_space<vmem>>
      %dma_wait3A_283 = arith.constant 0 : i32
      %dma_wait3A_284 = tpu.memref_slice %arg8[%dma_wait3A_277, %dma_wait3A_283] : memref<125x80xi32, #tpu.memory_space<vmem>> -> memref<1x80xi32, #tpu.memory_space<vmem>>
      %dma_wait3A_285 = tpu.memref_squeeze %dma_wait3A_284 : memref<1x80xi32, #tpu.memory_space<vmem>> -> memref<80xi32, #tpu.memory_space<vmem>>
      %dma_wait3A_286 = arith.constant 0 : i32
      %dma_wait3A_287 = arith.constant 0 : i32
      %dma_wait3A_288 = tpu.memref_slice %arg2[%dma_wait3A_286, %dma_wait3A_287] : memref<10000x128xi32, #tpu.memory_space<hbm>> -> memref<10000x128xi32, #tpu.memory_space<hbm>>
      tpu.wait_indirect_dma semaphore(%arg12 : memref<!tpu.dma_semaphore, #tpu.memory_space<semaphore_mem>>) src(%dma_wait3A_288 : memref<10000x128xi32, #tpu.memory_space<hbm>>) dst(%dma_wait3A_282 : memref<80x128xi32, #tpu.memory_space<vmem>>)
      %add3A_289 = arith.constant 1 : i32
      %add3A_290 = arith.addi %mul3A_135, %add3A_289 : i32
      %mul3A_291 = arith.constant 80 : i32
      %mul3A_292 = arith.muli %add3A_290, %mul3A_291 : i32
      %add3A_293 = arith.addi %mul3A_2, %mul3A_292 : i32
      %dma_start3A_294 = arith.constant 1 : i32
      %dma_start3A_295 = arith.constant 0 : i32
      %dma_start3A_296 = arith.constant 0 : i32
      %dma_start3A_297 = tpu.memref_slice %arg9[%dma_start3A_294, %dma_start3A_295, %dma_start3A_296] : memref<2x80x128xi32, #tpu.memory_space<vmem>> -> memref<1x80x128xi32, #tpu.memory_space<vmem>>
      %dma_start3A_298 = tpu.memref_squeeze %dma_start3A_297 : memref<1x80x128xi32, #tpu.memory_space<vmem>> -> memref<80x128xi32, #tpu.memory_space<vmem>>
      %dma_start3A_299 = arith.constant 0 : i32
      %dma_start3A_300 = tpu.memref_slice %arg5[%add3A_293, %dma_start3A_299] : memref<320000x128xi32, #tpu.memory_space<hbm>> -> memref<80x128xi32, #tpu.memory_space<hbm>>
      %dma_start3A_301 = arith.constant 0 : i32
      %dma_start3A_302 = tpu.memref_slice %arg5[%add3A_293, %dma_start3A_301] : memref<320000x128xi32, #tpu.memory_space<hbm>> -> memref<80x128xi32, #tpu.memory_space<hbm>>
      %dma_start3A_303 = arith.constant 0 : i32
      %dma_start3A_304 = arith.constant 0 : i32
      %dma_start3A_305 = tpu.memref_slice %arg9[%dma_start3A_294, %dma_start3A_303, %dma_start3A_304] : memref<2x80x128xi32, #tpu.memory_space<vmem>> -> memref<1x80x128xi32, #tpu.memory_space<vmem>>
      %dma_start3A_306 = tpu.memref_squeeze %dma_start3A_305 : memref<1x80x128xi32, #tpu.memory_space<vmem>> -> memref<80x128xi32, #tpu.memory_space<vmem>>
      tpu.enqueue_dma source(%dma_start3A_306 : memref<80x128xi32, #tpu.memory_space<vmem>>) target(%dma_start3A_302 : memref<80x128xi32, #tpu.memory_space<hbm>>) target_semaphore(%arg14 : memref<!tpu.dma_semaphore, #tpu.memory_space<semaphore_mem>>)
      %dma_start3A_307 = arith.constant 1 : i32
      %dma_start3A_308 = arith.constant 0 : i32
      %dma_start3A_309 = arith.constant 0 : i32
      %dma_start3A_310 = tpu.memref_slice %arg10[%dma_start3A_307, %dma_start3A_308, %dma_start3A_309] : memref<2x80x128xi32, #tpu.memory_space<vmem>> -> memref<1x80x128xi32, #tpu.memory_space<vmem>>
      %dma_start3A_311 = tpu.memref_squeeze %dma_start3A_310 : memref<1x80x128xi32, #tpu.memory_space<vmem>> -> memref<80x128xi32, #tpu.memory_space<vmem>>
      %dma_start3A_312 = arith.constant 0 : i32
      %dma_start3A_313 = tpu.memref_slice %arg6[%add3A_293, %dma_start3A_312] : memref<320000x128xi32, #tpu.memory_space<hbm>> -> memref<80x128xi32, #tpu.memory_space<hbm>>
      %dma_start3A_314 = arith.constant 0 : i32
      %dma_start3A_315 = tpu.memref_slice %arg6[%add3A_293, %dma_start3A_314] : memref<320000x128xi32, #tpu.memory_space<hbm>> -> memref<80x128xi32, #tpu.memory_space<hbm>>
      %dma_start3A_316 = arith.constant 0 : i32
      %dma_start3A_317 = arith.constant 0 : i32
      %dma_start3A_318 = tpu.memref_slice %arg10[%dma_start3A_307, %dma_start3A_316, %dma_start3A_317] : memref<2x80x128xi32, #tpu.memory_space<vmem>> -> memref<1x80x128xi32, #tpu.memory_space<vmem>>
      %dma_start3A_319 = tpu.memref_squeeze %dma_start3A_318 : memref<1x80x128xi32, #tpu.memory_space<vmem>> -> memref<80x128xi32, #tpu.memory_space<vmem>>
      tpu.enqueue_dma source(%dma_start3A_319 : memref<80x128xi32, #tpu.memory_space<vmem>>) target(%dma_start3A_315 : memref<80x128xi32, #tpu.memory_space<hbm>>) target_semaphore(%arg14 : memref<!tpu.dma_semaphore, #tpu.memory_space<semaphore_mem>>)
    }
    %scan3A_29 = arith.constant 62 : i32
    %dma_wait3A = arith.constant 1 : i32
    %dma_wait3A_30 = arith.constant 0 : i32
    %dma_wait3A_31 = arith.constant 0 : i32
    %dma_wait3A_32 = tpu.memref_slice %arg9[%dma_wait3A, %dma_wait3A_30, %dma_wait3A_31] : memref<2x80x128xi32, #tpu.memory_space<vmem>> -> memref<1x80x128xi32, #tpu.memory_space<vmem>>
    %dma_wait3A_33 = tpu.memref_squeeze %dma_wait3A_32 : memref<1x80x128xi32, #tpu.memory_space<vmem>> -> memref<80x128xi32, #tpu.memory_space<vmem>>
    %dma_wait3A_34 = arith.constant 0 : i32
    %dma_wait3A_35 = tpu.memref_slice %arg5[%mul3A_2, %dma_wait3A_34] : memref<320000x128xi32, #tpu.memory_space<hbm>> -> memref<80x128xi32, #tpu.memory_space<hbm>>
    %dma_wait3A_36 = arith.constant 0 : i32
    %dma_wait3A_37 = tpu.memref_slice %arg5[%mul3A_2, %dma_wait3A_36] : memref<320000x128xi32, #tpu.memory_space<hbm>> -> memref<80x128xi32, #tpu.memory_space<hbm>>
    %dma_wait3A_38 = arith.constant 0 : i32
    %dma_wait3A_39 = arith.constant 0 : i32
    %dma_wait3A_40 = tpu.memref_slice %arg9[%dma_wait3A, %dma_wait3A_38, %dma_wait3A_39] : memref<2x80x128xi32, #tpu.memory_space<vmem>> -> memref<1x80x128xi32, #tpu.memory_space<vmem>>
    %dma_wait3A_41 = tpu.memref_squeeze %dma_wait3A_40 : memref<1x80x128xi32, #tpu.memory_space<vmem>> -> memref<80x128xi32, #tpu.memory_space<vmem>>
    tpu.wait_dma2 semaphore(%arg14 : memref<!tpu.dma_semaphore, #tpu.memory_space<semaphore_mem>>) src(%dma_wait3A_41 : memref<80x128xi32, #tpu.memory_space<vmem>>) dst(%dma_wait3A_37 : memref<80x128xi32, #tpu.memory_space<hbm>>)
    %dma_wait3A_42 = arith.constant 1 : i32
    %dma_wait3A_43 = arith.constant 0 : i32
    %dma_wait3A_44 = arith.constant 0 : i32
    %dma_wait3A_45 = tpu.memref_slice %arg10[%dma_wait3A_42, %dma_wait3A_43, %dma_wait3A_44] : memref<2x80x128xi32, #tpu.memory_space<vmem>> -> memref<1x80x128xi32, #tpu.memory_space<vmem>>
    %dma_wait3A_46 = tpu.memref_squeeze %dma_wait3A_45 : memref<1x80x128xi32, #tpu.memory_space<vmem>> -> memref<80x128xi32, #tpu.memory_space<vmem>>
    %dma_wait3A_47 = arith.constant 0 : i32
    %dma_wait3A_48 = tpu.memref_slice %arg6[%mul3A_2, %dma_wait3A_47] : memref<320000x128xi32, #tpu.memory_space<hbm>> -> memref<80x128xi32, #tpu.memory_space<hbm>>
    %dma_wait3A_49 = arith.constant 0 : i32
    %dma_wait3A_50 = tpu.memref_slice %arg6[%mul3A_2, %dma_wait3A_49] : memref<320000x128xi32, #tpu.memory_space<hbm>> -> memref<80x128xi32, #tpu.memory_space<hbm>>
    %dma_wait3A_51 = arith.constant 0 : i32
    %dma_wait3A_52 = arith.constant 0 : i32
    %dma_wait3A_53 = tpu.memref_slice %arg10[%dma_wait3A_42, %dma_wait3A_51, %dma_wait3A_52] : memref<2x80x128xi32, #tpu.memory_space<vmem>> -> memref<1x80x128xi32, #tpu.memory_space<vmem>>
    %dma_wait3A_54 = tpu.memref_squeeze %dma_wait3A_53 : memref<1x80x128xi32, #tpu.memory_space<vmem>> -> memref<80x128xi32, #tpu.memory_space<vmem>>
    tpu.wait_dma2 semaphore(%arg14 : memref<!tpu.dma_semaphore, #tpu.memory_space<semaphore_mem>>) src(%dma_wait3A_54 : memref<80x128xi32, #tpu.memory_space<vmem>>) dst(%dma_wait3A_50 : memref<80x128xi32, #tpu.memory_space<hbm>>)
    %dma_wait3A_55 = arith.constant 0 : i32
    %dma_wait3A_56 = arith.constant 0 : i32
    %dma_wait3A_57 = arith.constant 0 : i32
    %dma_wait3A_58 = arith.constant 0 : i32
    %dma_wait3A_59 = tpu.memref_slice %arg9[%dma_wait3A_56, %dma_wait3A_57, %dma_wait3A_58] : memref<2x80x128xi32, #tpu.memory_space<vmem>> -> memref<1x80x128xi32, #tpu.memory_space<vmem>>
    %dma_wait3A_60 = tpu.memref_squeeze %dma_wait3A_59 : memref<1x80x128xi32, #tpu.memory_space<vmem>> -> memref<80x128xi32, #tpu.memory_space<vmem>>
    %dma_wait3A_61 = arith.constant 0 : i32
    %dma_wait3A_62 = tpu.memref_slice %arg7[%dma_wait3A_55, %dma_wait3A_61] : memref<125x80xi32, #tpu.memory_space<vmem>> -> memref<1x80xi32, #tpu.memory_space<vmem>>
    %dma_wait3A_63 = tpu.memref_squeeze %dma_wait3A_62 : memref<1x80xi32, #tpu.memory_space<vmem>> -> memref<80xi32, #tpu.memory_space<vmem>>
    %dma_wait3A_64 = arith.constant 0 : i32
    %dma_wait3A_65 = arith.constant 0 : i32
    %dma_wait3A_66 = tpu.memref_slice %arg2[%dma_wait3A_64, %dma_wait3A_65] : memref<10000x128xi32, #tpu.memory_space<hbm>> -> memref<10000x128xi32, #tpu.memory_space<hbm>>
    tpu.wait_indirect_dma semaphore(%arg11 : memref<!tpu.dma_semaphore, #tpu.memory_space<semaphore_mem>>) src(%dma_wait3A_66 : memref<10000x128xi32, #tpu.memory_space<hbm>>) dst(%dma_wait3A_60 : memref<80x128xi32, #tpu.memory_space<vmem>>)
    %dma_wait3A_67 = arith.constant 0 : i32
    %dma_wait3A_68 = arith.constant 0 : i32
    %dma_wait3A_69 = arith.constant 0 : i32
    %dma_wait3A_70 = arith.constant 0 : i32
    %dma_wait3A_71 = tpu.memref_slice %arg10[%dma_wait3A_68, %dma_wait3A_69, %dma_wait3A_70] : memref<2x80x128xi32, #tpu.memory_space<vmem>> -> memref<1x80x128xi32, #tpu.memory_space<vmem>>
    %dma_wait3A_72 = tpu.memref_squeeze %dma_wait3A_71 : memref<1x80x128xi32, #tpu.memory_space<vmem>> -> memref<80x128xi32, #tpu.memory_space<vmem>>
    %dma_wait3A_73 = arith.constant 0 : i32
    %dma_wait3A_74 = tpu.memref_slice %arg8[%dma_wait3A_67, %dma_wait3A_73] : memref<125x80xi32, #tpu.memory_space<vmem>> -> memref<1x80xi32, #tpu.memory_space<vmem>>
    %dma_wait3A_75 = tpu.memref_squeeze %dma_wait3A_74 : memref<1x80xi32, #tpu.memory_space<vmem>> -> memref<80xi32, #tpu.memory_space<vmem>>
    %dma_wait3A_76 = arith.constant 0 : i32
    %dma_wait3A_77 = arith.constant 0 : i32
    %dma_wait3A_78 = tpu.memref_slice %arg2[%dma_wait3A_76, %dma_wait3A_77] : memref<10000x128xi32, #tpu.memory_space<hbm>> -> memref<10000x128xi32, #tpu.memory_space<hbm>>
    tpu.wait_indirect_dma semaphore(%arg11 : memref<!tpu.dma_semaphore, #tpu.memory_space<semaphore_mem>>) src(%dma_wait3A_78 : memref<10000x128xi32, #tpu.memory_space<hbm>>) dst(%dma_wait3A_72 : memref<80x128xi32, #tpu.memory_space<vmem>>)
    %add3A_79 = arith.constant 9920 : i32
    %add3A_80 = arith.addi %mul3A_2, %add3A_79 : i32
    %dma_start3A_81 = arith.constant 0 : i32
    %dma_start3A_82 = arith.constant 0 : i32
    %dma_start3A_83 = arith.constant 0 : i32
    %dma_start3A_84 = tpu.memref_slice %arg9[%dma_start3A_81, %dma_start3A_82, %dma_start3A_83] : memref<2x80x128xi32, #tpu.memory_space<vmem>> -> memref<1x80x128xi32, #tpu.memory_space<vmem>>
    %dma_start3A_85 = tpu.memref_squeeze %dma_start3A_84 : memref<1x80x128xi32, #tpu.memory_space<vmem>> -> memref<80x128xi32, #tpu.memory_space<vmem>>
    %dma_start3A_86 = arith.constant 0 : i32
    %dma_start3A_87 = tpu.memref_slice %arg5[%add3A_80, %dma_start3A_86] : memref<320000x128xi32, #tpu.memory_space<hbm>> -> memref<80x128xi32, #tpu.memory_space<hbm>>
    %dma_start3A_88 = arith.constant 0 : i32
    %dma_start3A_89 = tpu.memref_slice %arg5[%add3A_80, %dma_start3A_88] : memref<320000x128xi32, #tpu.memory_space<hbm>> -> memref<80x128xi32, #tpu.memory_space<hbm>>
    %dma_start3A_90 = arith.constant 0 : i32
    %dma_start3A_91 = arith.constant 0 : i32
    %dma_start3A_92 = tpu.memref_slice %arg9[%dma_start3A_81, %dma_start3A_90, %dma_start3A_91] : memref<2x80x128xi32, #tpu.memory_space<vmem>> -> memref<1x80x128xi32, #tpu.memory_space<vmem>>
    %dma_start3A_93 = tpu.memref_squeeze %dma_start3A_92 : memref<1x80x128xi32, #tpu.memory_space<vmem>> -> memref<80x128xi32, #tpu.memory_space<vmem>>
    tpu.enqueue_dma source(%dma_start3A_93 : memref<80x128xi32, #tpu.memory_space<vmem>>) target(%dma_start3A_89 : memref<80x128xi32, #tpu.memory_space<hbm>>) target_semaphore(%arg13 : memref<!tpu.dma_semaphore, #tpu.memory_space<semaphore_mem>>)
    %dma_start3A_94 = arith.constant 0 : i32
    %dma_start3A_95 = arith.constant 0 : i32
    %dma_start3A_96 = arith.constant 0 : i32
    %dma_start3A_97 = tpu.memref_slice %arg10[%dma_start3A_94, %dma_start3A_95, %dma_start3A_96] : memref<2x80x128xi32, #tpu.memory_space<vmem>> -> memref<1x80x128xi32, #tpu.memory_space<vmem>>
    %dma_start3A_98 = tpu.memref_squeeze %dma_start3A_97 : memref<1x80x128xi32, #tpu.memory_space<vmem>> -> memref<80x128xi32, #tpu.memory_space<vmem>>
    %dma_start3A_99 = arith.constant 0 : i32
    %dma_start3A_100 = tpu.memref_slice %arg6[%add3A_80, %dma_start3A_99] : memref<320000x128xi32, #tpu.memory_space<hbm>> -> memref<80x128xi32, #tpu.memory_space<hbm>>
    %dma_start3A_101 = arith.constant 0 : i32
    %dma_start3A_102 = tpu.memref_slice %arg6[%add3A_80, %dma_start3A_101] : memref<320000x128xi32, #tpu.memory_space<hbm>> -> memref<80x128xi32, #tpu.memory_space<hbm>>
    %dma_start3A_103 = arith.constant 0 : i32
    %dma_start3A_104 = arith.constant 0 : i32
    %dma_start3A_105 = tpu.memref_slice %arg10[%dma_start3A_94, %dma_start3A_103, %dma_start3A_104] : memref<2x80x128xi32, #tpu.memory_space<vmem>> -> memref<1x80x128xi32, #tpu.memory_space<vmem>>
    %dma_start3A_106 = tpu.memref_squeeze %dma_start3A_105 : memref<1x80x128xi32, #tpu.memory_space<vmem>> -> memref<80x128xi32, #tpu.memory_space<vmem>>
    tpu.enqueue_dma source(%dma_start3A_106 : memref<80x128xi32, #tpu.memory_space<vmem>>) target(%dma_start3A_102 : memref<80x128xi32, #tpu.memory_space<hbm>>) target_semaphore(%arg13 : memref<!tpu.dma_semaphore, #tpu.memory_space<semaphore_mem>>)
    %dma_wait3A_107 = arith.constant 0 : i32
    %dma_wait3A_108 = arith.constant 0 : i32
    %dma_wait3A_109 = arith.constant 0 : i32
    %dma_wait3A_110 = tpu.memref_slice %arg9[%dma_wait3A_107, %dma_wait3A_108, %dma_wait3A_109] : memref<2x80x128xi32, #tpu.memory_space<vmem>> -> memref<1x80x128xi32, #tpu.memory_space<vmem>>
    %dma_wait3A_111 = tpu.memref_squeeze %dma_wait3A_110 : memref<1x80x128xi32, #tpu.memory_space<vmem>> -> memref<80x128xi32, #tpu.memory_space<vmem>>
    %dma_wait3A_112 = arith.constant 0 : i32
    %dma_wait3A_113 = tpu.memref_slice %arg5[%mul3A_2, %dma_wait3A_112] : memref<320000x128xi32, #tpu.memory_space<hbm>> -> memref<80x128xi32, #tpu.memory_space<hbm>>
    %dma_wait3A_114 = arith.constant 0 : i32
    %dma_wait3A_115 = tpu.memref_slice %arg5[%mul3A_2, %dma_wait3A_114] : memref<320000x128xi32, #tpu.memory_space<hbm>> -> memref<80x128xi32, #tpu.memory_space<hbm>>
    %dma_wait3A_116 = arith.constant 0 : i32
    %dma_wait3A_117 = arith.constant 0 : i32
    %dma_wait3A_118 = tpu.memref_slice %arg9[%dma_wait3A_107, %dma_wait3A_116, %dma_wait3A_117] : memref<2x80x128xi32, #tpu.memory_space<vmem>> -> memref<1x80x128xi32, #tpu.memory_space<vmem>>
    %dma_wait3A_119 = tpu.memref_squeeze %dma_wait3A_118 : memref<1x80x128xi32, #tpu.memory_space<vmem>> -> memref<80x128xi32, #tpu.memory_space<vmem>>
    tpu.wait_dma2 semaphore(%arg13 : memref<!tpu.dma_semaphore, #tpu.memory_space<semaphore_mem>>) src(%dma_wait3A_119 : memref<80x128xi32, #tpu.memory_space<vmem>>) dst(%dma_wait3A_115 : memref<80x128xi32, #tpu.memory_space<hbm>>)
    %dma_wait3A_120 = arith.constant 0 : i32
    %dma_wait3A_121 = arith.constant 0 : i32
    %dma_wait3A_122 = arith.constant 0 : i32
    %dma_wait3A_123 = tpu.memref_slice %arg10[%dma_wait3A_120, %dma_wait3A_121, %dma_wait3A_122] : memref<2x80x128xi32, #tpu.memory_space<vmem>> -> memref<1x80x128xi32, #tpu.memory_space<vmem>>
    %dma_wait3A_124 = tpu.memref_squeeze %dma_wait3A_123 : memref<1x80x128xi32, #tpu.memory_space<vmem>> -> memref<80x128xi32, #tpu.memory_space<vmem>>
    %dma_wait3A_125 = arith.constant 0 : i32
    %dma_wait3A_126 = tpu.memref_slice %arg6[%mul3A_2, %dma_wait3A_125] : memref<320000x128xi32, #tpu.memory_space<hbm>> -> memref<80x128xi32, #tpu.memory_space<hbm>>
    %dma_wait3A_127 = arith.constant 0 : i32
    %dma_wait3A_128 = tpu.memref_slice %arg6[%mul3A_2, %dma_wait3A_127] : memref<320000x128xi32, #tpu.memory_space<hbm>> -> memref<80x128xi32, #tpu.memory_space<hbm>>
    %dma_wait3A_129 = arith.constant 0 : i32
    %dma_wait3A_130 = arith.constant 0 : i32
    %dma_wait3A_131 = tpu.memref_slice %arg10[%dma_wait3A_120, %dma_wait3A_129, %dma_wait3A_130] : memref<2x80x128xi32, #tpu.memory_space<vmem>> -> memref<1x80x128xi32, #tpu.memory_space<vmem>>
    %dma_wait3A_132 = tpu.memref_squeeze %dma_wait3A_131 : memref<1x80x128xi32, #tpu.memory_space<vmem>> -> memref<80x128xi32, #tpu.memory_space<vmem>>
    tpu.wait_dma2 semaphore(%arg13 : memref<!tpu.dma_semaphore, #tpu.memory_space<semaphore_mem>>) src(%dma_wait3A_132 : memref<80x128xi32, #tpu.memory_space<vmem>>) dst(%dma_wait3A_128 : memref<80x128xi32, #tpu.memory_space<hbm>>)
    return
  }
}

#map = affine_map<(d0, d1) -> (0, 0)>
#map1 = affine_map<(d0, d1) -> (0, 0, 0)>
module attributes {stable_mosaic.version = 14 : i64} {
  func.func @k(%arg0: i32, %arg1: i32, %arg2: memref<10240x128xf32, #tpu.memory_space<hbm>>, %arg3: memref<32x125x80xi32, #tpu.memory_space<hbm>>, %arg4: memref<32x125x80xi32, #tpu.memory_space<hbm>>, %arg5: memref<320000x128xf32, #tpu.memory_space<hbm>>, %arg6: memref<320000x128xf32, #tpu.memory_space<hbm>>, %arg7: memref<125x80xi32, #tpu.memory_space<vmem>>, %arg8: memref<125x80xi32, #tpu.memory_space<vmem>>, %arg9: memref<2x80x128xf32, #tpu.memory_space<vmem>>, %arg10: memref<2x80x128xf32, #tpu.memory_space<vmem>>, %arg11: memref<!tpu.dma_semaphore, #tpu.memory_space<semaphore_mem>>, %arg12: memref<!tpu.dma_semaphore, #tpu.memory_space<semaphore_mem>>, %arg13: memref<!tpu.dma_semaphore, #tpu.memory_space<semaphore_mem>>, %arg14: memref<!tpu.dma_semaphore, #tpu.memory_space<semaphore_mem>>) attributes {dimension_semantics = [#tpu.dimension_semantics<core_parallel>, #tpu.dimension_semantics<subcore_parallel>], iteration_bounds = array<i64: 2, 16>, scalar_prefetch = 0 : i64, scratch_operands = 8 : i64, tpu.core_type = #tpu.core_type<sc_vector_subcore>, window_params = [{transform_indices = #map}, {transform_indices = #map1}, {transform_indices = #map1}, {transform_indices = #map}, {transform_indices = #map}]} {
    %mul3A = arith.constant 2 : i32
    %mul3A_0 = arith.muli %arg1, %mul3A : i32
    %add3A = arith.addi %mul3A_0, %arg0 : i32
    %mul3A_1 = arith.constant 10000 : i32
    %mul3A_2 = arith.muli %add3A, %mul3A_1 : i32
    "tpu.region"() ({
      %run_scoped3A = tpu.sem_alloc : memref<!tpu.dma_semaphore, #tpu.memory_space<semaphore_mem>>
      %dma_start3A_133 = arith.constant 0 : i32
      %dma_start3A_134 = arith.constant 0 : i32
      %dma_start3A_135 = tpu.memref_slice %arg3[%add3A, %dma_start3A_133, %dma_start3A_134] : memref<32x125x80xi32, #tpu.memory_space<hbm>> -> memref<1x125x80xi32, #tpu.memory_space<hbm>>
      %dma_start3A_136 = tpu.memref_squeeze %dma_start3A_135 : memref<1x125x80xi32, #tpu.memory_space<hbm>> -> memref<125x80xi32, #tpu.memory_space<hbm>>
      %dma_start3A_137 = arith.constant 0 : i32
      %dma_start3A_138 = arith.constant 0 : i32
      %dma_start3A_139 = tpu.memref_slice %arg3[%add3A, %dma_start3A_137, %dma_start3A_138] : memref<32x125x80xi32, #tpu.memory_space<hbm>> -> memref<1x125x80xi32, #tpu.memory_space<hbm>>
      %dma_start3A_140 = tpu.memref_squeeze %dma_start3A_139 : memref<1x125x80xi32, #tpu.memory_space<hbm>> -> memref<125x80xi32, #tpu.memory_space<hbm>>
      tpu.enqueue_dma source(%dma_start3A_140 : memref<125x80xi32, #tpu.memory_space<hbm>>) target(%arg7 : memref<125x80xi32, #tpu.memory_space<vmem>>) target_semaphore(%run_scoped3A : memref<!tpu.dma_semaphore, #tpu.memory_space<semaphore_mem>>)
      %dma_wait3A_141 = arith.constant 0 : i32
      %dma_wait3A_142 = arith.constant 0 : i32
      %dma_wait3A_143 = tpu.memref_slice %arg3[%add3A, %dma_wait3A_141, %dma_wait3A_142] : memref<32x125x80xi32, #tpu.memory_space<hbm>> -> memref<1x125x80xi32, #tpu.memory_space<hbm>>
      %dma_wait3A_144 = tpu.memref_squeeze %dma_wait3A_143 : memref<1x125x80xi32, #tpu.memory_space<hbm>> -> memref<125x80xi32, #tpu.memory_space<hbm>>
      %dma_wait3A_145 = arith.constant 0 : i32
      %dma_wait3A_146 = arith.constant 0 : i32
      %dma_wait3A_147 = tpu.memref_slice %arg3[%add3A, %dma_wait3A_145, %dma_wait3A_146] : memref<32x125x80xi32, #tpu.memory_space<hbm>> -> memref<1x125x80xi32, #tpu.memory_space<hbm>>
      %dma_wait3A_148 = tpu.memref_squeeze %dma_wait3A_147 : memref<1x125x80xi32, #tpu.memory_space<hbm>> -> memref<125x80xi32, #tpu.memory_space<hbm>>
      tpu.wait_dma2 semaphore(%run_scoped3A : memref<!tpu.dma_semaphore, #tpu.memory_space<semaphore_mem>>) src(%dma_wait3A_148 : memref<125x80xi32, #tpu.memory_space<hbm>>) dst(%arg7 : memref<125x80xi32, #tpu.memory_space<vmem>>)
      tpu.yield
    }) : () -> ()
    "tpu.region"() ({
      %run_scoped3A = tpu.sem_alloc : memref<!tpu.dma_semaphore, #tpu.memory_space<semaphore_mem>>
      %dma_start3A_133 = arith.constant 0 : i32
      %dma_start3A_134 = arith.constant 0 : i32
      %dma_start3A_135 = tpu.memref_slice %arg4[%add3A, %dma_start3A_133, %dma_start3A_134] : memref<32x125x80xi32, #tpu.memory_space<hbm>> -> memref<1x125x80xi32, #tpu.memory_space<hbm>>
      %dma_start3A_136 = tpu.memref_squeeze %dma_start3A_135 : memref<1x125x80xi32, #tpu.memory_space<hbm>> -> memref<125x80xi32, #tpu.memory_space<hbm>>
      %dma_start3A_137 = arith.constant 0 : i32
      %dma_start3A_138 = arith.constant 0 : i32
      %dma_start3A_139 = tpu.memref_slice %arg4[%add3A, %dma_start3A_137, %dma_start3A_138] : memref<32x125x80xi32, #tpu.memory_space<hbm>> -> memref<1x125x80xi32, #tpu.memory_space<hbm>>
      %dma_start3A_140 = tpu.memref_squeeze %dma_start3A_139 : memref<1x125x80xi32, #tpu.memory_space<hbm>> -> memref<125x80xi32, #tpu.memory_space<hbm>>
      tpu.enqueue_dma source(%dma_start3A_140 : memref<125x80xi32, #tpu.memory_space<hbm>>) target(%arg8 : memref<125x80xi32, #tpu.memory_space<vmem>>) target_semaphore(%run_scoped3A : memref<!tpu.dma_semaphore, #tpu.memory_space<semaphore_mem>>)
      %dma_wait3A_141 = arith.constant 0 : i32
      %dma_wait3A_142 = arith.constant 0 : i32
      %dma_wait3A_143 = tpu.memref_slice %arg4[%add3A, %dma_wait3A_141, %dma_wait3A_142] : memref<32x125x80xi32, #tpu.memory_space<hbm>> -> memref<1x125x80xi32, #tpu.memory_space<hbm>>
      %dma_wait3A_144 = tpu.memref_squeeze %dma_wait3A_143 : memref<1x125x80xi32, #tpu.memory_space<hbm>> -> memref<125x80xi32, #tpu.memory_space<hbm>>
      %dma_wait3A_145 = arith.constant 0 : i32
      %dma_wait3A_146 = arith.constant 0 : i32
      %dma_wait3A_147 = tpu.memref_slice %arg4[%add3A, %dma_wait3A_145, %dma_wait3A_146] : memref<32x125x80xi32, #tpu.memory_space<hbm>> -> memref<1x125x80xi32, #tpu.memory_space<hbm>>
      %dma_wait3A_148 = tpu.memref_squeeze %dma_wait3A_147 : memref<1x125x80xi32, #tpu.memory_space<hbm>> -> memref<125x80xi32, #tpu.memory_space<hbm>>
      tpu.wait_dma2 semaphore(%run_scoped3A : memref<!tpu.dma_semaphore, #tpu.memory_space<semaphore_mem>>) src(%dma_wait3A_148 : memref<125x80xi32, #tpu.memory_space<hbm>>) dst(%arg8 : memref<125x80xi32, #tpu.memory_space<vmem>>)
      tpu.yield
    }) : () -> ()
    %dma_start3A = arith.constant 0 : i32
    %dma_start3A_3 = arith.constant 0 : i32
    %dma_start3A_4 = arith.constant 0 : i32
    %dma_start3A_5 = arith.constant 0 : i32
    %dma_start3A_6 = tpu.memref_slice %arg9[%dma_start3A_3, %dma_start3A_4, %dma_start3A_5] : memref<2x80x128xf32, #tpu.memory_space<vmem>> -> memref<1x80x128xf32, #tpu.memory_space<vmem>>
    %dma_start3A_7 = tpu.memref_squeeze %dma_start3A_6 : memref<1x80x128xf32, #tpu.memory_space<vmem>> -> memref<80x128xf32, #tpu.memory_space<vmem>>
    %dma_start3A_8 = arith.constant 0 : i32
    %dma_start3A_9 = tpu.memref_slice %arg7[%dma_start3A, %dma_start3A_8] : memref<125x80xi32, #tpu.memory_space<vmem>> -> memref<1x80xi32, #tpu.memory_space<vmem>>
    %dma_start3A_10 = tpu.memref_squeeze %dma_start3A_9 : memref<1x80xi32, #tpu.memory_space<vmem>> -> memref<80xi32, #tpu.memory_space<vmem>>
    %dma_start3A_11 = arith.constant 0 : i32
    %dma_start3A_12 = arith.constant 0 : i32
    %dma_start3A_13 = tpu.memref_slice %arg2[%dma_start3A_11, %dma_start3A_12] : memref<10240x128xf32, #tpu.memory_space<hbm>> -> memref<10240x128xf32, #tpu.memory_space<hbm>>
    tpu.enqueue_indirect_dma source(%dma_start3A_13 : memref<10240x128xf32, #tpu.memory_space<hbm>>) target(%dma_start3A_7 : memref<80x128xf32, #tpu.memory_space<vmem>>) offsets(%dma_start3A_10 : memref<80xi32, #tpu.memory_space<vmem>>) semaphore(%arg11 : memref<!tpu.dma_semaphore, #tpu.memory_space<semaphore_mem>>)
    %dma_start3A_14 = arith.constant 0 : i32
    %dma_start3A_15 = arith.constant 0 : i32
    %dma_start3A_16 = arith.constant 0 : i32
    %dma_start3A_17 = arith.constant 0 : i32
    %dma_start3A_18 = tpu.memref_slice %arg10[%dma_start3A_15, %dma_start3A_16, %dma_start3A_17] : memref<2x80x128xf32, #tpu.memory_space<vmem>> -> memref<1x80x128xf32, #tpu.memory_space<vmem>>
    %dma_start3A_19 = tpu.memref_squeeze %dma_start3A_18 : memref<1x80x128xf32, #tpu.memory_space<vmem>> -> memref<80x128xf32, #tpu.memory_space<vmem>>
    %dma_start3A_20 = arith.constant 0 : i32
    %dma_start3A_21 = tpu.memref_slice %arg8[%dma_start3A_14, %dma_start3A_20] : memref<125x80xi32, #tpu.memory_space<vmem>> -> memref<1x80xi32, #tpu.memory_space<vmem>>
    %dma_start3A_22 = tpu.memref_squeeze %dma_start3A_21 : memref<1x80xi32, #tpu.memory_space<vmem>> -> memref<80xi32, #tpu.memory_space<vmem>>
    %dma_start3A_23 = arith.constant 0 : i32
    %dma_start3A_24 = arith.constant 0 : i32
    %dma_start3A_25 = tpu.memref_slice %arg2[%dma_start3A_23, %dma_start3A_24] : memref<10240x128xf32, #tpu.memory_space<hbm>> -> memref<10240x128xf32, #tpu.memory_space<hbm>>
    tpu.enqueue_indirect_dma source(%dma_start3A_25 : memref<10240x128xf32, #tpu.memory_space<hbm>>) target(%dma_start3A_19 : memref<80x128xf32, #tpu.memory_space<vmem>>) offsets(%dma_start3A_22 : memref<80xi32, #tpu.memory_space<vmem>>) semaphore(%arg11 : memref<!tpu.dma_semaphore, #tpu.memory_space<semaphore_mem>>)
    %scan3A = arith.constant 0 : i32
    %scan3A_26 = arith.constant 62 : i32
    %scan3A_27 = arith.addi %scan3A, %scan3A_26 : i32
    %scan3A_28 = arith.constant 1 : i32
    scf.for %scan3A_133 = %scan3A to %scan3A_27 step %scan3A_28  : i32 {
      %mul3A_134 = arith.constant 2 : i32
      %mul3A_135 = arith.muli %mul3A_134, %scan3A_133 : i32
      %ge3A = arith.constant 1 : i32
      %ge3A_136 = arith.cmpi sge, %scan3A_133, %ge3A : i32
      %convert_element_type3A = arith.extui %ge3A_136 : i1 to i32
      %cond3A = arith.constant 0 : i32
      %cond3A_137 = arith.cmpi ne, %convert_element_type3A, %cond3A : i32
      scf.if %cond3A_137 {
        %dma_wait3A_320 = arith.constant 1 : i32
        %dma_wait3A_321 = arith.constant 0 : i32
        %dma_wait3A_322 = arith.constant 0 : i32
        %dma_wait3A_323 = tpu.memref_slice %arg9[%dma_wait3A_320, %dma_wait3A_321, %dma_wait3A_322] : memref<2x80x128xf32, #tpu.memory_space<vmem>> -> memref<1x80x128xf32, #tpu.memory_space<vmem>>
        %dma_wait3A_324 = tpu.memref_squeeze %dma_wait3A_323 : memref<1x80x128xf32, #tpu.memory_space<vmem>> -> memref<80x128xf32, #tpu.memory_space<vmem>>
        %dma_wait3A_325 = arith.constant 0 : i32
        %dma_wait3A_326 = tpu.memref_slice %arg5[%mul3A_2, %dma_wait3A_325] : memref<320000x128xf32, #tpu.memory_space<hbm>> -> memref<80x128xf32, #tpu.memory_space<hbm>>
        %dma_wait3A_327 = arith.constant 0 : i32
        %dma_wait3A_328 = tpu.memref_slice %arg5[%mul3A_2, %dma_wait3A_327] : memref<320000x128xf32, #tpu.memory_space<hbm>> -> memref<80x128xf32, #tpu.memory_space<hbm>>
        %dma_wait3A_329 = arith.constant 0 : i32
        %dma_wait3A_330 = arith.constant 0 : i32
        %dma_wait3A_331 = tpu.memref_slice %arg9[%dma_wait3A_320, %dma_wait3A_329, %dma_wait3A_330] : memref<2x80x128xf32, #tpu.memory_space<vmem>> -> memref<1x80x128xf32, #tpu.memory_space<vmem>>
        %dma_wait3A_332 = tpu.memref_squeeze %dma_wait3A_331 : memref<1x80x128xf32, #tpu.memory_space<vmem>> -> memref<80x128xf32, #tpu.memory_space<vmem>>
        tpu.wait_dma2 semaphore(%arg14 : memref<!tpu.dma_semaphore, #tpu.memory_space<semaphore_mem>>) src(%dma_wait3A_332 : memref<80x128xf32, #tpu.memory_space<vmem>>) dst(%dma_wait3A_328 : memref<80x128xf32, #tpu.memory_space<hbm>>)
        %dma_wait3A_333 = arith.constant 1 : i32
        %dma_wait3A_334 = arith.constant 0 : i32
        %dma_wait3A_335 = arith.constant 0 : i32
        %dma_wait3A_336 = tpu.memref_slice %arg10[%dma_wait3A_333, %dma_wait3A_334, %dma_wait3A_335] : memref<2x80x128xf32, #tpu.memory_space<vmem>> -> memref<1x80x128xf32, #tpu.memory_space<vmem>>
        %dma_wait3A_337 = tpu.memref_squeeze %dma_wait3A_336 : memref<1x80x128xf32, #tpu.memory_space<vmem>> -> memref<80x128xf32, #tpu.memory_space<vmem>>
        %dma_wait3A_338 = arith.constant 0 : i32
        %dma_wait3A_339 = tpu.memref_slice %arg6[%mul3A_2, %dma_wait3A_338] : memref<320000x128xf32, #tpu.memory_space<hbm>> -> memref<80x128xf32, #tpu.memory_space<hbm>>
        %dma_wait3A_340 = arith.constant 0 : i32
        %dma_wait3A_341 = tpu.memref_slice %arg6[%mul3A_2, %dma_wait3A_340] : memref<320000x128xf32, #tpu.memory_space<hbm>> -> memref<80x128xf32, #tpu.memory_space<hbm>>
        %dma_wait3A_342 = arith.constant 0 : i32
        %dma_wait3A_343 = arith.constant 0 : i32
        %dma_wait3A_344 = tpu.memref_slice %arg10[%dma_wait3A_333, %dma_wait3A_342, %dma_wait3A_343] : memref<2x80x128xf32, #tpu.memory_space<vmem>> -> memref<1x80x128xf32, #tpu.memory_space<vmem>>
        %dma_wait3A_345 = tpu.memref_squeeze %dma_wait3A_344 : memref<1x80x128xf32, #tpu.memory_space<vmem>> -> memref<80x128xf32, #tpu.memory_space<vmem>>
        tpu.wait_dma2 semaphore(%arg14 : memref<!tpu.dma_semaphore, #tpu.memory_space<semaphore_mem>>) src(%dma_wait3A_345 : memref<80x128xf32, #tpu.memory_space<vmem>>) dst(%dma_wait3A_341 : memref<80x128xf32, #tpu.memory_space<hbm>>)
      } else {
      }
      %add3A_138 = arith.constant 1 : i32
      %add3A_139 = arith.addi %mul3A_135, %add3A_138 : i32
      %dma_start3A_140 = arith.constant 1 : i32
      %dma_start3A_141 = arith.constant 0 : i32
      %dma_start3A_142 = arith.constant 0 : i32
      %dma_start3A_143 = tpu.memref_slice %arg9[%dma_start3A_140, %dma_start3A_141, %dma_start3A_142] : memref<2x80x128xf32, #tpu.memory_space<vmem>> -> memref<1x80x128xf32, #tpu.memory_space<vmem>>
      %dma_start3A_144 = tpu.memref_squeeze %dma_start3A_143 : memref<1x80x128xf32, #tpu.memory_space<vmem>> -> memref<80x128xf32, #tpu.memory_space<vmem>>
      %dma_start3A_145 = arith.constant 0 : i32
      %dma_start3A_146 = tpu.memref_slice %arg7[%add3A_139, %dma_start3A_145] : memref<125x80xi32, #tpu.memory_space<vmem>> -> memref<1x80xi32, #tpu.memory_space<vmem>>
      %dma_start3A_147 = tpu.memref_squeeze %dma_start3A_146 : memref<1x80xi32, #tpu.memory_space<vmem>> -> memref<80xi32, #tpu.memory_space<vmem>>
      %dma_start3A_148 = arith.constant 0 : i32
      %dma_start3A_149 = arith.constant 0 : i32
      %dma_start3A_150 = tpu.memref_slice %arg2[%dma_start3A_148, %dma_start3A_149] : memref<10240x128xf32, #tpu.memory_space<hbm>> -> memref<10240x128xf32, #tpu.memory_space<hbm>>
      tpu.enqueue_indirect_dma source(%dma_start3A_150 : memref<10240x128xf32, #tpu.memory_space<hbm>>) target(%dma_start3A_144 : memref<80x128xf32, #tpu.memory_space<vmem>>) offsets(%dma_start3A_147 : memref<80xi32, #tpu.memory_space<vmem>>) semaphore(%arg12 : memref<!tpu.dma_semaphore, #tpu.memory_space<semaphore_mem>>)
      %dma_start3A_151 = arith.constant 1 : i32
      %dma_start3A_152 = arith.constant 0 : i32
      %dma_start3A_153 = arith.constant 0 : i32
      %dma_start3A_154 = tpu.memref_slice %arg10[%dma_start3A_151, %dma_start3A_152, %dma_start3A_153] : memref<2x80x128xf32, #tpu.memory_space<vmem>> -> memref<1x80x128xf32, #tpu.memory_space<vmem>>
      %dma_start3A_155 = tpu.memref_squeeze %dma_start3A_154 : memref<1x80x128xf32, #tpu.memory_space<vmem>> -> memref<80x128xf32, #tpu.memory_space<vmem>>
      %dma_start3A_156 = arith.constant 0 : i32
      %dma_start3A_157 = tpu.memref_slice %arg8[%add3A_139, %dma_start3A_156] : memref<125x80xi32, #tpu.memory_space<vmem>> -> memref<1x80xi32, #tpu.memory_space<vmem>>
      %dma_start3A_158 = tpu.memref_squeeze %dma_start3A_157 : memref<1x80xi32, #tpu.memory_space<vmem>> -> memref<80xi32, #tpu.memory_space<vmem>>
      %dma_start3A_159 = arith.constant 0 : i32
      %dma_start3A_160 = arith.constant 0 : i32
      %dma_start3A_161 = tpu.memref_slice %arg2[%dma_start3A_159, %dma_start3A_160] : memref<10240x128xf32, #tpu.memory_space<hbm>> -> memref<10240x128xf32, #tpu.memory_space<hbm>>
      tpu.enqueue_indirect_dma source(%dma_start3A_161 : memref<10240x128xf32, #tpu.memory_space<hbm>>) target(%dma_start3A_155 : memref<80x128xf32, #tpu.memory_space<vmem>>) offsets(%dma_start3A_158 : memref<80xi32, #tpu.memory_space<vmem>>) semaphore(%arg12 : memref<!tpu.dma_semaphore, #tpu.memory_space<semaphore_mem>>)
      %dma_wait3A_162 = arith.constant 0 : i32
      %dma_wait3A_163 = arith.constant 0 : i32
      %dma_wait3A_164 = arith.constant 0 : i32
      %dma_wait3A_165 = arith.constant 0 : i32
      %dma_wait3A_166 = tpu.memref_slice %arg9[%dma_wait3A_163, %dma_wait3A_164, %dma_wait3A_165] : memref<2x80x128xf32, #tpu.memory_space<vmem>> -> memref<1x80x128xf32, #tpu.memory_space<vmem>>
      %dma_wait3A_167 = tpu.memref_squeeze %dma_wait3A_166 : memref<1x80x128xf32, #tpu.memory_space<vmem>> -> memref<80x128xf32, #tpu.memory_space<vmem>>
      %dma_wait3A_168 = arith.constant 0 : i32
      %dma_wait3A_169 = tpu.memref_slice %arg7[%dma_wait3A_162, %dma_wait3A_168] : memref<125x80xi32, #tpu.memory_space<vmem>> -> memref<1x80xi32, #tpu.memory_space<vmem>>
      %dma_wait3A_170 = tpu.memref_squeeze %dma_wait3A_169 : memref<1x80xi32, #tpu.memory_space<vmem>> -> memref<80xi32, #tpu.memory_space<vmem>>
      %dma_wait3A_171 = arith.constant 0 : i32
      %dma_wait3A_172 = arith.constant 0 : i32
      %dma_wait3A_173 = tpu.memref_slice %arg2[%dma_wait3A_171, %dma_wait3A_172] : memref<10240x128xf32, #tpu.memory_space<hbm>> -> memref<10240x128xf32, #tpu.memory_space<hbm>>
      tpu.wait_indirect_dma semaphore(%arg11 : memref<!tpu.dma_semaphore, #tpu.memory_space<semaphore_mem>>) src(%dma_wait3A_173 : memref<10240x128xf32, #tpu.memory_space<hbm>>) dst(%dma_wait3A_167 : memref<80x128xf32, #tpu.memory_space<vmem>>)
      %dma_wait3A_174 = arith.constant 0 : i32
      %dma_wait3A_175 = arith.constant 0 : i32
      %dma_wait3A_176 = arith.constant 0 : i32
      %dma_wait3A_177 = arith.constant 0 : i32
      %dma_wait3A_178 = tpu.memref_slice %arg10[%dma_wait3A_175, %dma_wait3A_176, %dma_wait3A_177] : memref<2x80x128xf32, #tpu.memory_space<vmem>> -> memref<1x80x128xf32, #tpu.memory_space<vmem>>
      %dma_wait3A_179 = tpu.memref_squeeze %dma_wait3A_178 : memref<1x80x128xf32, #tpu.memory_space<vmem>> -> memref<80x128xf32, #tpu.memory_space<vmem>>
      %dma_wait3A_180 = arith.constant 0 : i32
      %dma_wait3A_181 = tpu.memref_slice %arg8[%dma_wait3A_174, %dma_wait3A_180] : memref<125x80xi32, #tpu.memory_space<vmem>> -> memref<1x80xi32, #tpu.memory_space<vmem>>
      %dma_wait3A_182 = tpu.memref_squeeze %dma_wait3A_181 : memref<1x80xi32, #tpu.memory_space<vmem>> -> memref<80xi32, #tpu.memory_space<vmem>>
      %dma_wait3A_183 = arith.constant 0 : i32
      %dma_wait3A_184 = arith.constant 0 : i32
      %dma_wait3A_185 = tpu.memref_slice %arg2[%dma_wait3A_183, %dma_wait3A_184] : memref<10240x128xf32, #tpu.memory_space<hbm>> -> memref<10240x128xf32, #tpu.memory_space<hbm>>
      tpu.wait_indirect_dma semaphore(%arg11 : memref<!tpu.dma_semaphore, #tpu.memory_space<semaphore_mem>>) src(%dma_wait3A_185 : memref<10240x128xf32, #tpu.memory_space<hbm>>) dst(%dma_wait3A_179 : memref<80x128xf32, #tpu.memory_space<vmem>>)
      %mul3A_186 = arith.constant 80 : i32
      %mul3A_187 = arith.muli %mul3A_135, %mul3A_186 : i32
      %add3A_188 = arith.addi %mul3A_2, %mul3A_187 : i32
      %dma_start3A_189 = arith.constant 0 : i32
      %dma_start3A_190 = arith.constant 0 : i32
      %dma_start3A_191 = arith.constant 0 : i32
      %dma_start3A_192 = tpu.memref_slice %arg9[%dma_start3A_189, %dma_start3A_190, %dma_start3A_191] : memref<2x80x128xf32, #tpu.memory_space<vmem>> -> memref<1x80x128xf32, #tpu.memory_space<vmem>>
      %dma_start3A_193 = tpu.memref_squeeze %dma_start3A_192 : memref<1x80x128xf32, #tpu.memory_space<vmem>> -> memref<80x128xf32, #tpu.memory_space<vmem>>
      %dma_start3A_194 = arith.constant 0 : i32
      %dma_start3A_195 = tpu.memref_slice %arg5[%add3A_188, %dma_start3A_194] : memref<320000x128xf32, #tpu.memory_space<hbm>> -> memref<80x128xf32, #tpu.memory_space<hbm>>
      %dma_start3A_196 = arith.constant 0 : i32
      %dma_start3A_197 = tpu.memref_slice %arg5[%add3A_188, %dma_start3A_196] : memref<320000x128xf32, #tpu.memory_space<hbm>> -> memref<80x128xf32, #tpu.memory_space<hbm>>
      %dma_start3A_198 = arith.constant 0 : i32
      %dma_start3A_199 = arith.constant 0 : i32
      %dma_start3A_200 = tpu.memref_slice %arg9[%dma_start3A_189, %dma_start3A_198, %dma_start3A_199] : memref<2x80x128xf32, #tpu.memory_space<vmem>> -> memref<1x80x128xf32, #tpu.memory_space<vmem>>
      %dma_start3A_201 = tpu.memref_squeeze %dma_start3A_200 : memref<1x80x128xf32, #tpu.memory_space<vmem>> -> memref<80x128xf32, #tpu.memory_space<vmem>>
      tpu.enqueue_dma source(%dma_start3A_201 : memref<80x128xf32, #tpu.memory_space<vmem>>) target(%dma_start3A_197 : memref<80x128xf32, #tpu.memory_space<hbm>>) target_semaphore(%arg13 : memref<!tpu.dma_semaphore, #tpu.memory_space<semaphore_mem>>)
      %dma_start3A_202 = arith.constant 0 : i32
      %dma_start3A_203 = arith.constant 0 : i32
      %dma_start3A_204 = arith.constant 0 : i32
      %dma_start3A_205 = tpu.memref_slice %arg10[%dma_start3A_202, %dma_start3A_203, %dma_start3A_204] : memref<2x80x128xf32, #tpu.memory_space<vmem>> -> memref<1x80x128xf32, #tpu.memory_space<vmem>>
      %dma_start3A_206 = tpu.memref_squeeze %dma_start3A_205 : memref<1x80x128xf32, #tpu.memory_space<vmem>> -> memref<80x128xf32, #tpu.memory_space<vmem>>
      %dma_start3A_207 = arith.constant 0 : i32
      %dma_start3A_208 = tpu.memref_slice %arg6[%add3A_188, %dma_start3A_207] : memref<320000x128xf32, #tpu.memory_space<hbm>> -> memref<80x128xf32, #tpu.memory_space<hbm>>
      %dma_start3A_209 = arith.constant 0 : i32
      %dma_start3A_210 = tpu.memref_slice %arg6[%add3A_188, %dma_start3A_209] : memref<320000x128xf32, #tpu.memory_space<hbm>> -> memref<80x128xf32, #tpu.memory_space<hbm>>
      %dma_start3A_211 = arith.constant 0 : i32
      %dma_start3A_212 = arith.constant 0 : i32
      %dma_start3A_213 = tpu.memref_slice %arg10[%dma_start3A_202, %dma_start3A_211, %dma_start3A_212] : memref<2x80x128xf32, #tpu.memory_space<vmem>> -> memref<1x80x128xf32, #tpu.memory_space<vmem>>
      %dma_start3A_214 = tpu.memref_squeeze %dma_start3A_213 : memref<1x80x128xf32, #tpu.memory_space<vmem>> -> memref<80x128xf32, #tpu.memory_space<vmem>>
      tpu.enqueue_dma source(%dma_start3A_214 : memref<80x128xf32, #tpu.memory_space<vmem>>) target(%dma_start3A_210 : memref<80x128xf32, #tpu.memory_space<hbm>>) target_semaphore(%arg13 : memref<!tpu.dma_semaphore, #tpu.memory_space<semaphore_mem>>)
      %dma_wait3A_215 = arith.constant 0 : i32
      %dma_wait3A_216 = arith.constant 0 : i32
      %dma_wait3A_217 = arith.constant 0 : i32
      %dma_wait3A_218 = tpu.memref_slice %arg9[%dma_wait3A_215, %dma_wait3A_216, %dma_wait3A_217] : memref<2x80x128xf32, #tpu.memory_space<vmem>> -> memref<1x80x128xf32, #tpu.memory_space<vmem>>
      %dma_wait3A_219 = tpu.memref_squeeze %dma_wait3A_218 : memref<1x80x128xf32, #tpu.memory_space<vmem>> -> memref<80x128xf32, #tpu.memory_space<vmem>>
      %dma_wait3A_220 = arith.constant 0 : i32
      %dma_wait3A_221 = tpu.memref_slice %arg5[%mul3A_2, %dma_wait3A_220] : memref<320000x128xf32, #tpu.memory_space<hbm>> -> memref<80x128xf32, #tpu.memory_space<hbm>>
      %dma_wait3A_222 = arith.constant 0 : i32
      %dma_wait3A_223 = tpu.memref_slice %arg5[%mul3A_2, %dma_wait3A_222] : memref<320000x128xf32, #tpu.memory_space<hbm>> -> memref<80x128xf32, #tpu.memory_space<hbm>>
      %dma_wait3A_224 = arith.constant 0 : i32
      %dma_wait3A_225 = arith.constant 0 : i32
      %dma_wait3A_226 = tpu.memref_slice %arg9[%dma_wait3A_215, %dma_wait3A_224, %dma_wait3A_225] : memref<2x80x128xf32, #tpu.memory_space<vmem>> -> memref<1x80x128xf32, #tpu.memory_space<vmem>>
      %dma_wait3A_227 = tpu.memref_squeeze %dma_wait3A_226 : memref<1x80x128xf32, #tpu.memory_space<vmem>> -> memref<80x128xf32, #tpu.memory_space<vmem>>
      tpu.wait_dma2 semaphore(%arg13 : memref<!tpu.dma_semaphore, #tpu.memory_space<semaphore_mem>>) src(%dma_wait3A_227 : memref<80x128xf32, #tpu.memory_space<vmem>>) dst(%dma_wait3A_223 : memref<80x128xf32, #tpu.memory_space<hbm>>)
      %dma_wait3A_228 = arith.constant 0 : i32
      %dma_wait3A_229 = arith.constant 0 : i32
      %dma_wait3A_230 = arith.constant 0 : i32
      %dma_wait3A_231 = tpu.memref_slice %arg10[%dma_wait3A_228, %dma_wait3A_229, %dma_wait3A_230] : memref<2x80x128xf32, #tpu.memory_space<vmem>> -> memref<1x80x128xf32, #tpu.memory_space<vmem>>
      %dma_wait3A_232 = tpu.memref_squeeze %dma_wait3A_231 : memref<1x80x128xf32, #tpu.memory_space<vmem>> -> memref<80x128xf32, #tpu.memory_space<vmem>>
      %dma_wait3A_233 = arith.constant 0 : i32
      %dma_wait3A_234 = tpu.memref_slice %arg6[%mul3A_2, %dma_wait3A_233] : memref<320000x128xf32, #tpu.memory_space<hbm>> -> memref<80x128xf32, #tpu.memory_space<hbm>>
      %dma_wait3A_235 = arith.constant 0 : i32
      %dma_wait3A_236 = tpu.memref_slice %arg6[%mul3A_2, %dma_wait3A_235] : memref<320000x128xf32, #tpu.memory_space<hbm>> -> memref<80x128xf32, #tpu.memory_space<hbm>>
      %dma_wait3A_237 = arith.constant 0 : i32
      %dma_wait3A_238 = arith.constant 0 : i32
      %dma_wait3A_239 = tpu.memref_slice %arg10[%dma_wait3A_228, %dma_wait3A_237, %dma_wait3A_238] : memref<2x80x128xf32, #tpu.memory_space<vmem>> -> memref<1x80x128xf32, #tpu.memory_space<vmem>>
      %dma_wait3A_240 = tpu.memref_squeeze %dma_wait3A_239 : memref<1x80x128xf32, #tpu.memory_space<vmem>> -> memref<80x128xf32, #tpu.memory_space<vmem>>
      tpu.wait_dma2 semaphore(%arg13 : memref<!tpu.dma_semaphore, #tpu.memory_space<semaphore_mem>>) src(%dma_wait3A_240 : memref<80x128xf32, #tpu.memory_space<vmem>>) dst(%dma_wait3A_236 : memref<80x128xf32, #tpu.memory_space<hbm>>)
      %add3A_241 = arith.constant 2 : i32
      %add3A_242 = arith.addi %mul3A_135, %add3A_241 : i32
      %dma_start3A_243 = arith.constant 0 : i32
      %dma_start3A_244 = arith.constant 0 : i32
      %dma_start3A_245 = arith.constant 0 : i32
      %dma_start3A_246 = tpu.memref_slice %arg9[%dma_start3A_243, %dma_start3A_244, %dma_start3A_245] : memref<2x80x128xf32, #tpu.memory_space<vmem>> -> memref<1x80x128xf32, #tpu.memory_space<vmem>>
      %dma_start3A_247 = tpu.memref_squeeze %dma_start3A_246 : memref<1x80x128xf32, #tpu.memory_space<vmem>> -> memref<80x128xf32, #tpu.memory_space<vmem>>
      %dma_start3A_248 = arith.constant 0 : i32
      %dma_start3A_249 = tpu.memref_slice %arg7[%add3A_242, %dma_start3A_248] : memref<125x80xi32, #tpu.memory_space<vmem>> -> memref<1x80xi32, #tpu.memory_space<vmem>>
      %dma_start3A_250 = tpu.memref_squeeze %dma_start3A_249 : memref<1x80xi32, #tpu.memory_space<vmem>> -> memref<80xi32, #tpu.memory_space<vmem>>
      %dma_start3A_251 = arith.constant 0 : i32
      %dma_start3A_252 = arith.constant 0 : i32
      %dma_start3A_253 = tpu.memref_slice %arg2[%dma_start3A_251, %dma_start3A_252] : memref<10240x128xf32, #tpu.memory_space<hbm>> -> memref<10240x128xf32, #tpu.memory_space<hbm>>
      tpu.enqueue_indirect_dma source(%dma_start3A_253 : memref<10240x128xf32, #tpu.memory_space<hbm>>) target(%dma_start3A_247 : memref<80x128xf32, #tpu.memory_space<vmem>>) offsets(%dma_start3A_250 : memref<80xi32, #tpu.memory_space<vmem>>) semaphore(%arg11 : memref<!tpu.dma_semaphore, #tpu.memory_space<semaphore_mem>>)
      %dma_start3A_254 = arith.constant 0 : i32
      %dma_start3A_255 = arith.constant 0 : i32
      %dma_start3A_256 = arith.constant 0 : i32
      %dma_start3A_257 = tpu.memref_slice %arg10[%dma_start3A_254, %dma_start3A_255, %dma_start3A_256] : memref<2x80x128xf32, #tpu.memory_space<vmem>> -> memref<1x80x128xf32, #tpu.memory_space<vmem>>
      %dma_start3A_258 = tpu.memref_squeeze %dma_start3A_257 : memref<1x80x128xf32, #tpu.memory_space<vmem>> -> memref<80x128xf32, #tpu.memory_space<vmem>>
      %dma_start3A_259 = arith.constant 0 : i32
      %dma_start3A_260 = tpu.memref_slice %arg8[%add3A_242, %dma_start3A_259] : memref<125x80xi32, #tpu.memory_space<vmem>> -> memref<1x80xi32, #tpu.memory_space<vmem>>
      %dma_start3A_261 = tpu.memref_squeeze %dma_start3A_260 : memref<1x80xi32, #tpu.memory_space<vmem>> -> memref<80xi32, #tpu.memory_space<vmem>>
      %dma_start3A_262 = arith.constant 0 : i32
      %dma_start3A_263 = arith.constant 0 : i32
      %dma_start3A_264 = tpu.memref_slice %arg2[%dma_start3A_262, %dma_start3A_263] : memref<10240x128xf32, #tpu.memory_space<hbm>> -> memref<10240x128xf32, #tpu.memory_space<hbm>>
      tpu.enqueue_indirect_dma source(%dma_start3A_264 : memref<10240x128xf32, #tpu.memory_space<hbm>>) target(%dma_start3A_258 : memref<80x128xf32, #tpu.memory_space<vmem>>) offsets(%dma_start3A_261 : memref<80xi32, #tpu.memory_space<vmem>>) semaphore(%arg11 : memref<!tpu.dma_semaphore, #tpu.memory_space<semaphore_mem>>)
      %dma_wait3A_265 = arith.constant 0 : i32
      %dma_wait3A_266 = arith.constant 1 : i32
      %dma_wait3A_267 = arith.constant 0 : i32
      %dma_wait3A_268 = arith.constant 0 : i32
      %dma_wait3A_269 = tpu.memref_slice %arg9[%dma_wait3A_266, %dma_wait3A_267, %dma_wait3A_268] : memref<2x80x128xf32, #tpu.memory_space<vmem>> -> memref<1x80x128xf32, #tpu.memory_space<vmem>>
      %dma_wait3A_270 = tpu.memref_squeeze %dma_wait3A_269 : memref<1x80x128xf32, #tpu.memory_space<vmem>> -> memref<80x128xf32, #tpu.memory_space<vmem>>
      %dma_wait3A_271 = arith.constant 0 : i32
      %dma_wait3A_272 = tpu.memref_slice %arg7[%dma_wait3A_265, %dma_wait3A_271] : memref<125x80xi32, #tpu.memory_space<vmem>> -> memref<1x80xi32, #tpu.memory_space<vmem>>
      %dma_wait3A_273 = tpu.memref_squeeze %dma_wait3A_272 : memref<1x80xi32, #tpu.memory_space<vmem>> -> memref<80xi32, #tpu.memory_space<vmem>>
      %dma_wait3A_274 = arith.constant 0 : i32
      %dma_wait3A_275 = arith.constant 0 : i32
      %dma_wait3A_276 = tpu.memref_slice %arg2[%dma_wait3A_274, %dma_wait3A_275] : memref<10240x128xf32, #tpu.memory_space<hbm>> -> memref<10240x128xf32, #tpu.memory_space<hbm>>
      tpu.wait_indirect_dma semaphore(%arg12 : memref<!tpu.dma_semaphore, #tpu.memory_space<semaphore_mem>>) src(%dma_wait3A_276 : memref<10240x128xf32, #tpu.memory_space<hbm>>) dst(%dma_wait3A_270 : memref<80x128xf32, #tpu.memory_space<vmem>>)
      %dma_wait3A_277 = arith.constant 0 : i32
      %dma_wait3A_278 = arith.constant 1 : i32
      %dma_wait3A_279 = arith.constant 0 : i32
      %dma_wait3A_280 = arith.constant 0 : i32
      %dma_wait3A_281 = tpu.memref_slice %arg10[%dma_wait3A_278, %dma_wait3A_279, %dma_wait3A_280] : memref<2x80x128xf32, #tpu.memory_space<vmem>> -> memref<1x80x128xf32, #tpu.memory_space<vmem>>
      %dma_wait3A_282 = tpu.memref_squeeze %dma_wait3A_281 : memref<1x80x128xf32, #tpu.memory_space<vmem>> -> memref<80x128xf32, #tpu.memory_space<vmem>>
      %dma_wait3A_283 = arith.constant 0 : i32
      %dma_wait3A_284 = tpu.memref_slice %arg8[%dma_wait3A_277, %dma_wait3A_283] : memref<125x80xi32, #tpu.memory_space<vmem>> -> memref<1x80xi32, #tpu.memory_space<vmem>>
      %dma_wait3A_285 = tpu.memref_squeeze %dma_wait3A_284 : memref<1x80xi32, #tpu.memory_space<vmem>> -> memref<80xi32, #tpu.memory_space<vmem>>
      %dma_wait3A_286 = arith.constant 0 : i32
      %dma_wait3A_287 = arith.constant 0 : i32
      %dma_wait3A_288 = tpu.memref_slice %arg2[%dma_wait3A_286, %dma_wait3A_287] : memref<10240x128xf32, #tpu.memory_space<hbm>> -> memref<10240x128xf32, #tpu.memory_space<hbm>>
      tpu.wait_indirect_dma semaphore(%arg12 : memref<!tpu.dma_semaphore, #tpu.memory_space<semaphore_mem>>) src(%dma_wait3A_288 : memref<10240x128xf32, #tpu.memory_space<hbm>>) dst(%dma_wait3A_282 : memref<80x128xf32, #tpu.memory_space<vmem>>)
      %add3A_289 = arith.constant 1 : i32
      %add3A_290 = arith.addi %mul3A_135, %add3A_289 : i32
      %mul3A_291 = arith.constant 80 : i32
      %mul3A_292 = arith.muli %add3A_290, %mul3A_291 : i32
      %add3A_293 = arith.addi %mul3A_2, %mul3A_292 : i32
      %dma_start3A_294 = arith.constant 1 : i32
      %dma_start3A_295 = arith.constant 0 : i32
      %dma_start3A_296 = arith.constant 0 : i32
      %dma_start3A_297 = tpu.memref_slice %arg9[%dma_start3A_294, %dma_start3A_295, %dma_start3A_296] : memref<2x80x128xf32, #tpu.memory_space<vmem>> -> memref<1x80x128xf32, #tpu.memory_space<vmem>>
      %dma_start3A_298 = tpu.memref_squeeze %dma_start3A_297 : memref<1x80x128xf32, #tpu.memory_space<vmem>> -> memref<80x128xf32, #tpu.memory_space<vmem>>
      %dma_start3A_299 = arith.constant 0 : i32
      %dma_start3A_300 = tpu.memref_slice %arg5[%add3A_293, %dma_start3A_299] : memref<320000x128xf32, #tpu.memory_space<hbm>> -> memref<80x128xf32, #tpu.memory_space<hbm>>
      %dma_start3A_301 = arith.constant 0 : i32
      %dma_start3A_302 = tpu.memref_slice %arg5[%add3A_293, %dma_start3A_301] : memref<320000x128xf32, #tpu.memory_space<hbm>> -> memref<80x128xf32, #tpu.memory_space<hbm>>
      %dma_start3A_303 = arith.constant 0 : i32
      %dma_start3A_304 = arith.constant 0 : i32
      %dma_start3A_305 = tpu.memref_slice %arg9[%dma_start3A_294, %dma_start3A_303, %dma_start3A_304] : memref<2x80x128xf32, #tpu.memory_space<vmem>> -> memref<1x80x128xf32, #tpu.memory_space<vmem>>
      %dma_start3A_306 = tpu.memref_squeeze %dma_start3A_305 : memref<1x80x128xf32, #tpu.memory_space<vmem>> -> memref<80x128xf32, #tpu.memory_space<vmem>>
      tpu.enqueue_dma source(%dma_start3A_306 : memref<80x128xf32, #tpu.memory_space<vmem>>) target(%dma_start3A_302 : memref<80x128xf32, #tpu.memory_space<hbm>>) target_semaphore(%arg14 : memref<!tpu.dma_semaphore, #tpu.memory_space<semaphore_mem>>)
      %dma_start3A_307 = arith.constant 1 : i32
      %dma_start3A_308 = arith.constant 0 : i32
      %dma_start3A_309 = arith.constant 0 : i32
      %dma_start3A_310 = tpu.memref_slice %arg10[%dma_start3A_307, %dma_start3A_308, %dma_start3A_309] : memref<2x80x128xf32, #tpu.memory_space<vmem>> -> memref<1x80x128xf32, #tpu.memory_space<vmem>>
      %dma_start3A_311 = tpu.memref_squeeze %dma_start3A_310 : memref<1x80x128xf32, #tpu.memory_space<vmem>> -> memref<80x128xf32, #tpu.memory_space<vmem>>
      %dma_start3A_312 = arith.constant 0 : i32
      %dma_start3A_313 = tpu.memref_slice %arg6[%add3A_293, %dma_start3A_312] : memref<320000x128xf32, #tpu.memory_space<hbm>> -> memref<80x128xf32, #tpu.memory_space<hbm>>
      %dma_start3A_314 = arith.constant 0 : i32
      %dma_start3A_315 = tpu.memref_slice %arg6[%add3A_293, %dma_start3A_314] : memref<320000x128xf32, #tpu.memory_space<hbm>> -> memref<80x128xf32, #tpu.memory_space<hbm>>
      %dma_start3A_316 = arith.constant 0 : i32
      %dma_start3A_317 = arith.constant 0 : i32
      %dma_start3A_318 = tpu.memref_slice %arg10[%dma_start3A_307, %dma_start3A_316, %dma_start3A_317] : memref<2x80x128xf32, #tpu.memory_space<vmem>> -> memref<1x80x128xf32, #tpu.memory_space<vmem>>
      %dma_start3A_319 = tpu.memref_squeeze %dma_start3A_318 : memref<1x80x128xf32, #tpu.memory_space<vmem>> -> memref<80x128xf32, #tpu.memory_space<vmem>>
      tpu.enqueue_dma source(%dma_start3A_319 : memref<80x128xf32, #tpu.memory_space<vmem>>) target(%dma_start3A_315 : memref<80x128xf32, #tpu.memory_space<hbm>>) target_semaphore(%arg14 : memref<!tpu.dma_semaphore, #tpu.memory_space<semaphore_mem>>)
    }
    %scan3A_29 = arith.constant 62 : i32
    %dma_wait3A = arith.constant 1 : i32
    %dma_wait3A_30 = arith.constant 0 : i32
    %dma_wait3A_31 = arith.constant 0 : i32
    %dma_wait3A_32 = tpu.memref_slice %arg9[%dma_wait3A, %dma_wait3A_30, %dma_wait3A_31] : memref<2x80x128xf32, #tpu.memory_space<vmem>> -> memref<1x80x128xf32, #tpu.memory_space<vmem>>
    %dma_wait3A_33 = tpu.memref_squeeze %dma_wait3A_32 : memref<1x80x128xf32, #tpu.memory_space<vmem>> -> memref<80x128xf32, #tpu.memory_space<vmem>>
    %dma_wait3A_34 = arith.constant 0 : i32
    %dma_wait3A_35 = tpu.memref_slice %arg5[%mul3A_2, %dma_wait3A_34] : memref<320000x128xf32, #tpu.memory_space<hbm>> -> memref<80x128xf32, #tpu.memory_space<hbm>>
    %dma_wait3A_36 = arith.constant 0 : i32
    %dma_wait3A_37 = tpu.memref_slice %arg5[%mul3A_2, %dma_wait3A_36] : memref<320000x128xf32, #tpu.memory_space<hbm>> -> memref<80x128xf32, #tpu.memory_space<hbm>>
    %dma_wait3A_38 = arith.constant 0 : i32
    %dma_wait3A_39 = arith.constant 0 : i32
    %dma_wait3A_40 = tpu.memref_slice %arg9[%dma_wait3A, %dma_wait3A_38, %dma_wait3A_39] : memref<2x80x128xf32, #tpu.memory_space<vmem>> -> memref<1x80x128xf32, #tpu.memory_space<vmem>>
    %dma_wait3A_41 = tpu.memref_squeeze %dma_wait3A_40 : memref<1x80x128xf32, #tpu.memory_space<vmem>> -> memref<80x128xf32, #tpu.memory_space<vmem>>
    tpu.wait_dma2 semaphore(%arg14 : memref<!tpu.dma_semaphore, #tpu.memory_space<semaphore_mem>>) src(%dma_wait3A_41 : memref<80x128xf32, #tpu.memory_space<vmem>>) dst(%dma_wait3A_37 : memref<80x128xf32, #tpu.memory_space<hbm>>)
    %dma_wait3A_42 = arith.constant 1 : i32
    %dma_wait3A_43 = arith.constant 0 : i32
    %dma_wait3A_44 = arith.constant 0 : i32
    %dma_wait3A_45 = tpu.memref_slice %arg10[%dma_wait3A_42, %dma_wait3A_43, %dma_wait3A_44] : memref<2x80x128xf32, #tpu.memory_space<vmem>> -> memref<1x80x128xf32, #tpu.memory_space<vmem>>
    %dma_wait3A_46 = tpu.memref_squeeze %dma_wait3A_45 : memref<1x80x128xf32, #tpu.memory_space<vmem>> -> memref<80x128xf32, #tpu.memory_space<vmem>>
    %dma_wait3A_47 = arith.constant 0 : i32
    %dma_wait3A_48 = tpu.memref_slice %arg6[%mul3A_2, %dma_wait3A_47] : memref<320000x128xf32, #tpu.memory_space<hbm>> -> memref<80x128xf32, #tpu.memory_space<hbm>>
    %dma_wait3A_49 = arith.constant 0 : i32
    %dma_wait3A_50 = tpu.memref_slice %arg6[%mul3A_2, %dma_wait3A_49] : memref<320000x128xf32, #tpu.memory_space<hbm>> -> memref<80x128xf32, #tpu.memory_space<hbm>>
    %dma_wait3A_51 = arith.constant 0 : i32
    %dma_wait3A_52 = arith.constant 0 : i32
    %dma_wait3A_53 = tpu.memref_slice %arg10[%dma_wait3A_42, %dma_wait3A_51, %dma_wait3A_52] : memref<2x80x128xf32, #tpu.memory_space<vmem>> -> memref<1x80x128xf32, #tpu.memory_space<vmem>>
    %dma_wait3A_54 = tpu.memref_squeeze %dma_wait3A_53 : memref<1x80x128xf32, #tpu.memory_space<vmem>> -> memref<80x128xf32, #tpu.memory_space<vmem>>
    tpu.wait_dma2 semaphore(%arg14 : memref<!tpu.dma_semaphore, #tpu.memory_space<semaphore_mem>>) src(%dma_wait3A_54 : memref<80x128xf32, #tpu.memory_space<vmem>>) dst(%dma_wait3A_50 : memref<80x128xf32, #tpu.memory_space<hbm>>)
    %dma_wait3A_55 = arith.constant 0 : i32
    %dma_wait3A_56 = arith.constant 0 : i32
    %dma_wait3A_57 = arith.constant 0 : i32
    %dma_wait3A_58 = arith.constant 0 : i32
    %dma_wait3A_59 = tpu.memref_slice %arg9[%dma_wait3A_56, %dma_wait3A_57, %dma_wait3A_58] : memref<2x80x128xf32, #tpu.memory_space<vmem>> -> memref<1x80x128xf32, #tpu.memory_space<vmem>>
    %dma_wait3A_60 = tpu.memref_squeeze %dma_wait3A_59 : memref<1x80x128xf32, #tpu.memory_space<vmem>> -> memref<80x128xf32, #tpu.memory_space<vmem>>
    %dma_wait3A_61 = arith.constant 0 : i32
    %dma_wait3A_62 = tpu.memref_slice %arg7[%dma_wait3A_55, %dma_wait3A_61] : memref<125x80xi32, #tpu.memory_space<vmem>> -> memref<1x80xi32, #tpu.memory_space<vmem>>
    %dma_wait3A_63 = tpu.memref_squeeze %dma_wait3A_62 : memref<1x80xi32, #tpu.memory_space<vmem>> -> memref<80xi32, #tpu.memory_space<vmem>>
    %dma_wait3A_64 = arith.constant 0 : i32
    %dma_wait3A_65 = arith.constant 0 : i32
    %dma_wait3A_66 = tpu.memref_slice %arg2[%dma_wait3A_64, %dma_wait3A_65] : memref<10240x128xf32, #tpu.memory_space<hbm>> -> memref<10240x128xf32, #tpu.memory_space<hbm>>
    tpu.wait_indirect_dma semaphore(%arg11 : memref<!tpu.dma_semaphore, #tpu.memory_space<semaphore_mem>>) src(%dma_wait3A_66 : memref<10240x128xf32, #tpu.memory_space<hbm>>) dst(%dma_wait3A_60 : memref<80x128xf32, #tpu.memory_space<vmem>>)
    %dma_wait3A_67 = arith.constant 0 : i32
    %dma_wait3A_68 = arith.constant 0 : i32
    %dma_wait3A_69 = arith.constant 0 : i32
    %dma_wait3A_70 = arith.constant 0 : i32
    %dma_wait3A_71 = tpu.memref_slice %arg10[%dma_wait3A_68, %dma_wait3A_69, %dma_wait3A_70] : memref<2x80x128xf32, #tpu.memory_space<vmem>> -> memref<1x80x128xf32, #tpu.memory_space<vmem>>
    %dma_wait3A_72 = tpu.memref_squeeze %dma_wait3A_71 : memref<1x80x128xf32, #tpu.memory_space<vmem>> -> memref<80x128xf32, #tpu.memory_space<vmem>>
    %dma_wait3A_73 = arith.constant 0 : i32
    %dma_wait3A_74 = tpu.memref_slice %arg8[%dma_wait3A_67, %dma_wait3A_73] : memref<125x80xi32, #tpu.memory_space<vmem>> -> memref<1x80xi32, #tpu.memory_space<vmem>>
    %dma_wait3A_75 = tpu.memref_squeeze %dma_wait3A_74 : memref<1x80xi32, #tpu.memory_space<vmem>> -> memref<80xi32, #tpu.memory_space<vmem>>
    %dma_wait3A_76 = arith.constant 0 : i32
    %dma_wait3A_77 = arith.constant 0 : i32
    %dma_wait3A_78 = tpu.memref_slice %arg2[%dma_wait3A_76, %dma_wait3A_77] : memref<10240x128xf32, #tpu.memory_space<hbm>> -> memref<10240x128xf32, #tpu.memory_space<hbm>>
    tpu.wait_indirect_dma semaphore(%arg11 : memref<!tpu.dma_semaphore, #tpu.memory_space<semaphore_mem>>) src(%dma_wait3A_78 : memref<10240x128xf32, #tpu.memory_space<hbm>>) dst(%dma_wait3A_72 : memref<80x128xf32, #tpu.memory_space<vmem>>)
    %add3A_79 = arith.constant 9920 : i32
    %add3A_80 = arith.addi %mul3A_2, %add3A_79 : i32
    %dma_start3A_81 = arith.constant 0 : i32
    %dma_start3A_82 = arith.constant 0 : i32
    %dma_start3A_83 = arith.constant 0 : i32
    %dma_start3A_84 = tpu.memref_slice %arg9[%dma_start3A_81, %dma_start3A_82, %dma_start3A_83] : memref<2x80x128xf32, #tpu.memory_space<vmem>> -> memref<1x80x128xf32, #tpu.memory_space<vmem>>
    %dma_start3A_85 = tpu.memref_squeeze %dma_start3A_84 : memref<1x80x128xf32, #tpu.memory_space<vmem>> -> memref<80x128xf32, #tpu.memory_space<vmem>>
    %dma_start3A_86 = arith.constant 0 : i32
    %dma_start3A_87 = tpu.memref_slice %arg5[%add3A_80, %dma_start3A_86] : memref<320000x128xf32, #tpu.memory_space<hbm>> -> memref<80x128xf32, #tpu.memory_space<hbm>>
    %dma_start3A_88 = arith.constant 0 : i32
    %dma_start3A_89 = tpu.memref_slice %arg5[%add3A_80, %dma_start3A_88] : memref<320000x128xf32, #tpu.memory_space<hbm>> -> memref<80x128xf32, #tpu.memory_space<hbm>>
    %dma_start3A_90 = arith.constant 0 : i32
    %dma_start3A_91 = arith.constant 0 : i32
    %dma_start3A_92 = tpu.memref_slice %arg9[%dma_start3A_81, %dma_start3A_90, %dma_start3A_91] : memref<2x80x128xf32, #tpu.memory_space<vmem>> -> memref<1x80x128xf32, #tpu.memory_space<vmem>>
    %dma_start3A_93 = tpu.memref_squeeze %dma_start3A_92 : memref<1x80x128xf32, #tpu.memory_space<vmem>> -> memref<80x128xf32, #tpu.memory_space<vmem>>
    tpu.enqueue_dma source(%dma_start3A_93 : memref<80x128xf32, #tpu.memory_space<vmem>>) target(%dma_start3A_89 : memref<80x128xf32, #tpu.memory_space<hbm>>) target_semaphore(%arg13 : memref<!tpu.dma_semaphore, #tpu.memory_space<semaphore_mem>>)
    %dma_start3A_94 = arith.constant 0 : i32
    %dma_start3A_95 = arith.constant 0 : i32
    %dma_start3A_96 = arith.constant 0 : i32
    %dma_start3A_97 = tpu.memref_slice %arg10[%dma_start3A_94, %dma_start3A_95, %dma_start3A_96] : memref<2x80x128xf32, #tpu.memory_space<vmem>> -> memref<1x80x128xf32, #tpu.memory_space<vmem>>
    %dma_start3A_98 = tpu.memref_squeeze %dma_start3A_97 : memref<1x80x128xf32, #tpu.memory_space<vmem>> -> memref<80x128xf32, #tpu.memory_space<vmem>>
    %dma_start3A_99 = arith.constant 0 : i32
    %dma_start3A_100 = tpu.memref_slice %arg6[%add3A_80, %dma_start3A_99] : memref<320000x128xf32, #tpu.memory_space<hbm>> -> memref<80x128xf32, #tpu.memory_space<hbm>>
    %dma_start3A_101 = arith.constant 0 : i32
    %dma_start3A_102 = tpu.memref_slice %arg6[%add3A_80, %dma_start3A_101] : memref<320000x128xf32, #tpu.memory_space<hbm>> -> memref<80x128xf32, #tpu.memory_space<hbm>>
    %dma_start3A_103 = arith.constant 0 : i32
    %dma_start3A_104 = arith.constant 0 : i32
    %dma_start3A_105 = tpu.memref_slice %arg10[%dma_start3A_94, %dma_start3A_103, %dma_start3A_104] : memref<2x80x128xf32, #tpu.memory_space<vmem>> -> memref<1x80x128xf32, #tpu.memory_space<vmem>>
    %dma_start3A_106 = tpu.memref_squeeze %dma_start3A_105 : memref<1x80x128xf32, #tpu.memory_space<vmem>> -> memref<80x128xf32, #tpu.memory_space<vmem>>
    tpu.enqueue_dma source(%dma_start3A_106 : memref<80x128xf32, #tpu.memory_space<vmem>>) target(%dma_start3A_102 : memref<80x128xf32, #tpu.memory_space<hbm>>) target_semaphore(%arg13 : memref<!tpu.dma_semaphore, #tpu.memory_space<semaphore_mem>>)
    %dma_wait3A_107 = arith.constant 0 : i32
    %dma_wait3A_108 = arith.constant 0 : i32
    %dma_wait3A_109 = arith.constant 0 : i32
    %dma_wait3A_110 = tpu.memref_slice %arg9[%dma_wait3A_107, %dma_wait3A_108, %dma_wait3A_109] : memref<2x80x128xf32, #tpu.memory_space<vmem>> -> memref<1x80x128xf32, #tpu.memory_space<vmem>>
    %dma_wait3A_111 = tpu.memref_squeeze %dma_wait3A_110 : memref<1x80x128xf32, #tpu.memory_space<vmem>> -> memref<80x128xf32, #tpu.memory_space<vmem>>
    %dma_wait3A_112 = arith.constant 0 : i32
    %dma_wait3A_113 = tpu.memref_slice %arg5[%mul3A_2, %dma_wait3A_112] : memref<320000x128xf32, #tpu.memory_space<hbm>> -> memref<80x128xf32, #tpu.memory_space<hbm>>
    %dma_wait3A_114 = arith.constant 0 : i32
    %dma_wait3A_115 = tpu.memref_slice %arg5[%mul3A_2, %dma_wait3A_114] : memref<320000x128xf32, #tpu.memory_space<hbm>> -> memref<80x128xf32, #tpu.memory_space<hbm>>
    %dma_wait3A_116 = arith.constant 0 : i32
    %dma_wait3A_117 = arith.constant 0 : i32
    %dma_wait3A_118 = tpu.memref_slice %arg9[%dma_wait3A_107, %dma_wait3A_116, %dma_wait3A_117] : memref<2x80x128xf32, #tpu.memory_space<vmem>> -> memref<1x80x128xf32, #tpu.memory_space<vmem>>
    %dma_wait3A_119 = tpu.memref_squeeze %dma_wait3A_118 : memref<1x80x128xf32, #tpu.memory_space<vmem>> -> memref<80x128xf32, #tpu.memory_space<vmem>>
    tpu.wait_dma2 semaphore(%arg13 : memref<!tpu.dma_semaphore, #tpu.memory_space<semaphore_mem>>) src(%dma_wait3A_119 : memref<80x128xf32, #tpu.memory_space<vmem>>) dst(%dma_wait3A_115 : memref<80x128xf32, #tpu.memory_space<hbm>>)
    %dma_wait3A_120 = arith.constant 0 : i32
    %dma_wait3A_121 = arith.constant 0 : i32
    %dma_wait3A_122 = arith.constant 0 : i32
    %dma_wait3A_123 = tpu.memref_slice %arg10[%dma_wait3A_120, %dma_wait3A_121, %dma_wait3A_122] : memref<2x80x128xf32, #tpu.memory_space<vmem>> -> memref<1x80x128xf32, #tpu.memory_space<vmem>>
    %dma_wait3A_124 = tpu.memref_squeeze %dma_wait3A_123 : memref<1x80x128xf32, #tpu.memory_space<vmem>> -> memref<80x128xf32, #tpu.memory_space<vmem>>
    %dma_wait3A_125 = arith.constant 0 : i32
    %dma_wait3A_126 = tpu.memref_slice %arg6[%mul3A_2, %dma_wait3A_125] : memref<320000x128xf32, #tpu.memory_space<hbm>> -> memref<80x128xf32, #tpu.memory_space<hbm>>
    %dma_wait3A_127 = arith.constant 0 : i32
    %dma_wait3A_128 = tpu.memref_slice %arg6[%mul3A_2, %dma_wait3A_127] : memref<320000x128xf32, #tpu.memory_space<hbm>> -> memref<80x128xf32, #tpu.memory_space<hbm>>
    %dma_wait3A_129 = arith.constant 0 : i32
    %dma_wait3A_130 = arith.constant 0 : i32
    %dma_wait3A_131 = tpu.memref_slice %arg10[%dma_wait3A_120, %dma_wait3A_129, %dma_wait3A_130] : memref<2x80x128xf32, #tpu.memory_space<vmem>> -> memref<1x80x128xf32, #tpu.memory_space<vmem>>
    %dma_wait3A_132 = tpu.memref_squeeze %dma_wait3A_131 : memref<1x80x128xf32, #tpu.memory_space<vmem>> -> memref<80x128xf32, #tpu.memory_space<vmem>>
    tpu.wait_dma2 semaphore(%arg13 : memref<!tpu.dma_semaphore, #tpu.memory_space<semaphore_mem>>) src(%dma_wait3A_132 : memref<80x128xf32, #tpu.memory_space<vmem>>) dst(%dma_wait3A_128 : memref<80x128xf32, #tpu.memory_space<hbm>>)
    return
  }
}

#map = affine_map<(d0, d1) -> (0, 0)>
#map1 = affine_map<(d0, d1) -> (0, 0, 0, 0)>
#map2 = affine_map<(d0, d1) -> (0, 0, 0)>
module attributes {stable_mosaic.version = 14 : i64} {
  func.func @k(%arg0: i32, %arg1: i32, %arg2: memref<320000x256xf32, #tpu.memory_space<hbm>>, %arg3: memref<16x2x125x80xi32, #tpu.memory_space<hbm>>, %arg4: memref<10240x128xf32, #tpu.memory_space<hbm>>, %arg5: memref<2x10240x128xf32, #tpu.memory_space<hbm>>, %arg6: memref<125x80xi32, #tpu.memory_space<vmem>>, %arg7: memref<2x80x128xf32, #tpu.memory_space<vmem>>, %arg8: memref<10240x128xf32, #tpu.memory_space<vmem_shared>>, %arg9: memref<!tpu.dma_semaphore, #tpu.memory_space<semaphore_mem>>, %arg10: memref<!tpu.dma_semaphore, #tpu.memory_space<semaphore_mem>>) attributes {dimension_semantics = [#tpu.dimension_semantics<core_parallel>, #tpu.dimension_semantics<subcore_parallel>], iteration_bounds = array<i64: 2, 16>, scalar_prefetch = 0 : i64, scratch_operands = 5 : i64, tpu.core_type = #tpu.core_type<sc_vector_subcore>, window_params = [{transform_indices = #map}, {transform_indices = #map1}, {transform_indices = #map}, {transform_indices = #map2}]} {
    %mul3A = arith.constant 128 : i32
    %mul3A_0 = arith.muli %arg0, %mul3A : i32
    %multiple_of3A = tpu.assume_multiple %mul3A_0, 128 : i32
    %mul3A_1 = arith.constant 640 : i32
    %mul3A_2 = arith.muli %arg1, %mul3A_1 : i32
    %mul3A_3 = arith.constant 640 : i32
    %mul3A_4 = arith.muli %arg1, %mul3A_3 : i32
    "tpu.region"() ({
      %run_scoped3A_77 = tpu.sem_alloc : memref<!tpu.dma_semaphore, #tpu.memory_space<semaphore_mem>>
      %dma_start3A_78 = arith.constant 0 : i32
      %dma_start3A_79 = tpu.memref_slice %arg8[%mul3A_4, %dma_start3A_78] : memref<10240x128xf32, #tpu.memory_space<vmem_shared>> -> memref<640x128xf32, #tpu.memory_space<vmem_shared>>
      %dma_start3A_80 = arith.constant 0 : i32
      %dma_start3A_81 = tpu.memref_slice %arg4[%mul3A_2, %dma_start3A_80] : memref<10240x128xf32, #tpu.memory_space<hbm>> -> memref<640x128xf32, #tpu.memory_space<hbm>>
      tpu.enqueue_dma source(%dma_start3A_81 : memref<640x128xf32, #tpu.memory_space<hbm>>) target(%dma_start3A_79 : memref<640x128xf32, #tpu.memory_space<vmem_shared>>) target_semaphore(%run_scoped3A_77 : memref<!tpu.dma_semaphore, #tpu.memory_space<semaphore_mem>>)
      %dma_wait3A_82 = arith.constant 0 : i32
      %dma_wait3A_83 = tpu.memref_slice %arg8[%mul3A_4, %dma_wait3A_82] : memref<10240x128xf32, #tpu.memory_space<vmem_shared>> -> memref<640x128xf32, #tpu.memory_space<vmem_shared>>
      %dma_wait3A_84 = arith.constant 0 : i32
      %dma_wait3A_85 = tpu.memref_slice %arg4[%mul3A_2, %dma_wait3A_84] : memref<10240x128xf32, #tpu.memory_space<hbm>> -> memref<640x128xf32, #tpu.memory_space<hbm>>
      tpu.wait_dma2 semaphore(%run_scoped3A_77 : memref<!tpu.dma_semaphore, #tpu.memory_space<semaphore_mem>>) src(%dma_wait3A_85 : memref<640x128xf32, #tpu.memory_space<hbm>>) dst(%dma_wait3A_83 : memref<640x128xf32, #tpu.memory_space<vmem_shared>>)
      tpu.yield
    }) : () -> ()
    %barrier3A = arith.constant 0 : index
    tpu.barrier barrier_id(%barrier3A)
    %run_scoped3A = arith.constant 0 : i32
    "tpu.region"() ({
      %run_scoped3A_77 = tpu.sem_alloc : memref<!tpu.dma_semaphore, #tpu.memory_space<semaphore_mem>>
      %dma_start3A_78 = arith.constant 0 : i32
      %dma_start3A_79 = arith.constant 0 : i32
      %dma_start3A_80 = tpu.memref_slice %arg3[%arg1, %run_scoped3A, %dma_start3A_78, %dma_start3A_79] : memref<16x2x125x80xi32, #tpu.memory_space<hbm>> -> memref<1x1x125x80xi32, #tpu.memory_space<hbm>>
      %dma_start3A_81 = tpu.memref_squeeze %dma_start3A_80 : memref<1x1x125x80xi32, #tpu.memory_space<hbm>> -> memref<125x80xi32, #tpu.memory_space<hbm>>
      %dma_start3A_82 = arith.constant 0 : i32
      %dma_start3A_83 = arith.constant 0 : i32
      %dma_start3A_84 = tpu.memref_slice %arg3[%arg1, %run_scoped3A, %dma_start3A_82, %dma_start3A_83] : memref<16x2x125x80xi32, #tpu.memory_space<hbm>> -> memref<1x1x125x80xi32, #tpu.memory_space<hbm>>
      %dma_start3A_85 = tpu.memref_squeeze %dma_start3A_84 : memref<1x1x125x80xi32, #tpu.memory_space<hbm>> -> memref<125x80xi32, #tpu.memory_space<hbm>>
      tpu.enqueue_dma source(%dma_start3A_85 : memref<125x80xi32, #tpu.memory_space<hbm>>) target(%arg6 : memref<125x80xi32, #tpu.memory_space<vmem>>) target_semaphore(%run_scoped3A_77 : memref<!tpu.dma_semaphore, #tpu.memory_space<semaphore_mem>>)
      %dma_wait3A_86 = arith.constant 0 : i32
      %dma_wait3A_87 = arith.constant 0 : i32
      %dma_wait3A_88 = tpu.memref_slice %arg3[%arg1, %run_scoped3A, %dma_wait3A_86, %dma_wait3A_87] : memref<16x2x125x80xi32, #tpu.memory_space<hbm>> -> memref<1x1x125x80xi32, #tpu.memory_space<hbm>>
      %dma_wait3A_89 = tpu.memref_squeeze %dma_wait3A_88 : memref<1x1x125x80xi32, #tpu.memory_space<hbm>> -> memref<125x80xi32, #tpu.memory_space<hbm>>
      %dma_wait3A_90 = arith.constant 0 : i32
      %dma_wait3A_91 = arith.constant 0 : i32
      %dma_wait3A_92 = tpu.memref_slice %arg3[%arg1, %run_scoped3A, %dma_wait3A_90, %dma_wait3A_91] : memref<16x2x125x80xi32, #tpu.memory_space<hbm>> -> memref<1x1x125x80xi32, #tpu.memory_space<hbm>>
      %dma_wait3A_93 = tpu.memref_squeeze %dma_wait3A_92 : memref<1x1x125x80xi32, #tpu.memory_space<hbm>> -> memref<125x80xi32, #tpu.memory_space<hbm>>
      tpu.wait_dma2 semaphore(%run_scoped3A_77 : memref<!tpu.dma_semaphore, #tpu.memory_space<semaphore_mem>>) src(%dma_wait3A_93 : memref<125x80xi32, #tpu.memory_space<hbm>>) dst(%arg6 : memref<125x80xi32, #tpu.memory_space<vmem>>)
      tpu.yield
    }) : () -> ()
    %mul3A_5 = arith.constant 20000 : i32
    %mul3A_6 = arith.muli %arg1, %mul3A_5 : i32
    %add3A = arith.constant 0 : i32
    %add3A_7 = arith.addi %mul3A_6, %add3A : i32
    %add3A_8 = arith.constant 0 : i32
    %add3A_9 = arith.addi %add3A_7, %add3A_8 : i32
    %dma_start3A = arith.constant 0 : i32
    %dma_start3A_10 = arith.constant 0 : i32
    %dma_start3A_11 = arith.constant 0 : i32
    %dma_start3A_12 = tpu.memref_slice %arg7[%dma_start3A, %dma_start3A_10, %dma_start3A_11] : memref<2x80x128xf32, #tpu.memory_space<vmem>> -> memref<1x80x128xf32, #tpu.memory_space<vmem>>
    %dma_start3A_13 = tpu.memref_squeeze %dma_start3A_12 : memref<1x80x128xf32, #tpu.memory_space<vmem>> -> memref<80x128xf32, #tpu.memory_space<vmem>>
    %dma_start3A_14 = tpu.memref_slice %arg2[%add3A_9, %multiple_of3A] : memref<320000x256xf32, #tpu.memory_space<hbm>> -> memref<80x128xf32, #tpu.memory_space<hbm>>
    %dma_start3A_15 = arith.constant 0 : i32
    %dma_start3A_16 = arith.constant 0 : i32
    %dma_start3A_17 = tpu.memref_slice %arg7[%dma_start3A, %dma_start3A_15, %dma_start3A_16] : memref<2x80x128xf32, #tpu.memory_space<vmem>> -> memref<1x80x128xf32, #tpu.memory_space<vmem>>
    %dma_start3A_18 = tpu.memref_squeeze %dma_start3A_17 : memref<1x80x128xf32, #tpu.memory_space<vmem>> -> memref<80x128xf32, #tpu.memory_space<vmem>>
    %dma_start3A_19 = tpu.memref_slice %arg2[%add3A_9, %multiple_of3A] : memref<320000x256xf32, #tpu.memory_space<hbm>> -> memref<80x128xf32, #tpu.memory_space<hbm>>
    tpu.enqueue_dma source(%dma_start3A_19 : memref<80x128xf32, #tpu.memory_space<hbm>>) target(%dma_start3A_18 : memref<80x128xf32, #tpu.memory_space<vmem>>) target_semaphore(%arg9 : memref<!tpu.dma_semaphore, #tpu.memory_space<semaphore_mem>>)
    %scan3A = arith.constant 0 : i32
    %scan3A_20 = arith.constant 62 : i32
    %scan3A_21 = arith.addi %scan3A, %scan3A_20 : i32
    %scan3A_22 = arith.constant 1 : i32
    scf.for %scan3A_77 = %scan3A to %scan3A_21 step %scan3A_22  : i32 {
      %mul3A_78 = arith.constant 2 : i32
      %mul3A_79 = arith.muli %mul3A_78, %scan3A_77 : i32
      %add3A_80 = arith.constant 1 : i32
      %add3A_81 = arith.addi %mul3A_79, %add3A_80 : i32
      %mul3A_82 = arith.constant 80 : i32
      %mul3A_83 = arith.muli %add3A_81, %mul3A_82 : i32
      %add3A_84 = arith.addi %add3A_7, %mul3A_83 : i32
      %dma_start3A_85 = arith.constant 1 : i32
      %dma_start3A_86 = arith.constant 0 : i32
      %dma_start3A_87 = arith.constant 0 : i32
      %dma_start3A_88 = tpu.memref_slice %arg7[%dma_start3A_85, %dma_start3A_86, %dma_start3A_87] : memref<2x80x128xf32, #tpu.memory_space<vmem>> -> memref<1x80x128xf32, #tpu.memory_space<vmem>>
      %dma_start3A_89 = tpu.memref_squeeze %dma_start3A_88 : memref<1x80x128xf32, #tpu.memory_space<vmem>> -> memref<80x128xf32, #tpu.memory_space<vmem>>
      %dma_start3A_90 = tpu.memref_slice %arg2[%add3A_84, %multiple_of3A] : memref<320000x256xf32, #tpu.memory_space<hbm>> -> memref<80x128xf32, #tpu.memory_space<hbm>>
      %dma_start3A_91 = arith.constant 0 : i32
      %dma_start3A_92 = arith.constant 0 : i32
      %dma_start3A_93 = tpu.memref_slice %arg7[%dma_start3A_85, %dma_start3A_91, %dma_start3A_92] : memref<2x80x128xf32, #tpu.memory_space<vmem>> -> memref<1x80x128xf32, #tpu.memory_space<vmem>>
      %dma_start3A_94 = tpu.memref_squeeze %dma_start3A_93 : memref<1x80x128xf32, #tpu.memory_space<vmem>> -> memref<80x128xf32, #tpu.memory_space<vmem>>
      %dma_start3A_95 = tpu.memref_slice %arg2[%add3A_84, %multiple_of3A] : memref<320000x256xf32, #tpu.memory_space<hbm>> -> memref<80x128xf32, #tpu.memory_space<hbm>>
      tpu.enqueue_dma source(%dma_start3A_95 : memref<80x128xf32, #tpu.memory_space<hbm>>) target(%dma_start3A_94 : memref<80x128xf32, #tpu.memory_space<vmem>>) target_semaphore(%arg10 : memref<!tpu.dma_semaphore, #tpu.memory_space<semaphore_mem>>)
      %dma_wait3A_96 = arith.constant 0 : i32
      %dma_wait3A_97 = arith.constant 0 : i32
      %dma_wait3A_98 = arith.constant 0 : i32
      %dma_wait3A_99 = tpu.memref_slice %arg7[%dma_wait3A_96, %dma_wait3A_97, %dma_wait3A_98] : memref<2x80x128xf32, #tpu.memory_space<vmem>> -> memref<1x80x128xf32, #tpu.memory_space<vmem>>
      %dma_wait3A_100 = tpu.memref_squeeze %dma_wait3A_99 : memref<1x80x128xf32, #tpu.memory_space<vmem>> -> memref<80x128xf32, #tpu.memory_space<vmem>>
      %dma_wait3A_101 = tpu.memref_slice %arg2[%add3A_7, %multiple_of3A] : memref<320000x256xf32, #tpu.memory_space<hbm>> -> memref<80x128xf32, #tpu.memory_space<hbm>>
      %dma_wait3A_102 = arith.constant 0 : i32
      %dma_wait3A_103 = arith.constant 0 : i32
      %dma_wait3A_104 = tpu.memref_slice %arg7[%dma_wait3A_96, %dma_wait3A_102, %dma_wait3A_103] : memref<2x80x128xf32, #tpu.memory_space<vmem>> -> memref<1x80x128xf32, #tpu.memory_space<vmem>>
      %dma_wait3A_105 = tpu.memref_squeeze %dma_wait3A_104 : memref<1x80x128xf32, #tpu.memory_space<vmem>> -> memref<80x128xf32, #tpu.memory_space<vmem>>
      %dma_wait3A_106 = tpu.memref_slice %arg2[%add3A_7, %multiple_of3A] : memref<320000x256xf32, #tpu.memory_space<hbm>> -> memref<80x128xf32, #tpu.memory_space<hbm>>
      tpu.wait_dma2 semaphore(%arg9 : memref<!tpu.dma_semaphore, #tpu.memory_space<semaphore_mem>>) src(%dma_wait3A_106 : memref<80x128xf32, #tpu.memory_space<hbm>>) dst(%dma_wait3A_105 : memref<80x128xf32, #tpu.memory_space<vmem>>)
      %run_scoped3A_107 = arith.constant 0 : i32
      "tpu.region"() ({
        %run_scoped3A_126 = tpu.sem_alloc : memref<!tpu.dma_semaphore, #tpu.memory_space<semaphore_mem>>
        %dma_start3A_127 = arith.constant 0 : i32
        %dma_start3A_128 = arith.constant 0 : i32
        %dma_start3A_129 = tpu.memref_slice %arg7[%run_scoped3A_107, %dma_start3A_127, %dma_start3A_128] : memref<2x80x128xf32, #tpu.memory_space<vmem>> -> memref<1x80x128xf32, #tpu.memory_space<vmem>>
        %dma_start3A_130 = tpu.memref_squeeze %dma_start3A_129 : memref<1x80x128xf32, #tpu.memory_space<vmem>> -> memref<80x128xf32, #tpu.memory_space<vmem>>
        %dma_start3A_131 = arith.constant 0 : i32
        %dma_start3A_132 = tpu.memref_slice %arg6[%mul3A_79, %dma_start3A_131] : memref<125x80xi32, #tpu.memory_space<vmem>> -> memref<1x80xi32, #tpu.memory_space<vmem>>
        %dma_start3A_133 = tpu.memref_squeeze %dma_start3A_132 : memref<1x80xi32, #tpu.memory_space<vmem>> -> memref<80xi32, #tpu.memory_space<vmem>>
        %dma_start3A_134 = arith.constant 0 : i32
        %dma_start3A_135 = arith.constant 0 : i32
        %dma_start3A_136 = tpu.memref_slice %arg8[%dma_start3A_134, %dma_start3A_135] : memref<10240x128xf32, #tpu.memory_space<vmem_shared>> -> memref<10240x128xf32, #tpu.memory_space<vmem_shared>>
        tpu.enqueue_indirect_dma source(%dma_start3A_130 : memref<80x128xf32, #tpu.memory_space<vmem>>) target(%dma_start3A_136 : memref<10240x128xf32, #tpu.memory_space<vmem_shared>>) offsets(%dma_start3A_133 : memref<80xi32, #tpu.memory_space<vmem>>) semaphore(%run_scoped3A_126 : memref<!tpu.dma_semaphore, #tpu.memory_space<semaphore_mem>>) {add = true}
        %dma_wait3A_137 = arith.constant 0 : i32
        %dma_wait3A_138 = arith.constant 0 : i32
        %dma_wait3A_139 = tpu.memref_slice %arg7[%run_scoped3A_107, %dma_wait3A_137, %dma_wait3A_138] : memref<2x80x128xf32, #tpu.memory_space<vmem>> -> memref<1x80x128xf32, #tpu.memory_space<vmem>>
        %dma_wait3A_140 = tpu.memref_squeeze %dma_wait3A_139 : memref<1x80x128xf32, #tpu.memory_space<vmem>> -> memref<80x128xf32, #tpu.memory_space<vmem>>
        %dma_wait3A_141 = arith.constant 0 : i32
        %dma_wait3A_142 = tpu.memref_slice %arg6[%mul3A_79, %dma_wait3A_141] : memref<125x80xi32, #tpu.memory_space<vmem>> -> memref<1x80xi32, #tpu.memory_space<vmem>>
        %dma_wait3A_143 = tpu.memref_squeeze %dma_wait3A_142 : memref<1x80xi32, #tpu.memory_space<vmem>> -> memref<80xi32, #tpu.memory_space<vmem>>
        %dma_wait3A_144 = arith.constant 0 : i32
        %dma_wait3A_145 = arith.constant 0 : i32
        %dma_wait3A_146 = tpu.memref_slice %arg8[%dma_wait3A_144, %dma_wait3A_145] : memref<10240x128xf32, #tpu.memory_space<vmem_shared>> -> memref<10240x128xf32, #tpu.memory_space<vmem_shared>>
        tpu.wait_indirect_dma semaphore(%run_scoped3A_126 : memref<!tpu.dma_semaphore, #tpu.memory_space<semaphore_mem>>) src(%dma_wait3A_140 : memref<80x128xf32, #tpu.memory_space<vmem>>) dst(%dma_wait3A_146 : memref<10240x128xf32, #tpu.memory_space<vmem_shared>>)
        tpu.yield
      }) : () -> ()
      %add3A_108 = arith.constant 2 : i32
      %add3A_109 = arith.addi %mul3A_79, %add3A_108 : i32
      %lt3A = arith.constant 125 : i32
      %lt3A_110 = arith.cmpi slt, %add3A_109, %lt3A : i32
      %convert_element_type3A = arith.extui %lt3A_110 : i1 to i32
      %cond3A = arith.constant 0 : i32
      %cond3A_111 = arith.cmpi ne, %convert_element_type3A, %cond3A : i32
      scf.if %cond3A_111 {
        %add3A_126 = arith.constant 2 : i32
        %add3A_127 = arith.addi %mul3A_79, %add3A_126 : i32
        %mul3A_128 = arith.constant 80 : i32
        %mul3A_129 = arith.muli %add3A_127, %mul3A_128 : i32
        %add3A_130 = arith.addi %add3A_7, %mul3A_129 : i32
        %dma_start3A_131 = arith.constant 0 : i32
        %dma_start3A_132 = arith.constant 0 : i32
        %dma_start3A_133 = arith.constant 0 : i32
        %dma_start3A_134 = tpu.memref_slice %arg7[%dma_start3A_131, %dma_start3A_132, %dma_start3A_133] : memref<2x80x128xf32, #tpu.memory_space<vmem>> -> memref<1x80x128xf32, #tpu.memory_space<vmem>>
        %dma_start3A_135 = tpu.memref_squeeze %dma_start3A_134 : memref<1x80x128xf32, #tpu.memory_space<vmem>> -> memref<80x128xf32, #tpu.memory_space<vmem>>
        %dma_start3A_136 = tpu.memref_slice %arg2[%add3A_130, %multiple_of3A] : memref<320000x256xf32, #tpu.memory_space<hbm>> -> memref<80x128xf32, #tpu.memory_space<hbm>>
        %dma_start3A_137 = arith.constant 0 : i32
        %dma_start3A_138 = arith.constant 0 : i32
        %dma_start3A_139 = tpu.memref_slice %arg7[%dma_start3A_131, %dma_start3A_137, %dma_start3A_138] : memref<2x80x128xf32, #tpu.memory_space<vmem>> -> memref<1x80x128xf32, #tpu.memory_space<vmem>>
        %dma_start3A_140 = tpu.memref_squeeze %dma_start3A_139 : memref<1x80x128xf32, #tpu.memory_space<vmem>> -> memref<80x128xf32, #tpu.memory_space<vmem>>
        %dma_start3A_141 = tpu.memref_slice %arg2[%add3A_130, %multiple_of3A] : memref<320000x256xf32, #tpu.memory_space<hbm>> -> memref<80x128xf32, #tpu.memory_space<hbm>>
        tpu.enqueue_dma source(%dma_start3A_141 : memref<80x128xf32, #tpu.memory_space<hbm>>) target(%dma_start3A_140 : memref<80x128xf32, #tpu.memory_space<vmem>>) target_semaphore(%arg9 : memref<!tpu.dma_semaphore, #tpu.memory_space<semaphore_mem>>)
      } else {
      }
      %add3A_112 = arith.constant 1 : i32
      %add3A_113 = arith.addi %mul3A_79, %add3A_112 : i32
      %dma_wait3A_114 = arith.constant 1 : i32
      %dma_wait3A_115 = arith.constant 0 : i32
      %dma_wait3A_116 = arith.constant 0 : i32
      %dma_wait3A_117 = tpu.memref_slice %arg7[%dma_wait3A_114, %dma_wait3A_115, %dma_wait3A_116] : memref<2x80x128xf32, #tpu.memory_space<vmem>> -> memref<1x80x128xf32, #tpu.memory_space<vmem>>
      %dma_wait3A_118 = tpu.memref_squeeze %dma_wait3A_117 : memref<1x80x128xf32, #tpu.memory_space<vmem>> -> memref<80x128xf32, #tpu.memory_space<vmem>>
      %dma_wait3A_119 = tpu.memref_slice %arg2[%add3A_7, %multiple_of3A] : memref<320000x256xf32, #tpu.memory_space<hbm>> -> memref<80x128xf32, #tpu.memory_space<hbm>>
      %dma_wait3A_120 = arith.constant 0 : i32
      %dma_wait3A_121 = arith.constant 0 : i32
      %dma_wait3A_122 = tpu.memref_slice %arg7[%dma_wait3A_114, %dma_wait3A_120, %dma_wait3A_121] : memref<2x80x128xf32, #tpu.memory_space<vmem>> -> memref<1x80x128xf32, #tpu.memory_space<vmem>>
      %dma_wait3A_123 = tpu.memref_squeeze %dma_wait3A_122 : memref<1x80x128xf32, #tpu.memory_space<vmem>> -> memref<80x128xf32, #tpu.memory_space<vmem>>
      %dma_wait3A_124 = tpu.memref_slice %arg2[%add3A_7, %multiple_of3A] : memref<320000x256xf32, #tpu.memory_space<hbm>> -> memref<80x128xf32, #tpu.memory_space<hbm>>
      tpu.wait_dma2 semaphore(%arg10 : memref<!tpu.dma_semaphore, #tpu.memory_space<semaphore_mem>>) src(%dma_wait3A_124 : memref<80x128xf32, #tpu.memory_space<hbm>>) dst(%dma_wait3A_123 : memref<80x128xf32, #tpu.memory_space<vmem>>)
      %run_scoped3A_125 = arith.constant 1 : i32
      "tpu.region"() ({
        %run_scoped3A_126 = tpu.sem_alloc : memref<!tpu.dma_semaphore, #tpu.memory_space<semaphore_mem>>
        %dma_start3A_127 = arith.constant 0 : i32
        %dma_start3A_128 = arith.constant 0 : i32
        %dma_start3A_129 = tpu.memref_slice %arg7[%run_scoped3A_125, %dma_start3A_127, %dma_start3A_128] : memref<2x80x128xf32, #tpu.memory_space<vmem>> -> memref<1x80x128xf32, #tpu.memory_space<vmem>>
        %dma_start3A_130 = tpu.memref_squeeze %dma_start3A_129 : memref<1x80x128xf32, #tpu.memory_space<vmem>> -> memref<80x128xf32, #tpu.memory_space<vmem>>
        %dma_start3A_131 = arith.constant 0 : i32
        %dma_start3A_132 = tpu.memref_slice %arg6[%add3A_113, %dma_start3A_131] : memref<125x80xi32, #tpu.memory_space<vmem>> -> memref<1x80xi32, #tpu.memory_space<vmem>>
        %dma_start3A_133 = tpu.memref_squeeze %dma_start3A_132 : memref<1x80xi32, #tpu.memory_space<vmem>> -> memref<80xi32, #tpu.memory_space<vmem>>
        %dma_start3A_134 = arith.constant 0 : i32
        %dma_start3A_135 = arith.constant 0 : i32
        %dma_start3A_136 = tpu.memref_slice %arg8[%dma_start3A_134, %dma_start3A_135] : memref<10240x128xf32, #tpu.memory_space<vmem_shared>> -> memref<10240x128xf32, #tpu.memory_space<vmem_shared>>
        tpu.enqueue_indirect_dma source(%dma_start3A_130 : memref<80x128xf32, #tpu.memory_space<vmem>>) target(%dma_start3A_136 : memref<10240x128xf32, #tpu.memory_space<vmem_shared>>) offsets(%dma_start3A_133 : memref<80xi32, #tpu.memory_space<vmem>>) semaphore(%run_scoped3A_126 : memref<!tpu.dma_semaphore, #tpu.memory_space<semaphore_mem>>) {add = true}
        %dma_wait3A_137 = arith.constant 0 : i32
        %dma_wait3A_138 = arith.constant 0 : i32
        %dma_wait3A_139 = tpu.memref_slice %arg7[%run_scoped3A_125, %dma_wait3A_137, %dma_wait3A_138] : memref<2x80x128xf32, #tpu.memory_space<vmem>> -> memref<1x80x128xf32, #tpu.memory_space<vmem>>
        %dma_wait3A_140 = tpu.memref_squeeze %dma_wait3A_139 : memref<1x80x128xf32, #tpu.memory_space<vmem>> -> memref<80x128xf32, #tpu.memory_space<vmem>>
        %dma_wait3A_141 = arith.constant 0 : i32
        %dma_wait3A_142 = tpu.memref_slice %arg6[%add3A_113, %dma_wait3A_141] : memref<125x80xi32, #tpu.memory_space<vmem>> -> memref<1x80xi32, #tpu.memory_space<vmem>>
        %dma_wait3A_143 = tpu.memref_squeeze %dma_wait3A_142 : memref<1x80xi32, #tpu.memory_space<vmem>> -> memref<80xi32, #tpu.memory_space<vmem>>
        %dma_wait3A_144 = arith.constant 0 : i32
        %dma_wait3A_145 = arith.constant 0 : i32
        %dma_wait3A_146 = tpu.memref_slice %arg8[%dma_wait3A_144, %dma_wait3A_145] : memref<10240x128xf32, #tpu.memory_space<vmem_shared>> -> memref<10240x128xf32, #tpu.memory_space<vmem_shared>>
        tpu.wait_indirect_dma semaphore(%run_scoped3A_126 : memref<!tpu.dma_semaphore, #tpu.memory_space<semaphore_mem>>) src(%dma_wait3A_140 : memref<80x128xf32, #tpu.memory_space<vmem>>) dst(%dma_wait3A_146 : memref<10240x128xf32, #tpu.memory_space<vmem_shared>>)
        tpu.yield
      }) : () -> ()
    }
    %scan3A_23 = arith.constant 62 : i32
    %dma_wait3A = arith.constant 0 : i32
    %dma_wait3A_24 = arith.constant 0 : i32
    %dma_wait3A_25 = arith.constant 0 : i32
    %dma_wait3A_26 = tpu.memref_slice %arg7[%dma_wait3A, %dma_wait3A_24, %dma_wait3A_25] : memref<2x80x128xf32, #tpu.memory_space<vmem>> -> memref<1x80x128xf32, #tpu.memory_space<vmem>>
    %dma_wait3A_27 = tpu.memref_squeeze %dma_wait3A_26 : memref<1x80x128xf32, #tpu.memory_space<vmem>> -> memref<80x128xf32, #tpu.memory_space<vmem>>
    %dma_wait3A_28 = tpu.memref_slice %arg2[%add3A_7, %multiple_of3A] : memref<320000x256xf32, #tpu.memory_space<hbm>> -> memref<80x128xf32, #tpu.memory_space<hbm>>
    %dma_wait3A_29 = arith.constant 0 : i32
    %dma_wait3A_30 = arith.constant 0 : i32
    %dma_wait3A_31 = tpu.memref_slice %arg7[%dma_wait3A, %dma_wait3A_29, %dma_wait3A_30] : memref<2x80x128xf32, #tpu.memory_space<vmem>> -> memref<1x80x128xf32, #tpu.memory_space<vmem>>
    %dma_wait3A_32 = tpu.memref_squeeze %dma_wait3A_31 : memref<1x80x128xf32, #tpu.memory_space<vmem>> -> memref<80x128xf32, #tpu.memory_space<vmem>>
    %dma_wait3A_33 = tpu.memref_slice %arg2[%add3A_7, %multiple_of3A] : memref<320000x256xf32, #tpu.memory_space<hbm>> -> memref<80x128xf32, #tpu.memory_space<hbm>>
    tpu.wait_dma2 semaphore(%arg9 : memref<!tpu.dma_semaphore, #tpu.memory_space<semaphore_mem>>) src(%dma_wait3A_33 : memref<80x128xf32, #tpu.memory_space<hbm>>) dst(%dma_wait3A_32 : memref<80x128xf32, #tpu.memory_space<vmem>>)
    %run_scoped3A_34 = arith.constant 0 : i32
    %run_scoped3A_35 = arith.constant 124 : i32
    "tpu.region"() ({
      %run_scoped3A_77 = tpu.sem_alloc : memref<!tpu.dma_semaphore, #tpu.memory_space<semaphore_mem>>
      %dma_start3A_78 = arith.constant 0 : i32
      %dma_start3A_79 = arith.constant 0 : i32
      %dma_start3A_80 = tpu.memref_slice %arg7[%run_scoped3A_34, %dma_start3A_78, %dma_start3A_79] : memref<2x80x128xf32, #tpu.memory_space<vmem>> -> memref<1x80x128xf32, #tpu.memory_space<vmem>>
      %dma_start3A_81 = tpu.memref_squeeze %dma_start3A_80 : memref<1x80x128xf32, #tpu.memory_space<vmem>> -> memref<80x128xf32, #tpu.memory_space<vmem>>
      %dma_start3A_82 = arith.constant 0 : i32
      %dma_start3A_83 = tpu.memref_slice %arg6[%run_scoped3A_35, %dma_start3A_82] : memref<125x80xi32, #tpu.memory_space<vmem>> -> memref<1x80xi32, #tpu.memory_space<vmem>>
      %dma_start3A_84 = tpu.memref_squeeze %dma_start3A_83 : memref<1x80xi32, #tpu.memory_space<vmem>> -> memref<80xi32, #tpu.memory_space<vmem>>
      %dma_start3A_85 = arith.constant 0 : i32
      %dma_start3A_86 = arith.constant 0 : i32
      %dma_start3A_87 = tpu.memref_slice %arg8[%dma_start3A_85, %dma_start3A_86] : memref<10240x128xf32, #tpu.memory_space<vmem_shared>> -> memref<10240x128xf32, #tpu.memory_space<vmem_shared>>
      tpu.enqueue_indirect_dma source(%dma_start3A_81 : memref<80x128xf32, #tpu.memory_space<vmem>>) target(%dma_start3A_87 : memref<10240x128xf32, #tpu.memory_space<vmem_shared>>) offsets(%dma_start3A_84 : memref<80xi32, #tpu.memory_space<vmem>>) semaphore(%run_scoped3A_77 : memref<!tpu.dma_semaphore, #tpu.memory_space<semaphore_mem>>) {add = true}
      %dma_wait3A_88 = arith.constant 0 : i32
      %dma_wait3A_89 = arith.constant 0 : i32
      %dma_wait3A_90 = tpu.memref_slice %arg7[%run_scoped3A_34, %dma_wait3A_88, %dma_wait3A_89] : memref<2x80x128xf32, #tpu.memory_space<vmem>> -> memref<1x80x128xf32, #tpu.memory_space<vmem>>
      %dma_wait3A_91 = tpu.memref_squeeze %dma_wait3A_90 : memref<1x80x128xf32, #tpu.memory_space<vmem>> -> memref<80x128xf32, #tpu.memory_space<vmem>>
      %dma_wait3A_92 = arith.constant 0 : i32
      %dma_wait3A_93 = tpu.memref_slice %arg6[%run_scoped3A_35, %dma_wait3A_92] : memref<125x80xi32, #tpu.memory_space<vmem>> -> memref<1x80xi32, #tpu.memory_space<vmem>>
      %dma_wait3A_94 = tpu.memref_squeeze %dma_wait3A_93 : memref<1x80xi32, #tpu.memory_space<vmem>> -> memref<80xi32, #tpu.memory_space<vmem>>
      %dma_wait3A_95 = arith.constant 0 : i32
      %dma_wait3A_96 = arith.constant 0 : i32
      %dma_wait3A_97 = tpu.memref_slice %arg8[%dma_wait3A_95, %dma_wait3A_96] : memref<10240x128xf32, #tpu.memory_space<vmem_shared>> -> memref<10240x128xf32, #tpu.memory_space<vmem_shared>>
      tpu.wait_indirect_dma semaphore(%run_scoped3A_77 : memref<!tpu.dma_semaphore, #tpu.memory_space<semaphore_mem>>) src(%dma_wait3A_91 : memref<80x128xf32, #tpu.memory_space<vmem>>) dst(%dma_wait3A_97 : memref<10240x128xf32, #tpu.memory_space<vmem_shared>>)
      tpu.yield
    }) : () -> ()
    %run_scoped3A_36 = arith.constant 1 : i32
    "tpu.region"() ({
      %run_scoped3A_77 = tpu.sem_alloc : memref<!tpu.dma_semaphore, #tpu.memory_space<semaphore_mem>>
      %dma_start3A_78 = arith.constant 0 : i32
      %dma_start3A_79 = arith.constant 0 : i32
      %dma_start3A_80 = tpu.memref_slice %arg3[%arg1, %run_scoped3A_36, %dma_start3A_78, %dma_start3A_79] : memref<16x2x125x80xi32, #tpu.memory_space<hbm>> -> memref<1x1x125x80xi32, #tpu.memory_space<hbm>>
      %dma_start3A_81 = tpu.memref_squeeze %dma_start3A_80 : memref<1x1x125x80xi32, #tpu.memory_space<hbm>> -> memref<125x80xi32, #tpu.memory_space<hbm>>
      %dma_start3A_82 = arith.constant 0 : i32
      %dma_start3A_83 = arith.constant 0 : i32
      %dma_start3A_84 = tpu.memref_slice %arg3[%arg1, %run_scoped3A_36, %dma_start3A_82, %dma_start3A_83] : memref<16x2x125x80xi32, #tpu.memory_space<hbm>> -> memref<1x1x125x80xi32, #tpu.memory_space<hbm>>
      %dma_start3A_85 = tpu.memref_squeeze %dma_start3A_84 : memref<1x1x125x80xi32, #tpu.memory_space<hbm>> -> memref<125x80xi32, #tpu.memory_space<hbm>>
      tpu.enqueue_dma source(%dma_start3A_85 : memref<125x80xi32, #tpu.memory_space<hbm>>) target(%arg6 : memref<125x80xi32, #tpu.memory_space<vmem>>) target_semaphore(%run_scoped3A_77 : memref<!tpu.dma_semaphore, #tpu.memory_space<semaphore_mem>>)
      %dma_wait3A_86 = arith.constant 0 : i32
      %dma_wait3A_87 = arith.constant 0 : i32
      %dma_wait3A_88 = tpu.memref_slice %arg3[%arg1, %run_scoped3A_36, %dma_wait3A_86, %dma_wait3A_87] : memref<16x2x125x80xi32, #tpu.memory_space<hbm>> -> memref<1x1x125x80xi32, #tpu.memory_space<hbm>>
      %dma_wait3A_89 = tpu.memref_squeeze %dma_wait3A_88 : memref<1x1x125x80xi32, #tpu.memory_space<hbm>> -> memref<125x80xi32, #tpu.memory_space<hbm>>
      %dma_wait3A_90 = arith.constant 0 : i32
      %dma_wait3A_91 = arith.constant 0 : i32
      %dma_wait3A_92 = tpu.memref_slice %arg3[%arg1, %run_scoped3A_36, %dma_wait3A_90, %dma_wait3A_91] : memref<16x2x125x80xi32, #tpu.memory_space<hbm>> -> memref<1x1x125x80xi32, #tpu.memory_space<hbm>>
      %dma_wait3A_93 = tpu.memref_squeeze %dma_wait3A_92 : memref<1x1x125x80xi32, #tpu.memory_space<hbm>> -> memref<125x80xi32, #tpu.memory_space<hbm>>
      tpu.wait_dma2 semaphore(%run_scoped3A_77 : memref<!tpu.dma_semaphore, #tpu.memory_space<semaphore_mem>>) src(%dma_wait3A_93 : memref<125x80xi32, #tpu.memory_space<hbm>>) dst(%arg6 : memref<125x80xi32, #tpu.memory_space<vmem>>)
      tpu.yield
    }) : () -> ()
    %mul3A_37 = arith.constant 20000 : i32
    %mul3A_38 = arith.muli %arg1, %mul3A_37 : i32
    %add3A_39 = arith.constant 10000 : i32
    %add3A_40 = arith.addi %mul3A_38, %add3A_39 : i32
    %add3A_41 = arith.constant 0 : i32
    %add3A_42 = arith.addi %add3A_40, %add3A_41 : i32
    %dma_start3A_43 = arith.constant 0 : i32
    %dma_start3A_44 = arith.constant 0 : i32
    %dma_start3A_45 = arith.constant 0 : i32
    %dma_start3A_46 = tpu.memref_slice %arg7[%dma_start3A_43, %dma_start3A_44, %dma_start3A_45] : memref<2x80x128xf32, #tpu.memory_space<vmem>> -> memref<1x80x128xf32, #tpu.memory_space<vmem>>
    %dma_start3A_47 = tpu.memref_squeeze %dma_start3A_46 : memref<1x80x128xf32, #tpu.memory_space<vmem>> -> memref<80x128xf32, #tpu.memory_space<vmem>>
    %dma_start3A_48 = tpu.memref_slice %arg2[%add3A_42, %multiple_of3A] : memref<320000x256xf32, #tpu.memory_space<hbm>> -> memref<80x128xf32, #tpu.memory_space<hbm>>
    %dma_start3A_49 = arith.constant 0 : i32
    %dma_start3A_50 = arith.constant 0 : i32
    %dma_start3A_51 = tpu.memref_slice %arg7[%dma_start3A_43, %dma_start3A_49, %dma_start3A_50] : memref<2x80x128xf32, #tpu.memory_space<vmem>> -> memref<1x80x128xf32, #tpu.memory_space<vmem>>
    %dma_start3A_52 = tpu.memref_squeeze %dma_start3A_51 : memref<1x80x128xf32, #tpu.memory_space<vmem>> -> memref<80x128xf32, #tpu.memory_space<vmem>>
    %dma_start3A_53 = tpu.memref_slice %arg2[%add3A_42, %multiple_of3A] : memref<320000x256xf32, #tpu.memory_space<hbm>> -> memref<80x128xf32, #tpu.memory_space<hbm>>
    tpu.enqueue_dma source(%dma_start3A_53 : memref<80x128xf32, #tpu.memory_space<hbm>>) target(%dma_start3A_52 : memref<80x128xf32, #tpu.memory_space<vmem>>) target_semaphore(%arg9 : memref<!tpu.dma_semaphore, #tpu.memory_space<semaphore_mem>>)
    %scan3A_54 = arith.constant 0 : i32
    %scan3A_55 = arith.constant 62 : i32
    %scan3A_56 = arith.addi %scan3A_54, %scan3A_55 : i32
    %scan3A_57 = arith.constant 1 : i32
    scf.for %scan3A_77 = %scan3A_54 to %scan3A_56 step %scan3A_57  : i32 {
      %mul3A_78 = arith.constant 2 : i32
      %mul3A_79 = arith.muli %mul3A_78, %scan3A_77 : i32
      %add3A_80 = arith.constant 1 : i32
      %add3A_81 = arith.addi %mul3A_79, %add3A_80 : i32
      %mul3A_82 = arith.constant 80 : i32
      %mul3A_83 = arith.muli %add3A_81, %mul3A_82 : i32
      %add3A_84 = arith.addi %add3A_40, %mul3A_83 : i32
      %dma_start3A_85 = arith.constant 1 : i32
      %dma_start3A_86 = arith.constant 0 : i32
      %dma_start3A_87 = arith.constant 0 : i32
      %dma_start3A_88 = tpu.memref_slice %arg7[%dma_start3A_85, %dma_start3A_86, %dma_start3A_87] : memref<2x80x128xf32, #tpu.memory_space<vmem>> -> memref<1x80x128xf32, #tpu.memory_space<vmem>>
      %dma_start3A_89 = tpu.memref_squeeze %dma_start3A_88 : memref<1x80x128xf32, #tpu.memory_space<vmem>> -> memref<80x128xf32, #tpu.memory_space<vmem>>
      %dma_start3A_90 = tpu.memref_slice %arg2[%add3A_84, %multiple_of3A] : memref<320000x256xf32, #tpu.memory_space<hbm>> -> memref<80x128xf32, #tpu.memory_space<hbm>>
      %dma_start3A_91 = arith.constant 0 : i32
      %dma_start3A_92 = arith.constant 0 : i32
      %dma_start3A_93 = tpu.memref_slice %arg7[%dma_start3A_85, %dma_start3A_91, %dma_start3A_92] : memref<2x80x128xf32, #tpu.memory_space<vmem>> -> memref<1x80x128xf32, #tpu.memory_space<vmem>>
      %dma_start3A_94 = tpu.memref_squeeze %dma_start3A_93 : memref<1x80x128xf32, #tpu.memory_space<vmem>> -> memref<80x128xf32, #tpu.memory_space<vmem>>
      %dma_start3A_95 = tpu.memref_slice %arg2[%add3A_84, %multiple_of3A] : memref<320000x256xf32, #tpu.memory_space<hbm>> -> memref<80x128xf32, #tpu.memory_space<hbm>>
      tpu.enqueue_dma source(%dma_start3A_95 : memref<80x128xf32, #tpu.memory_space<hbm>>) target(%dma_start3A_94 : memref<80x128xf32, #tpu.memory_space<vmem>>) target_semaphore(%arg10 : memref<!tpu.dma_semaphore, #tpu.memory_space<semaphore_mem>>)
      %dma_wait3A_96 = arith.constant 0 : i32
      %dma_wait3A_97 = arith.constant 0 : i32
      %dma_wait3A_98 = arith.constant 0 : i32
      %dma_wait3A_99 = tpu.memref_slice %arg7[%dma_wait3A_96, %dma_wait3A_97, %dma_wait3A_98] : memref<2x80x128xf32, #tpu.memory_space<vmem>> -> memref<1x80x128xf32, #tpu.memory_space<vmem>>
      %dma_wait3A_100 = tpu.memref_squeeze %dma_wait3A_99 : memref<1x80x128xf32, #tpu.memory_space<vmem>> -> memref<80x128xf32, #tpu.memory_space<vmem>>
      %dma_wait3A_101 = tpu.memref_slice %arg2[%add3A_40, %multiple_of3A] : memref<320000x256xf32, #tpu.memory_space<hbm>> -> memref<80x128xf32, #tpu.memory_space<hbm>>
      %dma_wait3A_102 = arith.constant 0 : i32
      %dma_wait3A_103 = arith.constant 0 : i32
      %dma_wait3A_104 = tpu.memref_slice %arg7[%dma_wait3A_96, %dma_wait3A_102, %dma_wait3A_103] : memref<2x80x128xf32, #tpu.memory_space<vmem>> -> memref<1x80x128xf32, #tpu.memory_space<vmem>>
      %dma_wait3A_105 = tpu.memref_squeeze %dma_wait3A_104 : memref<1x80x128xf32, #tpu.memory_space<vmem>> -> memref<80x128xf32, #tpu.memory_space<vmem>>
      %dma_wait3A_106 = tpu.memref_slice %arg2[%add3A_40, %multiple_of3A] : memref<320000x256xf32, #tpu.memory_space<hbm>> -> memref<80x128xf32, #tpu.memory_space<hbm>>
      tpu.wait_dma2 semaphore(%arg9 : memref<!tpu.dma_semaphore, #tpu.memory_space<semaphore_mem>>) src(%dma_wait3A_106 : memref<80x128xf32, #tpu.memory_space<hbm>>) dst(%dma_wait3A_105 : memref<80x128xf32, #tpu.memory_space<vmem>>)
      %run_scoped3A_107 = arith.constant 0 : i32
      "tpu.region"() ({
        %run_scoped3A_126 = tpu.sem_alloc : memref<!tpu.dma_semaphore, #tpu.memory_space<semaphore_mem>>
        %dma_start3A_127 = arith.constant 0 : i32
        %dma_start3A_128 = arith.constant 0 : i32
        %dma_start3A_129 = tpu.memref_slice %arg7[%run_scoped3A_107, %dma_start3A_127, %dma_start3A_128] : memref<2x80x128xf32, #tpu.memory_space<vmem>> -> memref<1x80x128xf32, #tpu.memory_space<vmem>>
        %dma_start3A_130 = tpu.memref_squeeze %dma_start3A_129 : memref<1x80x128xf32, #tpu.memory_space<vmem>> -> memref<80x128xf32, #tpu.memory_space<vmem>>
        %dma_start3A_131 = arith.constant 0 : i32
        %dma_start3A_132 = tpu.memref_slice %arg6[%mul3A_79, %dma_start3A_131] : memref<125x80xi32, #tpu.memory_space<vmem>> -> memref<1x80xi32, #tpu.memory_space<vmem>>
        %dma_start3A_133 = tpu.memref_squeeze %dma_start3A_132 : memref<1x80xi32, #tpu.memory_space<vmem>> -> memref<80xi32, #tpu.memory_space<vmem>>
        %dma_start3A_134 = arith.constant 0 : i32
        %dma_start3A_135 = arith.constant 0 : i32
        %dma_start3A_136 = tpu.memref_slice %arg8[%dma_start3A_134, %dma_start3A_135] : memref<10240x128xf32, #tpu.memory_space<vmem_shared>> -> memref<10240x128xf32, #tpu.memory_space<vmem_shared>>
        tpu.enqueue_indirect_dma source(%dma_start3A_130 : memref<80x128xf32, #tpu.memory_space<vmem>>) target(%dma_start3A_136 : memref<10240x128xf32, #tpu.memory_space<vmem_shared>>) offsets(%dma_start3A_133 : memref<80xi32, #tpu.memory_space<vmem>>) semaphore(%run_scoped3A_126 : memref<!tpu.dma_semaphore, #tpu.memory_space<semaphore_mem>>) {add = true}
        %dma_wait3A_137 = arith.constant 0 : i32
        %dma_wait3A_138 = arith.constant 0 : i32
        %dma_wait3A_139 = tpu.memref_slice %arg7[%run_scoped3A_107, %dma_wait3A_137, %dma_wait3A_138] : memref<2x80x128xf32, #tpu.memory_space<vmem>> -> memref<1x80x128xf32, #tpu.memory_space<vmem>>
        %dma_wait3A_140 = tpu.memref_squeeze %dma_wait3A_139 : memref<1x80x128xf32, #tpu.memory_space<vmem>> -> memref<80x128xf32, #tpu.memory_space<vmem>>
        %dma_wait3A_141 = arith.constant 0 : i32
        %dma_wait3A_142 = tpu.memref_slice %arg6[%mul3A_79, %dma_wait3A_141] : memref<125x80xi32, #tpu.memory_space<vmem>> -> memref<1x80xi32, #tpu.memory_space<vmem>>
        %dma_wait3A_143 = tpu.memref_squeeze %dma_wait3A_142 : memref<1x80xi32, #tpu.memory_space<vmem>> -> memref<80xi32, #tpu.memory_space<vmem>>
        %dma_wait3A_144 = arith.constant 0 : i32
        %dma_wait3A_145 = arith.constant 0 : i32
        %dma_wait3A_146 = tpu.memref_slice %arg8[%dma_wait3A_144, %dma_wait3A_145] : memref<10240x128xf32, #tpu.memory_space<vmem_shared>> -> memref<10240x128xf32, #tpu.memory_space<vmem_shared>>
        tpu.wait_indirect_dma semaphore(%run_scoped3A_126 : memref<!tpu.dma_semaphore, #tpu.memory_space<semaphore_mem>>) src(%dma_wait3A_140 : memref<80x128xf32, #tpu.memory_space<vmem>>) dst(%dma_wait3A_146 : memref<10240x128xf32, #tpu.memory_space<vmem_shared>>)
        tpu.yield
      }) : () -> ()
      %add3A_108 = arith.constant 2 : i32
      %add3A_109 = arith.addi %mul3A_79, %add3A_108 : i32
      %lt3A = arith.constant 125 : i32
      %lt3A_110 = arith.cmpi slt, %add3A_109, %lt3A : i32
      %convert_element_type3A = arith.extui %lt3A_110 : i1 to i32
      %cond3A = arith.constant 0 : i32
      %cond3A_111 = arith.cmpi ne, %convert_element_type3A, %cond3A : i32
      scf.if %cond3A_111 {
        %add3A_126 = arith.constant 2 : i32
        %add3A_127 = arith.addi %mul3A_79, %add3A_126 : i32
        %mul3A_128 = arith.constant 80 : i32
        %mul3A_129 = arith.muli %add3A_127, %mul3A_128 : i32
        %add3A_130 = arith.addi %add3A_40, %mul3A_129 : i32
        %dma_start3A_131 = arith.constant 0 : i32
        %dma_start3A_132 = arith.constant 0 : i32
        %dma_start3A_133 = arith.constant 0 : i32
        %dma_start3A_134 = tpu.memref_slice %arg7[%dma_start3A_131, %dma_start3A_132, %dma_start3A_133] : memref<2x80x128xf32, #tpu.memory_space<vmem>> -> memref<1x80x128xf32, #tpu.memory_space<vmem>>
        %dma_start3A_135 = tpu.memref_squeeze %dma_start3A_134 : memref<1x80x128xf32, #tpu.memory_space<vmem>> -> memref<80x128xf32, #tpu.memory_space<vmem>>
        %dma_start3A_136 = tpu.memref_slice %arg2[%add3A_130, %multiple_of3A] : memref<320000x256xf32, #tpu.memory_space<hbm>> -> memref<80x128xf32, #tpu.memory_space<hbm>>
        %dma_start3A_137 = arith.constant 0 : i32
        %dma_start3A_138 = arith.constant 0 : i32
        %dma_start3A_139 = tpu.memref_slice %arg7[%dma_start3A_131, %dma_start3A_137, %dma_start3A_138] : memref<2x80x128xf32, #tpu.memory_space<vmem>> -> memref<1x80x128xf32, #tpu.memory_space<vmem>>
        %dma_start3A_140 = tpu.memref_squeeze %dma_start3A_139 : memref<1x80x128xf32, #tpu.memory_space<vmem>> -> memref<80x128xf32, #tpu.memory_space<vmem>>
        %dma_start3A_141 = tpu.memref_slice %arg2[%add3A_130, %multiple_of3A] : memref<320000x256xf32, #tpu.memory_space<hbm>> -> memref<80x128xf32, #tpu.memory_space<hbm>>
        tpu.enqueue_dma source(%dma_start3A_141 : memref<80x128xf32, #tpu.memory_space<hbm>>) target(%dma_start3A_140 : memref<80x128xf32, #tpu.memory_space<vmem>>) target_semaphore(%arg9 : memref<!tpu.dma_semaphore, #tpu.memory_space<semaphore_mem>>)
      } else {
      }
      %add3A_112 = arith.constant 1 : i32
      %add3A_113 = arith.addi %mul3A_79, %add3A_112 : i32
      %dma_wait3A_114 = arith.constant 1 : i32
      %dma_wait3A_115 = arith.constant 0 : i32
      %dma_wait3A_116 = arith.constant 0 : i32
      %dma_wait3A_117 = tpu.memref_slice %arg7[%dma_wait3A_114, %dma_wait3A_115, %dma_wait3A_116] : memref<2x80x128xf32, #tpu.memory_space<vmem>> -> memref<1x80x128xf32, #tpu.memory_space<vmem>>
      %dma_wait3A_118 = tpu.memref_squeeze %dma_wait3A_117 : memref<1x80x128xf32, #tpu.memory_space<vmem>> -> memref<80x128xf32, #tpu.memory_space<vmem>>
      %dma_wait3A_119 = tpu.memref_slice %arg2[%add3A_40, %multiple_of3A] : memref<320000x256xf32, #tpu.memory_space<hbm>> -> memref<80x128xf32, #tpu.memory_space<hbm>>
      %dma_wait3A_120 = arith.constant 0 : i32
      %dma_wait3A_121 = arith.constant 0 : i32
      %dma_wait3A_122 = tpu.memref_slice %arg7[%dma_wait3A_114, %dma_wait3A_120, %dma_wait3A_121] : memref<2x80x128xf32, #tpu.memory_space<vmem>> -> memref<1x80x128xf32, #tpu.memory_space<vmem>>
      %dma_wait3A_123 = tpu.memref_squeeze %dma_wait3A_122 : memref<1x80x128xf32, #tpu.memory_space<vmem>> -> memref<80x128xf32, #tpu.memory_space<vmem>>
      %dma_wait3A_124 = tpu.memref_slice %arg2[%add3A_40, %multiple_of3A] : memref<320000x256xf32, #tpu.memory_space<hbm>> -> memref<80x128xf32, #tpu.memory_space<hbm>>
      tpu.wait_dma2 semaphore(%arg10 : memref<!tpu.dma_semaphore, #tpu.memory_space<semaphore_mem>>) src(%dma_wait3A_124 : memref<80x128xf32, #tpu.memory_space<hbm>>) dst(%dma_wait3A_123 : memref<80x128xf32, #tpu.memory_space<vmem>>)
      %run_scoped3A_125 = arith.constant 1 : i32
      "tpu.region"() ({
        %run_scoped3A_126 = tpu.sem_alloc : memref<!tpu.dma_semaphore, #tpu.memory_space<semaphore_mem>>
        %dma_start3A_127 = arith.constant 0 : i32
        %dma_start3A_128 = arith.constant 0 : i32
        %dma_start3A_129 = tpu.memref_slice %arg7[%run_scoped3A_125, %dma_start3A_127, %dma_start3A_128] : memref<2x80x128xf32, #tpu.memory_space<vmem>> -> memref<1x80x128xf32, #tpu.memory_space<vmem>>
        %dma_start3A_130 = tpu.memref_squeeze %dma_start3A_129 : memref<1x80x128xf32, #tpu.memory_space<vmem>> -> memref<80x128xf32, #tpu.memory_space<vmem>>
        %dma_start3A_131 = arith.constant 0 : i32
        %dma_start3A_132 = tpu.memref_slice %arg6[%add3A_113, %dma_start3A_131] : memref<125x80xi32, #tpu.memory_space<vmem>> -> memref<1x80xi32, #tpu.memory_space<vmem>>
        %dma_start3A_133 = tpu.memref_squeeze %dma_start3A_132 : memref<1x80xi32, #tpu.memory_space<vmem>> -> memref<80xi32, #tpu.memory_space<vmem>>
        %dma_start3A_134 = arith.constant 0 : i32
        %dma_start3A_135 = arith.constant 0 : i32
        %dma_start3A_136 = tpu.memref_slice %arg8[%dma_start3A_134, %dma_start3A_135] : memref<10240x128xf32, #tpu.memory_space<vmem_shared>> -> memref<10240x128xf32, #tpu.memory_space<vmem_shared>>
        tpu.enqueue_indirect_dma source(%dma_start3A_130 : memref<80x128xf32, #tpu.memory_space<vmem>>) target(%dma_start3A_136 : memref<10240x128xf32, #tpu.memory_space<vmem_shared>>) offsets(%dma_start3A_133 : memref<80xi32, #tpu.memory_space<vmem>>) semaphore(%run_scoped3A_126 : memref<!tpu.dma_semaphore, #tpu.memory_space<semaphore_mem>>) {add = true}
        %dma_wait3A_137 = arith.constant 0 : i32
        %dma_wait3A_138 = arith.constant 0 : i32
        %dma_wait3A_139 = tpu.memref_slice %arg7[%run_scoped3A_125, %dma_wait3A_137, %dma_wait3A_138] : memref<2x80x128xf32, #tpu.memory_space<vmem>> -> memref<1x80x128xf32, #tpu.memory_space<vmem>>
        %dma_wait3A_140 = tpu.memref_squeeze %dma_wait3A_139 : memref<1x80x128xf32, #tpu.memory_space<vmem>> -> memref<80x128xf32, #tpu.memory_space<vmem>>
        %dma_wait3A_141 = arith.constant 0 : i32
        %dma_wait3A_142 = tpu.memref_slice %arg6[%add3A_113, %dma_wait3A_141] : memref<125x80xi32, #tpu.memory_space<vmem>> -> memref<1x80xi32, #tpu.memory_space<vmem>>
        %dma_wait3A_143 = tpu.memref_squeeze %dma_wait3A_142 : memref<1x80xi32, #tpu.memory_space<vmem>> -> memref<80xi32, #tpu.memory_space<vmem>>
        %dma_wait3A_144 = arith.constant 0 : i32
        %dma_wait3A_145 = arith.constant 0 : i32
        %dma_wait3A_146 = tpu.memref_slice %arg8[%dma_wait3A_144, %dma_wait3A_145] : memref<10240x128xf32, #tpu.memory_space<vmem_shared>> -> memref<10240x128xf32, #tpu.memory_space<vmem_shared>>
        tpu.wait_indirect_dma semaphore(%run_scoped3A_126 : memref<!tpu.dma_semaphore, #tpu.memory_space<semaphore_mem>>) src(%dma_wait3A_140 : memref<80x128xf32, #tpu.memory_space<vmem>>) dst(%dma_wait3A_146 : memref<10240x128xf32, #tpu.memory_space<vmem_shared>>)
        tpu.yield
      }) : () -> ()
    }
    %scan3A_58 = arith.constant 62 : i32
    %dma_wait3A_59 = arith.constant 0 : i32
    %dma_wait3A_60 = arith.constant 0 : i32
    %dma_wait3A_61 = arith.constant 0 : i32
    %dma_wait3A_62 = tpu.memref_slice %arg7[%dma_wait3A_59, %dma_wait3A_60, %dma_wait3A_61] : memref<2x80x128xf32, #tpu.memory_space<vmem>> -> memref<1x80x128xf32, #tpu.memory_space<vmem>>
    %dma_wait3A_63 = tpu.memref_squeeze %dma_wait3A_62 : memref<1x80x128xf32, #tpu.memory_space<vmem>> -> memref<80x128xf32, #tpu.memory_space<vmem>>
    %dma_wait3A_64 = tpu.memref_slice %arg2[%add3A_40, %multiple_of3A] : memref<320000x256xf32, #tpu.memory_space<hbm>> -> memref<80x128xf32, #tpu.memory_space<hbm>>
    %dma_wait3A_65 = arith.constant 0 : i32
    %dma_wait3A_66 = arith.constant 0 : i32
    %dma_wait3A_67 = tpu.memref_slice %arg7[%dma_wait3A_59, %dma_wait3A_65, %dma_wait3A_66] : memref<2x80x128xf32, #tpu.memory_space<vmem>> -> memref<1x80x128xf32, #tpu.memory_space<vmem>>
    %dma_wait3A_68 = tpu.memref_squeeze %dma_wait3A_67 : memref<1x80x128xf32, #tpu.memory_space<vmem>> -> memref<80x128xf32, #tpu.memory_space<vmem>>
    %dma_wait3A_69 = tpu.memref_slice %arg2[%add3A_40, %multiple_of3A] : memref<320000x256xf32, #tpu.memory_space<hbm>> -> memref<80x128xf32, #tpu.memory_space<hbm>>
    tpu.wait_dma2 semaphore(%arg9 : memref<!tpu.dma_semaphore, #tpu.memory_space<semaphore_mem>>) src(%dma_wait3A_69 : memref<80x128xf32, #tpu.memory_space<hbm>>) dst(%dma_wait3A_68 : memref<80x128xf32, #tpu.memory_space<vmem>>)
    %run_scoped3A_70 = arith.constant 0 : i32
    %run_scoped3A_71 = arith.constant 124 : i32
    "tpu.region"() ({
      %run_scoped3A_77 = tpu.sem_alloc : memref<!tpu.dma_semaphore, #tpu.memory_space<semaphore_mem>>
      %dma_start3A_78 = arith.constant 0 : i32
      %dma_start3A_79 = arith.constant 0 : i32
      %dma_start3A_80 = tpu.memref_slice %arg7[%run_scoped3A_70, %dma_start3A_78, %dma_start3A_79] : memref<2x80x128xf32, #tpu.memory_space<vmem>> -> memref<1x80x128xf32, #tpu.memory_space<vmem>>
      %dma_start3A_81 = tpu.memref_squeeze %dma_start3A_80 : memref<1x80x128xf32, #tpu.memory_space<vmem>> -> memref<80x128xf32, #tpu.memory_space<vmem>>
      %dma_start3A_82 = arith.constant 0 : i32
      %dma_start3A_83 = tpu.memref_slice %arg6[%run_scoped3A_71, %dma_start3A_82] : memref<125x80xi32, #tpu.memory_space<vmem>> -> memref<1x80xi32, #tpu.memory_space<vmem>>
      %dma_start3A_84 = tpu.memref_squeeze %dma_start3A_83 : memref<1x80xi32, #tpu.memory_space<vmem>> -> memref<80xi32, #tpu.memory_space<vmem>>
      %dma_start3A_85 = arith.constant 0 : i32
      %dma_start3A_86 = arith.constant 0 : i32
      %dma_start3A_87 = tpu.memref_slice %arg8[%dma_start3A_85, %dma_start3A_86] : memref<10240x128xf32, #tpu.memory_space<vmem_shared>> -> memref<10240x128xf32, #tpu.memory_space<vmem_shared>>
      tpu.enqueue_indirect_dma source(%dma_start3A_81 : memref<80x128xf32, #tpu.memory_space<vmem>>) target(%dma_start3A_87 : memref<10240x128xf32, #tpu.memory_space<vmem_shared>>) offsets(%dma_start3A_84 : memref<80xi32, #tpu.memory_space<vmem>>) semaphore(%run_scoped3A_77 : memref<!tpu.dma_semaphore, #tpu.memory_space<semaphore_mem>>) {add = true}
      %dma_wait3A_88 = arith.constant 0 : i32
      %dma_wait3A_89 = arith.constant 0 : i32
      %dma_wait3A_90 = tpu.memref_slice %arg7[%run_scoped3A_70, %dma_wait3A_88, %dma_wait3A_89] : memref<2x80x128xf32, #tpu.memory_space<vmem>> -> memref<1x80x128xf32, #tpu.memory_space<vmem>>
      %dma_wait3A_91 = tpu.memref_squeeze %dma_wait3A_90 : memref<1x80x128xf32, #tpu.memory_space<vmem>> -> memref<80x128xf32, #tpu.memory_space<vmem>>
      %dma_wait3A_92 = arith.constant 0 : i32
      %dma_wait3A_93 = tpu.memref_slice %arg6[%run_scoped3A_71, %dma_wait3A_92] : memref<125x80xi32, #tpu.memory_space<vmem>> -> memref<1x80xi32, #tpu.memory_space<vmem>>
      %dma_wait3A_94 = tpu.memref_squeeze %dma_wait3A_93 : memref<1x80xi32, #tpu.memory_space<vmem>> -> memref<80xi32, #tpu.memory_space<vmem>>
      %dma_wait3A_95 = arith.constant 0 : i32
      %dma_wait3A_96 = arith.constant 0 : i32
      %dma_wait3A_97 = tpu.memref_slice %arg8[%dma_wait3A_95, %dma_wait3A_96] : memref<10240x128xf32, #tpu.memory_space<vmem_shared>> -> memref<10240x128xf32, #tpu.memory_space<vmem_shared>>
      tpu.wait_indirect_dma semaphore(%run_scoped3A_77 : memref<!tpu.dma_semaphore, #tpu.memory_space<semaphore_mem>>) src(%dma_wait3A_91 : memref<80x128xf32, #tpu.memory_space<vmem>>) dst(%dma_wait3A_97 : memref<10240x128xf32, #tpu.memory_space<vmem_shared>>)
      tpu.yield
    }) : () -> ()
    %barrier3A_72 = arith.constant 0 : index
    tpu.barrier barrier_id(%barrier3A_72)
    %mul3A_73 = arith.constant 640 : i32
    %mul3A_74 = arith.muli %arg1, %mul3A_73 : i32
    %mul3A_75 = arith.constant 640 : i32
    %mul3A_76 = arith.muli %arg1, %mul3A_75 : i32
    "tpu.region"() ({
      %run_scoped3A_77 = tpu.sem_alloc : memref<!tpu.dma_semaphore, #tpu.memory_space<semaphore_mem>>
      %dma_start3A_78 = arith.constant 0 : i32
      %dma_start3A_79 = tpu.memref_slice %arg5[%arg0, %mul3A_76, %dma_start3A_78] : memref<2x10240x128xf32, #tpu.memory_space<hbm>> -> memref<1x640x128xf32, #tpu.memory_space<hbm>>
      %dma_start3A_80 = tpu.memref_squeeze %dma_start3A_79 : memref<1x640x128xf32, #tpu.memory_space<hbm>> -> memref<640x128xf32, #tpu.memory_space<hbm>>
      %dma_start3A_81 = arith.constant 0 : i32
      %dma_start3A_82 = tpu.memref_slice %arg8[%mul3A_74, %dma_start3A_81] : memref<10240x128xf32, #tpu.memory_space<vmem_shared>> -> memref<640x128xf32, #tpu.memory_space<vmem_shared>>
      tpu.enqueue_dma source(%dma_start3A_82 : memref<640x128xf32, #tpu.memory_space<vmem_shared>>) target(%dma_start3A_80 : memref<640x128xf32, #tpu.memory_space<hbm>>) target_semaphore(%run_scoped3A_77 : memref<!tpu.dma_semaphore, #tpu.memory_space<semaphore_mem>>)
      %dma_wait3A_83 = arith.constant 0 : i32
      %dma_wait3A_84 = tpu.memref_slice %arg5[%arg0, %mul3A_76, %dma_wait3A_83] : memref<2x10240x128xf32, #tpu.memory_space<hbm>> -> memref<1x640x128xf32, #tpu.memory_space<hbm>>
      %dma_wait3A_85 = tpu.memref_squeeze %dma_wait3A_84 : memref<1x640x128xf32, #tpu.memory_space<hbm>> -> memref<640x128xf32, #tpu.memory_space<hbm>>
      %dma_wait3A_86 = arith.constant 0 : i32
      %dma_wait3A_87 = tpu.memref_slice %arg8[%mul3A_74, %dma_wait3A_86] : memref<10240x128xf32, #tpu.memory_space<vmem_shared>> -> memref<640x128xf32, #tpu.memory_space<vmem_shared>>
      tpu.wait_dma2 semaphore(%run_scoped3A_77 : memref<!tpu.dma_semaphore, #tpu.memory_space<semaphore_mem>>) src(%dma_wait3A_87 : memref<640x128xf32, #tpu.memory_space<vmem_shared>>) dst(%dma_wait3A_85 : memref<640x128xf32, #tpu.memory_space<hbm>>)
      tpu.yield
    }) : () -> ()
    return
  }
}

#map = affine_map<(d0, d1) -> (0, 0)>
#map1 = affine_map<(d0, d1) -> (0, 0, 0)>
module attributes {stable_mosaic.version = 14 : i64} {
  func.func @k(%arg0: i32, %arg1: i32, %arg2: memref<320000x128xf32, #tpu.memory_space<hbm>>, %arg3: memref<32x125x80xi32, #tpu.memory_space<hbm>>, %arg4: memref<10240x128xf32, #tpu.memory_space<hbm>>, %arg5: memref<2x10240x128xf32, #tpu.memory_space<hbm>>, %arg6: memref<125x80xi32, #tpu.memory_space<vmem>>, %arg7: memref<2x80x128xf32, #tpu.memory_space<vmem>>, %arg8: memref<10240x128xf32, #tpu.memory_space<vmem_shared>>, %arg9: memref<!tpu.dma_semaphore, #tpu.memory_space<semaphore_mem>>, %arg10: memref<!tpu.dma_semaphore, #tpu.memory_space<semaphore_mem>>) attributes {dimension_semantics = [#tpu.dimension_semantics<core_parallel>, #tpu.dimension_semantics<subcore_parallel>], iteration_bounds = array<i64: 2, 16>, scalar_prefetch = 0 : i64, scratch_operands = 5 : i64, tpu.core_type = #tpu.core_type<sc_vector_subcore>, window_params = [{transform_indices = #map}, {transform_indices = #map1}, {transform_indices = #map}, {transform_indices = #map1}]} {
    %mul3A = arith.constant 2 : i32
    %mul3A_0 = arith.muli %arg1, %mul3A : i32
    %add3A = arith.addi %mul3A_0, %arg0 : i32
    %mul3A_1 = arith.constant 10000 : i32
    %mul3A_2 = arith.muli %add3A, %mul3A_1 : i32
    %mul3A_3 = arith.constant 640 : i32
    %mul3A_4 = arith.muli %arg1, %mul3A_3 : i32
    %mul3A_5 = arith.constant 640 : i32
    %mul3A_6 = arith.muli %arg1, %mul3A_5 : i32
    "tpu.region"() ({
      %run_scoped3A_43 = tpu.sem_alloc : memref<!tpu.dma_semaphore, #tpu.memory_space<semaphore_mem>>
      %dma_start3A_44 = arith.constant 0 : i32
      %dma_start3A_45 = tpu.memref_slice %arg8[%mul3A_6, %dma_start3A_44] : memref<10240x128xf32, #tpu.memory_space<vmem_shared>> -> memref<640x128xf32, #tpu.memory_space<vmem_shared>>
      %dma_start3A_46 = arith.constant 0 : i32
      %dma_start3A_47 = tpu.memref_slice %arg4[%mul3A_4, %dma_start3A_46] : memref<10240x128xf32, #tpu.memory_space<hbm>> -> memref<640x128xf32, #tpu.memory_space<hbm>>
      tpu.enqueue_dma source(%dma_start3A_47 : memref<640x128xf32, #tpu.memory_space<hbm>>) target(%dma_start3A_45 : memref<640x128xf32, #tpu.memory_space<vmem_shared>>) target_semaphore(%run_scoped3A_43 : memref<!tpu.dma_semaphore, #tpu.memory_space<semaphore_mem>>)
      %dma_wait3A_48 = arith.constant 0 : i32
      %dma_wait3A_49 = tpu.memref_slice %arg8[%mul3A_6, %dma_wait3A_48] : memref<10240x128xf32, #tpu.memory_space<vmem_shared>> -> memref<640x128xf32, #tpu.memory_space<vmem_shared>>
      %dma_wait3A_50 = arith.constant 0 : i32
      %dma_wait3A_51 = tpu.memref_slice %arg4[%mul3A_4, %dma_wait3A_50] : memref<10240x128xf32, #tpu.memory_space<hbm>> -> memref<640x128xf32, #tpu.memory_space<hbm>>
      tpu.wait_dma2 semaphore(%run_scoped3A_43 : memref<!tpu.dma_semaphore, #tpu.memory_space<semaphore_mem>>) src(%dma_wait3A_51 : memref<640x128xf32, #tpu.memory_space<hbm>>) dst(%dma_wait3A_49 : memref<640x128xf32, #tpu.memory_space<vmem_shared>>)
      tpu.yield
    }) : () -> ()
    "tpu.region"() ({
      %run_scoped3A_43 = tpu.sem_alloc : memref<!tpu.dma_semaphore, #tpu.memory_space<semaphore_mem>>
      %dma_start3A_44 = arith.constant 0 : i32
      %dma_start3A_45 = arith.constant 0 : i32
      %dma_start3A_46 = tpu.memref_slice %arg3[%add3A, %dma_start3A_44, %dma_start3A_45] : memref<32x125x80xi32, #tpu.memory_space<hbm>> -> memref<1x125x80xi32, #tpu.memory_space<hbm>>
      %dma_start3A_47 = tpu.memref_squeeze %dma_start3A_46 : memref<1x125x80xi32, #tpu.memory_space<hbm>> -> memref<125x80xi32, #tpu.memory_space<hbm>>
      %dma_start3A_48 = arith.constant 0 : i32
      %dma_start3A_49 = arith.constant 0 : i32
      %dma_start3A_50 = tpu.memref_slice %arg3[%add3A, %dma_start3A_48, %dma_start3A_49] : memref<32x125x80xi32, #tpu.memory_space<hbm>> -> memref<1x125x80xi32, #tpu.memory_space<hbm>>
      %dma_start3A_51 = tpu.memref_squeeze %dma_start3A_50 : memref<1x125x80xi32, #tpu.memory_space<hbm>> -> memref<125x80xi32, #tpu.memory_space<hbm>>
      tpu.enqueue_dma source(%dma_start3A_51 : memref<125x80xi32, #tpu.memory_space<hbm>>) target(%arg6 : memref<125x80xi32, #tpu.memory_space<vmem>>) target_semaphore(%run_scoped3A_43 : memref<!tpu.dma_semaphore, #tpu.memory_space<semaphore_mem>>)
      %dma_wait3A_52 = arith.constant 0 : i32
      %dma_wait3A_53 = arith.constant 0 : i32
      %dma_wait3A_54 = tpu.memref_slice %arg3[%add3A, %dma_wait3A_52, %dma_wait3A_53] : memref<32x125x80xi32, #tpu.memory_space<hbm>> -> memref<1x125x80xi32, #tpu.memory_space<hbm>>
      %dma_wait3A_55 = tpu.memref_squeeze %dma_wait3A_54 : memref<1x125x80xi32, #tpu.memory_space<hbm>> -> memref<125x80xi32, #tpu.memory_space<hbm>>
      %dma_wait3A_56 = arith.constant 0 : i32
      %dma_wait3A_57 = arith.constant 0 : i32
      %dma_wait3A_58 = tpu.memref_slice %arg3[%add3A, %dma_wait3A_56, %dma_wait3A_57] : memref<32x125x80xi32, #tpu.memory_space<hbm>> -> memref<1x125x80xi32, #tpu.memory_space<hbm>>
      %dma_wait3A_59 = tpu.memref_squeeze %dma_wait3A_58 : memref<1x125x80xi32, #tpu.memory_space<hbm>> -> memref<125x80xi32, #tpu.memory_space<hbm>>
      tpu.wait_dma2 semaphore(%run_scoped3A_43 : memref<!tpu.dma_semaphore, #tpu.memory_space<semaphore_mem>>) src(%dma_wait3A_59 : memref<125x80xi32, #tpu.memory_space<hbm>>) dst(%arg6 : memref<125x80xi32, #tpu.memory_space<vmem>>)
      tpu.yield
    }) : () -> ()
    %barrier3A = arith.constant 0 : index
    tpu.barrier barrier_id(%barrier3A)
    %add3A_7 = arith.constant 0 : i32
    %add3A_8 = arith.addi %mul3A_2, %add3A_7 : i32
    %dma_start3A = arith.constant 0 : i32
    %dma_start3A_9 = arith.constant 0 : i32
    %dma_start3A_10 = arith.constant 0 : i32
    %dma_start3A_11 = tpu.memref_slice %arg7[%dma_start3A, %dma_start3A_9, %dma_start3A_10] : memref<2x80x128xf32, #tpu.memory_space<vmem>> -> memref<1x80x128xf32, #tpu.memory_space<vmem>>
    %dma_start3A_12 = tpu.memref_squeeze %dma_start3A_11 : memref<1x80x128xf32, #tpu.memory_space<vmem>> -> memref<80x128xf32, #tpu.memory_space<vmem>>
    %dma_start3A_13 = arith.constant 0 : i32
    %dma_start3A_14 = tpu.memref_slice %arg2[%add3A_8, %dma_start3A_13] : memref<320000x128xf32, #tpu.memory_space<hbm>> -> memref<80x128xf32, #tpu.memory_space<hbm>>
    %dma_start3A_15 = arith.constant 0 : i32
    %dma_start3A_16 = arith.constant 0 : i32
    %dma_start3A_17 = tpu.memref_slice %arg7[%dma_start3A, %dma_start3A_15, %dma_start3A_16] : memref<2x80x128xf32, #tpu.memory_space<vmem>> -> memref<1x80x128xf32, #tpu.memory_space<vmem>>
    %dma_start3A_18 = tpu.memref_squeeze %dma_start3A_17 : memref<1x80x128xf32, #tpu.memory_space<vmem>> -> memref<80x128xf32, #tpu.memory_space<vmem>>
    %dma_start3A_19 = arith.constant 0 : i32
    %dma_start3A_20 = tpu.memref_slice %arg2[%add3A_8, %dma_start3A_19] : memref<320000x128xf32, #tpu.memory_space<hbm>> -> memref<80x128xf32, #tpu.memory_space<hbm>>
    tpu.enqueue_dma source(%dma_start3A_20 : memref<80x128xf32, #tpu.memory_space<hbm>>) target(%dma_start3A_18 : memref<80x128xf32, #tpu.memory_space<vmem>>) target_semaphore(%arg9 : memref<!tpu.dma_semaphore, #tpu.memory_space<semaphore_mem>>)
    %scan3A = arith.constant 0 : i32
    %scan3A_21 = arith.constant 62 : i32
    %scan3A_22 = arith.addi %scan3A, %scan3A_21 : i32
    %scan3A_23 = arith.constant 1 : i32
    scf.for %scan3A_43 = %scan3A to %scan3A_22 step %scan3A_23  : i32 {
      %mul3A_44 = arith.constant 2 : i32
      %mul3A_45 = arith.muli %mul3A_44, %scan3A_43 : i32
      %add3A_46 = arith.constant 1 : i32
      %add3A_47 = arith.addi %mul3A_45, %add3A_46 : i32
      %mul3A_48 = arith.constant 80 : i32
      %mul3A_49 = arith.muli %add3A_47, %mul3A_48 : i32
      %add3A_50 = arith.addi %mul3A_2, %mul3A_49 : i32
      %dma_start3A_51 = arith.constant 1 : i32
      %dma_start3A_52 = arith.constant 0 : i32
      %dma_start3A_53 = arith.constant 0 : i32
      %dma_start3A_54 = tpu.memref_slice %arg7[%dma_start3A_51, %dma_start3A_52, %dma_start3A_53] : memref<2x80x128xf32, #tpu.memory_space<vmem>> -> memref<1x80x128xf32, #tpu.memory_space<vmem>>
      %dma_start3A_55 = tpu.memref_squeeze %dma_start3A_54 : memref<1x80x128xf32, #tpu.memory_space<vmem>> -> memref<80x128xf32, #tpu.memory_space<vmem>>
      %dma_start3A_56 = arith.constant 0 : i32
      %dma_start3A_57 = tpu.memref_slice %arg2[%add3A_50, %dma_start3A_56] : memref<320000x128xf32, #tpu.memory_space<hbm>> -> memref<80x128xf32, #tpu.memory_space<hbm>>
      %dma_start3A_58 = arith.constant 0 : i32
      %dma_start3A_59 = arith.constant 0 : i32
      %dma_start3A_60 = tpu.memref_slice %arg7[%dma_start3A_51, %dma_start3A_58, %dma_start3A_59] : memref<2x80x128xf32, #tpu.memory_space<vmem>> -> memref<1x80x128xf32, #tpu.memory_space<vmem>>
      %dma_start3A_61 = tpu.memref_squeeze %dma_start3A_60 : memref<1x80x128xf32, #tpu.memory_space<vmem>> -> memref<80x128xf32, #tpu.memory_space<vmem>>
      %dma_start3A_62 = arith.constant 0 : i32
      %dma_start3A_63 = tpu.memref_slice %arg2[%add3A_50, %dma_start3A_62] : memref<320000x128xf32, #tpu.memory_space<hbm>> -> memref<80x128xf32, #tpu.memory_space<hbm>>
      tpu.enqueue_dma source(%dma_start3A_63 : memref<80x128xf32, #tpu.memory_space<hbm>>) target(%dma_start3A_61 : memref<80x128xf32, #tpu.memory_space<vmem>>) target_semaphore(%arg10 : memref<!tpu.dma_semaphore, #tpu.memory_space<semaphore_mem>>)
      %dma_wait3A_64 = arith.constant 0 : i32
      %dma_wait3A_65 = arith.constant 0 : i32
      %dma_wait3A_66 = arith.constant 0 : i32
      %dma_wait3A_67 = tpu.memref_slice %arg7[%dma_wait3A_64, %dma_wait3A_65, %dma_wait3A_66] : memref<2x80x128xf32, #tpu.memory_space<vmem>> -> memref<1x80x128xf32, #tpu.memory_space<vmem>>
      %dma_wait3A_68 = tpu.memref_squeeze %dma_wait3A_67 : memref<1x80x128xf32, #tpu.memory_space<vmem>> -> memref<80x128xf32, #tpu.memory_space<vmem>>
      %dma_wait3A_69 = arith.constant 0 : i32
      %dma_wait3A_70 = tpu.memref_slice %arg2[%mul3A_2, %dma_wait3A_69] : memref<320000x128xf32, #tpu.memory_space<hbm>> -> memref<80x128xf32, #tpu.memory_space<hbm>>
      %dma_wait3A_71 = arith.constant 0 : i32
      %dma_wait3A_72 = arith.constant 0 : i32
      %dma_wait3A_73 = tpu.memref_slice %arg7[%dma_wait3A_64, %dma_wait3A_71, %dma_wait3A_72] : memref<2x80x128xf32, #tpu.memory_space<vmem>> -> memref<1x80x128xf32, #tpu.memory_space<vmem>>
      %dma_wait3A_74 = tpu.memref_squeeze %dma_wait3A_73 : memref<1x80x128xf32, #tpu.memory_space<vmem>> -> memref<80x128xf32, #tpu.memory_space<vmem>>
      %dma_wait3A_75 = arith.constant 0 : i32
      %dma_wait3A_76 = tpu.memref_slice %arg2[%mul3A_2, %dma_wait3A_75] : memref<320000x128xf32, #tpu.memory_space<hbm>> -> memref<80x128xf32, #tpu.memory_space<hbm>>
      tpu.wait_dma2 semaphore(%arg9 : memref<!tpu.dma_semaphore, #tpu.memory_space<semaphore_mem>>) src(%dma_wait3A_76 : memref<80x128xf32, #tpu.memory_space<hbm>>) dst(%dma_wait3A_74 : memref<80x128xf32, #tpu.memory_space<vmem>>)
      %run_scoped3A_77 = arith.constant 0 : i32
      "tpu.region"() ({
        %run_scoped3A_112 = tpu.sem_alloc : memref<!tpu.dma_semaphore, #tpu.memory_space<semaphore_mem>>
        %dma_start3A_113 = arith.constant 0 : i32
        %dma_start3A_114 = arith.constant 0 : i32
        %dma_start3A_115 = tpu.memref_slice %arg7[%run_scoped3A_77, %dma_start3A_113, %dma_start3A_114] : memref<2x80x128xf32, #tpu.memory_space<vmem>> -> memref<1x80x128xf32, #tpu.memory_space<vmem>>
        %dma_start3A_116 = tpu.memref_squeeze %dma_start3A_115 : memref<1x80x128xf32, #tpu.memory_space<vmem>> -> memref<80x128xf32, #tpu.memory_space<vmem>>
        %dma_start3A_117 = arith.constant 0 : i32
        %dma_start3A_118 = tpu.memref_slice %arg6[%mul3A_45, %dma_start3A_117] : memref<125x80xi32, #tpu.memory_space<vmem>> -> memref<1x80xi32, #tpu.memory_space<vmem>>
        %dma_start3A_119 = tpu.memref_squeeze %dma_start3A_118 : memref<1x80xi32, #tpu.memory_space<vmem>> -> memref<80xi32, #tpu.memory_space<vmem>>
        %dma_start3A_120 = arith.constant 0 : i32
        %dma_start3A_121 = arith.constant 0 : i32
        %dma_start3A_122 = tpu.memref_slice %arg8[%dma_start3A_120, %dma_start3A_121] : memref<10240x128xf32, #tpu.memory_space<vmem_shared>> -> memref<10240x128xf32, #tpu.memory_space<vmem_shared>>
        tpu.enqueue_indirect_dma source(%dma_start3A_116 : memref<80x128xf32, #tpu.memory_space<vmem>>) target(%dma_start3A_122 : memref<10240x128xf32, #tpu.memory_space<vmem_shared>>) offsets(%dma_start3A_119 : memref<80xi32, #tpu.memory_space<vmem>>) semaphore(%run_scoped3A_112 : memref<!tpu.dma_semaphore, #tpu.memory_space<semaphore_mem>>) {add = true}
        %dma_wait3A_123 = arith.constant 0 : i32
        %dma_wait3A_124 = arith.constant 0 : i32
        %dma_wait3A_125 = tpu.memref_slice %arg7[%run_scoped3A_77, %dma_wait3A_123, %dma_wait3A_124] : memref<2x80x128xf32, #tpu.memory_space<vmem>> -> memref<1x80x128xf32, #tpu.memory_space<vmem>>
        %dma_wait3A_126 = tpu.memref_squeeze %dma_wait3A_125 : memref<1x80x128xf32, #tpu.memory_space<vmem>> -> memref<80x128xf32, #tpu.memory_space<vmem>>
        %dma_wait3A_127 = arith.constant 0 : i32
        %dma_wait3A_128 = tpu.memref_slice %arg6[%mul3A_45, %dma_wait3A_127] : memref<125x80xi32, #tpu.memory_space<vmem>> -> memref<1x80xi32, #tpu.memory_space<vmem>>
        %dma_wait3A_129 = tpu.memref_squeeze %dma_wait3A_128 : memref<1x80xi32, #tpu.memory_space<vmem>> -> memref<80xi32, #tpu.memory_space<vmem>>
        %dma_wait3A_130 = arith.constant 0 : i32
        %dma_wait3A_131 = arith.constant 0 : i32
        %dma_wait3A_132 = tpu.memref_slice %arg8[%dma_wait3A_130, %dma_wait3A_131] : memref<10240x128xf32, #tpu.memory_space<vmem_shared>> -> memref<10240x128xf32, #tpu.memory_space<vmem_shared>>
        tpu.wait_indirect_dma semaphore(%run_scoped3A_112 : memref<!tpu.dma_semaphore, #tpu.memory_space<semaphore_mem>>) src(%dma_wait3A_126 : memref<80x128xf32, #tpu.memory_space<vmem>>) dst(%dma_wait3A_132 : memref<10240x128xf32, #tpu.memory_space<vmem_shared>>)
        tpu.yield
      }) : () -> ()
      %add3A_78 = arith.constant 2 : i32
      %add3A_79 = arith.addi %mul3A_45, %add3A_78 : i32
      %mul3A_80 = arith.constant 80 : i32
      %mul3A_81 = arith.muli %add3A_79, %mul3A_80 : i32
      %add3A_82 = arith.addi %mul3A_2, %mul3A_81 : i32
      %dma_start3A_83 = arith.constant 0 : i32
      %dma_start3A_84 = arith.constant 0 : i32
      %dma_start3A_85 = arith.constant 0 : i32
      %dma_start3A_86 = tpu.memref_slice %arg7[%dma_start3A_83, %dma_start3A_84, %dma_start3A_85] : memref<2x80x128xf32, #tpu.memory_space<vmem>> -> memref<1x80x128xf32, #tpu.memory_space<vmem>>
      %dma_start3A_87 = tpu.memref_squeeze %dma_start3A_86 : memref<1x80x128xf32, #tpu.memory_space<vmem>> -> memref<80x128xf32, #tpu.memory_space<vmem>>
      %dma_start3A_88 = arith.constant 0 : i32
      %dma_start3A_89 = tpu.memref_slice %arg2[%add3A_82, %dma_start3A_88] : memref<320000x128xf32, #tpu.memory_space<hbm>> -> memref<80x128xf32, #tpu.memory_space<hbm>>
      %dma_start3A_90 = arith.constant 0 : i32
      %dma_start3A_91 = arith.constant 0 : i32
      %dma_start3A_92 = tpu.memref_slice %arg7[%dma_start3A_83, %dma_start3A_90, %dma_start3A_91] : memref<2x80x128xf32, #tpu.memory_space<vmem>> -> memref<1x80x128xf32, #tpu.memory_space<vmem>>
      %dma_start3A_93 = tpu.memref_squeeze %dma_start3A_92 : memref<1x80x128xf32, #tpu.memory_space<vmem>> -> memref<80x128xf32, #tpu.memory_space<vmem>>
      %dma_start3A_94 = arith.constant 0 : i32
      %dma_start3A_95 = tpu.memref_slice %arg2[%add3A_82, %dma_start3A_94] : memref<320000x128xf32, #tpu.memory_space<hbm>> -> memref<80x128xf32, #tpu.memory_space<hbm>>
      tpu.enqueue_dma source(%dma_start3A_95 : memref<80x128xf32, #tpu.memory_space<hbm>>) target(%dma_start3A_93 : memref<80x128xf32, #tpu.memory_space<vmem>>) target_semaphore(%arg9 : memref<!tpu.dma_semaphore, #tpu.memory_space<semaphore_mem>>)
      %add3A_96 = arith.constant 1 : i32
      %add3A_97 = arith.addi %mul3A_45, %add3A_96 : i32
      %dma_wait3A_98 = arith.constant 1 : i32
      %dma_wait3A_99 = arith.constant 0 : i32
      %dma_wait3A_100 = arith.constant 0 : i32
      %dma_wait3A_101 = tpu.memref_slice %arg7[%dma_wait3A_98, %dma_wait3A_99, %dma_wait3A_100] : memref<2x80x128xf32, #tpu.memory_space<vmem>> -> memref<1x80x128xf32, #tpu.memory_space<vmem>>
      %dma_wait3A_102 = tpu.memref_squeeze %dma_wait3A_101 : memref<1x80x128xf32, #tpu.memory_space<vmem>> -> memref<80x128xf32, #tpu.memory_space<vmem>>
      %dma_wait3A_103 = arith.constant 0 : i32
      %dma_wait3A_104 = tpu.memref_slice %arg2[%mul3A_2, %dma_wait3A_103] : memref<320000x128xf32, #tpu.memory_space<hbm>> -> memref<80x128xf32, #tpu.memory_space<hbm>>
      %dma_wait3A_105 = arith.constant 0 : i32
      %dma_wait3A_106 = arith.constant 0 : i32
      %dma_wait3A_107 = tpu.memref_slice %arg7[%dma_wait3A_98, %dma_wait3A_105, %dma_wait3A_106] : memref<2x80x128xf32, #tpu.memory_space<vmem>> -> memref<1x80x128xf32, #tpu.memory_space<vmem>>
      %dma_wait3A_108 = tpu.memref_squeeze %dma_wait3A_107 : memref<1x80x128xf32, #tpu.memory_space<vmem>> -> memref<80x128xf32, #tpu.memory_space<vmem>>
      %dma_wait3A_109 = arith.constant 0 : i32
      %dma_wait3A_110 = tpu.memref_slice %arg2[%mul3A_2, %dma_wait3A_109] : memref<320000x128xf32, #tpu.memory_space<hbm>> -> memref<80x128xf32, #tpu.memory_space<hbm>>
      tpu.wait_dma2 semaphore(%arg10 : memref<!tpu.dma_semaphore, #tpu.memory_space<semaphore_mem>>) src(%dma_wait3A_110 : memref<80x128xf32, #tpu.memory_space<hbm>>) dst(%dma_wait3A_108 : memref<80x128xf32, #tpu.memory_space<vmem>>)
      %run_scoped3A_111 = arith.constant 1 : i32
      "tpu.region"() ({
        %run_scoped3A_112 = tpu.sem_alloc : memref<!tpu.dma_semaphore, #tpu.memory_space<semaphore_mem>>
        %dma_start3A_113 = arith.constant 0 : i32
        %dma_start3A_114 = arith.constant 0 : i32
        %dma_start3A_115 = tpu.memref_slice %arg7[%run_scoped3A_111, %dma_start3A_113, %dma_start3A_114] : memref<2x80x128xf32, #tpu.memory_space<vmem>> -> memref<1x80x128xf32, #tpu.memory_space<vmem>>
        %dma_start3A_116 = tpu.memref_squeeze %dma_start3A_115 : memref<1x80x128xf32, #tpu.memory_space<vmem>> -> memref<80x128xf32, #tpu.memory_space<vmem>>
        %dma_start3A_117 = arith.constant 0 : i32
        %dma_start3A_118 = tpu.memref_slice %arg6[%add3A_97, %dma_start3A_117] : memref<125x80xi32, #tpu.memory_space<vmem>> -> memref<1x80xi32, #tpu.memory_space<vmem>>
        %dma_start3A_119 = tpu.memref_squeeze %dma_start3A_118 : memref<1x80xi32, #tpu.memory_space<vmem>> -> memref<80xi32, #tpu.memory_space<vmem>>
        %dma_start3A_120 = arith.constant 0 : i32
        %dma_start3A_121 = arith.constant 0 : i32
        %dma_start3A_122 = tpu.memref_slice %arg8[%dma_start3A_120, %dma_start3A_121] : memref<10240x128xf32, #tpu.memory_space<vmem_shared>> -> memref<10240x128xf32, #tpu.memory_space<vmem_shared>>
        tpu.enqueue_indirect_dma source(%dma_start3A_116 : memref<80x128xf32, #tpu.memory_space<vmem>>) target(%dma_start3A_122 : memref<10240x128xf32, #tpu.memory_space<vmem_shared>>) offsets(%dma_start3A_119 : memref<80xi32, #tpu.memory_space<vmem>>) semaphore(%run_scoped3A_112 : memref<!tpu.dma_semaphore, #tpu.memory_space<semaphore_mem>>) {add = true}
        %dma_wait3A_123 = arith.constant 0 : i32
        %dma_wait3A_124 = arith.constant 0 : i32
        %dma_wait3A_125 = tpu.memref_slice %arg7[%run_scoped3A_111, %dma_wait3A_123, %dma_wait3A_124] : memref<2x80x128xf32, #tpu.memory_space<vmem>> -> memref<1x80x128xf32, #tpu.memory_space<vmem>>
        %dma_wait3A_126 = tpu.memref_squeeze %dma_wait3A_125 : memref<1x80x128xf32, #tpu.memory_space<vmem>> -> memref<80x128xf32, #tpu.memory_space<vmem>>
        %dma_wait3A_127 = arith.constant 0 : i32
        %dma_wait3A_128 = tpu.memref_slice %arg6[%add3A_97, %dma_wait3A_127] : memref<125x80xi32, #tpu.memory_space<vmem>> -> memref<1x80xi32, #tpu.memory_space<vmem>>
        %dma_wait3A_129 = tpu.memref_squeeze %dma_wait3A_128 : memref<1x80xi32, #tpu.memory_space<vmem>> -> memref<80xi32, #tpu.memory_space<vmem>>
        %dma_wait3A_130 = arith.constant 0 : i32
        %dma_wait3A_131 = arith.constant 0 : i32
        %dma_wait3A_132 = tpu.memref_slice %arg8[%dma_wait3A_130, %dma_wait3A_131] : memref<10240x128xf32, #tpu.memory_space<vmem_shared>> -> memref<10240x128xf32, #tpu.memory_space<vmem_shared>>
        tpu.wait_indirect_dma semaphore(%run_scoped3A_112 : memref<!tpu.dma_semaphore, #tpu.memory_space<semaphore_mem>>) src(%dma_wait3A_126 : memref<80x128xf32, #tpu.memory_space<vmem>>) dst(%dma_wait3A_132 : memref<10240x128xf32, #tpu.memory_space<vmem_shared>>)
        tpu.yield
      }) : () -> ()
    }
    %scan3A_24 = arith.constant 62 : i32
    %dma_wait3A = arith.constant 0 : i32
    %dma_wait3A_25 = arith.constant 0 : i32
    %dma_wait3A_26 = arith.constant 0 : i32
    %dma_wait3A_27 = tpu.memref_slice %arg7[%dma_wait3A, %dma_wait3A_25, %dma_wait3A_26] : memref<2x80x128xf32, #tpu.memory_space<vmem>> -> memref<1x80x128xf32, #tpu.memory_space<vmem>>
    %dma_wait3A_28 = tpu.memref_squeeze %dma_wait3A_27 : memref<1x80x128xf32, #tpu.memory_space<vmem>> -> memref<80x128xf32, #tpu.memory_space<vmem>>
    %dma_wait3A_29 = arith.constant 0 : i32
    %dma_wait3A_30 = tpu.memref_slice %arg2[%mul3A_2, %dma_wait3A_29] : memref<320000x128xf32, #tpu.memory_space<hbm>> -> memref<80x128xf32, #tpu.memory_space<hbm>>
    %dma_wait3A_31 = arith.constant 0 : i32
    %dma_wait3A_32 = arith.constant 0 : i32
    %dma_wait3A_33 = tpu.memref_slice %arg7[%dma_wait3A, %dma_wait3A_31, %dma_wait3A_32] : memref<2x80x128xf32, #tpu.memory_space<vmem>> -> memref<1x80x128xf32, #tpu.memory_space<vmem>>
    %dma_wait3A_34 = tpu.memref_squeeze %dma_wait3A_33 : memref<1x80x128xf32, #tpu.memory_space<vmem>> -> memref<80x128xf32, #tpu.memory_space<vmem>>
    %dma_wait3A_35 = arith.constant 0 : i32
    %dma_wait3A_36 = tpu.memref_slice %arg2[%mul3A_2, %dma_wait3A_35] : memref<320000x128xf32, #tpu.memory_space<hbm>> -> memref<80x128xf32, #tpu.memory_space<hbm>>
    tpu.wait_dma2 semaphore(%arg9 : memref<!tpu.dma_semaphore, #tpu.memory_space<semaphore_mem>>) src(%dma_wait3A_36 : memref<80x128xf32, #tpu.memory_space<hbm>>) dst(%dma_wait3A_34 : memref<80x128xf32, #tpu.memory_space<vmem>>)
    %run_scoped3A = arith.constant 0 : i32
    %run_scoped3A_37 = arith.constant 124 : i32
    "tpu.region"() ({
      %run_scoped3A_43 = tpu.sem_alloc : memref<!tpu.dma_semaphore, #tpu.memory_space<semaphore_mem>>
      %dma_start3A_44 = arith.constant 0 : i32
      %dma_start3A_45 = arith.constant 0 : i32
      %dma_start3A_46 = tpu.memref_slice %arg7[%run_scoped3A, %dma_start3A_44, %dma_start3A_45] : memref<2x80x128xf32, #tpu.memory_space<vmem>> -> memref<1x80x128xf32, #tpu.memory_space<vmem>>
      %dma_start3A_47 = tpu.memref_squeeze %dma_start3A_46 : memref<1x80x128xf32, #tpu.memory_space<vmem>> -> memref<80x128xf32, #tpu.memory_space<vmem>>
      %dma_start3A_48 = arith.constant 0 : i32
      %dma_start3A_49 = tpu.memref_slice %arg6[%run_scoped3A_37, %dma_start3A_48] : memref<125x80xi32, #tpu.memory_space<vmem>> -> memref<1x80xi32, #tpu.memory_space<vmem>>
      %dma_start3A_50 = tpu.memref_squeeze %dma_start3A_49 : memref<1x80xi32, #tpu.memory_space<vmem>> -> memref<80xi32, #tpu.memory_space<vmem>>
      %dma_start3A_51 = arith.constant 0 : i32
      %dma_start3A_52 = arith.constant 0 : i32
      %dma_start3A_53 = tpu.memref_slice %arg8[%dma_start3A_51, %dma_start3A_52] : memref<10240x128xf32, #tpu.memory_space<vmem_shared>> -> memref<10240x128xf32, #tpu.memory_space<vmem_shared>>
      tpu.enqueue_indirect_dma source(%dma_start3A_47 : memref<80x128xf32, #tpu.memory_space<vmem>>) target(%dma_start3A_53 : memref<10240x128xf32, #tpu.memory_space<vmem_shared>>) offsets(%dma_start3A_50 : memref<80xi32, #tpu.memory_space<vmem>>) semaphore(%run_scoped3A_43 : memref<!tpu.dma_semaphore, #tpu.memory_space<semaphore_mem>>) {add = true}
      %dma_wait3A_54 = arith.constant 0 : i32
      %dma_wait3A_55 = arith.constant 0 : i32
      %dma_wait3A_56 = tpu.memref_slice %arg7[%run_scoped3A, %dma_wait3A_54, %dma_wait3A_55] : memref<2x80x128xf32, #tpu.memory_space<vmem>> -> memref<1x80x128xf32, #tpu.memory_space<vmem>>
      %dma_wait3A_57 = tpu.memref_squeeze %dma_wait3A_56 : memref<1x80x128xf32, #tpu.memory_space<vmem>> -> memref<80x128xf32, #tpu.memory_space<vmem>>
      %dma_wait3A_58 = arith.constant 0 : i32
      %dma_wait3A_59 = tpu.memref_slice %arg6[%run_scoped3A_37, %dma_wait3A_58] : memref<125x80xi32, #tpu.memory_space<vmem>> -> memref<1x80xi32, #tpu.memory_space<vmem>>
      %dma_wait3A_60 = tpu.memref_squeeze %dma_wait3A_59 : memref<1x80xi32, #tpu.memory_space<vmem>> -> memref<80xi32, #tpu.memory_space<vmem>>
      %dma_wait3A_61 = arith.constant 0 : i32
      %dma_wait3A_62 = arith.constant 0 : i32
      %dma_wait3A_63 = tpu.memref_slice %arg8[%dma_wait3A_61, %dma_wait3A_62] : memref<10240x128xf32, #tpu.memory_space<vmem_shared>> -> memref<10240x128xf32, #tpu.memory_space<vmem_shared>>
      tpu.wait_indirect_dma semaphore(%run_scoped3A_43 : memref<!tpu.dma_semaphore, #tpu.memory_space<semaphore_mem>>) src(%dma_wait3A_57 : memref<80x128xf32, #tpu.memory_space<vmem>>) dst(%dma_wait3A_63 : memref<10240x128xf32, #tpu.memory_space<vmem_shared>>)
      tpu.yield
    }) : () -> ()
    %barrier3A_38 = arith.constant 0 : index
    tpu.barrier barrier_id(%barrier3A_38)
    %mul3A_39 = arith.constant 640 : i32
    %mul3A_40 = arith.muli %arg1, %mul3A_39 : i32
    %mul3A_41 = arith.constant 640 : i32
    %mul3A_42 = arith.muli %arg1, %mul3A_41 : i32
    "tpu.region"() ({
      %run_scoped3A_43 = tpu.sem_alloc : memref<!tpu.dma_semaphore, #tpu.memory_space<semaphore_mem>>
      %dma_start3A_44 = arith.constant 0 : i32
      %dma_start3A_45 = tpu.memref_slice %arg5[%arg0, %mul3A_42, %dma_start3A_44] : memref<2x10240x128xf32, #tpu.memory_space<hbm>> -> memref<1x640x128xf32, #tpu.memory_space<hbm>>
      %dma_start3A_46 = tpu.memref_squeeze %dma_start3A_45 : memref<1x640x128xf32, #tpu.memory_space<hbm>> -> memref<640x128xf32, #tpu.memory_space<hbm>>
      %dma_start3A_47 = arith.constant 0 : i32
      %dma_start3A_48 = tpu.memref_slice %arg8[%mul3A_40, %dma_start3A_47] : memref<10240x128xf32, #tpu.memory_space<vmem_shared>> -> memref<640x128xf32, #tpu.memory_space<vmem_shared>>
      tpu.enqueue_dma source(%dma_start3A_48 : memref<640x128xf32, #tpu.memory_space<vmem_shared>>) target(%dma_start3A_46 : memref<640x128xf32, #tpu.memory_space<hbm>>) target_semaphore(%run_scoped3A_43 : memref<!tpu.dma_semaphore, #tpu.memory_space<semaphore_mem>>)
      %dma_wait3A_49 = arith.constant 0 : i32
      %dma_wait3A_50 = tpu.memref_slice %arg5[%arg0, %mul3A_42, %dma_wait3A_49] : memref<2x10240x128xf32, #tpu.memory_space<hbm>> -> memref<1x640x128xf32, #tpu.memory_space<hbm>>
      %dma_wait3A_51 = tpu.memref_squeeze %dma_wait3A_50 : memref<1x640x128xf32, #tpu.memory_space<hbm>> -> memref<640x128xf32, #tpu.memory_space<hbm>>
      %dma_wait3A_52 = arith.constant 0 : i32
      %dma_wait3A_53 = tpu.memref_slice %arg8[%mul3A_40, %dma_wait3A_52] : memref<10240x128xf32, #tpu.memory_space<vmem_shared>> -> memref<640x128xf32, #tpu.memory_space<vmem_shared>>
      tpu.wait_dma2 semaphore(%run_scoped3A_43 : memref<!tpu.dma_semaphore, #tpu.memory_space<semaphore_mem>>) src(%dma_wait3A_53 : memref<640x128xf32, #tpu.memory_space<vmem_shared>>) dst(%dma_wait3A_51 : memref<640x128xf32, #tpu.memory_space<hbm>>)
      tpu.yield
    }) : () -> ()
    return
  }
}

module attributes {stable_mosaic.version = 14 : i64} {
  func.func @body(%arg0: i32, %arg1: memref<2000x128xf32, #tpu.memory_space<vmem>>, %arg2: memref<128x256xf32, #tpu.memory_space<vmem>>, %arg3: memref<2000x128xi32, #tpu.memory_space<vmem>>) attributes {dimension_semantics = [#tpu.dimension_semantics<arbitrary>], iteration_bounds = array<i64: 5>, scalar_prefetch = 0 : i64, scratch_operands = 0 : i64, tpu.core_type = #tpu.core_type<tc>, window_params = [{transform_indices = @transform_0, window_bounds = array<i64: 2000, 128>}, {pipeline_mode = #tpu.pipeline_mode<synchronous>, transform_indices = @transform_1, window_bounds = array<i64: 128, 256>}, {transform_indices = @transform_2, window_bounds = array<i64: 2000, 128>}]} {
    %get3A = arith.constant 0 : index
    %get3A_0 = arith.constant 0 : index
    %get3A_1 = vector.load %arg1[%get3A, %get3A_0] : memref<2000x128xf32, #tpu.memory_space<vmem>>, vector<2000x128xf32>
    %get3A_2 = arith.constant 0 : index
    %get3A_3 = arith.constant 0 : index
    %get3A_4 = vector.load %arg2[%get3A_2, %get3A_3] : memref<128x256xf32, #tpu.memory_space<vmem>>, vector<128x256xf32>
    %dot_general3A = arith.constant dense<0.000000e+00> : vector<2000x256xf32>
    %dot_general3A_5 = tpu.matmul %get3A_1, %get3A_4, %dot_general3A {dimension_numbers = #tpu.dot_dimension_numbers<[1], [0], [0], [1], [0, 0, 1, 1], [], []>, transpose_lhs_hint = false} : vector<2000x128xf32>, vector<128x256xf32>, vector<2000x256xf32> -> vector<2000x256xf32>
    %slice3A = vector.extract_strided_slice %dot_general3A_5 {offsets = [0, 0], sizes = [2000, 128], strides = [1, 1]} : vector<2000x256xf32> to vector<2000x128xf32>
    %slice3A_6 = vector.extract_strided_slice %dot_general3A_5 {offsets = [0, 128], sizes = [2000, 128], strides = [1, 1]} : vector<2000x256xf32> to vector<2000x128xf32>
    %convert_element_type3A = arith.truncf %slice3A : vector<2000x128xf32> to vector<2000x128xbf16>
    %bitcast_convert_type3A = tpu.bitcast %convert_element_type3A : vector<2000x128xbf16> -> vector<2000x128xi16>
    %convert_element_type3A_7 = arith.truncf %slice3A_6 : vector<2000x128xf32> to vector<2000x128xbf16>
    %bitcast_convert_type3A_8 = tpu.bitcast %convert_element_type3A_7 : vector<2000x128xbf16> -> vector<2000x128xi16>
    %convert_element_type3A_9 = arith.extui %bitcast_convert_type3A : vector<2000x128xi16> to vector<2000x128xi32>
    %convert_element_type3A_10 = arith.extui %bitcast_convert_type3A_8 : vector<2000x128xi16> to vector<2000x128xi32>
    %shift_left3A = arith.constant 16 : i32
    %shift_left3A_11 = vector.broadcast %shift_left3A : i32 to vector<2000x128xi32>
    %shift_left3A_12 = arith.shli %convert_element_type3A_10, %shift_left3A_11 : vector<2000x128xi32>
    %or3A = arith.ori %convert_element_type3A_9, %shift_left3A_12 : vector<2000x128xi32>
    %swap3A = arith.constant 0 : index
    %swap3A_13 = arith.constant 0 : index
    %swap3A_14 = vector.load %arg3[%swap3A, %swap3A_13] : memref<2000x128xi32, #tpu.memory_space<vmem>>, vector<2000x128xi32>
    tpu.vector_store %arg3[%swap3A, %swap3A_13], %or3A {strides = array<i32>} : memref<2000x128xi32, #tpu.memory_space<vmem>>, vector<2000x128xi32>,
    return
  }
  func.func @transform_0(%arg0: i32) -> (i32, i32) {
    %c0_i32 = arith.constant 0 : i32
    %c0_i32_0 = arith.constant 0 : i32
    return %arg0, %c0_i32 : i32, i32
  }
  func.func @transform_1(%arg0: i32) -> (i32, i32) {
    %c0_i32 = arith.constant 0 : i32
    %c0_i32_0 = arith.constant 0 : i32
    %c0_i32_1 = arith.constant 0 : i32
    return %c0_i32, %c0_i32_0 : i32, i32
  }
  func.func @transform_2(%arg0: i32) -> (i32, i32) {
    %c0_i32 = arith.constant 0 : i32
    %c0_i32_0 = arith.constant 0 : i32
    return %arg0, %c0_i32 : i32, i32
  }
}

module attributes {stable_mosaic.version = 14 : i64} {
  func.func @body(%arg0: i32, %arg1: memref<8000x128xi32, #tpu.memory_space<vmem>>, %arg2: memref<8000x128xi32, #tpu.memory_space<vmem>>, %arg3: memref<256x128xf32, #tpu.memory_space<vmem>>, %arg4: memref<1x128xf32, #tpu.memory_space<vmem>>, %arg5: memref<8000x128xf32, #tpu.memory_space<vmem>>, %arg6: memref<8x128xf32, #tpu.memory_space<vmem>>) attributes {dimension_semantics = [#tpu.dimension_semantics<arbitrary>], iteration_bounds = array<i64: 40>, scalar_prefetch = 0 : i64, scratch_operands = 0 : i64, tpu.core_type = #tpu.core_type<tc>, window_params = [{transform_indices = @transform_0, window_bounds = array<i64: 8000, 128>}, {transform_indices = @transform_1, window_bounds = array<i64: 8000, 128>}, {pipeline_mode = #tpu.pipeline_mode<synchronous>, transform_indices = @transform_2, window_bounds = array<i64: 256, 128>}, {pipeline_mode = #tpu.pipeline_mode<synchronous>, transform_indices = @transform_3, window_bounds = array<i64: 1, 128>}, {transform_indices = @transform_4, window_bounds = array<i64: 8000, 128>}, {pipeline_mode = #tpu.pipeline_mode<synchronous>, transform_indices = @transform_5, window_bounds = array<i64: 8, 128>}]} {
    %get3A = arith.constant 0 : index
    %get3A_0 = arith.constant 0 : index
    %get3A_1 = vector.load %arg1[%get3A, %get3A_0] : memref<8000x128xi32, #tpu.memory_space<vmem>>, vector<8000x128xi32>
    %and3A = arith.constant 65535 : i32
    %and3A_2 = vector.broadcast %and3A : i32 to vector<8000x128xi32>
    %and3A_3 = arith.andi %get3A_1, %and3A_2 : vector<8000x128xi32>
    %convert_element_type3A = arith.trunci %and3A_3 : vector<8000x128xi32> to vector<8000x128xi16>
    %bitcast_convert_type3A = tpu.bitcast %convert_element_type3A : vector<8000x128xi16> -> vector<8000x128xbf16>
    %shift_right_logical3A = arith.constant 16 : i32
    %shift_right_logical3A_4 = vector.broadcast %shift_right_logical3A : i32 to vector<8000x128xi32>
    %shift_right_logical3A_5 = arith.shrui %get3A_1, %shift_right_logical3A_4 : vector<8000x128xi32>
    %convert_element_type3A_6 = arith.trunci %shift_right_logical3A_5 : vector<8000x128xi32> to vector<8000x128xi16>
    %bitcast_convert_type3A_7 = tpu.bitcast %convert_element_type3A_6 : vector<8000x128xi16> -> vector<8000x128xbf16>
    %get3A_8 = arith.constant 0 : index
    %get3A_9 = arith.constant 0 : index
    %get3A_10 = vector.load %arg2[%get3A_8, %get3A_9] : memref<8000x128xi32, #tpu.memory_space<vmem>>, vector<8000x128xi32>
    %and3A_11 = arith.constant 65535 : i32
    %and3A_12 = vector.broadcast %and3A_11 : i32 to vector<8000x128xi32>
    %and3A_13 = arith.andi %get3A_10, %and3A_12 : vector<8000x128xi32>
    %convert_element_type3A_14 = arith.trunci %and3A_13 : vector<8000x128xi32> to vector<8000x128xi16>
    %bitcast_convert_type3A_15 = tpu.bitcast %convert_element_type3A_14 : vector<8000x128xi16> -> vector<8000x128xbf16>
    %shift_right_logical3A_16 = arith.constant 16 : i32
    %shift_right_logical3A_17 = vector.broadcast %shift_right_logical3A_16 : i32 to vector<8000x128xi32>
    %shift_right_logical3A_18 = arith.shrui %get3A_10, %shift_right_logical3A_17 : vector<8000x128xi32>
    %convert_element_type3A_19 = arith.trunci %shift_right_logical3A_18 : vector<8000x128xi32> to vector<8000x128xi16>
    %bitcast_convert_type3A_20 = tpu.bitcast %convert_element_type3A_19 : vector<8000x128xi16> -> vector<8000x128xbf16>
    %sub3A = arith.subf %bitcast_convert_type3A, %bitcast_convert_type3A_15 : vector<8000x128xbf16>
    %abs3A = math.absf %sub3A : vector<8000x128xbf16>
    %sub3A_21 = arith.subf %bitcast_convert_type3A_7, %bitcast_convert_type3A_20 : vector<8000x128xbf16>
    %abs3A_22 = math.absf %sub3A_21 : vector<8000x128xbf16>
    %get3A_23 = arith.constant 0 : index
    %get3A_24 = arith.constant 0 : index
    %get3A_25 = vector.load %arg3[%get3A_23, %get3A_24] : memref<256x128xf32, #tpu.memory_space<vmem>>, vector<256x128xf32>
    %convert_element_type3A_26 = arith.truncf %get3A_25 : vector<256x128xf32> to vector<256x128xbf16>
    %slice3A = vector.extract_strided_slice %convert_element_type3A_26 {offsets = [0, 0], sizes = [128, 128], strides = [1, 1]} : vector<256x128xbf16> to vector<128x128xbf16>
    %dot_general3A = arith.constant dense<0.000000e+00> : vector<8000x128xf32>
    %dot_general3A_27 = tpu.matmul %abs3A, %slice3A, %dot_general3A {dimension_numbers = #tpu.dot_dimension_numbers<[1], [0], [0], [1], [0, 0, 1, 1], [], []>, transpose_lhs_hint = false} : vector<8000x128xbf16>, vector<128x128xbf16>, vector<8000x128xf32> -> vector<8000x128xf32>
    %slice3A_28 = vector.extract_strided_slice %convert_element_type3A_26 {offsets = [128, 0], sizes = [128, 128], strides = [1, 1]} : vector<256x128xbf16> to vector<128x128xbf16>
    %dot_general3A_29 = arith.constant dense<0.000000e+00> : vector<8000x128xf32>
    %dot_general3A_30 = tpu.matmul %abs3A_22, %slice3A_28, %dot_general3A_29 {dimension_numbers = #tpu.dot_dimension_numbers<[1], [0], [0], [1], [0, 0, 1, 1], [], []>, transpose_lhs_hint = false} : vector<8000x128xbf16>, vector<128x128xbf16>, vector<8000x128xf32> -> vector<8000x128xf32>
    %add3A = arith.addf %dot_general3A_27, %dot_general3A_30 : vector<8000x128xf32>
    %get3A_31 = arith.constant 0 : index
    %get3A_32 = arith.constant 0 : index
    %get3A_33 = vector.load %arg4[%get3A_31, %get3A_32] : memref<1x128xf32, #tpu.memory_space<vmem>>, vector<1x128xf32>
    %add3A_34 = vector.broadcast %get3A_33 : vector<1x128xf32> to vector<8000x128xf32>
    %add3A_35 = arith.addf %add3A, %add3A_34 : vector<8000x128xf32>
    %swap3A = arith.constant 0 : index
    %swap3A_36 = arith.constant 0 : index
    %swap3A_37 = vector.load %arg5[%swap3A, %swap3A_36] : memref<8000x128xf32, #tpu.memory_space<vmem>>, vector<8000x128xf32>
    tpu.vector_store %arg5[%swap3A, %swap3A_36], %add3A_35 {strides = array<i32>} : memref<8000x128xf32, #tpu.memory_space<vmem>>, vector<8000x128xf32>,
    %eq3A = arith.constant 0 : i32
    %eq3A_38 = arith.cmpi eq, %arg0, %eq3A : i32
    %convert_element_type3A_39 = arith.extui %eq3A_38 : i1 to i32
    %cond3A = arith.constant 0 : i32
    %cond3A_40 = arith.cmpi ne, %convert_element_type3A_39, %cond3A : i32
    scf.if %cond3A_40 {
      %broadcast_in_dim3A_59 = arith.constant 0.000000e+00 : f32
      %broadcast_in_dim3A_60 = vector.broadcast %broadcast_in_dim3A_59 : f32 to vector<8x128xf32>
      %swap3A_61 = arith.constant 0 : index
      %swap3A_62 = arith.constant 0 : index
      %swap3A_63 = vector.load %arg6[%swap3A_61, %swap3A_62] : memref<8x128xf32, #tpu.memory_space<vmem>>, vector<8x128xf32>
      tpu.vector_store %arg6[%swap3A_61, %swap3A_62], %broadcast_in_dim3A_60 {strides = array<i32>} : memref<8x128xf32, #tpu.memory_space<vmem>>, vector<8x128xf32>,
    } else {
    }
    %get3A_41 = arith.constant 0 : index
    %get3A_42 = arith.constant 0 : index
    %get3A_43 = vector.load %arg6[%get3A_41, %get3A_42] : memref<8x128xf32, #tpu.memory_space<vmem>>, vector<1x128xf32>
    %reduce_sum3A = arith.constant dense<0.000000e+00> : vector<128xf32>
    %reduce_sum3A_44 = vector.multi_reduction <add>, %add3A_35, %reduce_sum3A [0] : vector<8000x128xf32> to vector<128xf32>
    %broadcast_in_dim3A = vector.shape_cast %reduce_sum3A_44 : vector<128xf32> to vector<1x128xf32>
    %add3A_45 = arith.addf %get3A_43, %broadcast_in_dim3A : vector<1x128xf32>
    %swap3A_46 = arith.constant 0 : index
    %swap3A_47 = arith.constant 0 : index
    %swap3A_48 = vector.load %arg6[%swap3A_46, %swap3A_47] : memref<8x128xf32, #tpu.memory_space<vmem>>, vector<1x128xf32>
    tpu.vector_store %arg6[%swap3A_46, %swap3A_47], %add3A_45 {strides = array<i32>} : memref<8x128xf32, #tpu.memory_space<vmem>>, vector<1x128xf32>,
    %get3A_49 = arith.constant 1 : index
    %get3A_50 = arith.constant 0 : index
    %get3A_51 = vector.load %arg6[%get3A_49, %get3A_50] : memref<8x128xf32, #tpu.memory_space<vmem>>, vector<1x128xf32>
    %mul3A = arith.mulf %add3A_35, %add3A_35 : vector<8000x128xf32>
    %reduce_sum3A_52 = arith.constant dense<0.000000e+00> : vector<128xf32>
    %reduce_sum3A_53 = vector.multi_reduction <add>, %mul3A, %reduce_sum3A_52 [0] : vector<8000x128xf32> to vector<128xf32>
    %broadcast_in_dim3A_54 = vector.shape_cast %reduce_sum3A_53 : vector<128xf32> to vector<1x128xf32>
    %add3A_55 = arith.addf %get3A_51, %broadcast_in_dim3A_54 : vector<1x128xf32>
    %swap3A_56 = arith.constant 1 : index
    %swap3A_57 = arith.constant 0 : index
    %swap3A_58 = vector.load %arg6[%swap3A_56, %swap3A_57] : memref<8x128xf32, #tpu.memory_space<vmem>>, vector<1x128xf32>
    tpu.vector_store %arg6[%swap3A_56, %swap3A_57], %add3A_55 {strides = array<i32>} : memref<8x128xf32, #tpu.memory_space<vmem>>, vector<1x128xf32>,
    return
  }
  func.func @transform_0(%arg0: i32) -> (i32, i32) {
    %c0_i32 = arith.constant 0 : i32
    %c0_i32_0 = arith.constant 0 : i32
    return %arg0, %c0_i32 : i32, i32
  }
  func.func @transform_1(%arg0: i32) -> (i32, i32) {
    %c0_i32 = arith.constant 0 : i32
    %c0_i32_0 = arith.constant 0 : i32
    return %arg0, %c0_i32 : i32, i32
  }
  func.func @transform_2(%arg0: i32) -> (i32, i32) {
    %c0_i32 = arith.constant 0 : i32
    %c0_i32_0 = arith.constant 0 : i32
    %c0_i32_1 = arith.constant 0 : i32
    return %c0_i32, %c0_i32_0 : i32, i32
  }
  func.func @transform_3(%arg0: i32) -> (i32, i32) {
    %c0_i32 = arith.constant 0 : i32
    %c0_i32_0 = arith.constant 0 : i32
    %c0_i32_1 = arith.constant 0 : i32
    return %c0_i32, %c0_i32_0 : i32, i32
  }
  func.func @transform_4(%arg0: i32) -> (i32, i32) {
    %c0_i32 = arith.constant 0 : i32
    %c0_i32_0 = arith.constant 0 : i32
    return %arg0, %c0_i32 : i32, i32
  }
  func.func @transform_5(%arg0: i32) -> (i32, i32) {
    %c0_i32 = arith.constant 0 : i32
    %c0_i32_0 = arith.constant 0 : i32
    %c0_i32_1 = arith.constant 0 : i32
    return %c0_i32, %c0_i32_0 : i32, i32
  }
}

module attributes {stable_mosaic.version = 14 : i64} {
  func.func @body(%arg0: i32, %arg1: memref<8000x128xf32, #tpu.memory_space<vmem>>, %arg2: memref<128x64xf32, #tpu.memory_space<vmem>>, %arg3: memref<1x64xf32, #tpu.memory_space<vmem>>, %arg4: memref<1x128xf32, #tpu.memory_space<vmem>>, %arg5: memref<1x128xf32, #tpu.memory_space<vmem>>, %arg6: memref<8000x64xf32, #tpu.memory_space<vmem>>, %arg7: memref<8x64xf32, #tpu.memory_space<vmem>>) attributes {dimension_semantics = [#tpu.dimension_semantics<arbitrary>], iteration_bounds = array<i64: 40>, scalar_prefetch = 0 : i64, scratch_operands = 0 : i64, tpu.core_type = #tpu.core_type<tc>, window_params = [{transform_indices = @transform_0, window_bounds = array<i64: 8000, 128>}, {pipeline_mode = #tpu.pipeline_mode<synchronous>, transform_indices = @transform_1, window_bounds = array<i64: 128, 64>}, {pipeline_mode = #tpu.pipeline_mode<synchronous>, transform_indices = @transform_2, window_bounds = array<i64: 1, 64>}, {pipeline_mode = #tpu.pipeline_mode<synchronous>, transform_indices = @transform_3, window_bounds = array<i64: 1, 128>}, {pipeline_mode = #tpu.pipeline_mode<synchronous>, transform_indices = @transform_4, window_bounds = array<i64: 1, 128>}, {transform_indices = @transform_5, window_bounds = array<i64: 8000, 64>}, {pipeline_mode = #tpu.pipeline_mode<synchronous>, transform_indices = @transform_6, window_bounds = array<i64: 8, 64>}]} {
    %get3A = arith.constant 0 : index
    %get3A_0 = arith.constant 0 : index
    %get3A_1 = vector.load %arg1[%get3A, %get3A_0] : memref<8000x128xf32, #tpu.memory_space<vmem>>, vector<8000x128xf32>
    %get3A_2 = arith.constant 0 : index
    %get3A_3 = arith.constant 0 : index
    %get3A_4 = vector.load %arg4[%get3A_2, %get3A_3] : memref<1x128xf32, #tpu.memory_space<vmem>>, vector<1x128xf32>
    %mul3A = vector.broadcast %get3A_4 : vector<1x128xf32> to vector<8000x128xf32>
    %mul3A_5 = arith.mulf %get3A_1, %mul3A : vector<8000x128xf32>
    %get3A_6 = arith.constant 0 : index
    %get3A_7 = arith.constant 0 : index
    %get3A_8 = vector.load %arg5[%get3A_6, %get3A_7] : memref<1x128xf32, #tpu.memory_space<vmem>>, vector<1x128xf32>
    %add3A = vector.broadcast %get3A_8 : vector<1x128xf32> to vector<8000x128xf32>
    %add3A_9 = arith.addf %mul3A_5, %add3A : vector<8000x128xf32>
    %ge3A = arith.constant 0.000000e+00 : f32
    %ge3A_10 = vector.broadcast %ge3A : f32 to vector<8000x128xf32>
    %ge3A_11 = arith.cmpf oge, %add3A_9, %ge3A_10 : vector<8000x128xf32>
    %mul3A_12 = arith.constant 2.000000e-01 : f32
    %mul3A_13 = vector.broadcast %mul3A_12 : f32 to vector<8000x128xf32>
    %mul3A_14 = arith.mulf %mul3A_13, %add3A_9 : vector<8000x128xf32>
    %select_n3A = arith.select %ge3A_11, %add3A_9, %mul3A_14 : vector<8000x128xi1>, vector<8000x128xf32>
    %get3A_15 = arith.constant 0 : index
    %get3A_16 = arith.constant 0 : index
    %get3A_17 = vector.load %arg2[%get3A_15, %get3A_16] : memref<128x64xf32, #tpu.memory_space<vmem>>, vector<128x64xf32>
    %dot_general3A = arith.constant dense<0.000000e+00> : vector<8000x64xf32>
    %dot_general3A_18 = tpu.matmul %select_n3A, %get3A_17, %dot_general3A {dimension_numbers = #tpu.dot_dimension_numbers<[1], [0], [0], [1], [0, 0, 1, 1], [], []>, transpose_lhs_hint = false} : vector<8000x128xf32>, vector<128x64xf32>, vector<8000x64xf32> -> vector<8000x64xf32>
    %get3A_19 = arith.constant 0 : index
    %get3A_20 = arith.constant 0 : index
    %get3A_21 = vector.load %arg3[%get3A_19, %get3A_20] : memref<1x64xf32, #tpu.memory_space<vmem>>, vector<1x64xf32>
    %add3A_22 = vector.broadcast %get3A_21 : vector<1x64xf32> to vector<8000x64xf32>
    %add3A_23 = arith.addf %dot_general3A_18, %add3A_22 : vector<8000x64xf32>
    %swap3A = arith.constant 0 : index
    %swap3A_24 = arith.constant 0 : index
    %swap3A_25 = vector.load %arg6[%swap3A, %swap3A_24] : memref<8000x64xf32, #tpu.memory_space<vmem>>, vector<8000x64xf32>
    tpu.vector_store %arg6[%swap3A, %swap3A_24], %add3A_23 {strides = array<i32>} : memref<8000x64xf32, #tpu.memory_space<vmem>>, vector<8000x64xf32>,
    %eq3A = arith.constant 0 : i32
    %eq3A_26 = arith.cmpi eq, %arg0, %eq3A : i32
    %convert_element_type3A = arith.extui %eq3A_26 : i1 to i32
    %cond3A = arith.constant 0 : i32
    %cond3A_27 = arith.cmpi ne, %convert_element_type3A, %cond3A : i32
    scf.if %cond3A_27 {
      %broadcast_in_dim3A_47 = arith.constant 0.000000e+00 : f32
      %broadcast_in_dim3A_48 = vector.broadcast %broadcast_in_dim3A_47 : f32 to vector<8x64xf32>
      %swap3A_49 = arith.constant 0 : index
      %swap3A_50 = arith.constant 0 : index
      %swap3A_51 = vector.load %arg7[%swap3A_49, %swap3A_50] : memref<8x64xf32, #tpu.memory_space<vmem>>, vector<8x64xf32>
      tpu.vector_store %arg7[%swap3A_49, %swap3A_50], %broadcast_in_dim3A_48 {strides = array<i32>} : memref<8x64xf32, #tpu.memory_space<vmem>>, vector<8x64xf32>,
    } else {
    }
    %get3A_28 = arith.constant 0 : index
    %get3A_29 = arith.constant 0 : index
    %get3A_30 = vector.load %arg7[%get3A_28, %get3A_29] : memref<8x64xf32, #tpu.memory_space<vmem>>, vector<1x64xf32>
    %reduce_sum3A = arith.constant dense<0.000000e+00> : vector<64xf32>
    %reduce_sum3A_31 = vector.multi_reduction <add>, %add3A_23, %reduce_sum3A [0] : vector<8000x64xf32> to vector<64xf32>
    %broadcast_in_dim3A = vector.shape_cast %reduce_sum3A_31 : vector<64xf32> to vector<1x64xf32>
    %add3A_32 = arith.addf %get3A_30, %broadcast_in_dim3A : vector<1x64xf32>
    %swap3A_33 = arith.constant 0 : index
    %swap3A_34 = arith.constant 0 : index
    %swap3A_35 = vector.load %arg7[%swap3A_33, %swap3A_34] : memref<8x64xf32, #tpu.memory_space<vmem>>, vector<1x64xf32>
    tpu.vector_store %arg7[%swap3A_33, %swap3A_34], %add3A_32 {strides = array<i32>} : memref<8x64xf32, #tpu.memory_space<vmem>>, vector<1x64xf32>,
    %get3A_36 = arith.constant 1 : index
    %get3A_37 = arith.constant 0 : index
    %get3A_38 = vector.load %arg7[%get3A_36, %get3A_37] : memref<8x64xf32, #tpu.memory_space<vmem>>, vector<1x64xf32>
    %mul3A_39 = arith.mulf %add3A_23, %add3A_23 : vector<8000x64xf32>
    %reduce_sum3A_40 = arith.constant dense<0.000000e+00> : vector<64xf32>
    %reduce_sum3A_41 = vector.multi_reduction <add>, %mul3A_39, %reduce_sum3A_40 [0] : vector<8000x64xf32> to vector<64xf32>
    %broadcast_in_dim3A_42 = vector.shape_cast %reduce_sum3A_41 : vector<64xf32> to vector<1x64xf32>
    %add3A_43 = arith.addf %get3A_38, %broadcast_in_dim3A_42 : vector<1x64xf32>
    %swap3A_44 = arith.constant 1 : index
    %swap3A_45 = arith.constant 0 : index
    %swap3A_46 = vector.load %arg7[%swap3A_44, %swap3A_45] : memref<8x64xf32, #tpu.memory_space<vmem>>, vector<1x64xf32>
    tpu.vector_store %arg7[%swap3A_44, %swap3A_45], %add3A_43 {strides = array<i32>} : memref<8x64xf32, #tpu.memory_space<vmem>>, vector<1x64xf32>,
    return
  }
  func.func @transform_0(%arg0: i32) -> (i32, i32) {
    %c0_i32 = arith.constant 0 : i32
    %c0_i32_0 = arith.constant 0 : i32
    return %arg0, %c0_i32 : i32, i32
  }
  func.func @transform_1(%arg0: i32) -> (i32, i32) {
    %c0_i32 = arith.constant 0 : i32
    %c0_i32_0 = arith.constant 0 : i32
    %c0_i32_1 = arith.constant 0 : i32
    return %c0_i32, %c0_i32_0 : i32, i32
  }
  func.func @transform_2(%arg0: i32) -> (i32, i32) {
    %c0_i32 = arith.constant 0 : i32
    %c0_i32_0 = arith.constant 0 : i32
    %c0_i32_1 = arith.constant 0 : i32
    return %c0_i32, %c0_i32_0 : i32, i32
  }
  func.func @transform_3(%arg0: i32) -> (i32, i32) {
    %c0_i32 = arith.constant 0 : i32
    %c0_i32_0 = arith.constant 0 : i32
    %c0_i32_1 = arith.constant 0 : i32
    return %c0_i32, %c0_i32_0 : i32, i32
  }
  func.func @transform_4(%arg0: i32) -> (i32, i32) {
    %c0_i32 = arith.constant 0 : i32
    %c0_i32_0 = arith.constant 0 : i32
    %c0_i32_1 = arith.constant 0 : i32
    return %c0_i32, %c0_i32_0 : i32, i32
  }
  func.func @transform_5(%arg0: i32) -> (i32, i32) {
    %c0_i32 = arith.constant 0 : i32
    %c0_i32_0 = arith.constant 0 : i32
    return %arg0, %c0_i32 : i32, i32
  }
  func.func @transform_6(%arg0: i32) -> (i32, i32) {
    %c0_i32 = arith.constant 0 : i32
    %c0_i32_0 = arith.constant 0 : i32
    %c0_i32_1 = arith.constant 0 : i32
    return %c0_i32, %c0_i32_0 : i32, i32
  }
}

module attributes {stable_mosaic.version = 14 : i64} {
  func.func @body(%arg0: i32, %arg1: memref<4000x64xf32, #tpu.memory_space<vmem>>, %arg2: memref<1x64xf32, #tpu.memory_space<vmem>>, %arg3: memref<1x64xf32, #tpu.memory_space<vmem>>, %arg4: memref<64x128xf32, #tpu.memory_space<vmem>>, %arg5: memref<1x1xf32, #tpu.memory_space<vmem>>, %arg6: memref<4000x1xi32, #tpu.memory_space<vmem>>, %arg7: memref<4000x1xi32, #tpu.memory_space<vmem>>, %arg8: memref<4000x128xi32, #tpu.memory_space<vmem>>, %arg9: memref<4000x256xf32, #tpu.memory_space<vmem>>, %arg10: memref<80x128xf32, #tpu.memory_space<vmem>>) attributes {dimension_semantics = [#tpu.dimension_semantics<arbitrary>], iteration_bounds = array<i64: 80>, scalar_prefetch = 0 : i64, scratch_operands = 0 : i64, tpu.core_type = #tpu.core_type<tc>, window_params = [{transform_indices = @transform_0, window_bounds = array<i64: 4000, 64>}, {pipeline_mode = #tpu.pipeline_mode<synchronous>, transform_indices = @transform_1, window_bounds = array<i64: 1, 64>}, {pipeline_mode = #tpu.pipeline_mode<synchronous>, transform_indices = @transform_2, window_bounds = array<i64: 1, 64>}, {pipeline_mode = #tpu.pipeline_mode<synchronous>, transform_indices = @transform_3, window_bounds = array<i64: 64, 128>}, {pipeline_mode = #tpu.pipeline_mode<synchronous>, transform_indices = @transform_4, window_bounds = array<i64: 1, 1>}, {transform_indices = @transform_5, window_bounds = array<i64: 4000, 1>}, {transform_indices = @transform_6, window_bounds = array<i64: 4000, 1>}, {transform_indices = @transform_7, window_bounds = array<i64: 4000, 128>}, {transform_indices = @transform_8, window_bounds = array<i64: 4000, 256>}, {pipeline_mode = #tpu.pipeline_mode<synchronous>, transform_indices = @transform_9, window_bounds = array<i64: 80, 128>}]} {
    %get3A = arith.constant 0 : index
    %get3A_0 = arith.constant 0 : index
    %get3A_1 = vector.load %arg1[%get3A, %get3A_0] : memref<4000x64xf32, #tpu.memory_space<vmem>>, vector<4000x64xf32>
    %get3A_2 = arith.constant 0 : index
    %get3A_3 = arith.constant 0 : index
    %get3A_4 = vector.load %arg2[%get3A_2, %get3A_3] : memref<1x64xf32, #tpu.memory_space<vmem>>, vector<1x64xf32>
    %mul3A = vector.broadcast %get3A_4 : vector<1x64xf32> to vector<4000x64xf32>
    %mul3A_5 = arith.mulf %get3A_1, %mul3A : vector<4000x64xf32>
    %get3A_6 = arith.constant 0 : index
    %get3A_7 = arith.constant 0 : index
    %get3A_8 = vector.load %arg3[%get3A_6, %get3A_7] : memref<1x64xf32, #tpu.memory_space<vmem>>, vector<1x64xf32>
    %add3A = vector.broadcast %get3A_8 : vector<1x64xf32> to vector<4000x64xf32>
    %add3A_9 = arith.addf %mul3A_5, %add3A : vector<4000x64xf32>
    %ge3A = arith.constant 0.000000e+00 : f32
    %ge3A_10 = vector.broadcast %ge3A : f32 to vector<4000x64xf32>
    %ge3A_11 = arith.cmpf oge, %add3A_9, %ge3A_10 : vector<4000x64xf32>
    %mul3A_12 = arith.constant 2.000000e-01 : f32
    %mul3A_13 = vector.broadcast %mul3A_12 : f32 to vector<4000x64xf32>
    %mul3A_14 = arith.mulf %mul3A_13, %add3A_9 : vector<4000x64xf32>
    %select_n3A = arith.select %ge3A_11, %add3A_9, %mul3A_14 : vector<4000x64xi1>, vector<4000x64xf32>
    %get3A_15 = arith.constant 0 : index
    %get3A_16 = arith.constant 0 : index
    %get3A_17 = vector.load %arg4[%get3A_15, %get3A_16] : memref<64x128xf32, #tpu.memory_space<vmem>>, vector<64x128xf32>
    %dot_general3A = arith.constant dense<0.000000e+00> : vector<4000x128xf32>
    %dot_general3A_18 = tpu.matmul %select_n3A, %get3A_17, %dot_general3A {dimension_numbers = #tpu.dot_dimension_numbers<[1], [0], [0], [1], [0, 0, 1, 1], [], []>, transpose_lhs_hint = false} : vector<4000x64xf32>, vector<64x128xf32>, vector<4000x128xf32> -> vector<4000x128xf32>
    %get3A_19 = arith.constant 0 : index
    %get3A_20 = arith.constant 0 : index
    %get3A_21 = vector.load %arg5[%get3A_19, %get3A_20] : memref<1x1xf32, #tpu.memory_space<vmem>>, vector<1x1xf32>
    %add3A_22 = vector.broadcast %get3A_21 : vector<1x1xf32> to vector<4000x128xf32>
    %add3A_23 = arith.addf %dot_general3A_18, %add3A_22 : vector<4000x128xf32>
    %ge3A_24 = arith.constant 0.000000e+00 : f32
    %ge3A_25 = vector.broadcast %ge3A_24 : f32 to vector<4000x128xf32>
    %ge3A_26 = arith.cmpf oge, %add3A_23, %ge3A_25 : vector<4000x128xf32>
    %mul3A_27 = arith.constant 2.000000e-01 : f32
    %mul3A_28 = vector.broadcast %mul3A_27 : f32 to vector<4000x128xf32>
    %mul3A_29 = arith.mulf %mul3A_28, %add3A_23 : vector<4000x128xf32>
    %select_n3A_30 = arith.select %ge3A_26, %add3A_23, %mul3A_29 : vector<4000x128xi1>, vector<4000x128xf32>
    %get3A_31 = arith.constant 0 : index
    %get3A_32 = arith.constant 0 : index
    %get3A_33 = vector.load %arg6[%get3A_31, %get3A_32] : memref<4000x1xi32, #tpu.memory_space<vmem>>, vector<4000x1xi32>
    %get3A_34 = arith.constant 0 : index
    %get3A_35 = arith.constant 0 : index
    %get3A_36 = vector.load %arg7[%get3A_34, %get3A_35] : memref<4000x1xi32, #tpu.memory_space<vmem>>, vector<4000x1xi32>
    %eq3A = arith.cmpi eq, %get3A_33, %get3A_36 : vector<4000x1xi32>
    %convert_element_type3A = arith.extui %eq3A : vector<4000x1xi1> to vector<4000x1xi32>
    %convert_element_type3A_37 = arith.sitofp %convert_element_type3A : vector<4000x1xi32> to vector<4000x1xf32>
    %neg3A = arith.constant 0.000000e+00 : f32
    %neg3A_38 = vector.broadcast %neg3A : f32 to vector<4000x128xf32>
    %neg3A_39 = arith.subf %neg3A_38, %select_n3A_30 : vector<4000x128xf32>
    %exp3A = math.exp %neg3A_39 : vector<4000x128xf32>
    %add3A_40 = vector.broadcast %convert_element_type3A_37 : vector<4000x1xf32> to vector<4000x128xf32>
    %add3A_41 = arith.addf %exp3A, %add3A_40 : vector<4000x128xf32>
    %get3A_42 = arith.constant 0 : index
    %get3A_43 = arith.constant 0 : index
    %get3A_44 = vector.load %arg8[%get3A_42, %get3A_43] : memref<4000x128xi32, #tpu.memory_space<vmem>>, vector<4000x128xi32>
    %and3A = arith.constant 65535 : i32
    %and3A_45 = vector.broadcast %and3A : i32 to vector<4000x128xi32>
    %and3A_46 = arith.andi %get3A_44, %and3A_45 : vector<4000x128xi32>
    %convert_element_type3A_47 = arith.trunci %and3A_46 : vector<4000x128xi32> to vector<4000x128xi16>
    %bitcast_convert_type3A = tpu.bitcast %convert_element_type3A_47 : vector<4000x128xi16> -> vector<4000x128xbf16>
    %shift_right_logical3A = arith.constant 16 : i32
    %shift_right_logical3A_48 = vector.broadcast %shift_right_logical3A : i32 to vector<4000x128xi32>
    %shift_right_logical3A_49 = arith.shrui %get3A_44, %shift_right_logical3A_48 : vector<4000x128xi32>
    %convert_element_type3A_50 = arith.trunci %shift_right_logical3A_49 : vector<4000x128xi32> to vector<4000x128xi16>
    %bitcast_convert_type3A_51 = tpu.bitcast %convert_element_type3A_50 : vector<4000x128xi16> -> vector<4000x128xbf16>
    %convert_element_type3A_52 = arith.extf %bitcast_convert_type3A : vector<4000x128xbf16> to vector<4000x128xf32>
    %mul3A_53 = arith.mulf %add3A_41, %convert_element_type3A_52 : vector<4000x128xf32>
    %swap3A = arith.constant 0 : index
    %swap3A_54 = arith.constant 0 : index
    %swap3A_55 = vector.load %arg9[%swap3A, %swap3A_54] : memref<4000x256xf32, #tpu.memory_space<vmem>>, vector<4000x128xf32>
    tpu.vector_store %arg9[%swap3A, %swap3A_54], %mul3A_53 {strides = array<i32>} : memref<4000x256xf32, #tpu.memory_space<vmem>>, vector<4000x128xf32>,
    %convert_element_type3A_56 = arith.extf %bitcast_convert_type3A_51 : vector<4000x128xbf16> to vector<4000x128xf32>
    %mul3A_57 = arith.mulf %add3A_41, %convert_element_type3A_56 : vector<4000x128xf32>
    %swap3A_58 = arith.constant 0 : index
    %swap3A_59 = arith.constant 128 : index
    %swap3A_60 = vector.load %arg9[%swap3A_58, %swap3A_59] : memref<4000x256xf32, #tpu.memory_space<vmem>>, vector<4000x128xf32>
    tpu.vector_store %arg9[%swap3A_58, %swap3A_59], %mul3A_57 {strides = array<i32>} : memref<4000x256xf32, #tpu.memory_space<vmem>>, vector<4000x128xf32>,
    %get3A_61 = arith.constant 0 : index
    %get3A_62 = arith.constant 0 : index
    %get3A_63 = vector.load %arg6[%get3A_61, %get3A_62] : memref<4000x1xi32, #tpu.memory_space<vmem>>, vector<4000x1xi32>
    %jit3A = arith.constant 128 : i32
    %div3A = vector.broadcast %jit3A : i32 to vector<4000x1xi32>
    %div3A_64 = arith.divsi %get3A_63, %div3A : vector<4000x1xi32>
    %sign3A = arith.constant 0 : i32
    %sign3A_65 = vector.broadcast %sign3A : i32 to vector<4000x1xi32>
    %sign3A_66 = arith.cmpi sgt, %get3A_63, %sign3A_65 : vector<4000x1xi32>
    %sign3A_67 = arith.extui %sign3A_66 : vector<4000x1xi1> to vector<4000x1xi32>
    %sign3A_68 = arith.constant 0 : i32
    %sign3A_69 = vector.broadcast %sign3A_68 : i32 to vector<4000x1xi32>
    %sign3A_70 = arith.cmpi slt, %get3A_63, %sign3A_69 : vector<4000x1xi32>
    %sign3A_71 = arith.extui %sign3A_70 : vector<4000x1xi1> to vector<4000x1xi32>
    %sign3A_72 = arith.subi %sign3A_67, %sign3A_71 : vector<4000x1xi32>
    %sign3A_73 = arith.constant 0 : i32
    %sign3A_74 = arith.cmpi sgt, %jit3A, %sign3A_73 : i32
    %sign3A_75 = arith.extui %sign3A_74 : i1 to i32
    %sign3A_76 = arith.constant 0 : i32
    %sign3A_77 = arith.cmpi slt, %jit3A, %sign3A_76 : i32
    %sign3A_78 = arith.extui %sign3A_77 : i1 to i32
    %sign3A_79 = arith.subi %sign3A_75, %sign3A_78 : i32
    %ne3A = vector.broadcast %sign3A_79 : i32 to vector<4000x1xi32>
    %ne3A_80 = arith.cmpi ne, %sign3A_72, %ne3A : vector<4000x1xi32>
    %rem3A = vector.broadcast %jit3A : i32 to vector<4000x1xi32>
    %rem3A_81 = arith.remsi %get3A_63, %rem3A : vector<4000x1xi32>
    %ne3A_82 = arith.constant 0 : i32
    %ne3A_83 = vector.broadcast %ne3A_82 : i32 to vector<4000x1xi32>
    %ne3A_84 = arith.cmpi ne, %rem3A_81, %ne3A_83 : vector<4000x1xi32>
    %and3A_85 = arith.andi %ne3A_80, %ne3A_84 : vector<4000x1xi1>
    %sub3A = arith.constant 1 : i32
    %sub3A_86 = vector.broadcast %sub3A : i32 to vector<4000x1xi32>
    %sub3A_87 = arith.subi %div3A_64, %sub3A_86 : vector<4000x1xi32>
    %select_n3A_88 = arith.select %and3A_85, %sub3A_87, %div3A_64 : vector<4000x1xi1>, vector<4000x1xi32>
    %jit3A_89 = arith.constant 128 : i32
    %eq3A_90 = arith.constant 0 : i32
    %eq3A_91 = arith.cmpi eq, %jit3A_89, %eq3A_90 : i32
    %jit3A_92 = arith.constant 1 : i32
    %select_n3A_93 = arith.select %eq3A_91, %jit3A_92, %jit3A_89 : i32
    %rem3A_94 = vector.broadcast %select_n3A_93 : i32 to vector<4000x1xi32>
    %rem3A_95 = arith.remsi %get3A_63, %rem3A_94 : vector<4000x1xi32>
    %ne3A_96 = arith.constant 0 : i32
    %ne3A_97 = vector.broadcast %ne3A_96 : i32 to vector<4000x1xi32>
    %ne3A_98 = arith.cmpi ne, %rem3A_95, %ne3A_97 : vector<4000x1xi32>
    %lt3A = arith.constant 0 : i32
    %lt3A_99 = vector.broadcast %lt3A : i32 to vector<4000x1xi32>
    %lt3A_100 = arith.cmpi slt, %rem3A_95, %lt3A_99 : vector<4000x1xi32>
    %lt3A_101 = arith.constant 0 : i32
    %lt3A_102 = arith.cmpi slt, %select_n3A_93, %lt3A_101 : i32
    %ne3A_103 = vector.broadcast %lt3A_102 : i1 to vector<4000x1xi1>
    %ne3A_104 = vector.broadcast %ne3A_103 : vector<4000x1xi1> to vector<4000x1xi1>
    %ne3A_105 = arith.xori %lt3A_100, %ne3A_104 : vector<4000x1xi1>
    %and3A_106 = arith.andi %ne3A_105, %ne3A_98 : vector<4000x1xi1>
    %add3A_107 = vector.broadcast %select_n3A_93 : i32 to vector<4000x1xi32>
    %add3A_108 = arith.addi %rem3A_95, %add3A_107 : vector<4000x1xi32>
    %select_n3A_109 = arith.select %and3A_106, %add3A_108, %rem3A_95 : vector<4000x1xi1>, vector<4000x1xi32>
    %iota3A = tpu.iota {dimensions = array<i32: 1>} : vector<1x80xi32>
    %eq3A_110 = vector.broadcast %select_n3A_88 : vector<4000x1xi32> to vector<4000x80xi32>
    %eq3A_111 = vector.broadcast %iota3A : vector<1x80xi32> to vector<4000x80xi32>
    %eq3A_112 = arith.cmpi eq, %eq3A_110, %eq3A_111 : vector<4000x80xi32>
    %convert_element_type3A_113 = arith.extui %eq3A_112 : vector<4000x80xi1> to vector<4000x80xi32>
    %convert_element_type3A_114 = arith.sitofp %convert_element_type3A_113 : vector<4000x80xi32> to vector<4000x80xf32>
    %convert_element_type3A_115 = arith.truncf %convert_element_type3A_114 : vector<4000x80xf32> to vector<4000x80xbf16>
    %iota3A_116 = tpu.iota {dimensions = array<i32: 1>} : vector<1x128xi32>
    %eq3A_117 = vector.broadcast %select_n3A_109 : vector<4000x1xi32> to vector<4000x128xi32>
    %eq3A_118 = vector.broadcast %iota3A_116 : vector<1x128xi32> to vector<4000x128xi32>
    %eq3A_119 = arith.cmpi eq, %eq3A_117, %eq3A_118 : vector<4000x128xi32>
    %convert_element_type3A_120 = arith.extui %eq3A_119 : vector<4000x128xi1> to vector<4000x128xi32>
    %convert_element_type3A_121 = arith.sitofp %convert_element_type3A_120 : vector<4000x128xi32> to vector<4000x128xf32>
    %mul3A_122 = arith.mulf %convert_element_type3A_121, %add3A_41 : vector<4000x128xf32>
    %convert_element_type3A_123 = arith.truncf %mul3A_122 : vector<4000x128xf32> to vector<4000x128xbf16>
    %dot_general3A_124 = arith.constant dense<0.000000e+00> : vector<80x128xf32>
    %dot_general3A_125 = tpu.matmul %convert_element_type3A_115, %convert_element_type3A_123, %dot_general3A_124 {dimension_numbers = #tpu.dot_dimension_numbers<[0], [0], [1], [1], [0, 1, 1, 1], [], []>, transpose_lhs_hint = false} : vector<4000x80xbf16>, vector<4000x128xbf16>, vector<80x128xf32> -> vector<80x128xf32>
    %eq3A_126 = arith.constant 0 : i32
    %eq3A_127 = arith.cmpi eq, %arg0, %eq3A_126 : i32
    %convert_element_type3A_128 = arith.extui %eq3A_127 : i1 to i32
    %cond3A = arith.constant 0 : i32
    %cond3A_129 = arith.cmpi ne, %convert_element_type3A_128, %cond3A : i32
    scf.if %cond3A_129 {
      %broadcast_in_dim3A = arith.constant 0.000000e+00 : f32
      %broadcast_in_dim3A_137 = vector.broadcast %broadcast_in_dim3A : f32 to vector<80x128xf32>
      %swap3A_138 = arith.constant 0 : index
      %swap3A_139 = arith.constant 0 : index
      %swap3A_140 = vector.load %arg10[%swap3A_138, %swap3A_139] : memref<80x128xf32, #tpu.memory_space<vmem>>, vector<80x128xf32>
      tpu.vector_store %arg10[%swap3A_138, %swap3A_139], %broadcast_in_dim3A_137 {strides = array<i32>} : memref<80x128xf32, #tpu.memory_space<vmem>>, vector<80x128xf32>,
    } else {
    }
    %get3A_130 = arith.constant 0 : index
    %get3A_131 = arith.constant 0 : index
    %get3A_132 = vector.load %arg10[%get3A_130, %get3A_131] : memref<80x128xf32, #tpu.memory_space<vmem>>, vector<80x128xf32>
    %add3A_133 = arith.addf %get3A_132, %dot_general3A_125 : vector<80x128xf32>
    %swap3A_134 = arith.constant 0 : index
    %swap3A_135 = arith.constant 0 : index
    %swap3A_136 = vector.load %arg10[%swap3A_134, %swap3A_135] : memref<80x128xf32, #tpu.memory_space<vmem>>, vector<80x128xf32>
    tpu.vector_store %arg10[%swap3A_134, %swap3A_135], %add3A_133 {strides = array<i32>} : memref<80x128xf32, #tpu.memory_space<vmem>>, vector<80x128xf32>,
    return
  }
  func.func @transform_0(%arg0: i32) -> (i32, i32) {
    %c0_i32 = arith.constant 0 : i32
    %c0_i32_0 = arith.constant 0 : i32
    return %arg0, %c0_i32 : i32, i32
  }
  func.func @transform_1(%arg0: i32) -> (i32, i32) {
    %c0_i32 = arith.constant 0 : i32
    %c0_i32_0 = arith.constant 0 : i32
    %c0_i32_1 = arith.constant 0 : i32
    return %c0_i32, %c0_i32_0 : i32, i32
  }
  func.func @transform_2(%arg0: i32) -> (i32, i32) {
    %c0_i32 = arith.constant 0 : i32
    %c0_i32_0 = arith.constant 0 : i32
    %c0_i32_1 = arith.constant 0 : i32
    return %c0_i32, %c0_i32_0 : i32, i32
  }
  func.func @transform_3(%arg0: i32) -> (i32, i32) {
    %c0_i32 = arith.constant 0 : i32
    %c0_i32_0 = arith.constant 0 : i32
    %c0_i32_1 = arith.constant 0 : i32
    return %c0_i32, %c0_i32_0 : i32, i32
  }
  func.func @transform_4(%arg0: i32) -> (i32, i32) {
    %c0_i32 = arith.constant 0 : i32
    %c0_i32_0 = arith.constant 0 : i32
    %c0_i32_1 = arith.constant 0 : i32
    return %c0_i32, %c0_i32_0 : i32, i32
  }
  func.func @transform_5(%arg0: i32) -> (i32, i32) {
    %c0_i32 = arith.constant 0 : i32
    %c0_i32_0 = arith.constant 0 : i32
    return %arg0, %c0_i32 : i32, i32
  }
  func.func @transform_6(%arg0: i32) -> (i32, i32) {
    %c0_i32 = arith.constant 0 : i32
    %c0_i32_0 = arith.constant 0 : i32
    return %arg0, %c0_i32 : i32, i32
  }
  func.func @transform_7(%arg0: i32) -> (i32, i32) {
    %c0_i32 = arith.constant 0 : i32
    %c0_i32_0 = arith.constant 0 : i32
    return %arg0, %c0_i32 : i32, i32
  }
  func.func @transform_8(%arg0: i32) -> (i32, i32) {
    %c0_i32 = arith.constant 0 : i32
    %c0_i32_0 = arith.constant 0 : i32
    return %arg0, %c0_i32 : i32, i32
  }
  func.func @transform_9(%arg0: i32) -> (i32, i32) {
    %c0_i32 = arith.constant 0 : i32
    %c0_i32_0 = arith.constant 0 : i32
    %c0_i32_1 = arith.constant 0 : i32
    return %c0_i32, %c0_i32_0 : i32, i32
  }
}

module attributes {stable_mosaic.version = 14 : i64} {
  func.func @body(%arg0: i32, %arg1: memref<2x2560x128xf32, #tpu.memory_space<vmem>>, %arg2: memref<2560x1xf32, #tpu.memory_space<vmem>>, %arg3: memref<10240x1xf32, #tpu.memory_space<vmem>>, %arg4: memref<256x128xf32, #tpu.memory_space<vmem>>, %arg5: memref<2560x128xf32, #tpu.memory_space<vmem>>) attributes {dimension_semantics = [#tpu.dimension_semantics<arbitrary>], iteration_bounds = array<i64: 4>, scalar_prefetch = 0 : i64, scratch_operands = 0 : i64, tpu.core_type = #tpu.core_type<tc>, window_params = [{transform_indices = @transform_0, window_bounds = array<i64: 2, 2560, 128>}, {transform_indices = @transform_1, window_bounds = array<i64: 2560, 1>}, {pipeline_mode = #tpu.pipeline_mode<synchronous>, transform_indices = @transform_2, window_bounds = array<i64: 10240, 1>}, {pipeline_mode = #tpu.pipeline_mode<synchronous>, transform_indices = @transform_3, window_bounds = array<i64: 256, 128>}, {transform_indices = @transform_4, window_bounds = array<i64: 2560, 128>}]} {
    %get3A = arith.constant 0 : index
    %get3A_0 = arith.constant 0 : index
    %get3A_1 = vector.load %arg2[%get3A, %get3A_0] : memref<2560x1xf32, #tpu.memory_space<vmem>>, vector<2560x1xf32>
    %get3A_2 = arith.constant 0 : index
    %get3A_3 = arith.constant 0 : index
    %get3A_4 = vector.load %arg3[%get3A_2, %get3A_3] : memref<10240x1xf32, #tpu.memory_space<vmem>>, vector<10240x1xf32>
    %ne3A = arith.constant 0.000000e+00 : f32
    %ne3A_5 = vector.broadcast %ne3A : f32 to vector<10240x1xf32>
    %ne3A_6 = arith.cmpf one, %get3A_4, %ne3A_5 : vector<10240x1xf32>
    %reduce_or3A = arith.constant 1.000000e+00 : f32
    %reduce_or3A_7 = arith.constant 0.000000e+00 : f32
    %reduce_or3A_8 = vector.broadcast %reduce_or3A : f32 to vector<10240x1xf32>
    %reduce_or3A_9 = vector.broadcast %reduce_or3A_7 : f32 to vector<10240x1xf32>
    %reduce_or3A_10 = arith.select %ne3A_6, %reduce_or3A_8, %reduce_or3A_9 : vector<10240x1xi1>, vector<10240x1xf32>
    %reduce_or3A_11 = vector.shape_cast %reduce_or3A_10 : vector<10240x1xf32> to vector<1x10240x1xf32>
    %reduce_or3A_12 = arith.constant dense<0xFF800000> : vector<1xf32>
    %reduce_or3A_13 = vector.multi_reduction <maximumf>, %reduce_or3A_11, %reduce_or3A_12 [1, 2] : vector<1x10240x1xf32> to vector<1xf32>
    %reduce_or3A_14 = vector.shape_cast %reduce_or3A_13 : vector<1xf32> to vector<1x1x1xf32>
    %reduce_or3A_15 = vector.extract %reduce_or3A_14[0, 0, 0] : f32 from vector<1x1x1xf32>
    %reduce_or3A_16 = arith.constant 0.000000e+00 : f32
    %reduce_or3A_17 = arith.cmpf ogt, %reduce_or3A_15, %reduce_or3A_16 : f32
    %ne3A_18 = arith.constant 0.000000e+00 : f32
    %ne3A_19 = vector.broadcast %ne3A_18 : f32 to vector<2560x1xf32>
    %ne3A_20 = arith.cmpf one, %get3A_1, %ne3A_19 : vector<2560x1xf32>
    %jit3A = arith.constant 0.000000e+00 : f32
    %jit3A_21 = arith.constant 1.000000e+00 : f32
    %broadcast_in_dim3A = vector.broadcast %jit3A : f32 to vector<2560x1xf32>
    %broadcast_in_dim3A_22 = vector.broadcast %jit3A_21 : f32 to vector<2560x1xf32>
    %select_n3A = arith.select %ne3A_20, %broadcast_in_dim3A, %broadcast_in_dim3A_22 : vector<2560x1xi1>, vector<2560x1xf32>
    %iota3A = tpu.iota {dimensions = array<i32: 0>} : vector<2560x1xi32>
    %mul3A = arith.constant 2560 : i32
    %mul3A_23 = arith.muli %arg0, %mul3A : i32
    %add3A = vector.broadcast %mul3A_23 : i32 to vector<2560x1xi32>
    %add3A_24 = arith.addi %iota3A, %add3A : vector<2560x1xi32>
    %eq3A = arith.constant 0 : i32
    %eq3A_25 = vector.broadcast %eq3A : i32 to vector<2560x1xi32>
    %eq3A_26 = arith.cmpi eq, %add3A_24, %eq3A_25 : vector<2560x1xi32>
    %and3A = vector.broadcast %reduce_or3A_17 : i1 to vector<2560x1xi1>
    %and3A_27 = arith.andi %eq3A_26, %and3A : vector<2560x1xi1>
    %jit3A_28 = arith.constant 0.000000e+00 : f32
    %broadcast_in_dim3A_29 = vector.broadcast %jit3A_28 : f32 to vector<2560x1xf32>
    %select_n3A_30 = arith.select %and3A_27, %broadcast_in_dim3A_29, %select_n3A : vector<2560x1xi1>, vector<2560x1xf32>
    %add3A_31 = arith.addf %get3A_1, %select_n3A_30 : vector<2560x1xf32>
    %get3A_32 = arith.constant 0 : index
    %get3A_33 = arith.constant 0 : index
    %get3A_34 = arith.constant 0 : index
    %get3A_35 = vector.load %arg1[%get3A_32, %get3A_33, %get3A_34] : memref<2x2560x128xf32, #tpu.memory_space<vmem>>, vector<1x2560x128xf32>
    %get3A_36 = vector.shape_cast %get3A_35 : vector<1x2560x128xf32> to vector<2560x128xf32>
    %div3A = vector.broadcast %add3A_31 : vector<2560x1xf32> to vector<2560x128xf32>
    %div3A_37 = arith.divf %get3A_36, %div3A : vector<2560x128xf32>
    %get3A_38 = arith.constant 1 : index
    %get3A_39 = arith.constant 0 : index
    %get3A_40 = arith.constant 0 : index
    %get3A_41 = vector.load %arg1[%get3A_38, %get3A_39, %get3A_40] : memref<2x2560x128xf32, #tpu.memory_space<vmem>>, vector<1x2560x128xf32>
    %get3A_42 = vector.shape_cast %get3A_41 : vector<1x2560x128xf32> to vector<2560x128xf32>
    %div3A_43 = vector.broadcast %add3A_31 : vector<2560x1xf32> to vector<2560x128xf32>
    %div3A_44 = arith.divf %get3A_42, %div3A_43 : vector<2560x128xf32>
    %concatenate3A = tpu.concatenate %div3A_37, %div3A_44 in 1 : vector<2560x128xf32>, vector<2560x128xf32> -> vector<2560x256xf32>
    %ge3A = arith.constant 0.000000e+00 : f32
    %ge3A_45 = vector.broadcast %ge3A : f32 to vector<2560x256xf32>
    %ge3A_46 = arith.cmpf oge, %concatenate3A, %ge3A_45 : vector<2560x256xf32>
    %mul3A_47 = arith.constant 2.000000e-01 : f32
    %mul3A_48 = vector.broadcast %mul3A_47 : f32 to vector<2560x256xf32>
    %mul3A_49 = arith.mulf %mul3A_48, %concatenate3A : vector<2560x256xf32>
    %select_n3A_50 = arith.select %ge3A_46, %concatenate3A, %mul3A_49 : vector<2560x256xi1>, vector<2560x256xf32>
    %get3A_51 = arith.constant 0 : index
    %get3A_52 = arith.constant 0 : index
    %get3A_53 = vector.load %arg4[%get3A_51, %get3A_52] : memref<256x128xf32, #tpu.memory_space<vmem>>, vector<256x128xf32>
    %dot_general3A = arith.constant dense<0.000000e+00> : vector<2560x128xf32>
    %dot_general3A_54 = tpu.matmul %select_n3A_50, %get3A_53, %dot_general3A {dimension_numbers = #tpu.dot_dimension_numbers<[1], [0], [0], [1], [0, 0, 1, 1], [], []>, transpose_lhs_hint = false} : vector<2560x256xf32>, vector<256x128xf32>, vector<2560x128xf32> -> vector<2560x128xf32>
    %swap3A = arith.constant 0 : index
    %swap3A_55 = arith.constant 0 : index
    %swap3A_56 = vector.load %arg5[%swap3A, %swap3A_55] : memref<2560x128xf32, #tpu.memory_space<vmem>>, vector<2560x128xf32>
    tpu.vector_store %arg5[%swap3A, %swap3A_55], %dot_general3A_54 {strides = array<i32>} : memref<2560x128xf32, #tpu.memory_space<vmem>>, vector<2560x128xf32>,
    return
  }
  func.func @transform_0(%arg0: i32) -> (i32, i32, i32) {
    %c0_i32 = arith.constant 0 : i32
    %c0_i32_0 = arith.constant 0 : i32
    %c0_i32_1 = arith.constant 0 : i32
    return %c0_i32, %arg0, %c0_i32_0 : i32, i32, i32
  }
  func.func @transform_1(%arg0: i32) -> (i32, i32) {
    %c0_i32 = arith.constant 0 : i32
    %c0_i32_0 = arith.constant 0 : i32
    return %arg0, %c0_i32 : i32, i32
  }
  func.func @transform_2(%arg0: i32) -> (i32, i32) {
    %c0_i32 = arith.constant 0 : i32
    %c0_i32_0 = arith.constant 0 : i32
    %c0_i32_1 = arith.constant 0 : i32
    return %c0_i32, %c0_i32_0 : i32, i32
  }
  func.func @transform_3(%arg0: i32) -> (i32, i32) {
    %c0_i32 = arith.constant 0 : i32
    %c0_i32_0 = arith.constant 0 : i32
    %c0_i32_1 = arith.constant 0 : i32
    return %c0_i32, %c0_i32_0 : i32, i32
  }
  func.func @transform_4(%arg0: i32) -> (i32, i32) {
    %c0_i32 = arith.constant 0 : i32
    %c0_i32_0 = arith.constant 0 : i32
    return %arg0, %c0_i32 : i32, i32
  }
}

module attributes {stable_mosaic.version = 14 : i64} {
  func.func @body(%arg0: i32, %arg1: memref<8000x128xf32, #tpu.memory_space<vmem>>, %arg2: memref<8000x128xf32, #tpu.memory_space<vmem>>, %arg3: memref<128x64xf32, #tpu.memory_space<vmem>>, %arg4: memref<1x64xf32, #tpu.memory_space<vmem>>, %arg5: memref<8000x64xf32, #tpu.memory_space<vmem>>, %arg6: memref<8x64xf32, #tpu.memory_space<vmem>>) attributes {dimension_semantics = [#tpu.dimension_semantics<arbitrary>], iteration_bounds = array<i64: 40>, scalar_prefetch = 0 : i64, scratch_operands = 0 : i64, tpu.core_type = #tpu.core_type<tc>, window_params = [{transform_indices = @transform_0, window_bounds = array<i64: 8000, 128>}, {transform_indices = @transform_1, window_bounds = array<i64: 8000, 128>}, {pipeline_mode = #tpu.pipeline_mode<synchronous>, transform_indices = @transform_2, window_bounds = array<i64: 128, 64>}, {pipeline_mode = #tpu.pipeline_mode<synchronous>, transform_indices = @transform_3, window_bounds = array<i64: 1, 64>}, {transform_indices = @transform_4, window_bounds = array<i64: 8000, 64>}, {pipeline_mode = #tpu.pipeline_mode<synchronous>, transform_indices = @transform_5, window_bounds = array<i64: 8, 64>}]} {
    %get3A = arith.constant 0 : index
    %get3A_0 = arith.constant 0 : index
    %get3A_1 = vector.load %arg1[%get3A, %get3A_0] : memref<8000x128xf32, #tpu.memory_space<vmem>>, vector<8000x128xf32>
    %get3A_2 = arith.constant 0 : index
    %get3A_3 = arith.constant 0 : index
    %get3A_4 = vector.load %arg2[%get3A_2, %get3A_3] : memref<8000x128xf32, #tpu.memory_space<vmem>>, vector<8000x128xf32>
    %sub3A = arith.subf %get3A_1, %get3A_4 : vector<8000x128xf32>
    %abs3A = math.absf %sub3A : vector<8000x128xf32>
    %convert_element_type3A = arith.truncf %abs3A : vector<8000x128xf32> to vector<8000x128xbf16>
    %get3A_5 = arith.constant 0 : index
    %get3A_6 = arith.constant 0 : index
    %get3A_7 = vector.load %arg3[%get3A_5, %get3A_6] : memref<128x64xf32, #tpu.memory_space<vmem>>, vector<128x64xf32>
    %convert_element_type3A_8 = arith.truncf %get3A_7 : vector<128x64xf32> to vector<128x64xbf16>
    %dot_general3A = arith.constant dense<0.000000e+00> : vector<8000x64xf32>
    %dot_general3A_9 = tpu.matmul %convert_element_type3A, %convert_element_type3A_8, %dot_general3A {dimension_numbers = #tpu.dot_dimension_numbers<[1], [0], [0], [1], [0, 0, 1, 1], [], []>, transpose_lhs_hint = false} : vector<8000x128xbf16>, vector<128x64xbf16>, vector<8000x64xf32> -> vector<8000x64xf32>
    %get3A_10 = arith.constant 0 : index
    %get3A_11 = arith.constant 0 : index
    %get3A_12 = vector.load %arg4[%get3A_10, %get3A_11] : memref<1x64xf32, #tpu.memory_space<vmem>>, vector<1x64xf32>
    %add3A = vector.broadcast %get3A_12 : vector<1x64xf32> to vector<8000x64xf32>
    %add3A_13 = arith.addf %dot_general3A_9, %add3A : vector<8000x64xf32>
    %swap3A = arith.constant 0 : index
    %swap3A_14 = arith.constant 0 : index
    %swap3A_15 = vector.load %arg5[%swap3A, %swap3A_14] : memref<8000x64xf32, #tpu.memory_space<vmem>>, vector<8000x64xf32>
    tpu.vector_store %arg5[%swap3A, %swap3A_14], %add3A_13 {strides = array<i32>} : memref<8000x64xf32, #tpu.memory_space<vmem>>, vector<8000x64xf32>,
    %eq3A = arith.constant 0 : i32
    %eq3A_16 = arith.cmpi eq, %arg0, %eq3A : i32
    %convert_element_type3A_17 = arith.extui %eq3A_16 : i1 to i32
    %cond3A = arith.constant 0 : i32
    %cond3A_18 = arith.cmpi ne, %convert_element_type3A_17, %cond3A : i32
    scf.if %cond3A_18 {
      %broadcast_in_dim3A_37 = arith.constant 0.000000e+00 : f32
      %broadcast_in_dim3A_38 = vector.broadcast %broadcast_in_dim3A_37 : f32 to vector<8x64xf32>
      %swap3A_39 = arith.constant 0 : index
      %swap3A_40 = arith.constant 0 : index
      %swap3A_41 = vector.load %arg6[%swap3A_39, %swap3A_40] : memref<8x64xf32, #tpu.memory_space<vmem>>, vector<8x64xf32>
      tpu.vector_store %arg6[%swap3A_39, %swap3A_40], %broadcast_in_dim3A_38 {strides = array<i32>} : memref<8x64xf32, #tpu.memory_space<vmem>>, vector<8x64xf32>,
    } else {
    }
    %get3A_19 = arith.constant 0 : index
    %get3A_20 = arith.constant 0 : index
    %get3A_21 = vector.load %arg6[%get3A_19, %get3A_20] : memref<8x64xf32, #tpu.memory_space<vmem>>, vector<1x64xf32>
    %reduce_sum3A = arith.constant dense<0.000000e+00> : vector<64xf32>
    %reduce_sum3A_22 = vector.multi_reduction <add>, %add3A_13, %reduce_sum3A [0] : vector<8000x64xf32> to vector<64xf32>
    %broadcast_in_dim3A = vector.shape_cast %reduce_sum3A_22 : vector<64xf32> to vector<1x64xf32>
    %add3A_23 = arith.addf %get3A_21, %broadcast_in_dim3A : vector<1x64xf32>
    %swap3A_24 = arith.constant 0 : index
    %swap3A_25 = arith.constant 0 : index
    %swap3A_26 = vector.load %arg6[%swap3A_24, %swap3A_25] : memref<8x64xf32, #tpu.memory_space<vmem>>, vector<1x64xf32>
    tpu.vector_store %arg6[%swap3A_24, %swap3A_25], %add3A_23 {strides = array<i32>} : memref<8x64xf32, #tpu.memory_space<vmem>>, vector<1x64xf32>,
    %get3A_27 = arith.constant 1 : index
    %get3A_28 = arith.constant 0 : index
    %get3A_29 = vector.load %arg6[%get3A_27, %get3A_28] : memref<8x64xf32, #tpu.memory_space<vmem>>, vector<1x64xf32>
    %mul3A = arith.mulf %add3A_13, %add3A_13 : vector<8000x64xf32>
    %reduce_sum3A_30 = arith.constant dense<0.000000e+00> : vector<64xf32>
    %reduce_sum3A_31 = vector.multi_reduction <add>, %mul3A, %reduce_sum3A_30 [0] : vector<8000x64xf32> to vector<64xf32>
    %broadcast_in_dim3A_32 = vector.shape_cast %reduce_sum3A_31 : vector<64xf32> to vector<1x64xf32>
    %add3A_33 = arith.addf %get3A_29, %broadcast_in_dim3A_32 : vector<1x64xf32>
    %swap3A_34 = arith.constant 1 : index
    %swap3A_35 = arith.constant 0 : index
    %swap3A_36 = vector.load %arg6[%swap3A_34, %swap3A_35] : memref<8x64xf32, #tpu.memory_space<vmem>>, vector<1x64xf32>
    tpu.vector_store %arg6[%swap3A_34, %swap3A_35], %add3A_33 {strides = array<i32>} : memref<8x64xf32, #tpu.memory_space<vmem>>, vector<1x64xf32>,
    return
  }
  func.func @transform_0(%arg0: i32) -> (i32, i32) {
    %c0_i32 = arith.constant 0 : i32
    %c0_i32_0 = arith.constant 0 : i32
    return %arg0, %c0_i32 : i32, i32
  }
  func.func @transform_1(%arg0: i32) -> (i32, i32) {
    %c0_i32 = arith.constant 0 : i32
    %c0_i32_0 = arith.constant 0 : i32
    return %arg0, %c0_i32 : i32, i32
  }
  func.func @transform_2(%arg0: i32) -> (i32, i32) {
    %c0_i32 = arith.constant 0 : i32
    %c0_i32_0 = arith.constant 0 : i32
    %c0_i32_1 = arith.constant 0 : i32
    return %c0_i32, %c0_i32_0 : i32, i32
  }
  func.func @transform_3(%arg0: i32) -> (i32, i32) {
    %c0_i32 = arith.constant 0 : i32
    %c0_i32_0 = arith.constant 0 : i32
    %c0_i32_1 = arith.constant 0 : i32
    return %c0_i32, %c0_i32_0 : i32, i32
  }
  func.func @transform_4(%arg0: i32) -> (i32, i32) {
    %c0_i32 = arith.constant 0 : i32
    %c0_i32_0 = arith.constant 0 : i32
    return %arg0, %c0_i32 : i32, i32
  }
  func.func @transform_5(%arg0: i32) -> (i32, i32) {
    %c0_i32 = arith.constant 0 : i32
    %c0_i32_0 = arith.constant 0 : i32
    %c0_i32_1 = arith.constant 0 : i32
    return %c0_i32, %c0_i32_0 : i32, i32
  }
}

module attributes {stable_mosaic.version = 14 : i64} {
  func.func @body(%arg0: i32, %arg1: memref<8000x64xf32, #tpu.memory_space<vmem>>, %arg2: memref<64x32xf32, #tpu.memory_space<vmem>>, %arg3: memref<1x32xf32, #tpu.memory_space<vmem>>, %arg4: memref<1x64xf32, #tpu.memory_space<vmem>>, %arg5: memref<1x64xf32, #tpu.memory_space<vmem>>, %arg6: memref<8000x32xf32, #tpu.memory_space<vmem>>, %arg7: memref<8x32xf32, #tpu.memory_space<vmem>>) attributes {dimension_semantics = [#tpu.dimension_semantics<arbitrary>], iteration_bounds = array<i64: 40>, scalar_prefetch = 0 : i64, scratch_operands = 0 : i64, tpu.core_type = #tpu.core_type<tc>, window_params = [{transform_indices = @transform_0, window_bounds = array<i64: 8000, 64>}, {pipeline_mode = #tpu.pipeline_mode<synchronous>, transform_indices = @transform_1, window_bounds = array<i64: 64, 32>}, {pipeline_mode = #tpu.pipeline_mode<synchronous>, transform_indices = @transform_2, window_bounds = array<i64: 1, 32>}, {pipeline_mode = #tpu.pipeline_mode<synchronous>, transform_indices = @transform_3, window_bounds = array<i64: 1, 64>}, {pipeline_mode = #tpu.pipeline_mode<synchronous>, transform_indices = @transform_4, window_bounds = array<i64: 1, 64>}, {transform_indices = @transform_5, window_bounds = array<i64: 8000, 32>}, {pipeline_mode = #tpu.pipeline_mode<synchronous>, transform_indices = @transform_6, window_bounds = array<i64: 8, 32>}]} {
    %get3A = arith.constant 0 : index
    %get3A_0 = arith.constant 0 : index
    %get3A_1 = vector.load %arg1[%get3A, %get3A_0] : memref<8000x64xf32, #tpu.memory_space<vmem>>, vector<8000x64xf32>
    %get3A_2 = arith.constant 0 : index
    %get3A_3 = arith.constant 0 : index
    %get3A_4 = vector.load %arg4[%get3A_2, %get3A_3] : memref<1x64xf32, #tpu.memory_space<vmem>>, vector<1x64xf32>
    %mul3A = vector.broadcast %get3A_4 : vector<1x64xf32> to vector<8000x64xf32>
    %mul3A_5 = arith.mulf %get3A_1, %mul3A : vector<8000x64xf32>
    %get3A_6 = arith.constant 0 : index
    %get3A_7 = arith.constant 0 : index
    %get3A_8 = vector.load %arg5[%get3A_6, %get3A_7] : memref<1x64xf32, #tpu.memory_space<vmem>>, vector<1x64xf32>
    %add3A = vector.broadcast %get3A_8 : vector<1x64xf32> to vector<8000x64xf32>
    %add3A_9 = arith.addf %mul3A_5, %add3A : vector<8000x64xf32>
    %ge3A = arith.constant 0.000000e+00 : f32
    %ge3A_10 = vector.broadcast %ge3A : f32 to vector<8000x64xf32>
    %ge3A_11 = arith.cmpf oge, %add3A_9, %ge3A_10 : vector<8000x64xf32>
    %mul3A_12 = arith.constant 2.000000e-01 : f32
    %mul3A_13 = vector.broadcast %mul3A_12 : f32 to vector<8000x64xf32>
    %mul3A_14 = arith.mulf %mul3A_13, %add3A_9 : vector<8000x64xf32>
    %select_n3A = arith.select %ge3A_11, %add3A_9, %mul3A_14 : vector<8000x64xi1>, vector<8000x64xf32>
    %get3A_15 = arith.constant 0 : index
    %get3A_16 = arith.constant 0 : index
    %get3A_17 = vector.load %arg2[%get3A_15, %get3A_16] : memref<64x32xf32, #tpu.memory_space<vmem>>, vector<64x32xf32>
    %dot_general3A = arith.constant dense<0.000000e+00> : vector<8000x32xf32>
    %dot_general3A_18 = tpu.matmul %select_n3A, %get3A_17, %dot_general3A {dimension_numbers = #tpu.dot_dimension_numbers<[1], [0], [0], [1], [0, 0, 1, 1], [], []>, transpose_lhs_hint = false} : vector<8000x64xf32>, vector<64x32xf32>, vector<8000x32xf32> -> vector<8000x32xf32>
    %get3A_19 = arith.constant 0 : index
    %get3A_20 = arith.constant 0 : index
    %get3A_21 = vector.load %arg3[%get3A_19, %get3A_20] : memref<1x32xf32, #tpu.memory_space<vmem>>, vector<1x32xf32>
    %add3A_22 = vector.broadcast %get3A_21 : vector<1x32xf32> to vector<8000x32xf32>
    %add3A_23 = arith.addf %dot_general3A_18, %add3A_22 : vector<8000x32xf32>
    %swap3A = arith.constant 0 : index
    %swap3A_24 = arith.constant 0 : index
    %swap3A_25 = vector.load %arg6[%swap3A, %swap3A_24] : memref<8000x32xf32, #tpu.memory_space<vmem>>, vector<8000x32xf32>
    tpu.vector_store %arg6[%swap3A, %swap3A_24], %add3A_23 {strides = array<i32>} : memref<8000x32xf32, #tpu.memory_space<vmem>>, vector<8000x32xf32>,
    %eq3A = arith.constant 0 : i32
    %eq3A_26 = arith.cmpi eq, %arg0, %eq3A : i32
    %convert_element_type3A = arith.extui %eq3A_26 : i1 to i32
    %cond3A = arith.constant 0 : i32
    %cond3A_27 = arith.cmpi ne, %convert_element_type3A, %cond3A : i32
    scf.if %cond3A_27 {
      %broadcast_in_dim3A_47 = arith.constant 0.000000e+00 : f32
      %broadcast_in_dim3A_48 = vector.broadcast %broadcast_in_dim3A_47 : f32 to vector<8x32xf32>
      %swap3A_49 = arith.constant 0 : index
      %swap3A_50 = arith.constant 0 : index
      %swap3A_51 = vector.load %arg7[%swap3A_49, %swap3A_50] : memref<8x32xf32, #tpu.memory_space<vmem>>, vector<8x32xf32>
      tpu.vector_store %arg7[%swap3A_49, %swap3A_50], %broadcast_in_dim3A_48 {strides = array<i32>} : memref<8x32xf32, #tpu.memory_space<vmem>>, vector<8x32xf32>,
    } else {
    }
    %get3A_28 = arith.constant 0 : index
    %get3A_29 = arith.constant 0 : index
    %get3A_30 = vector.load %arg7[%get3A_28, %get3A_29] : memref<8x32xf32, #tpu.memory_space<vmem>>, vector<1x32xf32>
    %reduce_sum3A = arith.constant dense<0.000000e+00> : vector<32xf32>
    %reduce_sum3A_31 = vector.multi_reduction <add>, %add3A_23, %reduce_sum3A [0] : vector<8000x32xf32> to vector<32xf32>
    %broadcast_in_dim3A = vector.shape_cast %reduce_sum3A_31 : vector<32xf32> to vector<1x32xf32>
    %add3A_32 = arith.addf %get3A_30, %broadcast_in_dim3A : vector<1x32xf32>
    %swap3A_33 = arith.constant 0 : index
    %swap3A_34 = arith.constant 0 : index
    %swap3A_35 = vector.load %arg7[%swap3A_33, %swap3A_34] : memref<8x32xf32, #tpu.memory_space<vmem>>, vector<1x32xf32>
    tpu.vector_store %arg7[%swap3A_33, %swap3A_34], %add3A_32 {strides = array<i32>} : memref<8x32xf32, #tpu.memory_space<vmem>>, vector<1x32xf32>,
    %get3A_36 = arith.constant 1 : index
    %get3A_37 = arith.constant 0 : index
    %get3A_38 = vector.load %arg7[%get3A_36, %get3A_37] : memref<8x32xf32, #tpu.memory_space<vmem>>, vector<1x32xf32>
    %mul3A_39 = arith.mulf %add3A_23, %add3A_23 : vector<8000x32xf32>
    %reduce_sum3A_40 = arith.constant dense<0.000000e+00> : vector<32xf32>
    %reduce_sum3A_41 = vector.multi_reduction <add>, %mul3A_39, %reduce_sum3A_40 [0] : vector<8000x32xf32> to vector<32xf32>
    %broadcast_in_dim3A_42 = vector.shape_cast %reduce_sum3A_41 : vector<32xf32> to vector<1x32xf32>
    %add3A_43 = arith.addf %get3A_38, %broadcast_in_dim3A_42 : vector<1x32xf32>
    %swap3A_44 = arith.constant 1 : index
    %swap3A_45 = arith.constant 0 : index
    %swap3A_46 = vector.load %arg7[%swap3A_44, %swap3A_45] : memref<8x32xf32, #tpu.memory_space<vmem>>, vector<1x32xf32>
    tpu.vector_store %arg7[%swap3A_44, %swap3A_45], %add3A_43 {strides = array<i32>} : memref<8x32xf32, #tpu.memory_space<vmem>>, vector<1x32xf32>,
    return
  }
  func.func @transform_0(%arg0: i32) -> (i32, i32) {
    %c0_i32 = arith.constant 0 : i32
    %c0_i32_0 = arith.constant 0 : i32
    return %arg0, %c0_i32 : i32, i32
  }
  func.func @transform_1(%arg0: i32) -> (i32, i32) {
    %c0_i32 = arith.constant 0 : i32
    %c0_i32_0 = arith.constant 0 : i32
    %c0_i32_1 = arith.constant 0 : i32
    return %c0_i32, %c0_i32_0 : i32, i32
  }
  func.func @transform_2(%arg0: i32) -> (i32, i32) {
    %c0_i32 = arith.constant 0 : i32
    %c0_i32_0 = arith.constant 0 : i32
    %c0_i32_1 = arith.constant 0 : i32
    return %c0_i32, %c0_i32_0 : i32, i32
  }
  func.func @transform_3(%arg0: i32) -> (i32, i32) {
    %c0_i32 = arith.constant 0 : i32
    %c0_i32_0 = arith.constant 0 : i32
    %c0_i32_1 = arith.constant 0 : i32
    return %c0_i32, %c0_i32_0 : i32, i32
  }
  func.func @transform_4(%arg0: i32) -> (i32, i32) {
    %c0_i32 = arith.constant 0 : i32
    %c0_i32_0 = arith.constant 0 : i32
    %c0_i32_1 = arith.constant 0 : i32
    return %c0_i32, %c0_i32_0 : i32, i32
  }
  func.func @transform_5(%arg0: i32) -> (i32, i32) {
    %c0_i32 = arith.constant 0 : i32
    %c0_i32_0 = arith.constant 0 : i32
    return %arg0, %c0_i32 : i32, i32
  }
  func.func @transform_6(%arg0: i32) -> (i32, i32) {
    %c0_i32 = arith.constant 0 : i32
    %c0_i32_0 = arith.constant 0 : i32
    %c0_i32_1 = arith.constant 0 : i32
    return %c0_i32, %c0_i32_0 : i32, i32
  }
}

module attributes {stable_mosaic.version = 14 : i64} {
  func.func @body(%arg0: i32, %arg1: memref<4000x32xf32, #tpu.memory_space<vmem>>, %arg2: memref<1x32xf32, #tpu.memory_space<vmem>>, %arg3: memref<1x32xf32, #tpu.memory_space<vmem>>, %arg4: memref<32x128xf32, #tpu.memory_space<vmem>>, %arg5: memref<1x1xf32, #tpu.memory_space<vmem>>, %arg6: memref<4000x1xi32, #tpu.memory_space<vmem>>, %arg7: memref<4000x1xi32, #tpu.memory_space<vmem>>, %arg8: memref<4000x128xf32, #tpu.memory_space<vmem>>, %arg9: memref<4000x128xf32, #tpu.memory_space<vmem>>, %arg10: memref<80x128xf32, #tpu.memory_space<vmem>>) attributes {dimension_semantics = [#tpu.dimension_semantics<arbitrary>], iteration_bounds = array<i64: 80>, scalar_prefetch = 0 : i64, scratch_operands = 0 : i64, tpu.core_type = #tpu.core_type<tc>, window_params = [{transform_indices = @transform_0, window_bounds = array<i64: 4000, 32>}, {pipeline_mode = #tpu.pipeline_mode<synchronous>, transform_indices = @transform_1, window_bounds = array<i64: 1, 32>}, {pipeline_mode = #tpu.pipeline_mode<synchronous>, transform_indices = @transform_2, window_bounds = array<i64: 1, 32>}, {pipeline_mode = #tpu.pipeline_mode<synchronous>, transform_indices = @transform_3, window_bounds = array<i64: 32, 128>}, {pipeline_mode = #tpu.pipeline_mode<synchronous>, transform_indices = @transform_4, window_bounds = array<i64: 1, 1>}, {transform_indices = @transform_5, window_bounds = array<i64: 4000, 1>}, {transform_indices = @transform_6, window_bounds = array<i64: 4000, 1>}, {transform_indices = @transform_7, window_bounds = array<i64: 4000, 128>}, {transform_indices = @transform_8, window_bounds = array<i64: 4000, 128>}, {pipeline_mode = #tpu.pipeline_mode<synchronous>, transform_indices = @transform_9, window_bounds = array<i64: 80, 128>}]} {
    %get3A = arith.constant 0 : index
    %get3A_0 = arith.constant 0 : index
    %get3A_1 = vector.load %arg1[%get3A, %get3A_0] : memref<4000x32xf32, #tpu.memory_space<vmem>>, vector<4000x32xf32>
    %get3A_2 = arith.constant 0 : index
    %get3A_3 = arith.constant 0 : index
    %get3A_4 = vector.load %arg2[%get3A_2, %get3A_3] : memref<1x32xf32, #tpu.memory_space<vmem>>, vector<1x32xf32>
    %mul3A = vector.broadcast %get3A_4 : vector<1x32xf32> to vector<4000x32xf32>
    %mul3A_5 = arith.mulf %get3A_1, %mul3A : vector<4000x32xf32>
    %get3A_6 = arith.constant 0 : index
    %get3A_7 = arith.constant 0 : index
    %get3A_8 = vector.load %arg3[%get3A_6, %get3A_7] : memref<1x32xf32, #tpu.memory_space<vmem>>, vector<1x32xf32>
    %add3A = vector.broadcast %get3A_8 : vector<1x32xf32> to vector<4000x32xf32>
    %add3A_9 = arith.addf %mul3A_5, %add3A : vector<4000x32xf32>
    %ge3A = arith.constant 0.000000e+00 : f32
    %ge3A_10 = vector.broadcast %ge3A : f32 to vector<4000x32xf32>
    %ge3A_11 = arith.cmpf oge, %add3A_9, %ge3A_10 : vector<4000x32xf32>
    %mul3A_12 = arith.constant 2.000000e-01 : f32
    %mul3A_13 = vector.broadcast %mul3A_12 : f32 to vector<4000x32xf32>
    %mul3A_14 = arith.mulf %mul3A_13, %add3A_9 : vector<4000x32xf32>
    %select_n3A = arith.select %ge3A_11, %add3A_9, %mul3A_14 : vector<4000x32xi1>, vector<4000x32xf32>
    %get3A_15 = arith.constant 0 : index
    %get3A_16 = arith.constant 0 : index
    %get3A_17 = vector.load %arg4[%get3A_15, %get3A_16] : memref<32x128xf32, #tpu.memory_space<vmem>>, vector<32x128xf32>
    %dot_general3A = arith.constant dense<0.000000e+00> : vector<4000x128xf32>
    %dot_general3A_18 = tpu.matmul %select_n3A, %get3A_17, %dot_general3A {dimension_numbers = #tpu.dot_dimension_numbers<[1], [0], [0], [1], [0, 0, 1, 1], [], []>, transpose_lhs_hint = false} : vector<4000x32xf32>, vector<32x128xf32>, vector<4000x128xf32> -> vector<4000x128xf32>
    %get3A_19 = arith.constant 0 : index
    %get3A_20 = arith.constant 0 : index
    %get3A_21 = vector.load %arg5[%get3A_19, %get3A_20] : memref<1x1xf32, #tpu.memory_space<vmem>>, vector<1x1xf32>
    %add3A_22 = vector.broadcast %get3A_21 : vector<1x1xf32> to vector<4000x128xf32>
    %add3A_23 = arith.addf %dot_general3A_18, %add3A_22 : vector<4000x128xf32>
    %ge3A_24 = arith.constant 0.000000e+00 : f32
    %ge3A_25 = vector.broadcast %ge3A_24 : f32 to vector<4000x128xf32>
    %ge3A_26 = arith.cmpf oge, %add3A_23, %ge3A_25 : vector<4000x128xf32>
    %mul3A_27 = arith.constant 2.000000e-01 : f32
    %mul3A_28 = vector.broadcast %mul3A_27 : f32 to vector<4000x128xf32>
    %mul3A_29 = arith.mulf %mul3A_28, %add3A_23 : vector<4000x128xf32>
    %select_n3A_30 = arith.select %ge3A_26, %add3A_23, %mul3A_29 : vector<4000x128xi1>, vector<4000x128xf32>
    %get3A_31 = arith.constant 0 : index
    %get3A_32 = arith.constant 0 : index
    %get3A_33 = vector.load %arg6[%get3A_31, %get3A_32] : memref<4000x1xi32, #tpu.memory_space<vmem>>, vector<4000x1xi32>
    %get3A_34 = arith.constant 0 : index
    %get3A_35 = arith.constant 0 : index
    %get3A_36 = vector.load %arg7[%get3A_34, %get3A_35] : memref<4000x1xi32, #tpu.memory_space<vmem>>, vector<4000x1xi32>
    %eq3A = arith.cmpi eq, %get3A_33, %get3A_36 : vector<4000x1xi32>
    %convert_element_type3A = arith.extui %eq3A : vector<4000x1xi1> to vector<4000x1xi32>
    %convert_element_type3A_37 = arith.sitofp %convert_element_type3A : vector<4000x1xi32> to vector<4000x1xf32>
    %neg3A = arith.constant 0.000000e+00 : f32
    %neg3A_38 = vector.broadcast %neg3A : f32 to vector<4000x128xf32>
    %neg3A_39 = arith.subf %neg3A_38, %select_n3A_30 : vector<4000x128xf32>
    %exp3A = math.exp %neg3A_39 : vector<4000x128xf32>
    %add3A_40 = vector.broadcast %convert_element_type3A_37 : vector<4000x1xf32> to vector<4000x128xf32>
    %add3A_41 = arith.addf %exp3A, %add3A_40 : vector<4000x128xf32>
    %get3A_42 = arith.constant 0 : index
    %get3A_43 = arith.constant 0 : index
    %get3A_44 = vector.load %arg8[%get3A_42, %get3A_43] : memref<4000x128xf32, #tpu.memory_space<vmem>>, vector<4000x128xf32>
    %mul3A_45 = arith.mulf %add3A_41, %get3A_44 : vector<4000x128xf32>
    %swap3A = arith.constant 0 : index
    %swap3A_46 = arith.constant 0 : index
    %swap3A_47 = vector.load %arg9[%swap3A, %swap3A_46] : memref<4000x128xf32, #tpu.memory_space<vmem>>, vector<4000x128xf32>
    tpu.vector_store %arg9[%swap3A, %swap3A_46], %mul3A_45 {strides = array<i32>} : memref<4000x128xf32, #tpu.memory_space<vmem>>, vector<4000x128xf32>,
    %get3A_48 = arith.constant 0 : index
    %get3A_49 = arith.constant 0 : index
    %get3A_50 = vector.load %arg7[%get3A_48, %get3A_49] : memref<4000x1xi32, #tpu.memory_space<vmem>>, vector<4000x1xi32>
    %jit3A = arith.constant 128 : i32
    %div3A = vector.broadcast %jit3A : i32 to vector<4000x1xi32>
    %div3A_51 = arith.divsi %get3A_50, %div3A : vector<4000x1xi32>
    %sign3A = arith.constant 0 : i32
    %sign3A_52 = vector.broadcast %sign3A : i32 to vector<4000x1xi32>
    %sign3A_53 = arith.cmpi sgt, %get3A_50, %sign3A_52 : vector<4000x1xi32>
    %sign3A_54 = arith.extui %sign3A_53 : vector<4000x1xi1> to vector<4000x1xi32>
    %sign3A_55 = arith.constant 0 : i32
    %sign3A_56 = vector.broadcast %sign3A_55 : i32 to vector<4000x1xi32>
    %sign3A_57 = arith.cmpi slt, %get3A_50, %sign3A_56 : vector<4000x1xi32>
    %sign3A_58 = arith.extui %sign3A_57 : vector<4000x1xi1> to vector<4000x1xi32>
    %sign3A_59 = arith.subi %sign3A_54, %sign3A_58 : vector<4000x1xi32>
    %sign3A_60 = arith.constant 0 : i32
    %sign3A_61 = arith.cmpi sgt, %jit3A, %sign3A_60 : i32
    %sign3A_62 = arith.extui %sign3A_61 : i1 to i32
    %sign3A_63 = arith.constant 0 : i32
    %sign3A_64 = arith.cmpi slt, %jit3A, %sign3A_63 : i32
    %sign3A_65 = arith.extui %sign3A_64 : i1 to i32
    %sign3A_66 = arith.subi %sign3A_62, %sign3A_65 : i32
    %ne3A = vector.broadcast %sign3A_66 : i32 to vector<4000x1xi32>
    %ne3A_67 = arith.cmpi ne, %sign3A_59, %ne3A : vector<4000x1xi32>
    %rem3A = vector.broadcast %jit3A : i32 to vector<4000x1xi32>
    %rem3A_68 = arith.remsi %get3A_50, %rem3A : vector<4000x1xi32>
    %ne3A_69 = arith.constant 0 : i32
    %ne3A_70 = vector.broadcast %ne3A_69 : i32 to vector<4000x1xi32>
    %ne3A_71 = arith.cmpi ne, %rem3A_68, %ne3A_70 : vector<4000x1xi32>
    %and3A = arith.andi %ne3A_67, %ne3A_71 : vector<4000x1xi1>
    %sub3A = arith.constant 1 : i32
    %sub3A_72 = vector.broadcast %sub3A : i32 to vector<4000x1xi32>
    %sub3A_73 = arith.subi %div3A_51, %sub3A_72 : vector<4000x1xi32>
    %select_n3A_74 = arith.select %and3A, %sub3A_73, %div3A_51 : vector<4000x1xi1>, vector<4000x1xi32>
    %jit3A_75 = arith.constant 128 : i32
    %eq3A_76 = arith.constant 0 : i32
    %eq3A_77 = arith.cmpi eq, %jit3A_75, %eq3A_76 : i32
    %jit3A_78 = arith.constant 1 : i32
    %select_n3A_79 = arith.select %eq3A_77, %jit3A_78, %jit3A_75 : i32
    %rem3A_80 = vector.broadcast %select_n3A_79 : i32 to vector<4000x1xi32>
    %rem3A_81 = arith.remsi %get3A_50, %rem3A_80 : vector<4000x1xi32>
    %ne3A_82 = arith.constant 0 : i32
    %ne3A_83 = vector.broadcast %ne3A_82 : i32 to vector<4000x1xi32>
    %ne3A_84 = arith.cmpi ne, %rem3A_81, %ne3A_83 : vector<4000x1xi32>
    %lt3A = arith.constant 0 : i32
    %lt3A_85 = vector.broadcast %lt3A : i32 to vector<4000x1xi32>
    %lt3A_86 = arith.cmpi slt, %rem3A_81, %lt3A_85 : vector<4000x1xi32>
    %lt3A_87 = arith.constant 0 : i32
    %lt3A_88 = arith.cmpi slt, %select_n3A_79, %lt3A_87 : i32
    %ne3A_89 = vector.broadcast %lt3A_88 : i1 to vector<4000x1xi1>
    %ne3A_90 = vector.broadcast %ne3A_89 : vector<4000x1xi1> to vector<4000x1xi1>
    %ne3A_91 = arith.xori %lt3A_86, %ne3A_90 : vector<4000x1xi1>
    %and3A_92 = arith.andi %ne3A_91, %ne3A_84 : vector<4000x1xi1>
    %add3A_93 = vector.broadcast %select_n3A_79 : i32 to vector<4000x1xi32>
    %add3A_94 = arith.addi %rem3A_81, %add3A_93 : vector<4000x1xi32>
    %select_n3A_95 = arith.select %and3A_92, %add3A_94, %rem3A_81 : vector<4000x1xi1>, vector<4000x1xi32>
    %iota3A = tpu.iota {dimensions = array<i32: 1>} : vector<1x80xi32>
    %eq3A_96 = vector.broadcast %select_n3A_74 : vector<4000x1xi32> to vector<4000x80xi32>
    %eq3A_97 = vector.broadcast %iota3A : vector<1x80xi32> to vector<4000x80xi32>
    %eq3A_98 = arith.cmpi eq, %eq3A_96, %eq3A_97 : vector<4000x80xi32>
    %convert_element_type3A_99 = arith.extui %eq3A_98 : vector<4000x80xi1> to vector<4000x80xi32>
    %convert_element_type3A_100 = arith.sitofp %convert_element_type3A_99 : vector<4000x80xi32> to vector<4000x80xf32>
    %convert_element_type3A_101 = arith.truncf %convert_element_type3A_100 : vector<4000x80xf32> to vector<4000x80xbf16>
    %iota3A_102 = tpu.iota {dimensions = array<i32: 1>} : vector<1x128xi32>
    %eq3A_103 = vector.broadcast %select_n3A_95 : vector<4000x1xi32> to vector<4000x128xi32>
    %eq3A_104 = vector.broadcast %iota3A_102 : vector<1x128xi32> to vector<4000x128xi32>
    %eq3A_105 = arith.cmpi eq, %eq3A_103, %eq3A_104 : vector<4000x128xi32>
    %convert_element_type3A_106 = arith.extui %eq3A_105 : vector<4000x128xi1> to vector<4000x128xi32>
    %convert_element_type3A_107 = arith.sitofp %convert_element_type3A_106 : vector<4000x128xi32> to vector<4000x128xf32>
    %mul3A_108 = arith.mulf %convert_element_type3A_107, %add3A_41 : vector<4000x128xf32>
    %convert_element_type3A_109 = arith.truncf %mul3A_108 : vector<4000x128xf32> to vector<4000x128xbf16>
    %dot_general3A_110 = arith.constant dense<0.000000e+00> : vector<80x128xf32>
    %dot_general3A_111 = tpu.matmul %convert_element_type3A_101, %convert_element_type3A_109, %dot_general3A_110 {dimension_numbers = #tpu.dot_dimension_numbers<[0], [0], [1], [1], [0, 1, 1, 1], [], []>, transpose_lhs_hint = false} : vector<4000x80xbf16>, vector<4000x128xbf16>, vector<80x128xf32> -> vector<80x128xf32>
    %eq3A_112 = arith.constant 0 : i32
    %eq3A_113 = arith.cmpi eq, %arg0, %eq3A_112 : i32
    %convert_element_type3A_114 = arith.extui %eq3A_113 : i1 to i32
    %cond3A = arith.constant 0 : i32
    %cond3A_115 = arith.cmpi ne, %convert_element_type3A_114, %cond3A : i32
    scf.if %cond3A_115 {
      %broadcast_in_dim3A = arith.constant 0.000000e+00 : f32
      %broadcast_in_dim3A_123 = vector.broadcast %broadcast_in_dim3A : f32 to vector<80x128xf32>
      %swap3A_124 = arith.constant 0 : index
      %swap3A_125 = arith.constant 0 : index
      %swap3A_126 = vector.load %arg10[%swap3A_124, %swap3A_125] : memref<80x128xf32, #tpu.memory_space<vmem>>, vector<80x128xf32>
      tpu.vector_store %arg10[%swap3A_124, %swap3A_125], %broadcast_in_dim3A_123 {strides = array<i32>} : memref<80x128xf32, #tpu.memory_space<vmem>>, vector<80x128xf32>,
    } else {
    }
    %get3A_116 = arith.constant 0 : index
    %get3A_117 = arith.constant 0 : index
    %get3A_118 = vector.load %arg10[%get3A_116, %get3A_117] : memref<80x128xf32, #tpu.memory_space<vmem>>, vector<80x128xf32>
    %add3A_119 = arith.addf %get3A_118, %dot_general3A_111 : vector<80x128xf32>
    %swap3A_120 = arith.constant 0 : index
    %swap3A_121 = arith.constant 0 : index
    %swap3A_122 = vector.load %arg10[%swap3A_120, %swap3A_121] : memref<80x128xf32, #tpu.memory_space<vmem>>, vector<80x128xf32>
    tpu.vector_store %arg10[%swap3A_120, %swap3A_121], %add3A_119 {strides = array<i32>} : memref<80x128xf32, #tpu.memory_space<vmem>>, vector<80x128xf32>,
    return
  }
  func.func @transform_0(%arg0: i32) -> (i32, i32) {
    %c0_i32 = arith.constant 0 : i32
    %c0_i32_0 = arith.constant 0 : i32
    return %arg0, %c0_i32 : i32, i32
  }
  func.func @transform_1(%arg0: i32) -> (i32, i32) {
    %c0_i32 = arith.constant 0 : i32
    %c0_i32_0 = arith.constant 0 : i32
    %c0_i32_1 = arith.constant 0 : i32
    return %c0_i32, %c0_i32_0 : i32, i32
  }
  func.func @transform_2(%arg0: i32) -> (i32, i32) {
    %c0_i32 = arith.constant 0 : i32
    %c0_i32_0 = arith.constant 0 : i32
    %c0_i32_1 = arith.constant 0 : i32
    return %c0_i32, %c0_i32_0 : i32, i32
  }
  func.func @transform_3(%arg0: i32) -> (i32, i32) {
    %c0_i32 = arith.constant 0 : i32
    %c0_i32_0 = arith.constant 0 : i32
    %c0_i32_1 = arith.constant 0 : i32
    return %c0_i32, %c0_i32_0 : i32, i32
  }
  func.func @transform_4(%arg0: i32) -> (i32, i32) {
    %c0_i32 = arith.constant 0 : i32
    %c0_i32_0 = arith.constant 0 : i32
    %c0_i32_1 = arith.constant 0 : i32
    return %c0_i32, %c0_i32_0 : i32, i32
  }
  func.func @transform_5(%arg0: i32) -> (i32, i32) {
    %c0_i32 = arith.constant 0 : i32
    %c0_i32_0 = arith.constant 0 : i32
    return %arg0, %c0_i32 : i32, i32
  }
  func.func @transform_6(%arg0: i32) -> (i32, i32) {
    %c0_i32 = arith.constant 0 : i32
    %c0_i32_0 = arith.constant 0 : i32
    return %arg0, %c0_i32 : i32, i32
  }
  func.func @transform_7(%arg0: i32) -> (i32, i32) {
    %c0_i32 = arith.constant 0 : i32
    %c0_i32_0 = arith.constant 0 : i32
    return %arg0, %c0_i32 : i32, i32
  }
  func.func @transform_8(%arg0: i32) -> (i32, i32) {
    %c0_i32 = arith.constant 0 : i32
    %c0_i32_0 = arith.constant 0 : i32
    return %arg0, %c0_i32 : i32, i32
  }
  func.func @transform_9(%arg0: i32) -> (i32, i32) {
    %c0_i32 = arith.constant 0 : i32
    %c0_i32_0 = arith.constant 0 : i32
    %c0_i32_1 = arith.constant 0 : i32
    return %c0_i32, %c0_i32_0 : i32, i32
  }
}

module attributes {stable_mosaic.version = 14 : i64} {
  func.func @body(%arg0: i32, %arg1: memref<2x2560x128xf32, #tpu.memory_space<vmem>>, %arg2: memref<2560x1xf32, #tpu.memory_space<vmem>>, %arg3: memref<10240x1xf32, #tpu.memory_space<vmem>>, %arg4: memref<2560x128xf32, #tpu.memory_space<vmem>>) attributes {dimension_semantics = [#tpu.dimension_semantics<arbitrary>], iteration_bounds = array<i64: 4>, scalar_prefetch = 0 : i64, scratch_operands = 0 : i64, tpu.core_type = #tpu.core_type<tc>, window_params = [{transform_indices = @transform_0, window_bounds = array<i64: 2, 2560, 128>}, {transform_indices = @transform_1, window_bounds = array<i64: 2560, 1>}, {pipeline_mode = #tpu.pipeline_mode<synchronous>, transform_indices = @transform_2, window_bounds = array<i64: 10240, 1>}, {transform_indices = @transform_3, window_bounds = array<i64: 2560, 128>}]} {
    %get3A = arith.constant 0 : index
    %get3A_0 = arith.constant 0 : index
    %get3A_1 = vector.load %arg2[%get3A, %get3A_0] : memref<2560x1xf32, #tpu.memory_space<vmem>>, vector<2560x1xf32>
    %get3A_2 = arith.constant 0 : index
    %get3A_3 = arith.constant 0 : index
    %get3A_4 = vector.load %arg3[%get3A_2, %get3A_3] : memref<10240x1xf32, #tpu.memory_space<vmem>>, vector<10240x1xf32>
    %ne3A = arith.constant 0.000000e+00 : f32
    %ne3A_5 = vector.broadcast %ne3A : f32 to vector<10240x1xf32>
    %ne3A_6 = arith.cmpf one, %get3A_4, %ne3A_5 : vector<10240x1xf32>
    %reduce_or3A = arith.constant 1.000000e+00 : f32
    %reduce_or3A_7 = arith.constant 0.000000e+00 : f32
    %reduce_or3A_8 = vector.broadcast %reduce_or3A : f32 to vector<10240x1xf32>
    %reduce_or3A_9 = vector.broadcast %reduce_or3A_7 : f32 to vector<10240x1xf32>
    %reduce_or3A_10 = arith.select %ne3A_6, %reduce_or3A_8, %reduce_or3A_9 : vector<10240x1xi1>, vector<10240x1xf32>
    %reduce_or3A_11 = vector.shape_cast %reduce_or3A_10 : vector<10240x1xf32> to vector<1x10240x1xf32>
    %reduce_or3A_12 = arith.constant dense<0xFF800000> : vector<1xf32>
    %reduce_or3A_13 = vector.multi_reduction <maximumf>, %reduce_or3A_11, %reduce_or3A_12 [1, 2] : vector<1x10240x1xf32> to vector<1xf32>
    %reduce_or3A_14 = vector.shape_cast %reduce_or3A_13 : vector<1xf32> to vector<1x1x1xf32>
    %reduce_or3A_15 = vector.extract %reduce_or3A_14[0, 0, 0] : f32 from vector<1x1x1xf32>
    %reduce_or3A_16 = arith.constant 0.000000e+00 : f32
    %reduce_or3A_17 = arith.cmpf ogt, %reduce_or3A_15, %reduce_or3A_16 : f32
    %ne3A_18 = arith.constant 0.000000e+00 : f32
    %ne3A_19 = vector.broadcast %ne3A_18 : f32 to vector<2560x1xf32>
    %ne3A_20 = arith.cmpf one, %get3A_1, %ne3A_19 : vector<2560x1xf32>
    %jit3A = arith.constant 0.000000e+00 : f32
    %jit3A_21 = arith.constant 1.000000e+00 : f32
    %broadcast_in_dim3A = vector.broadcast %jit3A : f32 to vector<2560x1xf32>
    %broadcast_in_dim3A_22 = vector.broadcast %jit3A_21 : f32 to vector<2560x1xf32>
    %select_n3A = arith.select %ne3A_20, %broadcast_in_dim3A, %broadcast_in_dim3A_22 : vector<2560x1xi1>, vector<2560x1xf32>
    %iota3A = tpu.iota {dimensions = array<i32: 0>} : vector<2560x1xi32>
    %mul3A = arith.constant 2560 : i32
    %mul3A_23 = arith.muli %arg0, %mul3A : i32
    %add3A = vector.broadcast %mul3A_23 : i32 to vector<2560x1xi32>
    %add3A_24 = arith.addi %iota3A, %add3A : vector<2560x1xi32>
    %eq3A = arith.constant 0 : i32
    %eq3A_25 = vector.broadcast %eq3A : i32 to vector<2560x1xi32>
    %eq3A_26 = arith.cmpi eq, %add3A_24, %eq3A_25 : vector<2560x1xi32>
    %and3A = vector.broadcast %reduce_or3A_17 : i1 to vector<2560x1xi1>
    %and3A_27 = arith.andi %eq3A_26, %and3A : vector<2560x1xi1>
    %jit3A_28 = arith.constant 0.000000e+00 : f32
    %broadcast_in_dim3A_29 = vector.broadcast %jit3A_28 : f32 to vector<2560x1xf32>
    %select_n3A_30 = arith.select %and3A_27, %broadcast_in_dim3A_29, %select_n3A : vector<2560x1xi1>, vector<2560x1xf32>
    %add3A_31 = arith.addf %get3A_1, %select_n3A_30 : vector<2560x1xf32>
    %get3A_32 = arith.constant 0 : index
    %get3A_33 = arith.constant 0 : index
    %get3A_34 = arith.constant 0 : index
    %get3A_35 = vector.load %arg1[%get3A_32, %get3A_33, %get3A_34] : memref<2x2560x128xf32, #tpu.memory_space<vmem>>, vector<1x2560x128xf32>
    %get3A_36 = vector.shape_cast %get3A_35 : vector<1x2560x128xf32> to vector<2560x128xf32>
    %get3A_37 = arith.constant 1 : index
    %get3A_38 = arith.constant 0 : index
    %get3A_39 = arith.constant 0 : index
    %get3A_40 = vector.load %arg1[%get3A_37, %get3A_38, %get3A_39] : memref<2x2560x128xf32, #tpu.memory_space<vmem>>, vector<1x2560x128xf32>
    %get3A_41 = vector.shape_cast %get3A_40 : vector<1x2560x128xf32> to vector<2560x128xf32>
    %add3A_42 = arith.addf %get3A_36, %get3A_41 : vector<2560x128xf32>
    %div3A = vector.broadcast %add3A_31 : vector<2560x1xf32> to vector<2560x128xf32>
    %div3A_43 = arith.divf %add3A_42, %div3A : vector<2560x128xf32>
    %mul3A_44 = arith.mulf %div3A_43, %div3A_43 : vector<2560x128xf32>
    %reduce_sum3A = arith.constant dense<0.000000e+00> : vector<2560xf32>
    %reduce_sum3A_45 = vector.multi_reduction <add>, %mul3A_44, %reduce_sum3A [1] : vector<2560x128xf32> to vector<2560xf32>
    %broadcast_in_dim3A_46 = vector.shape_cast %reduce_sum3A_45 : vector<2560xf32> to vector<2560x1xf32>
    %sqrt3A = math.sqrt %broadcast_in_dim3A_46 : vector<2560x1xf32>
    %max3A = arith.constant 9.99999996E-13 : f32
    %max3A_47 = vector.broadcast %max3A : f32 to vector<2560x1xf32>
    %max3A_48 = arith.maximumf %sqrt3A, %max3A_47 : vector<2560x1xf32>
    %div3A_49 = vector.broadcast %max3A_48 : vector<2560x1xf32> to vector<2560x128xf32>
    %div3A_50 = arith.divf %div3A_43, %div3A_49 : vector<2560x128xf32>
    %swap3A = arith.constant 0 : index
    %swap3A_51 = arith.constant 0 : index
    %swap3A_52 = vector.load %arg4[%swap3A, %swap3A_51] : memref<2560x128xf32, #tpu.memory_space<vmem>>, vector<2560x128xf32>
    tpu.vector_store %arg4[%swap3A, %swap3A_51], %div3A_50 {strides = array<i32>} : memref<2560x128xf32, #tpu.memory_space<vmem>>, vector<2560x128xf32>,
    return
  }
  func.func @transform_0(%arg0: i32) -> (i32, i32, i32) {
    %c0_i32 = arith.constant 0 : i32
    %c0_i32_0 = arith.constant 0 : i32
    %c0_i32_1 = arith.constant 0 : i32
    return %c0_i32, %arg0, %c0_i32_0 : i32, i32, i32
  }
  func.func @transform_1(%arg0: i32) -> (i32, i32) {
    %c0_i32 = arith.constant 0 : i32
    %c0_i32_0 = arith.constant 0 : i32
    return %arg0, %c0_i32 : i32, i32
  }
  func.func @transform_2(%arg0: i32) -> (i32, i32) {
    %c0_i32 = arith.constant 0 : i32
    %c0_i32_0 = arith.constant 0 : i32
    %c0_i32_1 = arith.constant 0 : i32
    return %c0_i32, %c0_i32_0 : i32, i32
  }
  func.func @transform_3(%arg0: i32) -> (i32, i32) {
    %c0_i32 = arith.constant 0 : i32
    %c0_i32_0 = arith.constant 0 : i32
    return %arg0, %c0_i32 : i32, i32
  }
}

</mosaic_0001>

<sc_bundles>
// kernel: kernel.15.cloned.1.call-start
scs
__scs_entry_jumppad:
0x0: {  	(pc) =	sbr.rel $0x88, $3  }
0x1: {  	(tag) =	ssettag $0x0;
	lr =	simm.s32 $0x1  }
0x2: {  	[smem:$0x3F89] =	sst lr;
	_ =	strace $0xD0000000  }
0x3: {  	_ = 	snop  }
0x4: {  	_ = 	snop  }
0x5: {  	_ = 	snop  }
0x6: {  	_ = 	snop  }
0x7: {  	_ = 	snop  }
__scs_overlays_trampoline_lowered:
0x8: {  	[smem:$0x3F98] =	sst s0  }
0x9: {  	[smem:$0x3F99] =	sst s1  }
0xa: {  	[smem:$0x3F9A] =	sst s2  }
0xb: {  	[smem:$0x3F9B] =	sst s3  }
0xc: {  	[smem:$0x3F9C] =	sst s4  }
0xd: {  	[smem:$0x3F9D] =	sst s5  }
0xe: {  	[smem:$0x3F9E] =	sst s6  }
0xf: {  	[smem:$0x3F9F] =	sst s7  }
0x10: {  	[smem:$0x3FA0] =	sst s8  }
0x11: {  	[smem:$0x3FA1] =	sst s9;
	s0 =	simm.s32 @!p0 $0x0  }
0x12: {  	s1 =	sld [smem:$0x3F87];
	s0 =	simm.s32 @p0 $0x1  }
0x13: {  	[smem:$0x3FA2] =	sst s0;
	s0 =	simm.s32 @!p1 $0x0  }
0x14: {  	s2 =	sld [smem:$0x3F86];
	s0 =	simm.s32 @p1 $0x1  }
0x15: {  	[smem:$0x3FA3] =	sst s0;
	s0 =	simm.s32 @!p2 $0x0  }
0x16: {  	s3 =	sld [smem:$0x3FDB];
	s0 =	simm.s32 @p2 $0x1  }
0x17: {  	s4 =	simm.s32 $0x1BF5;
	[smem:$0x3FA5] =	sst s0  }
0x18: {  	s0 =	sld [smem:$0x3F88];
	_ =	swait.ge [sflag:s4], $0x0  }
0x19: {  	s7 =	sld [smem:$0x3F89]  }
0x1a: {  	s8 =	sadd.s32 $0xFFFFE003, lr  }
0x1b: {  	s9 =	sadd.s32 $0xFFFFFEF7, lr;
	s5 =	simm.s32 $0xFFFFFFFF;
	p2 =	slt.u32 s8, $0xFFFFF086  }
0x1c: {  	p1 =	slt.u32 s9, $0xF7A;
	s5 =	simm.s32 @!p2 $0x0  }
0x1d: {  	s5 =	simm.s32 @p1 $0x1;
	p0 =	seq.s32 s7, s2  }
0x1e: {  	s7 =	smul.u32 @!p0 $0xF7A, s2;
	p2 =	seq.s32 @!p0 s5, $0x0  }
0x1f: {  	s9 =	smul.u32 $0xF7A, s1;
	s8 =	simm.s32 @!p0 $0x1BF5;
	p2 =	por !p2, p0  }
0x20: {  	[sflag:s8] =	ssyncset.s32 @!p0 $0xFFFFF086;
	s6 =	sadd.s32 @!p0 s3, s7;
	s7 =	simm.s32 @!p0 $0x108  }
0x21: {  	s3 =	sadd.s32 s3, s9;
	s6 =	sadd.s32 @!p0 $0x88, s6;
	s7 =	simm.s32 @p2 $0x1082  }
0x22: {  	[simem:s7], [sflag:s8] =	dma.local @!p0 [hbm:s6], $0xF7A  }
0x23: {  	s9 =	sor.u32 $0xD0000000, s2;
	s6 =	simm.s32 $0x108;
	_ =	swait.ge @!p0 [sflag:s8], $0x0  }
0x24: {  	s3 =	sadd.s32 $0x88, s3;
	s6 =	simm.s32 @!p1 $0x1082;
	[sflag:s4] =	ssyncset.s32 $0xFFFFF086  }
0x25: {  	[simem:s6], [sflag:s4] =	dma.local [hbm:s3], $0xF7A  }
0x26: {  	[smem:$0x3F89] =	sst s1;
	(tag) =	ssettag s2;
	_ =	strace s9  }
0x27: {  	s1 =	sld [smem:$0x3F99]  }
0x28: {  	s2 =	sld [smem:$0x3F9A]  }
0x29: {  	s4 =	sld [smem:$0x3F9C]  }
0x2a: {  	p0 =	seq.s32 s5, $0x0;
	s5 =	sld [smem:$0x3F9D]  }
0x2b: {  	s6 =	sld [smem:$0x3F9E]  }
0x2c: {  	s7 =	sld [smem:$0x3F9F]  }
0x2d: {  	s3 =	simm.s32 $0x108;
	s8 =	sld [smem:$0x3FA0]  }
0x2e: {  	s3 =	simm.s32 @!p0 $0x1082;
	s9 =	sld [smem:$0x3FA1]  }
0x2f: {  	lr =	sadd.s32 s0, s3;
	s0 =	sld [smem:$0x3F98]  }
0x30: {  	s3 =	sld [smem:$0x3F9B]  }
0x31: {  	[smem:$0x3FA4] =	sst s10  }
0x32: {  	s10 =	sld [smem:$0x3FA2];
	_ =	sdelay $0x3  }
0x33: {  	p0 =	seq.s32 s10, $0x1;
	s10 =	sld [smem:$0x3FA4];
	_ =	sdelay $0x3  }
0x34: {  	[smem:$0x3FA4] =	sst s10  }
0x35: {  	s10 =	sld [smem:$0x3FA3];
	_ =	sdelay $0x3  }
0x36: {  	p1 =	seq.s32 s10, $0x1;
	s10 =	sld [smem:$0x3FA4];
	_ =	sdelay $0x3  }
0x37: {  	[smem:$0x3FA4] =	sst s10  }
0x38: {  	s10 =	sld [smem:$0x3FA5]  }
0x39: {  	_ = 	snop;
	(pc) =	sbr.ind lr, $3  }
0x3a: {  	_ = 	snop  }
0x3b: {  	_ = 	snop  }
0x3c: {  	p2 =	seq.s32 s10, $0x1;
	s10 =	sld [smem:$0x3FA4]  }
0x3d: {  	_ =	shalt  }
0x3e: {  	_ =	shalt  }
0x3f: {  	_ =	shalt  }
0x40: {  	_ =	shalt  }
0x41: {  	_ =	shalt  }
0x42: {  	_ =	shalt  }
0x43: {  	_ =	shalt  }
0x44: {  	_ =	shalt  }
0x45: {  	_ =	shalt  }
0x46: {  	_ =	shalt  }
0x47: {  	_ =	shalt  }
0x48: {  	_ =	shalt  }
0x49: {  	_ =	shalt  }
0x4a: {  	_ =	shalt  }
0x4b: {  	_ =	shalt  }
0x4c: {  	_ =	shalt  }
0x4d: {  	_ =	shalt  }
0x4e: {  	_ =	shalt  }
0x4f: {  	_ =	shalt  }
0x50: {  	_ =	shalt  }
0x51: {  	_ =	shalt  }
0x52: {  	_ =	shalt  }
0x53: {  	_ =	shalt  }
0x54: {  	_ =	shalt  }
0x55: {  	_ =	shalt  }
0x56: {  	_ =	shalt  }
0x57: {  	_ =	shalt  }
0x58: {  	_ =	shalt  }
0x59: {  	_ =	shalt  }
0x5a: {  	_ =	shalt  }
0x5b: {  	_ =	shalt  }
0x5c: {  	_ =	shalt  }
0x5d: {  	_ =	shalt  }
0x5e: {  	_ =	shalt  }
0x5f: {  	_ =	shalt  }
0x60: {  	_ =	shalt  }
0x61: {  	_ =	shalt  }
0x62: {  	_ =	shalt  }
0x63: {  	_ =	shalt  }
0x64: {  	_ =	shalt  }
0x65: {  	_ =	shalt  }
0x66: {  	_ =	shalt  }
0x67: {  	_ =	shalt  }
0x68: {  	_ =	shalt  }
0x69: {  	_ =	shalt  }
0x6a: {  	_ =	shalt  }
0x6b: {  	_ =	shalt  }
0x6c: {  	_ =	shalt  }
0x6d: {  	_ =	shalt  }
0x6e: {  	_ =	shalt  }
0x6f: {  	_ =	shalt  }
0x70: {  	_ =	shalt  }
0x71: {  	_ =	shalt  }
0x72: {  	_ =	shalt  }
0x73: {  	_ =	shalt  }
0x74: {  	_ =	shalt  }
0x75: {  	_ =	shalt  }
0x76: {  	_ =	shalt  }
0x77: {  	_ =	shalt  }
0x78: {  	_ =	shalt  }
0x79: {  	_ =	shalt  }
0x7a: {  	_ =	shalt  }
0x7b: {  	_ =	shalt  }
0x7c: {  	_ =	shalt  }
0x7d: {  	_ =	shalt  }
0x7e: {  	_ =	shalt  }
0x7f: {  	_ =	shalt  }
0x80: {  	_ =	shalt  }
0x81: {  	_ =	shalt  }
0x82: {  	_ =	shalt  }
0x83: {  	_ =	shalt  }
0x84: {  	_ =	shalt  }
0x85: {  	_ =	shalt  }
0x86: {  	_ =	shalt  }
0x87: {  	_ =	shalt  }
.Lfunc_end0:
.L_simem_size_0:
called_computation_lowered:
.L_overlay_start_0:
0x88: {  	s2 =	sld [smem:$0x3FD9]  }
0x89: {  	s3 =	sld [smem:$0x3FFE];
	_ =	sdelay $0x1  }
0x8a: {  	s1 =	srdreg.scid  }
0x8b: {  	s0 =	sand.u32 $0x1, s1  }
0x8c: {  	s17 =	sshll.u32 s0, $0xA;
	s2 =	sadd.s32 s3, s2  }
0x8d: {  	s2 =	sadd.s32 s2, s17  }
0x8e: {  	[smem:$0x3FB0] =	sst s2  }
0x8f: {  	_ = 	snop  }
0x90: {  	s2 =	sld [smem:$0x3FD0];
	(tm) =	ssettm $0x1  }
0x91: {  	s18 =	sld [smem:$0x3FFB];
	_ =	sdelay $0x3  }
0x92: {  	_ =	strace s18  }
0x93: {  	s3 =	sld [smem:$0x3FFC];
	_ =	sdelay $0x3  }
0x94: {  	_ =	strace s3  }
0x95: {  	s3 =	sld [smem:$0x3FFD];
	_ =	sdelay $0x3  }
0x96: {  	_ =	strace s3  }
0x97: {  	_ =	strace $0x8FFFFFFF  }
0x98: {  	s19 =	sld [smem:$0x3FDB];
	_ =	sdelay $0x1  }
0x99: {  	s4 =	simm.s32 $_scs_section_size  }
0x9a: {  	s5 =	simm.s32 $_size__tile_overlayer_lowered;
	s6 =	simm.s32 $_tile_overlayer_lowered  }
0x9b: {  	s22 =	simm.s32 $0x1BFF;
	s21 =	sshll.u32 s6, $0x1;
	s3 =	sadd.s32 s4, s19  }
0x9c: {  	s7 =	simm.s32 $0x0;
	s20 =	sshll.u32 s5, $0x1;
	s5 =	sadd.s32 s21, s3  }
0x9d: {  	[timem:s7], [sflag:s22] =	dma.local [hbm:s5], s20  }
0x9e: {  	_ =	swait.ge [sflag:s22], s20  }
0x9f: {  	s4 =	ssub.s32 $0x0, s20;
	[sflag:s22] =	ssyncset.done $0x0  }
0xa0: {  	[sflag:s22] =	ssyncadd.s32 s4;
	_ =	sdelay $0x1  }
0xa1: {  	s23 =	simm.s32 $0x1B8B  }
0xa2: {  	_ =	swait.ge [sflag:s23], $0x1  }
0xa3: {  	[sflag:s23] =	ssyncset.done $0x0  }
0xa4: {  	s25 =	simm.s32 $0x1B8E;
	s24 =	sld [smem:$0x3FFE];
	[sflag:s23] =	ssyncadd.s32 $0xFFFFFFFF  }
0xa5: {  	s26 =	simm.s32 $execute0_lowered;
	[smem:$0x3FD2] =	sst s25  }
0xa6: {  	s5 =	sshll.u32 s26, $0x1;
	_ =	strace $0x80000046;
	[dreg:$0x1] =	wrdreg $0xFFFFFFFF  }
0xa7: {  	s28 =	simm.s32 $_size_execute0_lowered;
	s3 =	sadd.s32 s3, s5;
	[dreg:$0x0] =	wrdreg $0x0  }
0xa8: {  	s5 =	sshll.u32 s28, $0x1;
	[dreg:$0x2] =	wrdreg s3  }
0xa9: {  	[dreg:$0x3] =	wrdreg s5  }
0xaa: {  	[dreg:$0x4] =	wrdreg $0xC0  }
0xab: {  	_ =	task [dreg:s7], $0x5FFFF  }
0xac: {  	[dreg:$0x1] =	wrdreg $0xFFFFFFFF  }
0xad: {  	[dreg:$0x0] =	wrdreg $0x60  }
0xae: {  	[dreg:$0x2] =	wrdreg s2  }
0xaf: {  	[dreg:$0x3] =	wrdreg s24  }
0xb0: {  	[dreg:$0x4] =	wrdreg $0x9  }
0xb1: {  	_ =	task.clear_ibuf [dreg:s7], $0x5FFFF;
	_ =	strace $0x90000046  }
0xb2: {  	s29 =	simm.s32 $0x9;
	_ =	strace $0x80000048  }
0xb3: {  	_ =	swait.ge [sflag:s29], $0x1  }
0xb4: {  	[sflag:s29] =	ssyncadd.s32 $0xFFFFFFFF  }
0xb5: {  	_ =	strace $0x90000048  }
0xb6: {  	_ =	sfence  }
0xb7: {  	s30 =	sld [smem:$0x0];
	_ =	sdelay $0x2  }
0xb8: {  	s31 =	sshll.u32 s1, $0xD;
	s1 =	sshrl.u32 s1, $0x2  }
0xb9: {  	s3 =	sand.u32 $0x4000, s31;
	s1 =	sadd.s32 s1, s30  }
0xba: {  	s0 =	sor.u32 s3, s0;
	s1 =	sshll.u32 s1, $0x11  }
0xbb: {  	s0 =	sor.u32 s1, s0  }
0xbc: {  	s0 =	sadd.s32 $0x8F2B, s0  }
0xbd: {  	[sflag:s0] =	ssyncadd.remote.s32 $0x1  }
0xbe: {  	_ =	sfence.sel $0xFFFF  }
0xbf: {  	[dreg:$0x0] =	wrdreg $0xFFFFFFFF;
	(pc) =	sbr.abs _section_cstart, $3  }
0xc0: {  	[dreg:$0x1] =	wrdreg $0xFFFFFFFF  }
0xc1: {  	_ =	task.clear_ibuf [dreg:s7], $0x2FFFF;
	_ =	strace $0x9FFFFFFF  }
0xc2: {  	(tm) =	ssettm $0x7FFFFFFF  }
0xc3: {  	_ =	shalt  }
tec
execute0_lowered:
.L_overlay_start_1:
0x0: {  	(tag) =	ssettag $0x1  }
0x1: {  	s1 =	rddreg [dreg:$0x0]  }
0x2: {  	s0 =	rddreg [dreg:$0x1];
	s3 =	simm.s32 $0x0;
	s2 =	srdreg.scid  }
0x3: {  	s13 =	stileid.u32;
	s16 =	simm.s32 $0x5;
	s17 =	simm.s32 $0x4000  }
0x4: {  	s18 =	simm.s32 $0x50;
	s19 =	simm.s32 $0x8000;
	s20 =	simm.s32 $0xD000  }
0x5: {  	s22 =	simm.s32 $0xA800;
	s24 =	simm.s32 $0xF800;
	s25 =	simm.s32 $0x1  }
0x6: {  	s30 =	simm.s32 $0x2;
	s31 =	simm.s32 $0x4;
	[smem:$0x7FF] =	sst s3  }
0x7: {  	s2 =	sand.u32 $0x1, s2;
	s4 =	sshll.u32 s13, $0x1;
	s15 =	smul.u32 $0x4E200, s13  }
0x8: {  	s14 =	sadd.s32 $0x26200, s0;
	s4 =	sor.u32 s2, s4;
	s13 =	smul.u32 $0x27100, s2  }
0x9: {  	_ =	strace $0x80000047;
	s7 =	ssub.s32 $0x2, s2;
	s6 =	smul.u32 $0x138800, s4  }
0xa: {  	s5 =	sshll.u32 s4, $0xB;
	s8 =	sshrl.u32 s7, $0x1;
	s11 =	smul.u32 $0x27100, s4  }
0xb: {  	s5 =	sadd.s32 s5, s0;
	s0 =	sadd.s32 $0x508200, s0;
	s8 =	ssub.s32 s7, s8  }
0xc: {  	s6 =	sshrl.u32 s6, $0x3;
	s28 =	sadd.s32 $0x6200, s5;
	s29 =	sadd.s32 $0x16200, s5  }
0xd: {  	s8 =	smax.u32 s8, $0x1;
	s9 =	sadd.s32 s14, s11;
	s10 =	sadd.s32 s0, s11  }
0xe: {  	s12 =	sadd.s32 $0x500, s11;
	s26 =	sadd.s32 $0x26C00, s6;
	[dreg:$0x3] =	wrdreg s28  }
0xf: {  	[dreg:$0x4] =	wrdreg s29;
	s11 =	sadd.s32 s14, s12;
	s12 =	sadd.s32 s0, s12  }
0x10: {  	s6 =	sadd.s32 s14, s26;
	s7 =	sadd.s32 s0, s26;
	s14 =	sadd.s32 s15, s14  }
0x11: {  	s15 =	sadd.s32 s15, s0;
	s26 =	simm.s32 $0x3;
	s0 =	simm.s32 $0x0  }
.LBB2_1:
0x12: {  	s2 =	rddreg [dreg:$0x3]  }
0x13: {  	[tilespmem:s3], [sflag:$0x5] =	stream.linear.gather [hbm4b:s2+s3], $0x3E80, $0x38;
	[tilespmem:$0x12000] =	vst v63  }
0x14: {  	_ =	swait.ge [sflag:s16], $0x3E80  }
0x15: {  	[sflag:s16] =	ssyncset.done $0x0  }
0x16: {  	s23 =	rddreg [dreg:$0x4];
	[sflag:s16] =	ssyncadd.s32 $0xFFFFC180  }
0x17: {  	[tilespmem:s17], [sflag:$0x5] =	stream.linear.gather [hbm4b:s23+s3], $0x3E80, $0x38;
	[tilespmem:$0x12000] =	vst v63  }
0x18: {  	_ =	swait.ge [sflag:s16], $0x3E80  }
0x19: {  	[sflag:s16] =	ssyncset.done $0x0  }
0x1a: {  	[sflag:s16] =	ssyncadd.s32 $0xFFFFC180  }
0x1b: {  	[tilespmem:s19], [sflag:$0x1] =	stream.indirect.gather [hbm4b:s1+s18], $0x80, s3, s18, $0xb8;
	[tilespmem:$0x12000] =	vst v63  }
0x1c: {  	_ = 	snop  }
0x1d: {  	[tilespmem:s20], [sflag:$0x1] =	stream.indirect.gather [hbm4b:s1+s18], $0x80, s17, s18, $0xb8;
	[tilespmem:$0x12000] =	vst v63  }
0x1e: {  	s29 =	simm.s32 $0x80  }
0x1f: {  	[tilespmem:s22], [sflag:$0x2] =	stream.indirect.gather [hbm4b:s1+s18], $0x80, s29, s18, $0xb8;
	[tilespmem:$0x12000] =	vst v63  }
0x20: {  	s4 =	simm.s32 $0x4080  }
0x21: {  	[tilespmem:s24], [sflag:$0x2] =	stream.indirect.gather [hbm4b:s1+s18], $0x80, s4, s18, $0xb8;
	[tilespmem:$0x12000] =	vst v63  }
0x22: {  	_ =	swait.ge [sflag:s25], $0x2800  }
0x23: {  	[sflag:s25] =	ssyncset.done $0x0  }
0x24: {  	[sflag:s25] =	ssyncadd.s32 $0xFFFFD800  }
0x25: {  	_ =	swait.ge [sflag:s25], $0x2800  }
0x26: {  	[sflag:s25] =	ssyncset.done $0x0  }
0x27: {  	[sflag:s25] =	ssyncadd.s32 $0xFFFFD800  }
0x28: {  	[hbm4b:s9+s3] =	stream.linear.scatter [tilespmem:s19], [sflag:$0x3], $0x2800, $0x38;
	[tilespmem:$0x12000] =	vst v63  }
0x29: {  	_ = 	snop  }
0x2a: {  	[hbm4b:s10+s3] =	stream.linear.scatter [tilespmem:s20], [sflag:$0x3], $0x2800, $0x38;
	[tilespmem:$0x12000] =	vst v63  }
0x2b: {  	_ =	swait.ge [sflag:s26], $0x2800  }
0x2c: {  	[sflag:s26] =	ssyncset.done $0x0  }
0x2d: {  	[sflag:s26] =	ssyncadd.s32 $0xFFFFD800  }
0x2e: {  	_ =	swait.ge [sflag:s26], $0x2800  }
0x2f: {  	[sflag:s26] =	ssyncset.done $0x0  }
0x30: {  	s5 =	simm.s32 $0x100;
	[sflag:s26] =	ssyncadd.s32 $0xFFFFD800  }
0x31: {  	[tilespmem:s19], [sflag:$0x1] =	stream.indirect.gather [hbm4b:s1+s18], $0x80, s5, s18, $0xb8;
	[tilespmem:$0x12000] =	vst v63  }
0x32: {  	s21 =	simm.s32 $0x4100  }
0x33: {  	[tilespmem:s20], [sflag:$0x1] =	stream.indirect.gather [hbm4b:s1+s18], $0x80, s21, s18, $0xb8;
	[tilespmem:$0x12000] =	vst v63  }
0x34: {  	_ =	swait.ge [sflag:s30], $0x2800  }
0x35: {  	[sflag:s30] =	ssyncset.done $0x0  }
0x36: {  	[sflag:s30] =	ssyncadd.s32 $0xFFFFD800  }
0x37: {  	_ =	swait.ge [sflag:s30], $0x2800  }
0x38: {  	[sflag:s30] =	ssyncset.done $0x0  }
0x39: {  	[sflag:s30] =	ssyncadd.s32 $0xFFFFD800  }
0x3a: {  	[hbm4b:s11+s3] =	stream.linear.scatter [tilespmem:s22], [sflag:$0x4], $0x2800, $0x38;
	[tilespmem:$0x12000] =	vst v63  }
0x3b: {  	_ = 	snop  }
0x3c: {  	[hbm4b:s12+s3] =	stream.linear.scatter [tilespmem:s24], [sflag:$0x4], $0x2800, $0x38;
	[tilespmem:$0x12000] =	vst v63  }
0x3d: {  	_ =	swait.ge [sflag:s31], $0x2800  }
0x3e: {  	[sflag:s31] =	ssyncset.done $0x0  }
0x3f: {  	[sflag:s31] =	ssyncadd.s32 $0xFFFFD800  }
0x40: {  	_ =	swait.ge [sflag:s31], $0x2800  }
0x41: {  	[sflag:s31] =	ssyncset.done $0x0  }
0x42: {  	s23 =	simm.s32 $0x180;
	[sflag:s31] =	ssyncadd.s32 $0xFFFFD800  }
0x43: {  	[tilespmem:s22], [sflag:$0x2] =	stream.indirect.gather [hbm4b:s1+s18], $0x80, s23, s18, $0xb8;
	[tilespmem:$0x12000] =	vst v63  }
0x44: {  	s29 =	simm.s32 $0x4180  }
0x45: {  	[tilespmem:s24], [sflag:$0x2] =	stream.indirect.gather [hbm4b:s1+s18], $0x80, s29, s18, $0xb8;
	[tilespmem:$0x12000] =	vst v63  }
0x46: {  	_ =	swait.ge [sflag:s25], $0x2800  }
0x47: {  	[sflag:s25] =	ssyncset.done $0x0  }
0x48: {  	[sflag:s25] =	ssyncadd.s32 $0xFFFFD800  }
0x49: {  	_ =	swait.ge [sflag:s25], $0x2800  }
0x4a: {  	s2 =	sadd.s32 s14, s13;
	[sflag:s25] =	ssyncset.done $0x0  }
0x4b: {  	s21 =	sadd.s32 $0xA00, s2;
	s23 =	sadd.s32 s15, s13;
	[sflag:s25] =	ssyncadd.s32 $0xFFFFD800  }
0x4c: {  	[hbm4b:s21+s3] =	stream.linear.scatter [tilespmem:s19], [sflag:$0x3], $0x2800, $0x38;
	[tilespmem:$0x12000] =	vst v63  }
0x4d: {  	s4 =	sadd.s32 $0xA00, s23  }
0x4e: {  	[hbm4b:s4+s3] =	stream.linear.scatter [tilespmem:s20], [sflag:$0x3], $0x2800, $0x38;
	[tilespmem:$0x12000] =	vst v63  }
0x4f: {  	_ =	swait.ge [sflag:s26], $0x2800  }
0x50: {  	[sflag:s26] =	ssyncset.done $0x0  }
0x51: {  	[sflag:s26] =	ssyncadd.s32 $0xFFFFD800  }
0x52: {  	_ =	swait.ge [sflag:s26], $0x2800  }
0x53: {  	[sflag:s26] =	ssyncset.done $0x0  }
0x54: {  	s5 =	simm.s32 $0x200;
	[sflag:s26] =	ssyncadd.s32 $0xFFFFD800  }
0x55: {  	[tilespmem:s19], [sflag:$0x1] =	stream.indirect.gather [hbm4b:s1+s18], $0x80, s5, s18, $0xb8;
	[tilespmem:$0x12000] =	vst v63  }
0x56: {  	s29 =	simm.s32 $0x4200  }
0x57: {  	[tilespmem:s20], [sflag:$0x1] =	stream.indirect.gather [hbm4b:s1+s18], $0x80, s29, s18, $0xb8;
	[tilespmem:$0x12000] =	vst v63  }
0x58: {  	_ =	swait.ge [sflag:s30], $0x2800  }
0x59: {  	[sflag:s30] =	ssyncset.done $0x0  }
0x5a: {  	[sflag:s30] =	ssyncadd.s32 $0xFFFFD800  }
0x5b: {  	_ =	swait.ge [sflag:s30], $0x2800  }
0x5c: {  	[sflag:s30] =	ssyncset.done $0x0  }
0x5d: {  	s2 =	sadd.s32 $0xF00, s2;
	s28 =	sadd.s32 $0xF00, s23;
	[sflag:s30] =	ssyncadd.s32 $0xFFFFD800  }
0x5e: {  	[hbm4b:s2+s3] =	stream.linear.scatter [tilespmem:s22], [sflag:$0x4], $0x2800, $0x38;
	[tilespmem:$0x12000] =	vst v63  }
0x5f: {  	s23 =	sadd.s32 $0xA00, s15;
	s21 =	sadd.s32 $0xA00, s14;
	s2 =	simm.s32 $0x400  }
.LBB2_2:
0x60: {  	[hbm4b:s28+s3] =	stream.linear.scatter [tilespmem:s24], [sflag:$0x4], $0x2800, $0x38;
	[tilespmem:$0x12000] =	vst v63  }
0x61: {  	s28 =	smov.u32 s2  }
0x62: {  	p0 =	sne.s32 s2, $0xF000;
	s2 =	sadd.s32 $0x400, s2;
	_ =	swait.ge [sflag:s31], $0x2800  }
0x63: {  	[sflag:s31] =	ssyncset.done $0x0  }
0x64: {  	[sflag:s31] =	ssyncadd.s32 $0xFFFFD800  }
0x65: {  	_ =	swait.ge [sflag:s31], $0x2800  }
0x66: {  	s28 =	sshra.s32 s28, $0x2;
	[sflag:s31] =	ssyncset.done $0x0  }
0x67: {  	s29 =	sadd.s32 $0x180, s28;
	[sflag:s31] =	ssyncadd.s32 $0xFFFFD800  }
0x68: {  	[tilespmem:s22], [sflag:$0x2] =	stream.indirect.gather [hbm4b:s1+s18], $0x80, s29, s18, $0xb8;
	[tilespmem:$0x12000] =	vst v63  }
0x69: {  	s29 =	sadd.s32 $0x4180, s28  }
0x6a: {  	[tilespmem:s24], [sflag:$0x2] =	stream.indirect.gather [hbm4b:s1+s18], $0x80, s29, s18, $0xb8;
	[tilespmem:$0x12000] =	vst v63  }
0x6b: {  	_ =	swait.ge [sflag:s25], $0x2800  }
0x6c: {  	[sflag:s25] =	ssyncset.done $0x0  }
0x6d: {  	[sflag:s25] =	ssyncadd.s32 $0xFFFFD800  }
0x6e: {  	_ =	swait.ge [sflag:s25], $0x2800  }
0x6f: {  	s29 =	sadd.s32 s21, s13;
	[sflag:s25] =	ssyncset.done $0x0  }
0x70: {  	s5 =	sadd.s32 s23, s13;
	s4 =	sadd.s32 $0xA00, s29;
	[sflag:s25] =	ssyncadd.s32 $0xFFFFD800  }
0x71: {  	[hbm4b:s4+s3] =	stream.linear.scatter [tilespmem:s19], [sflag:$0x3], $0x2800, $0x38;
	[tilespmem:$0x12000] =	vst v63  }
0x72: {  	s4 =	sadd.s32 $0xA00, s5  }
0x73: {  	[hbm4b:s4+s3] =	stream.linear.scatter [tilespmem:s20], [sflag:$0x3], $0x2800, $0x38;
	[tilespmem:$0x12000] =	vst v63  }
0x74: {  	_ =	swait.ge [sflag:s26], $0x2800  }
0x75: {  	[sflag:s26] =	ssyncset.done $0x0  }
0x76: {  	[sflag:s26] =	ssyncadd.s32 $0xFFFFD800  }
0x77: {  	_ =	swait.ge [sflag:s26], $0x2800  }
0x78: {  	[sflag:s26] =	ssyncset.done $0x0  }
0x79: {  	s4 =	sadd.s32 $0x200, s28;
	[sflag:s26] =	ssyncadd.s32 $0xFFFFD800  }
0x7a: {  	[tilespmem:s19], [sflag:$0x1] =	stream.indirect.gather [hbm4b:s1+s18], $0x80, s4, s18, $0xb8;
	[tilespmem:$0x12000] =	vst v63  }
0x7b: {  	s4 =	sadd.s32 $0x4200, s28  }
0x7c: {  	[tilespmem:s20], [sflag:$0x1] =	stream.indirect.gather [hbm4b:s1+s18], $0x80, s4, s18, $0xb8;
	[tilespmem:$0x12000] =	vst v63  }
0x7d: {  	_ =	swait.ge [sflag:s30], $0x2800  }
0x7e: {  	[sflag:s30] =	ssyncset.done $0x0  }
0x7f: {  	[sflag:s30] =	ssyncadd.s32 $0xFFFFD800  }
.Ltmp0:
0x80: {  	_ =	swait.ge [sflag:s30], $0x2800;
	(pc) =	sbr.rel @p0 .LBB2_2-.Ltmp0, $4  }
0x81: {  	[sflag:s30] =	ssyncset.done $0x0  }
0x82: {  	s4 =	sadd.s32 $0xF00, s29;
	[sflag:s30] =	ssyncadd.s32 $0xFFFFD800  }
0x83: {  	[hbm4b:s4+s3] =	stream.linear.scatter [tilespmem:s22], [sflag:$0x4], $0x2800, $0x38;
	[tilespmem:$0x12000] =	vst v63  }
0x84: {  	s23 =	sadd.s32 $0xA00, s23;
	s21 =	sadd.s32 $0xA00, s21;
	s28 =	sadd.s32 $0xF00, s5  }
0x85: {  	[hbm4b:s28+s3] =	stream.linear.scatter [tilespmem:s24], [sflag:$0x4], $0x2800, $0x38;
	[tilespmem:$0x12000] =	vst v63  }
0x86: {  	_ =	swait.ge [sflag:s31], $0x2800  }
0x87: {  	[sflag:s31] =	ssyncset.done $0x0  }
0x88: {  	[sflag:s31] =	ssyncadd.s32 $0xFFFFD800  }
0x89: {  	_ =	swait.ge [sflag:s31], $0x2800  }
0x8a: {  	[sflag:s31] =	ssyncset.done $0x0  }
0x8b: {  	[sflag:s31] =	ssyncadd.s32 $0xFFFFD800  }
0x8c: {  	_ =	swait.ge [sflag:s25], $0x2800  }
0x8d: {  	[sflag:s25] =	ssyncset.done $0x0  }
0x8e: {  	[sflag:s25] =	ssyncadd.s32 $0xFFFFD800  }
0x8f: {  	_ =	swait.ge [sflag:s25], $0x2800  }
0x90: {  	[sflag:s25] =	ssyncset.done $0x0  }
0x91: {  	[sflag:s25] =	ssyncadd.s32 $0xFFFFD800  }
0x92: {  	[hbm4b:s6+s3] =	stream.linear.scatter [tilespmem:s19], [sflag:$0x3], $0x2800, $0x38;
	[tilespmem:$0x12000] =	vst v63  }
0x93: {  	s0 =	sadd.s32 $0x1, s0  }
0x94: {  	[hbm4b:s7+s3] =	stream.linear.scatter [tilespmem:s20], [sflag:$0x3], $0x2800, $0x38;
	[tilespmem:$0x12000] =	vst v63  }
0x95: {  	p0 =	sne.s32 s0, s8;
	_ =	swait.ge [sflag:s26], $0x2800  }
.Ltmp1:
0x96: {  	[sflag:s26] =	ssyncset.done $0x0;
	(pc) =	sbr.rel @p0 .LBB2_1-.Ltmp1, $4  }
0x97: {  	[sflag:s26] =	ssyncadd.s32 $0xFFFFD800  }
0x98: {  	_ =	swait.ge [sflag:s26], $0x2800  }
0x99: {  	[sflag:s26] =	ssyncset.done $0x0  }
0x9a: {  	[sflag:s26] =	ssyncadd.s32 $0xFFFFD800  }
0x9b: {  	_ =	sfence.sel $0x180000  }
0x9c: {  	[bflag:$0x0] =	sbarrier.arrive $0xFFFF  }
0x9d: {  	_ =	strace $0x90000047  }
0x9e: {  	s0 =	stileid.u32;
	[bflag:$0x2] =	sbarrier.arrive $0xFFFF  }
0x9f: {  	p0 =	sne.s32 s0, $0x0;
	s0 =	rddreg [dreg:$0x2]  }
0xa0: {  	s0 =	sadd.s32 @!p0 $0x100000, s0  }
0xa1: {  	[sflag:s0] =	ssyncadd.tile.s32 @!p0 $0x1;
	_ =	shalt  }
.Lfunc_end2:
_tile_overlayer_lowered:
.L_overlay_start_2:
0xa2: {  	(tag) =	ssettag $0x2  }
0xa3: {  	s0 =	rddreg [dreg:$0x0];
	s2 =	stileid.u32  }
0xa4: {  	s1 =	rddreg [dreg:$0x1];
	p0 =	sne.s32 s2, $0x0  }
0xa5: {  	s3 =	rddreg [dreg:$0x2];
	[bflag:$0x3] =	sbarrier.arrive $0xFFFF;
	s2 =	simm.s32 @!p0 $0x1C05  }
0xa6: {  	[timem:s3], [sflag:s2] =	dma.local @!p0 [hbm:s0], s1  }
0xa7: {  	s0 =	simm.s32 @!p0 $0x5  }
0xa8: {  	_ =	swait.ge @!p0 [sflag:s0], s1  }
0xa9: {  	s1 =	ssub.s32 @!p0 $0x0, s1;
	[sflag:s0] =	ssyncset.done @!p0 $0x0  }
0xaa: {  	[sflag:s0] =	ssyncadd.s32 @!p0 s1  }
0xab: {  	[bflag:$0x3] =	sbarrier.arrive $0xFFFF  }
0xac: {  	_ =	shalt  }

// kernel: kernel.18.cloned.1.call-start
scs
__scs_entry_jumppad:
0x0: {  	(pc) =	sbr.rel $0x88, $3  }
0x1: {  	(tag) =	ssettag $0x0;
	lr =	simm.s32 $0x1  }
0x2: {  	[smem:$0x3F89] =	sst lr;
	_ =	strace $0xD0000000  }
0x3: {  	_ = 	snop  }
0x4: {  	_ = 	snop  }
0x5: {  	_ = 	snop  }
0x6: {  	_ = 	snop  }
0x7: {  	_ = 	snop  }
__scs_overlays_trampoline_lowered:
0x8: {  	[smem:$0x3F98] =	sst s0  }
0x9: {  	[smem:$0x3F99] =	sst s1  }
0xa: {  	[smem:$0x3F9A] =	sst s2  }
0xb: {  	[smem:$0x3F9B] =	sst s3  }
0xc: {  	[smem:$0x3F9C] =	sst s4  }
0xd: {  	[smem:$0x3F9D] =	sst s5  }
0xe: {  	[smem:$0x3F9E] =	sst s6  }
0xf: {  	[smem:$0x3F9F] =	sst s7  }
0x10: {  	[smem:$0x3FA0] =	sst s8  }
0x11: {  	[smem:$0x3FA1] =	sst s9;
	s0 =	simm.s32 @!p0 $0x0  }
0x12: {  	s1 =	sld [smem:$0x3F87];
	s0 =	simm.s32 @p0 $0x1  }
0x13: {  	[smem:$0x3FA2] =	sst s0;
	s0 =	simm.s32 @!p1 $0x0  }
0x14: {  	s2 =	sld [smem:$0x3F86];
	s0 =	simm.s32 @p1 $0x1  }
0x15: {  	[smem:$0x3FA3] =	sst s0;
	s0 =	simm.s32 @!p2 $0x0  }
0x16: {  	s3 =	sld [smem:$0x3FDB];
	s0 =	simm.s32 @p2 $0x1  }
0x17: {  	s4 =	simm.s32 $0x1BF5;
	[smem:$0x3FA5] =	sst s0  }
0x18: {  	s0 =	sld [smem:$0x3F88];
	_ =	swait.ge [sflag:s4], $0x0  }
0x19: {  	s7 =	sld [smem:$0x3F89]  }
0x1a: {  	s8 =	sadd.s32 $0xFFFFE003, lr  }
0x1b: {  	s9 =	sadd.s32 $0xFFFFFEF7, lr;
	s5 =	simm.s32 $0xFFFFFFFF;
	p2 =	slt.u32 s8, $0xFFFFF086  }
0x1c: {  	p1 =	slt.u32 s9, $0xF7A;
	s5 =	simm.s32 @!p2 $0x0  }
0x1d: {  	s5 =	simm.s32 @p1 $0x1;
	p0 =	seq.s32 s7, s2  }
0x1e: {  	s7 =	smul.u32 @!p0 $0xF7A, s2;
	p2 =	seq.s32 @!p0 s5, $0x0  }
0x1f: {  	s9 =	smul.u32 $0xF7A, s1;
	s8 =	simm.s32 @!p0 $0x1BF5;
	p2 =	por !p2, p0  }
0x20: {  	[sflag:s8] =	ssyncset.s32 @!p0 $0xFFFFF086;
	s6 =	sadd.s32 @!p0 s3, s7;
	s7 =	simm.s32 @!p0 $0x108  }
0x21: {  	s3 =	sadd.s32 s3, s9;
	s6 =	sadd.s32 @!p0 $0x88, s6;
	s7 =	simm.s32 @p2 $0x1082  }
0x22: {  	[simem:s7], [sflag:s8] =	dma.local @!p0 [hbm:s6], $0xF7A  }
0x23: {  	s9 =	sor.u32 $0xD0000000, s2;
	s6 =	simm.s32 $0x108;
	_ =	swait.ge @!p0 [sflag:s8], $0x0  }
0x24: {  	s3 =	sadd.s32 $0x88, s3;
	s6 =	simm.s32 @!p1 $0x1082;
	[sflag:s4] =	ssyncset.s32 $0xFFFFF086  }
0x25: {  	[simem:s6], [sflag:s4] =	dma.local [hbm:s3], $0xF7A  }
0x26: {  	[smem:$0x3F89] =	sst s1;
	(tag) =	ssettag s2;
	_ =	strace s9  }
0x27: {  	s1 =	sld [smem:$0x3F99]  }
0x28: {  	s2 =	sld [smem:$0x3F9A]  }
0x29: {  	s4 =	sld [smem:$0x3F9C]  }
0x2a: {  	p0 =	seq.s32 s5, $0x0;
	s5 =	sld [smem:$0x3F9D]  }
0x2b: {  	s6 =	sld [smem:$0x3F9E]  }
0x2c: {  	s7 =	sld [smem:$0x3F9F]  }
0x2d: {  	s3 =	simm.s32 $0x108;
	s8 =	sld [smem:$0x3FA0]  }
0x2e: {  	s3 =	simm.s32 @!p0 $0x1082;
	s9 =	sld [smem:$0x3FA1]  }
0x2f: {  	lr =	sadd.s32 s0, s3;
	s0 =	sld [smem:$0x3F98]  }
0x30: {  	s3 =	sld [smem:$0x3F9B]  }
0x31: {  	[smem:$0x3FA4] =	sst s10  }
0x32: {  	s10 =	sld [smem:$0x3FA2];
	_ =	sdelay $0x3  }
0x33: {  	p0 =	seq.s32 s10, $0x1;
	s10 =	sld [smem:$0x3FA4];
	_ =	sdelay $0x3  }
0x34: {  	[smem:$0x3FA4] =	sst s10  }
0x35: {  	s10 =	sld [smem:$0x3FA3];
	_ =	sdelay $0x3  }
0x36: {  	p1 =	seq.s32 s10, $0x1;
	s10 =	sld [smem:$0x3FA4];
	_ =	sdelay $0x3  }
0x37: {  	[smem:$0x3FA4] =	sst s10  }
0x38: {  	s10 =	sld [smem:$0x3FA5]  }
0x39: {  	_ = 	snop;
	(pc) =	sbr.ind lr, $3  }
0x3a: {  	_ = 	snop  }
0x3b: {  	_ = 	snop  }
0x3c: {  	p2 =	seq.s32 s10, $0x1;
	s10 =	sld [smem:$0x3FA4]  }
0x3d: {  	_ =	shalt  }
0x3e: {  	_ =	shalt  }
0x3f: {  	_ =	shalt  }
0x40: {  	_ =	shalt  }
0x41: {  	_ =	shalt  }
0x42: {  	_ =	shalt  }
0x43: {  	_ =	shalt  }
0x44: {  	_ =	shalt  }
0x45: {  	_ =	shalt  }
0x46: {  	_ =	shalt  }
0x47: {  	_ =	shalt  }
0x48: {  	_ =	shalt  }
0x49: {  	_ =	shalt  }
0x4a: {  	_ =	shalt  }
0x4b: {  	_ =	shalt  }
0x4c: {  	_ =	shalt  }
0x4d: {  	_ =	shalt  }
0x4e: {  	_ =	shalt  }
0x4f: {  	_ =	shalt  }
0x50: {  	_ =	shalt  }
0x51: {  	_ =	shalt  }
0x52: {  	_ =	shalt  }
0x53: {  	_ =	shalt  }
0x54: {  	_ =	shalt  }
0x55: {  	_ =	shalt  }
0x56: {  	_ =	shalt  }
0x57: {  	_ =	shalt  }
0x58: {  	_ =	shalt  }
0x59: {  	_ =	shalt  }
0x5a: {  	_ =	shalt  }
0x5b: {  	_ =	shalt  }
0x5c: {  	_ =	shalt  }
0x5d: {  	_ =	shalt  }
0x5e: {  	_ =	shalt  }
0x5f: {  	_ =	shalt  }
0x60: {  	_ =	shalt  }
0x61: {  	_ =	shalt  }
0x62: {  	_ =	shalt  }
0x63: {  	_ =	shalt  }
0x64: {  	_ =	shalt  }
0x65: {  	_ =	shalt  }
0x66: {  	_ =	shalt  }
0x67: {  	_ =	shalt  }
0x68: {  	_ =	shalt  }
0x69: {  	_ =	shalt  }
0x6a: {  	_ =	shalt  }
0x6b: {  	_ =	shalt  }
0x6c: {  	_ =	shalt  }
0x6d: {  	_ =	shalt  }
0x6e: {  	_ =	shalt  }
0x6f: {  	_ =	shalt  }
0x70: {  	_ =	shalt  }
0x71: {  	_ =	shalt  }
0x72: {  	_ =	shalt  }
0x73: {  	_ =	shalt  }
0x74: {  	_ =	shalt  }
0x75: {  	_ =	shalt  }
0x76: {  	_ =	shalt  }
0x77: {  	_ =	shalt  }
0x78: {  	_ =	shalt  }
0x79: {  	_ =	shalt  }
0x7a: {  	_ =	shalt  }
0x7b: {  	_ =	shalt  }
0x7c: {  	_ =	shalt  }
0x7d: {  	_ =	shalt  }
0x7e: {  	_ =	shalt  }
0x7f: {  	_ =	shalt  }
0x80: {  	_ =	shalt  }
0x81: {  	_ =	shalt  }
0x82: {  	_ =	shalt  }
0x83: {  	_ =	shalt  }
0x84: {  	_ =	shalt  }
0x85: {  	_ =	shalt  }
0x86: {  	_ =	shalt  }
0x87: {  	_ =	shalt  }
.Lfunc_end0:
.L_simem_size_0:
called_computation.1_lowered:
.L_overlay_start_0:
0x88: {  	s2 =	sld [smem:$0x3FD9]  }
0x89: {  	s3 =	sld [smem:$0x3FFE];
	_ =	sdelay $0x1  }
0x8a: {  	s1 =	srdreg.scid  }
0x8b: {  	s0 =	sand.u32 $0x1, s1  }
0x8c: {  	s16 =	sshll.u32 s0, $0xA;
	s2 =	sadd.s32 s3, s2  }
0x8d: {  	s2 =	sadd.s32 s2, s16  }
0x8e: {  	[smem:$0x3FB0] =	sst s2  }
0x8f: {  	_ = 	snop  }
0x90: {  	(tm) =	ssettm $0x1  }
0x91: {  	s17 =	sld [smem:$0x3FFB];
	_ =	sdelay $0x3  }
0x92: {  	_ =	strace s17  }
0x93: {  	s2 =	sld [smem:$0x3FFC];
	_ =	sdelay $0x3  }
0x94: {  	_ =	strace s2  }
0x95: {  	s2 =	sld [smem:$0x3FFD];
	_ =	sdelay $0x3  }
0x96: {  	_ =	strace s2  }
0x97: {  	_ =	strace $0x8FFFFFFF  }
0x98: {  	s18 =	sld [smem:$0x3FDB];
	_ =	sdelay $0x1  }
0x99: {  	s19 =	simm.s32 $_scs_section_size  }
0x9a: {  	s4 =	simm.s32 $_size__tile_overlayer_lowered;
	s5 =	simm.s32 $_tile_overlayer_lowered  }
0x9b: {  	s22 =	simm.s32 $0x1BFF;
	s21 =	sshll.u32 s5, $0x1;
	s2 =	sadd.s32 s19, s18  }
0x9c: {  	s6 =	simm.s32 $0x0;
	s20 =	sshll.u32 s4, $0x1;
	s4 =	sadd.s32 s21, s2  }
0x9d: {  	[timem:s6], [sflag:s22] =	dma.local [hbm:s4], s20  }
0x9e: {  	_ =	swait.ge [sflag:s22], s20  }
0x9f: {  	s3 =	ssub.s32 $0x0, s20;
	[sflag:s22] =	ssyncset.done $0x0  }
0xa0: {  	[sflag:s22] =	ssyncadd.s32 s3;
	_ =	sdelay $0x1  }
0xa1: {  	s23 =	simm.s32 $0x1B8B  }
0xa2: {  	_ =	swait.ge [sflag:s23], $0x1  }
0xa3: {  	[sflag:s23] =	ssyncset.done $0x0  }
0xa4: {  	s25 =	simm.s32 $0x1B8E;
	s24 =	sld [smem:$0x3FFE];
	[sflag:s23] =	ssyncadd.s32 $0xFFFFFFFF  }
0xa5: {  	s26 =	simm.s32 $execute0_lowered;
	[smem:$0x3FD2] =	sst s25  }
0xa6: {  	s4 =	sshll.u32 s26, $0x1;
	_ =	strace $0x80000049;
	[dreg:$0x1] =	wrdreg $0xFFFFFFFF  }
0xa7: {  	s28 =	simm.s32 $_size_execute0_lowered;
	s2 =	sadd.s32 s2, s4;
	[dreg:$0x0] =	wrdreg $0x0  }
0xa8: {  	s4 =	sshll.u32 s28, $0x1;
	[dreg:$0x2] =	wrdreg s2  }
0xa9: {  	[dreg:$0x3] =	wrdreg s4  }
0xaa: {  	[dreg:$0x4] =	wrdreg $0xC0  }
0xab: {  	_ =	task [dreg:s6], $0x5FFFF  }
0xac: {  	[dreg:$0x1] =	wrdreg $0xFFFFFFFF  }
0xad: {  	[dreg:$0x0] =	wrdreg $0x60  }
0xae: {  	[dreg:$0x2] =	wrdreg s24  }
0xaf: {  	[dreg:$0x3] =	wrdreg $0x90000  }
0xb0: {  	[dreg:$0x4] =	wrdreg $0x9  }
0xb1: {  	_ =	task.clear_ibuf [dreg:s6], $0x5FFFF;
	_ =	strace $0x90000049  }
0xb2: {  	s29 =	simm.s32 $0x9;
	_ =	strace $0x8000004B  }
0xb3: {  	_ =	swait.ge [sflag:s29], $0x1  }
0xb4: {  	[sflag:s29] =	ssyncadd.s32 $0xFFFFFFFF  }
0xb5: {  	_ =	strace $0x9000004B  }
0xb6: {  	_ =	sfence  }
0xb7: {  	s30 =	sld [smem:$0x0];
	_ =	sdelay $0x2  }
0xb8: {  	s31 =	sshll.u32 s1, $0xD;
	s1 =	sshrl.u32 s1, $0x2  }
0xb9: {  	s3 =	sand.u32 $0x4000, s31;
	s1 =	sadd.s32 s1, s30  }
0xba: {  	s0 =	sor.u32 s3, s0;
	s1 =	sshll.u32 s1, $0x11  }
0xbb: {  	s0 =	sor.u32 s1, s0  }
0xbc: {  	s0 =	sadd.s32 $0x8F2B, s0  }
0xbd: {  	[sflag:s0] =	ssyncadd.remote.s32 $0x1  }
0xbe: {  	_ =	sfence.sel $0xFFFF  }
0xbf: {  	[dreg:$0x0] =	wrdreg $0xFFFFFFFF;
	(pc) =	sbr.abs _section_cstart, $3  }
0xc0: {  	[dreg:$0x1] =	wrdreg $0xFFFFFFFF  }
0xc1: {  	_ =	task.clear_ibuf [dreg:s6], $0x2FFFF;
	_ =	strace $0x9FFFFFFF  }
0xc2: {  	(tm) =	ssettm $0x7FFFFFFF  }
0xc3: {  	_ =	shalt  }
tec
execute0_lowered:
.L_overlay_start_1:
0x0: {  	(tag) =	ssettag $0x1  }
0x1: {  	s0 =	rddreg [dreg:$0x0]  }
0x2: {  	s2 =	rddreg [dreg:$0x1];
	s3 =	simm.s32 $0x0  }
0x3: {  	s1 =	stileid.u32;
	s4 =	srdreg.scid;
	s18 =	simm.s32 $0x3  }
0x4: {  	s28 =	simm.s32 $0x0;
	[smem:$0x7FF] =	sst s3;
	s5 =	smul.u32 $0x14000, s1  }
0x5: {  	s6 =	sand.u32 $0x1, s4;
	s4 =	sadd.s32 $0x13BEC00, s0;
	s10 =	smul.u32 $0x50000, s1  }
0x6: {  	s8 =	sshll.u32 s1, $0xC;
	s23 =	smul.u32 $0x4E2000, s1;
	s24 =	sshll.u32 s1, $0x6  }
0x7: {  	_ =	strace $0x8000004A;
	s7 =	smul.u32 $0x140000, s6;
	s9 =	sadd.s32 s8, s0  }
0x8: {  	s20 =	ssub.s32 $0x2, s6;
	s11 =	sshll.u32 s6, $0xA;
	s6 =	sor.u32 $0x1C03, s24  }
0x9: {  	s24 =	simm.s32 $0x50;
	s19 =	sshrl.u32 s5, $0x3;
	s21 =	sshrl.u32 s20, $0x1  }
0xa: {  	s22 =	sshrl.u32 s10, $0x2;
	s14 =	sor.u32 s11, s23;
	s23 =	simm.s32 $0x1  }
0xb: {  	s5 =	sadd.s32 s5, s7;
	s8 =	sadd.s32 s19, s0;
	s12 =	ssub.s32 s20, s21  }
0xc: {  	s17 =	sadd.s32 s22, s2;
	s7 =	sadd.s32 $0x9EA200, s9;
	s25 =	sshrl.u32 s14, $0x3  }
0xd: {  	s26 =	sadd.s32 $0x271000, s14;
	s9 =	sadd.s32 $0x9EAA00, s9;
	s29 =	sadd.s32 $0x5000, s14  }
0xe: {  	s15 =	sadd.s32 $0x276000, s14;
	s16 =	sadd.s32 $0x27B000, s14;
	s14 =	sadd.s32 $0xA000, s14  }
0xf: {  	s19 =	simm.s32 $0x400;
	s20 =	simm.s32 $0x800;
	s21 =	simm.s32 $0x4000  }
0x10: {  	s22 =	simm.s32 $0x6800;
	s5 =	sshrl.u32 s5, $0x3;
	s10 =	sshrl.u32 s26, $0x3  }
0x11: {  	s12 =	smax.u32 s12, $0x1;
	s30 =	sshrl.u32 s15, $0x3;
	s31 =	sshrl.u32 s16, $0x3  }
0x12: {  	s17 =	sshrl.u32 s17, $0x3;
	s26 =	simm.s32 $0x3E00;
	s0 =	sadd.s32 s5, s0  }
0x13: {  	s5 =	sadd.s32 $0x26200, s8;
	s8 =	sadd.s32 s4, s25;
	s10 =	sadd.s32 s4, s10  }
0x14: {  	s15 =	sadd.s32 s30, s4;
	s11 =	sadd.s32 $0x4E200, s0;
	s0 =	sshrl.u32 s29, $0x3  }
0x15: {  	s16 =	sadd.s32 s31, s4;
	s25 =	simm.s32 $0x2;
	s13 =	sadd.s32 s0, s4  }
.LBB2_1:
0x16: {  	[spmem:s17], [sflag:s6] =	dma.local [hbm:s5], $0x2800  }
0x17: {  	_ =	swait.ge [sflag:s18], $0x2800  }
0x18: {  	[sflag:s18] =	ssyncset.done $0x0  }
0x19: {  	[sflag:s18] =	ssyncadd.s32 $0xFFFFD800  }
0x1a: {  	s1 =	simm.s32 $0x0;
	[bflag:$0x0] =	sbarrier.arrive $0xFFFF  }
0x1b: {  	[tilespmem:s1], [sflag:$0x3] =	stream.linear.gather [hbm4b:s7+s1], $0x3E80, $0x38;
	[tilespmem:$0x1D000] =	vst v63  }
0x1c: {  	_ =	swait.ge [sflag:s18], $0x3E80  }
0x1d: {  	[sflag:s18] =	ssyncset.done $0x0  }
0x1e: {  	[sflag:s18] =	ssyncadd.s32 $0xFFFFC180  }
0x1f: {  	[tilespmem:s21], [sflag:$0x1] =	stream.strided.gather [hbm4b:s8+s19], $0x2800, s20, s19, $0x38;
	[tilespmem:$0x1D000] =	vst v63  }
0x20: {  	s0 =	sadd.s32 $0x0, s13  }
0x21: {  	[tilespmem:s22], [sflag:$0x2] =	stream.strided.gather [hbm4b:s0+s19], $0x2800, s20, s19, $0x38;
	[tilespmem:$0x1D000] =	vst v63  }
0x22: {  	_ =	swait.ge [sflag:s23], $0x2800  }
0x23: {  	[sflag:s23] =	ssyncset.done $0x0  }
0x24: {  	[sflag:s23] =	ssyncadd.s32 $0xFFFFD800  }
0x25: {  	[spmem:s2] =	stream.indirect.scatter.add.f32 [tilespmem:s21], [sflag:$0x3], $0x80, s1, s24, $0xb8;
	[tilespmem:$0x1D000] =	vst v63  }
0x26: {  	_ =	swait.ge [sflag:s18], $0x2800  }
0x27: {  	s1 =	sshrl.u32 s14, $0x3;
	[sflag:s18] =	ssyncset.done $0x0  }
0x28: {  	s0 =	sadd.s32 s4, s1;
	[sflag:s18] =	ssyncadd.s32 $0xFFFFD800  }
0x29: {  	[tilespmem:s21], [sflag:$0x1] =	stream.strided.gather [hbm4b:s0+s19], $0x2800, s20, s19, $0x38;
	[tilespmem:$0x1D000] =	vst v63  }
0x2a: {  	_ =	swait.ge [sflag:s25], $0x2800  }
0x2b: {  	[sflag:s25] =	ssyncset.done $0x0  }
0x2c: {  	s3 =	simm.s32 $0x80;
	[sflag:s25] =	ssyncadd.s32 $0xFFFFD800  }
0x2d: {  	[spmem:s2] =	stream.indirect.scatter.add.f32 [tilespmem:s22], [sflag:$0x3], $0x80, s3, s24, $0xb8;
	[tilespmem:$0x1D000] =	vst v63  }
0x2e: {  	s31 =	simm.s32 $0x1400;
	s29 =	simm.s32 $0x100;
	_ =	swait.ge [sflag:s18], $0x2800  }
0x2f: {  	s30 =	sadd.s32 $0xA000, s14;
	s0 =	simm.s32 $0x2800;
	[sflag:s18] =	ssyncset.done $0x0  }
.LBB2_2:
0x30: {  	s1 =	sadd.s32 s31, s13  }
0x31: {  	[sflag:s18] =	ssyncadd.s32 $0xFFFFD800;
	s31 =	smov.u32 s0;
	s3 =	sadd.s32 $0x1400, s0  }
0x32: {  	[tilespmem:s22], [sflag:$0x2] =	stream.strided.gather [hbm4b:s1+s19], $0x2800, s20, s19, $0x38;
	[tilespmem:$0x1D000] =	vst v63  }
0x33: {  	p0 =	sne.s32 s0, $0x4C400;
	_ =	swait.ge [sflag:s23], $0x2800  }
0x34: {  	[sflag:s23] =	ssyncset.done $0x0  }
0x35: {  	[sflag:s23] =	ssyncadd.s32 $0xFFFFD800  }
0x36: {  	[spmem:s2] =	stream.indirect.scatter.add.f32 [tilespmem:s21], [sflag:$0x3], $0x80, s29, s24, $0xb8;
	[tilespmem:$0x1D000] =	vst v63  }
0x37: {  	_ =	swait.ge [sflag:s18], $0x2800  }
0x38: {  	s0 =	sshrl.u32 s30, $0x3;
	[sflag:s18] =	ssyncset.done $0x0  }
0x39: {  	s0 =	sadd.s32 s4, s0;
	[sflag:s18] =	ssyncadd.s32 $0xFFFFD800  }
0x3a: {  	[tilespmem:s21], [sflag:$0x1] =	stream.strided.gather [hbm4b:s0+s19], $0x2800, s20, s19, $0x38;
	[tilespmem:$0x1D000] =	vst v63  }
0x3b: {  	_ =	swait.ge [sflag:s25], $0x2800  }
.Ltmp0:
0x3c: {  	[sflag:s25] =	ssyncset.done $0x0;
	(pc) =	sbr.rel @p0 .LBB2_2-.Ltmp0, $4  }
0x3d: {  	s0 =	sadd.s32 $0x80, s29;
	[sflag:s25] =	ssyncadd.s32 $0xFFFFD800  }
0x3e: {  	[spmem:s2] =	stream.indirect.scatter.add.f32 [tilespmem:s22], [sflag:$0x3], $0x80, s0, s24, $0xb8;
	[tilespmem:$0x1D000] =	vst v63  }
0x3f: {  	s30 =	sadd.s32 $0xA000, s30;
	_ =	swait.ge [sflag:s18], $0x2800  }
0x40: {  	s29 =	sadd.s32 $0x100, s29;
	s0 =	smov.u32 s3;
	[sflag:s18] =	ssyncset.done $0x0  }
0x41: {  	s0 =	sadd.s32 s31, s13;
	[sflag:s18] =	ssyncadd.s32 $0xFFFFD800  }
0x42: {  	[tilespmem:s22], [sflag:$0x2] =	stream.strided.gather [hbm4b:s0+s19], $0x2800, s20, s19, $0x38;
	[tilespmem:$0x1D000] =	vst v63  }
0x43: {  	_ =	swait.ge [sflag:s23], $0x2800  }
0x44: {  	[sflag:s23] =	ssyncset.done $0x0  }
0x45: {  	[sflag:s23] =	ssyncadd.s32 $0xFFFFD800  }
0x46: {  	[spmem:s2] =	stream.indirect.scatter.add.f32 [tilespmem:s21], [sflag:$0x3], $0x80, s29, s24, $0xb8;
	[tilespmem:$0x1D000] =	vst v63  }
0x47: {  	_ =	swait.ge [sflag:s18], $0x2800  }
0x48: {  	s1 =	sshrl.u32 s30, $0x3;
	[sflag:s18] =	ssyncset.done $0x0  }
0x49: {  	s0 =	sadd.s32 s4, s1;
	[sflag:s18] =	ssyncadd.s32 $0xFFFFD800  }
0x4a: {  	[tilespmem:s21], [sflag:$0x1] =	stream.strided.gather [hbm4b:s0+s19], $0x2800, s20, s19, $0x38;
	[tilespmem:$0x1D000] =	vst v63  }
0x4b: {  	_ =	swait.ge [sflag:s25], $0x2800  }
0x4c: {  	[sflag:s25] =	ssyncset.done $0x0  }
0x4d: {  	s3 =	sadd.s32 $0x80, s29;
	[sflag:s25] =	ssyncadd.s32 $0xFFFFD800  }
0x4e: {  	[spmem:s2] =	stream.indirect.scatter.add.f32 [tilespmem:s22], [sflag:$0x3], $0x80, s3, s24, $0xb8;
	[tilespmem:$0x1D000] =	vst v63  }
0x4f: {  	_ =	swait.ge [sflag:s18], $0x2800  }
0x50: {  	[sflag:s18] =	ssyncset.done $0x0  }
0x51: {  	[sflag:s18] =	ssyncadd.s32 $0xFFFFD800  }
0x52: {  	_ =	swait.ge [sflag:s23], $0x2800  }
0x53: {  	[sflag:s23] =	ssyncset.done $0x0  }
0x54: {  	[sflag:s23] =	ssyncadd.s32 $0xFFFFD800  }
0x55: {  	[spmem:s2] =	stream.indirect.scatter.add.f32 [tilespmem:s21], [sflag:$0x3], $0x80, s26, s24, $0xb8;
	[tilespmem:$0x1D000] =	vst v63  }
0x56: {  	_ =	swait.ge [sflag:s18], $0x2800  }
0x57: {  	[sflag:s18] =	ssyncset.done $0x0  }
0x58: {  	s31 =	simm.s32 $0x0;
	[sflag:s18] =	ssyncadd.s32 $0xFFFFD800  }
0x59: {  	[tilespmem:s31], [sflag:$0x3] =	stream.linear.gather [hbm4b:s9+s31], $0x3E80, $0x38;
	[tilespmem:$0x1D000] =	vst v63  }
0x5a: {  	_ =	swait.ge [sflag:s18], $0x3E80  }
0x5b: {  	[sflag:s18] =	ssyncset.done $0x0  }
0x5c: {  	[sflag:s18] =	ssyncadd.s32 $0xFFFFC180  }
0x5d: {  	[tilespmem:s21], [sflag:$0x1] =	stream.strided.gather [hbm4b:s10+s19], $0x2800, s20, s19, $0x38;
	[tilespmem:$0x1D000] =	vst v63  }
0x5e: {  	s1 =	sadd.s32 $0x0, s15  }
0x5f: {  	[tilespmem:s22], [sflag:$0x2] =	stream.strided.gather [hbm4b:s1+s19], $0x2800, s20, s19, $0x38;
	[tilespmem:$0x1D000] =	vst v63  }
0x60: {  	_ =	swait.ge [sflag:s23], $0x2800  }
0x61: {  	[sflag:s23] =	ssyncset.done $0x0  }
0x62: {  	[sflag:s23] =	ssyncadd.s32 $0xFFFFD800  }
0x63: {  	[spmem:s2] =	stream.indirect.scatter.add.f32 [tilespmem:s21], [sflag:$0x3], $0x80, s31, s24, $0xb8;
	[tilespmem:$0x1D000] =	vst v63  }
0x64: {  	_ =	swait.ge [sflag:s18], $0x2800  }
0x65: {  	[sflag:s18] =	ssyncset.done $0x0  }
0x66: {  	s3 =	sadd.s32 $0x0, s16;
	[sflag:s18] =	ssyncadd.s32 $0xFFFFD800  }
0x67: {  	[tilespmem:s21], [sflag:$0x1] =	stream.strided.gather [hbm4b:s3+s19], $0x2800, s20, s19, $0x38;
	[tilespmem:$0x1D000] =	vst v63  }
0x68: {  	_ =	swait.ge [sflag:s25], $0x2800  }
0x69: {  	[sflag:s25] =	ssyncset.done $0x0  }
0x6a: {  	s31 =	simm.s32 $0x80;
	[sflag:s25] =	ssyncadd.s32 $0xFFFFD800  }
0x6b: {  	[spmem:s2] =	stream.indirect.scatter.add.f32 [tilespmem:s22], [sflag:$0x3], $0x80, s31, s24, $0xb8;
	[tilespmem:$0x1D000] =	vst v63  }
0x6c: {  	s30 =	simm.s32 $0x1400;
	_ =	swait.ge [sflag:s18], $0x2800  }
0x6d: {  	s29 =	simm.s32 $0x100;
	s0 =	simm.s32 $0x2800;
	[sflag:s18] =	ssyncset.done $0x0  }
.LBB2_4:
0x6e: {  	s1 =	sadd.s32 s30, s15  }
0x6f: {  	[sflag:s18] =	ssyncadd.s32 $0xFFFFD800;
	s3 =	smov.u32 s0;
	s31 =	sadd.s32 $0x1400, s0  }
0x70: {  	[tilespmem:s22], [sflag:$0x2] =	stream.strided.gather [hbm4b:s1+s19], $0x2800, s20, s19, $0x38;
	[tilespmem:$0x1D000] =	vst v63  }
0x71: {  	p0 =	sne.s32 s0, $0x4C400;
	_ =	swait.ge [sflag:s23], $0x2800  }
0x72: {  	[sflag:s23] =	ssyncset.done $0x0  }
0x73: {  	[sflag:s23] =	ssyncadd.s32 $0xFFFFD800  }
0x74: {  	[spmem:s2] =	stream.indirect.scatter.add.f32 [tilespmem:s21], [sflag:$0x3], $0x80, s29, s24, $0xb8;
	[tilespmem:$0x1D000] =	vst v63  }
0x75: {  	_ =	swait.ge [sflag:s18], $0x2800  }
0x76: {  	[sflag:s18] =	ssyncset.done $0x0  }
0x77: {  	s0 =	sadd.s32 s30, s16;
	s30 =	smov.u32 s3;
	[sflag:s18] =	ssyncadd.s32 $0xFFFFD800  }
0x78: {  	[tilespmem:s21], [sflag:$0x1] =	stream.strided.gather [hbm4b:s0+s19], $0x2800, s20, s19, $0x38;
	[tilespmem:$0x1D000] =	vst v63  }
0x79: {  	_ =	swait.ge [sflag:s25], $0x2800  }
.Ltmp1:
0x7a: {  	[sflag:s25] =	ssyncset.done $0x0;
	(pc) =	sbr.rel @p0 .LBB2_4-.Ltmp1, $4  }
0x7b: {  	s0 =	sadd.s32 $0x80, s29;
	[sflag:s25] =	ssyncadd.s32 $0xFFFFD800  }
0x7c: {  	[spmem:s2] =	stream.indirect.scatter.add.f32 [tilespmem:s22], [sflag:$0x3], $0x80, s0, s24, $0xb8;
	[tilespmem:$0x1D000] =	vst v63  }
0x7d: {  	_ =	swait.ge [sflag:s18], $0x2800  }
0x7e: {  	s29 =	sadd.s32 $0x100, s29;
	s0 =	smov.u32 s31;
	[sflag:s18] =	ssyncset.done $0x0  }
0x7f: {  	s0 =	sadd.s32 s30, s15;
	[sflag:s18] =	ssyncadd.s32 $0xFFFFD800  }
0x80: {  	[tilespmem:s22], [sflag:$0x2] =	stream.strided.gather [hbm4b:s0+s19], $0x2800, s20, s19, $0x38;
	[tilespmem:$0x1D000] =	vst v63  }
0x81: {  	_ =	swait.ge [sflag:s23], $0x2800  }
0x82: {  	[sflag:s23] =	ssyncset.done $0x0  }
0x83: {  	[sflag:s23] =	ssyncadd.s32 $0xFFFFD800  }
0x84: {  	[spmem:s2] =	stream.indirect.scatter.add.f32 [tilespmem:s21], [sflag:$0x3], $0x80, s29, s24, $0xb8;
	[tilespmem:$0x1D000] =	vst v63  }
0x85: {  	_ =	swait.ge [sflag:s18], $0x2800  }
0x86: {  	[sflag:s18] =	ssyncset.done $0x0  }
0x87: {  	s30 =	sadd.s32 s30, s16;
	[sflag:s18] =	ssyncadd.s32 $0xFFFFD800  }
0x88: {  	[tilespmem:s21], [sflag:$0x1] =	stream.strided.gather [hbm4b:s30+s19], $0x2800, s20, s19, $0x38;
	[tilespmem:$0x1D000] =	vst v63  }
0x89: {  	_ =	swait.ge [sflag:s25], $0x2800  }
0x8a: {  	[sflag:s25] =	ssyncset.done $0x0  }
0x8b: {  	s31 =	sadd.s32 $0x80, s29;
	[sflag:s25] =	ssyncadd.s32 $0xFFFFD800  }
0x8c: {  	[spmem:s2] =	stream.indirect.scatter.add.f32 [tilespmem:s22], [sflag:$0x3], $0x80, s31, s24, $0xb8;
	[tilespmem:$0x1D000] =	vst v63  }
0x8d: {  	_ =	swait.ge [sflag:s18], $0x2800  }
0x8e: {  	[sflag:s18] =	ssyncset.done $0x0  }
0x8f: {  	[sflag:s18] =	ssyncadd.s32 $0xFFFFD800  }
0x90: {  	_ =	swait.ge [sflag:s23], $0x2800  }
0x91: {  	[sflag:s23] =	ssyncset.done $0x0  }
0x92: {  	[sflag:s23] =	ssyncadd.s32 $0xFFFFD800  }
0x93: {  	[spmem:s2] =	stream.indirect.scatter.add.f32 [tilespmem:s21], [sflag:$0x3], $0x80, s26, s24, $0xb8;
	[tilespmem:$0x1D000] =	vst v63  }
0x94: {  	_ =	swait.ge [sflag:s18], $0x2800  }
0x95: {  	s28 =	sadd.s32 $0x1, s28;
	[sflag:s18] =	ssyncset.done $0x0  }
0x96: {  	p0 =	sne.s32 s28, s12;
	[sflag:s18] =	ssyncadd.s32 $0xFFFFD800  }
.Ltmp2:
0x97: {  	[bflag:$0x0] =	sbarrier.arrive $0xFFFF;
	(pc) =	sbr.rel @p0 .LBB2_1-.Ltmp2, $4  }
0x98: {  	[hbm:s11], [sflag:s6] =	dma.local [spmem:s17], $0x2800  }
0x99: {  	_ =	swait.ge [sflag:s18], $0x2800  }
0x9a: {  	[sflag:s18] =	ssyncset.done $0x0  }
0x9b: {  	[sflag:s18] =	ssyncadd.s32 $0xFFFFD800  }
0x9c: {  	_ =	sfence.sel $0x180000  }
0x9d: {  	[bflag:$0x0] =	sbarrier.arrive $0xFFFF  }
0x9e: {  	_ =	strace $0x9000004A  }
0x9f: {  	s0 =	stileid.u32;
	[bflag:$0x2] =	sbarrier.arrive $0xFFFF  }
0xa0: {  	p0 =	sne.s32 s0, $0x0;
	s0 =	rddreg [dreg:$0x2]  }
0xa1: {  	s0 =	sadd.s32 @!p0 $0x100000, s0  }
0xa2: {  	[sflag:s0] =	ssyncadd.tile.s32 @!p0 $0x1;
	_ =	shalt  }
.Lfunc_end2:
_tile_overlayer_lowered:
.L_overlay_start_2:
0xa3: {  	(tag) =	ssettag $0x2  }
0xa4: {  	s0 =	rddreg [dreg:$0x0];
	s2 =	stileid.u32  }
0xa5: {  	s1 =	rddreg [dreg:$0x1];
	p0 =	sne.s32 s2, $0x0  }
0xa6: {  	s3 =	rddreg [dreg:$0x2];
	[bflag:$0x3] =	sbarrier.arrive $0xFFFF;
	s2 =	simm.s32 @!p0 $0x1C03  }
0xa7: {  	[timem:s3], [sflag:s2] =	dma.local @!p0 [hbm:s0], s1  }
0xa8: {  	s0 =	simm.s32 @!p0 $0x3  }
0xa9: {  	_ =	swait.ge @!p0 [sflag:s0], s1  }
0xaa: {  	s1 =	ssub.s32 @!p0 $0x0, s1;
	[sflag:s0] =	ssyncset.done @!p0 $0x0  }
0xab: {  	[sflag:s0] =	ssyncadd.s32 @!p0 s1  }
0xac: {  	[bflag:$0x3] =	sbarrier.arrive $0xFFFF  }
0xad: {  	_ =	shalt  }

// kernel: kernel.21.cloned.1.call-start
scs
__scs_entry_jumppad:
0x0: {  	(pc) =	sbr.rel $0x88, $3  }
0x1: {  	(tag) =	ssettag $0x0;
	lr =	simm.s32 $0x1  }
0x2: {  	[smem:$0x3F89] =	sst lr;
	_ =	strace $0xD0000000  }
0x3: {  	_ = 	snop  }
0x4: {  	_ = 	snop  }
0x5: {  	_ = 	snop  }
0x6: {  	_ = 	snop  }
0x7: {  	_ = 	snop  }
__scs_overlays_trampoline_lowered:
0x8: {  	[smem:$0x3F98] =	sst s0  }
0x9: {  	[smem:$0x3F99] =	sst s1  }
0xa: {  	[smem:$0x3F9A] =	sst s2  }
0xb: {  	[smem:$0x3F9B] =	sst s3  }
0xc: {  	[smem:$0x3F9C] =	sst s4  }
0xd: {  	[smem:$0x3F9D] =	sst s5  }
0xe: {  	[smem:$0x3F9E] =	sst s6  }
0xf: {  	[smem:$0x3F9F] =	sst s7  }
0x10: {  	[smem:$0x3FA0] =	sst s8  }
0x11: {  	[smem:$0x3FA1] =	sst s9;
	s0 =	simm.s32 @!p0 $0x0  }
0x12: {  	s1 =	sld [smem:$0x3F87];
	s0 =	simm.s32 @p0 $0x1  }
0x13: {  	[smem:$0x3FA2] =	sst s0;
	s0 =	simm.s32 @!p1 $0x0  }
0x14: {  	s2 =	sld [smem:$0x3F86];
	s0 =	simm.s32 @p1 $0x1  }
0x15: {  	[smem:$0x3FA3] =	sst s0;
	s0 =	simm.s32 @!p2 $0x0  }
0x16: {  	s3 =	sld [smem:$0x3FDB];
	s0 =	simm.s32 @p2 $0x1  }
0x17: {  	s4 =	simm.s32 $0x1BF5;
	[smem:$0x3FA5] =	sst s0  }
0x18: {  	s0 =	sld [smem:$0x3F88];
	_ =	swait.ge [sflag:s4], $0x0  }
0x19: {  	s7 =	sld [smem:$0x3F89]  }
0x1a: {  	s8 =	sadd.s32 $0xFFFFE003, lr  }
0x1b: {  	s9 =	sadd.s32 $0xFFFFFEF7, lr;
	s5 =	simm.s32 $0xFFFFFFFF;
	p2 =	slt.u32 s8, $0xFFFFF086  }
0x1c: {  	p1 =	slt.u32 s9, $0xF7A;
	s5 =	simm.s32 @!p2 $0x0  }
0x1d: {  	s5 =	simm.s32 @p1 $0x1;
	p0 =	seq.s32 s7, s2  }
0x1e: {  	s7 =	smul.u32 @!p0 $0xF7A, s2;
	p2 =	seq.s32 @!p0 s5, $0x0  }
0x1f: {  	s9 =	smul.u32 $0xF7A, s1;
	s8 =	simm.s32 @!p0 $0x1BF5;
	p2 =	por !p2, p0  }
0x20: {  	[sflag:s8] =	ssyncset.s32 @!p0 $0xFFFFF086;
	s6 =	sadd.s32 @!p0 s3, s7;
	s7 =	simm.s32 @!p0 $0x108  }
0x21: {  	s3 =	sadd.s32 s3, s9;
	s6 =	sadd.s32 @!p0 $0x88, s6;
	s7 =	simm.s32 @p2 $0x1082  }
0x22: {  	[simem:s7], [sflag:s8] =	dma.local @!p0 [hbm:s6], $0xF7A  }
0x23: {  	s9 =	sor.u32 $0xD0000000, s2;
	s6 =	simm.s32 $0x108;
	_ =	swait.ge @!p0 [sflag:s8], $0x0  }
0x24: {  	s3 =	sadd.s32 $0x88, s3;
	s6 =	simm.s32 @!p1 $0x1082;
	[sflag:s4] =	ssyncset.s32 $0xFFFFF086  }
0x25: {  	[simem:s6], [sflag:s4] =	dma.local [hbm:s3], $0xF7A  }
0x26: {  	[smem:$0x3F89] =	sst s1;
	(tag) =	ssettag s2;
	_ =	strace s9  }
0x27: {  	s1 =	sld [smem:$0x3F99]  }
0x28: {  	s2 =	sld [smem:$0x3F9A]  }
0x29: {  	s4 =	sld [smem:$0x3F9C]  }
0x2a: {  	p0 =	seq.s32 s5, $0x0;
	s5 =	sld [smem:$0x3F9D]  }
0x2b: {  	s6 =	sld [smem:$0x3F9E]  }
0x2c: {  	s7 =	sld [smem:$0x3F9F]  }
0x2d: {  	s3 =	simm.s32 $0x108;
	s8 =	sld [smem:$0x3FA0]  }
0x2e: {  	s3 =	simm.s32 @!p0 $0x1082;
	s9 =	sld [smem:$0x3FA1]  }
0x2f: {  	lr =	sadd.s32 s0, s3;
	s0 =	sld [smem:$0x3F98]  }
0x30: {  	s3 =	sld [smem:$0x3F9B]  }
0x31: {  	[smem:$0x3FA4] =	sst s10  }
0x32: {  	s10 =	sld [smem:$0x3FA2];
	_ =	sdelay $0x3  }
0x33: {  	p0 =	seq.s32 s10, $0x1;
	s10 =	sld [smem:$0x3FA4];
	_ =	sdelay $0x3  }
0x34: {  	[smem:$0x3FA4] =	sst s10  }
0x35: {  	s10 =	sld [smem:$0x3FA3];
	_ =	sdelay $0x3  }
0x36: {  	p1 =	seq.s32 s10, $0x1;
	s10 =	sld [smem:$0x3FA4];
	_ =	sdelay $0x3  }
0x37: {  	[smem:$0x3FA4] =	sst s10  }
0x38: {  	s10 =	sld [smem:$0x3FA5]  }
0x39: {  	_ = 	snop;
	(pc) =	sbr.ind lr, $3  }
0x3a: {  	_ = 	snop  }
0x3b: {  	_ = 	snop  }
0x3c: {  	p2 =	seq.s32 s10, $0x1;
	s10 =	sld [smem:$0x3FA4]  }
0x3d: {  	_ =	shalt  }
0x3e: {  	_ =	shalt  }
0x3f: {  	_ =	shalt  }
0x40: {  	_ =	shalt  }
0x41: {  	_ =	shalt  }
0x42: {  	_ =	shalt  }
0x43: {  	_ =	shalt  }
0x44: {  	_ =	shalt  }
0x45: {  	_ =	shalt  }
0x46: {  	_ =	shalt  }
0x47: {  	_ =	shalt  }
0x48: {  	_ =	shalt  }
0x49: {  	_ =	shalt  }
0x4a: {  	_ =	shalt  }
0x4b: {  	_ =	shalt  }
0x4c: {  	_ =	shalt  }
0x4d: {  	_ =	shalt  }
0x4e: {  	_ =	shalt  }
0x4f: {  	_ =	shalt  }
0x50: {  	_ =	shalt  }
0x51: {  	_ =	shalt  }
0x52: {  	_ =	shalt  }
0x53: {  	_ =	shalt  }
0x54: {  	_ =	shalt  }
0x55: {  	_ =	shalt  }
0x56: {  	_ =	shalt  }
0x57: {  	_ =	shalt  }
0x58: {  	_ =	shalt  }
0x59: {  	_ =	shalt  }
0x5a: {  	_ =	shalt  }
0x5b: {  	_ =	shalt  }
0x5c: {  	_ =	shalt  }
0x5d: {  	_ =	shalt  }
0x5e: {  	_ =	shalt  }
0x5f: {  	_ =	shalt  }
0x60: {  	_ =	shalt  }
0x61: {  	_ =	shalt  }
0x62: {  	_ =	shalt  }
0x63: {  	_ =	shalt  }
0x64: {  	_ =	shalt  }
0x65: {  	_ =	shalt  }
0x66: {  	_ =	shalt  }
0x67: {  	_ =	shalt  }
0x68: {  	_ =	shalt  }
0x69: {  	_ =	shalt  }
0x6a: {  	_ =	shalt  }
0x6b: {  	_ =	shalt  }
0x6c: {  	_ =	shalt  }
0x6d: {  	_ =	shalt  }
0x6e: {  	_ =	shalt  }
0x6f: {  	_ =	shalt  }
0x70: {  	_ =	shalt  }
0x71: {  	_ =	shalt  }
0x72: {  	_ =	shalt  }
0x73: {  	_ =	shalt  }
0x74: {  	_ =	shalt  }
0x75: {  	_ =	shalt  }
0x76: {  	_ =	shalt  }
0x77: {  	_ =	shalt  }
0x78: {  	_ =	shalt  }
0x79: {  	_ =	shalt  }
0x7a: {  	_ =	shalt  }
0x7b: {  	_ =	shalt  }
0x7c: {  	_ =	shalt  }
0x7d: {  	_ =	shalt  }
0x7e: {  	_ =	shalt  }
0x7f: {  	_ =	shalt  }
0x80: {  	_ =	shalt  }
0x81: {  	_ =	shalt  }
0x82: {  	_ =	shalt  }
0x83: {  	_ =	shalt  }
0x84: {  	_ =	shalt  }
0x85: {  	_ =	shalt  }
0x86: {  	_ =	shalt  }
0x87: {  	_ =	shalt  }
.Lfunc_end0:
.L_simem_size_0:
called_computation.2_lowered:
.L_overlay_start_0:
0x88: {  	s2 =	sld [smem:$0x3FD9]  }
0x89: {  	s3 =	sld [smem:$0x3FFE];
	_ =	sdelay $0x1  }
0x8a: {  	s1 =	srdreg.scid  }
0x8b: {  	s0 =	sand.u32 $0x1, s1  }
0x8c: {  	s16 =	sshll.u32 s0, $0xA;
	s2 =	sadd.s32 s3, s2  }
0x8d: {  	s2 =	sadd.s32 s2, s16  }
0x8e: {  	[smem:$0x3FB0] =	sst s2  }
0x8f: {  	_ = 	snop  }
0x90: {  	(tm) =	ssettm $0x1  }
0x91: {  	s17 =	sld [smem:$0x3FFB];
	_ =	sdelay $0x3  }
0x92: {  	_ =	strace s17  }
0x93: {  	s2 =	sld [smem:$0x3FFC];
	_ =	sdelay $0x3  }
0x94: {  	_ =	strace s2  }
0x95: {  	s2 =	sld [smem:$0x3FFD];
	_ =	sdelay $0x3  }
0x96: {  	_ =	strace s2  }
0x97: {  	_ =	strace $0x8FFFFFFF  }
0x98: {  	s18 =	sld [smem:$0x3FDB];
	_ =	sdelay $0x1  }
0x99: {  	s19 =	simm.s32 $_scs_section_size  }
0x9a: {  	s4 =	simm.s32 $_size__tile_overlayer_lowered;
	s5 =	simm.s32 $_tile_overlayer_lowered  }
0x9b: {  	s22 =	simm.s32 $0x1BFF;
	s21 =	sshll.u32 s5, $0x1;
	s2 =	sadd.s32 s19, s18  }
0x9c: {  	s6 =	simm.s32 $0x0;
	s20 =	sshll.u32 s4, $0x1;
	s4 =	sadd.s32 s21, s2  }
0x9d: {  	[timem:s6], [sflag:s22] =	dma.local [hbm:s4], s20  }
0x9e: {  	_ =	swait.ge [sflag:s22], s20  }
0x9f: {  	s3 =	ssub.s32 $0x0, s20;
	[sflag:s22] =	ssyncset.done $0x0  }
0xa0: {  	[sflag:s22] =	ssyncadd.s32 s3;
	_ =	sdelay $0x1  }
0xa1: {  	s23 =	simm.s32 $0x1B8B  }
0xa2: {  	_ =	swait.ge [sflag:s23], $0x1  }
0xa3: {  	[sflag:s23] =	ssyncset.done $0x0  }
0xa4: {  	s25 =	simm.s32 $0x1B8E;
	s24 =	sld [smem:$0x3FFE];
	[sflag:s23] =	ssyncadd.s32 $0xFFFFFFFF  }
0xa5: {  	s26 =	simm.s32 $execute0_lowered;
	[smem:$0x3FD2] =	sst s25  }
0xa6: {  	s4 =	sshll.u32 s26, $0x1;
	_ =	strace $0x8000004C;
	[dreg:$0x1] =	wrdreg $0xFFFFFFFF  }
0xa7: {  	s28 =	simm.s32 $_size_execute0_lowered;
	s2 =	sadd.s32 s2, s4;
	[dreg:$0x0] =	wrdreg $0x0  }
0xa8: {  	s4 =	sshll.u32 s28, $0x1;
	[dreg:$0x2] =	wrdreg s2  }
0xa9: {  	[dreg:$0x3] =	wrdreg s4  }
0xaa: {  	[dreg:$0x4] =	wrdreg $0xC0  }
0xab: {  	_ =	task [dreg:s6], $0x5FFFF  }
0xac: {  	[dreg:$0x1] =	wrdreg $0xFFFFFFFF  }
0xad: {  	[dreg:$0x0] =	wrdreg $0x60  }
0xae: {  	[dreg:$0x2] =	wrdreg s24  }
0xaf: {  	[dreg:$0x3] =	wrdreg $0x9  }
0xb0: {  	_ =	task.clear_ibuf [dreg:s6], $0x4FFFF;
	_ =	strace $0x9000004C  }
0xb1: {  	s29 =	simm.s32 $0x9;
	_ =	strace $0x8000004E  }
0xb2: {  	_ =	swait.ge [sflag:s29], $0x1  }
0xb3: {  	[sflag:s29] =	ssyncadd.s32 $0xFFFFFFFF  }
0xb4: {  	_ =	strace $0x9000004E  }
0xb5: {  	_ =	sfence  }
0xb6: {  	s30 =	sld [smem:$0x0];
	_ =	sdelay $0x2  }
0xb7: {  	s31 =	sshll.u32 s1, $0xD;
	s1 =	sshrl.u32 s1, $0x2  }
0xb8: {  	s3 =	sand.u32 $0x4000, s31;
	s1 =	sadd.s32 s1, s30  }
0xb9: {  	s0 =	sor.u32 s3, s0;
	s1 =	sshll.u32 s1, $0x11  }
0xba: {  	s0 =	sor.u32 s1, s0  }
0xbb: {  	s0 =	sadd.s32 $0x8F2B, s0  }
0xbc: {  	[sflag:s0] =	ssyncadd.remote.s32 $0x1  }
0xbd: {  	_ =	sfence.sel $0xFFFF  }
0xbe: {  	[dreg:$0x0] =	wrdreg $0xFFFFFFFF;
	(pc) =	sbr.abs _section_cstart, $3  }
0xbf: {  	[dreg:$0x1] =	wrdreg $0xFFFFFFFF  }
0xc0: {  	_ =	task.clear_ibuf [dreg:s6], $0x2FFFF;
	_ =	strace $0x9FFFFFFF  }
0xc1: {  	(tm) =	ssettm $0x7FFFFFFF  }
tec
execute0_lowered:
.L_overlay_start_1:
0x0: {  	(tag) =	ssettag $0x1  }
0x1: {  	s0 =	rddreg [dreg:$0x0]  }
0x2: {  	s2 =	simm.s32 $0x0;
	s1 =	srdreg.scid;
	s13 =	stileid.u32  }
0x3: {  	s16 =	simm.s32 $0x5;
	s17 =	simm.s32 $0x4000;
	s18 =	simm.s32 $0x50  }
0x4: {  	s19 =	simm.s32 $0x8000;
	s20 =	simm.s32 $0xD000;
	s22 =	simm.s32 $0xA800  }
0x5: {  	s24 =	simm.s32 $0xF800;
	s25 =	simm.s32 $0x1;
	s30 =	simm.s32 $0x2  }
0x6: {  	s31 =	simm.s32 $0x4;
	[smem:$0x7FF] =	sst s2;
	s1 =	sand.u32 $0x1, s1  }
0x7: {  	s3 =	sshll.u32 s13, $0x1;
	s14 =	sadd.s32 $0x13BEA00, s0;
	s15 =	smul.u32 $0x4E200, s13  }
0x8: {  	_ =	strace $0x8000004D;
	s4 =	sor.u32 s1, s3;
	s13 =	smul.u32 $0x27100, s1  }
0x9: {  	s3 =	sadd.s32 $0x4E200, s0;
	s7 =	ssub.s32 $0x2, s1;
	s6 =	smul.u32 $0x138800, s4  }
0xa: {  	s5 =	sshll.u32 s4, $0xB;
	s8 =	sshrl.u32 s7, $0x1;
	s11 =	smul.u32 $0x27100, s4  }
0xb: {  	s5 =	sadd.s32 s5, s0;
	s0 =	sadd.s32 $0x76200, s0;
	s8 =	ssub.s32 s7, s8  }
0xc: {  	s6 =	sshrl.u32 s6, $0x3;
	s28 =	sadd.s32 $0x6200, s5;
	s29 =	sadd.s32 $0x16200, s5  }
0xd: {  	s8 =	smax.u32 s8, $0x1;
	s9 =	sadd.s32 s14, s11;
	s10 =	sadd.s32 s0, s11  }
0xe: {  	s12 =	sadd.s32 $0x500, s11;
	s26 =	sadd.s32 $0x26C00, s6;
	[dreg:$0x2] =	wrdreg s28  }
0xf: {  	[dreg:$0x3] =	wrdreg s29;
	s11 =	sadd.s32 s14, s12;
	s12 =	sadd.s32 s0, s12  }
0x10: {  	s6 =	sadd.s32 s14, s26;
	s7 =	sadd.s32 s0, s26;
	s14 =	sadd.s32 s15, s14  }
0x11: {  	s15 =	sadd.s32 s15, s0;
	s26 =	simm.s32 $0x3;
	s0 =	simm.s32 $0x0  }
.LBB2_1:
0x12: {  	s1 =	rddreg [dreg:$0x2]  }
0x13: {  	[tilespmem:s2], [sflag:$0x5] =	stream.linear.gather [hbm4b:s1+s2], $0x3E80, $0x38;
	[tilespmem:$0x12000] =	vst v63  }
0x14: {  	_ =	swait.ge [sflag:s16], $0x3E80  }
0x15: {  	[sflag:s16] =	ssyncset.done $0x0  }
0x16: {  	s23 =	rddreg [dreg:$0x3];
	[sflag:s16] =	ssyncadd.s32 $0xFFFFC180  }
0x17: {  	[tilespmem:s17], [sflag:$0x5] =	stream.linear.gather [hbm4b:s23+s2], $0x3E80, $0x38;
	[tilespmem:$0x12000] =	vst v63  }
0x18: {  	_ =	swait.ge [sflag:s16], $0x3E80  }
0x19: {  	[sflag:s16] =	ssyncset.done $0x0  }
0x1a: {  	[sflag:s16] =	ssyncadd.s32 $0xFFFFC180  }
0x1b: {  	[tilespmem:s19], [sflag:$0x1] =	stream.indirect.gather [hbm4b:s3+s18], $0x80, s2, s18, $0xb8;
	[tilespmem:$0x12000] =	vst v63  }
0x1c: {  	_ = 	snop  }
0x1d: {  	[tilespmem:s20], [sflag:$0x1] =	stream.indirect.gather [hbm4b:s3+s18], $0x80, s17, s18, $0xb8;
	[tilespmem:$0x12000] =	vst v63  }
0x1e: {  	s29 =	simm.s32 $0x80  }
0x1f: {  	[tilespmem:s22], [sflag:$0x2] =	stream.indirect.gather [hbm4b:s3+s18], $0x80, s29, s18, $0xb8;
	[tilespmem:$0x12000] =	vst v63  }
0x20: {  	s4 =	simm.s32 $0x4080  }
0x21: {  	[tilespmem:s24], [sflag:$0x2] =	stream.indirect.gather [hbm4b:s3+s18], $0x80, s4, s18, $0xb8;
	[tilespmem:$0x12000] =	vst v63  }
0x22: {  	_ =	swait.ge [sflag:s25], $0x2800  }
0x23: {  	[sflag:s25] =	ssyncset.done $0x0  }
0x24: {  	[sflag:s25] =	ssyncadd.s32 $0xFFFFD800  }
0x25: {  	_ =	swait.ge [sflag:s25], $0x2800  }
0x26: {  	[sflag:s25] =	ssyncset.done $0x0  }
0x27: {  	[sflag:s25] =	ssyncadd.s32 $0xFFFFD800  }
0x28: {  	[hbm4b:s9+s2] =	stream.linear.scatter [tilespmem:s19], [sflag:$0x3], $0x2800, $0x38;
	[tilespmem:$0x12000] =	vst v63  }
0x29: {  	_ = 	snop  }
0x2a: {  	[hbm4b:s10+s2] =	stream.linear.scatter [tilespmem:s20], [sflag:$0x3], $0x2800, $0x38;
	[tilespmem:$0x12000] =	vst v63  }
0x2b: {  	_ =	swait.ge [sflag:s26], $0x2800  }
0x2c: {  	[sflag:s26] =	ssyncset.done $0x0  }
0x2d: {  	[sflag:s26] =	ssyncadd.s32 $0xFFFFD800  }
0x2e: {  	_ =	swait.ge [sflag:s26], $0x2800  }
0x2f: {  	[sflag:s26] =	ssyncset.done $0x0  }
0x30: {  	s5 =	simm.s32 $0x100;
	[sflag:s26] =	ssyncadd.s32 $0xFFFFD800  }
0x31: {  	[tilespmem:s19], [sflag:$0x1] =	stream.indirect.gather [hbm4b:s3+s18], $0x80, s5, s18, $0xb8;
	[tilespmem:$0x12000] =	vst v63  }
0x32: {  	s21 =	simm.s32 $0x4100  }
0x33: {  	[tilespmem:s20], [sflag:$0x1] =	stream.indirect.gather [hbm4b:s3+s18], $0x80, s21, s18, $0xb8;
	[tilespmem:$0x12000] =	vst v63  }
0x34: {  	_ =	swait.ge [sflag:s30], $0x2800  }
0x35: {  	[sflag:s30] =	ssyncset.done $0x0  }
0x36: {  	[sflag:s30] =	ssyncadd.s32 $0xFFFFD800  }
0x37: {  	_ =	swait.ge [sflag:s30], $0x2800  }
0x38: {  	[sflag:s30] =	ssyncset.done $0x0  }
0x39: {  	[sflag:s30] =	ssyncadd.s32 $0xFFFFD800  }
0x3a: {  	[hbm4b:s11+s2] =	stream.linear.scatter [tilespmem:s22], [sflag:$0x4], $0x2800, $0x38;
	[tilespmem:$0x12000] =	vst v63  }
0x3b: {  	_ = 	snop  }
0x3c: {  	[hbm4b:s12+s2] =	stream.linear.scatter [tilespmem:s24], [sflag:$0x4], $0x2800, $0x38;
	[tilespmem:$0x12000] =	vst v63  }
0x3d: {  	_ =	swait.ge [sflag:s31], $0x2800  }
0x3e: {  	[sflag:s31] =	ssyncset.done $0x0  }
0x3f: {  	[sflag:s31] =	ssyncadd.s32 $0xFFFFD800  }
0x40: {  	_ =	swait.ge [sflag:s31], $0x2800  }
0x41: {  	[sflag:s31] =	ssyncset.done $0x0  }
0x42: {  	s23 =	simm.s32 $0x180;
	[sflag:s31] =	ssyncadd.s32 $0xFFFFD800  }
0x43: {  	[tilespmem:s22], [sflag:$0x2] =	stream.indirect.gather [hbm4b:s3+s18], $0x80, s23, s18, $0xb8;
	[tilespmem:$0x12000] =	vst v63  }
0x44: {  	s29 =	simm.s32 $0x4180  }
0x45: {  	[tilespmem:s24], [sflag:$0x2] =	stream.indirect.gather [hbm4b:s3+s18], $0x80, s29, s18, $0xb8;
	[tilespmem:$0x12000] =	vst v63  }
0x46: {  	_ =	swait.ge [sflag:s25], $0x2800  }
0x47: {  	[sflag:s25] =	ssyncset.done $0x0  }
0x48: {  	[sflag:s25] =	ssyncadd.s32 $0xFFFFD800  }
0x49: {  	_ =	swait.ge [sflag:s25], $0x2800  }
0x4a: {  	s1 =	sadd.s32 s14, s13;
	[sflag:s25] =	ssyncset.done $0x0  }
0x4b: {  	s21 =	sadd.s32 $0xA00, s1;
	s23 =	sadd.s32 s15, s13;
	[sflag:s25] =	ssyncadd.s32 $0xFFFFD800  }
0x4c: {  	[hbm4b:s21+s2] =	stream.linear.scatter [tilespmem:s19], [sflag:$0x3], $0x2800, $0x38;
	[tilespmem:$0x12000] =	vst v63  }
0x4d: {  	s4 =	sadd.s32 $0xA00, s23  }
0x4e: {  	[hbm4b:s4+s2] =	stream.linear.scatter [tilespmem:s20], [sflag:$0x3], $0x2800, $0x38;
	[tilespmem:$0x12000] =	vst v63  }
0x4f: {  	_ =	swait.ge [sflag:s26], $0x2800  }
0x50: {  	[sflag:s26] =	ssyncset.done $0x0  }
0x51: {  	[sflag:s26] =	ssyncadd.s32 $0xFFFFD800  }
0x52: {  	_ =	swait.ge [sflag:s26], $0x2800  }
0x53: {  	[sflag:s26] =	ssyncset.done $0x0  }
0x54: {  	s5 =	simm.s32 $0x200;
	[sflag:s26] =	ssyncadd.s32 $0xFFFFD800  }
0x55: {  	[tilespmem:s19], [sflag:$0x1] =	stream.indirect.gather [hbm4b:s3+s18], $0x80, s5, s18, $0xb8;
	[tilespmem:$0x12000] =	vst v63  }
0x56: {  	s29 =	simm.s32 $0x4200  }
0x57: {  	[tilespmem:s20], [sflag:$0x1] =	stream.indirect.gather [hbm4b:s3+s18], $0x80, s29, s18, $0xb8;
	[tilespmem:$0x12000] =	vst v63  }
0x58: {  	_ =	swait.ge [sflag:s30], $0x2800  }
0x59: {  	[sflag:s30] =	ssyncset.done $0x0  }
0x5a: {  	[sflag:s30] =	ssyncadd.s32 $0xFFFFD800  }
0x5b: {  	_ =	swait.ge [sflag:s30], $0x2800  }
0x5c: {  	[sflag:s30] =	ssyncset.done $0x0  }
0x5d: {  	s1 =	sadd.s32 $0xF00, s1;
	s28 =	sadd.s32 $0xF00, s23;
	[sflag:s30] =	ssyncadd.s32 $0xFFFFD800  }
0x5e: {  	[hbm4b:s1+s2] =	stream.linear.scatter [tilespmem:s22], [sflag:$0x4], $0x2800, $0x38;
	[tilespmem:$0x12000] =	vst v63  }
0x5f: {  	s23 =	sadd.s32 $0xA00, s15;
	s21 =	sadd.s32 $0xA00, s14;
	s1 =	simm.s32 $0x400  }
.LBB2_2:
0x60: {  	[hbm4b:s28+s2] =	stream.linear.scatter [tilespmem:s24], [sflag:$0x4], $0x2800, $0x38;
	[tilespmem:$0x12000] =	vst v63  }
0x61: {  	s28 =	smov.u32 s1  }
0x62: {  	p0 =	sne.s32 s1, $0xF000;
	s1 =	sadd.s32 $0x400, s1;
	_ =	swait.ge [sflag:s31], $0x2800  }
0x63: {  	[sflag:s31] =	ssyncset.done $0x0  }
0x64: {  	[sflag:s31] =	ssyncadd.s32 $0xFFFFD800  }
0x65: {  	_ =	swait.ge [sflag:s31], $0x2800  }
0x66: {  	s28 =	sshra.s32 s28, $0x2;
	[sflag:s31] =	ssyncset.done $0x0  }
0x67: {  	s29 =	sadd.s32 $0x180, s28;
	[sflag:s31] =	ssyncadd.s32 $0xFFFFD800  }
0x68: {  	[tilespmem:s22], [sflag:$0x2] =	stream.indirect.gather [hbm4b:s3+s18], $0x80, s29, s18, $0xb8;
	[tilespmem:$0x12000] =	vst v63  }
0x69: {  	s29 =	sadd.s32 $0x4180, s28  }
0x6a: {  	[tilespmem:s24], [sflag:$0x2] =	stream.indirect.gather [hbm4b:s3+s18], $0x80, s29, s18, $0xb8;
	[tilespmem:$0x12000] =	vst v63  }
0x6b: {  	_ =	swait.ge [sflag:s25], $0x2800  }
0x6c: {  	[sflag:s25] =	ssyncset.done $0x0  }
0x6d: {  	[sflag:s25] =	ssyncadd.s32 $0xFFFFD800  }
0x6e: {  	_ =	swait.ge [sflag:s25], $0x2800  }
0x6f: {  	s29 =	sadd.s32 s21, s13;
	[sflag:s25] =	ssyncset.done $0x0  }
0x70: {  	s5 =	sadd.s32 s23, s13;
	s4 =	sadd.s32 $0xA00, s29;
	[sflag:s25] =	ssyncadd.s32 $0xFFFFD800  }
0x71: {  	[hbm4b:s4+s2] =	stream.linear.scatter [tilespmem:s19], [sflag:$0x3], $0x2800, $0x38;
	[tilespmem:$0x12000] =	vst v63  }
0x72: {  	s4 =	sadd.s32 $0xA00, s5  }
0x73: {  	[hbm4b:s4+s2] =	stream.linear.scatter [tilespmem:s20], [sflag:$0x3], $0x2800, $0x38;
	[tilespmem:$0x12000] =	vst v63  }
0x74: {  	_ =	swait.ge [sflag:s26], $0x2800  }
0x75: {  	[sflag:s26] =	ssyncset.done $0x0  }
0x76: {  	[sflag:s26] =	ssyncadd.s32 $0xFFFFD800  }
0x77: {  	_ =	swait.ge [sflag:s26], $0x2800  }
0x78: {  	[sflag:s26] =	ssyncset.done $0x0  }
0x79: {  	s4 =	sadd.s32 $0x200, s28;
	[sflag:s26] =	ssyncadd.s32 $0xFFFFD800  }
0x7a: {  	[tilespmem:s19], [sflag:$0x1] =	stream.indirect.gather [hbm4b:s3+s18], $0x80, s4, s18, $0xb8;
	[tilespmem:$0x12000] =	vst v63  }
0x7b: {  	s4 =	sadd.s32 $0x4200, s28  }
0x7c: {  	[tilespmem:s20], [sflag:$0x1] =	stream.indirect.gather [hbm4b:s3+s18], $0x80, s4, s18, $0xb8;
	[tilespmem:$0x12000] =	vst v63  }
0x7d: {  	_ =	swait.ge [sflag:s30], $0x2800  }
0x7e: {  	[sflag:s30] =	ssyncset.done $0x0  }
0x7f: {  	[sflag:s30] =	ssyncadd.s32 $0xFFFFD800  }
.Ltmp0:
0x80: {  	_ =	swait.ge [sflag:s30], $0x2800;
	(pc) =	sbr.rel @p0 .LBB2_2-.Ltmp0, $4  }
0x81: {  	[sflag:s30] =	ssyncset.done $0x0  }
0x82: {  	s4 =	sadd.s32 $0xF00, s29;
	[sflag:s30] =	ssyncadd.s32 $0xFFFFD800  }
0x83: {  	[hbm4b:s4+s2] =	stream.linear.scatter [tilespmem:s22], [sflag:$0x4], $0x2800, $0x38;
	[tilespmem:$0x12000] =	vst v63  }
0x84: {  	s23 =	sadd.s32 $0xA00, s23;
	s21 =	sadd.s32 $0xA00, s21;
	s28 =	sadd.s32 $0xF00, s5  }
0x85: {  	[hbm4b:s28+s2] =	stream.linear.scatter [tilespmem:s24], [sflag:$0x4], $0x2800, $0x38;
	[tilespmem:$0x12000] =	vst v63  }
0x86: {  	_ =	swait.ge [sflag:s31], $0x2800  }
0x87: {  	[sflag:s31] =	ssyncset.done $0x0  }
0x88: {  	[sflag:s31] =	ssyncadd.s32 $0xFFFFD800  }
0x89: {  	_ =	swait.ge [sflag:s31], $0x2800  }
0x8a: {  	[sflag:s31] =	ssyncset.done $0x0  }
0x8b: {  	[sflag:s31] =	ssyncadd.s32 $0xFFFFD800  }
0x8c: {  	_ =	swait.ge [sflag:s25], $0x2800  }
0x8d: {  	[sflag:s25] =	ssyncset.done $0x0  }
0x8e: {  	[sflag:s25] =	ssyncadd.s32 $0xFFFFD800  }
0x8f: {  	_ =	swait.ge [sflag:s25], $0x2800  }
0x90: {  	[sflag:s25] =	ssyncset.done $0x0  }
0x91: {  	[sflag:s25] =	ssyncadd.s32 $0xFFFFD800  }
0x92: {  	[hbm4b:s6+s2] =	stream.linear.scatter [tilespmem:s19], [sflag:$0x3], $0x2800, $0x38;
	[tilespmem:$0x12000] =	vst v63  }
0x93: {  	s0 =	sadd.s32 $0x1, s0  }
0x94: {  	[hbm4b:s7+s2] =	stream.linear.scatter [tilespmem:s20], [sflag:$0x3], $0x2800, $0x38;
	[tilespmem:$0x12000] =	vst v63  }
0x95: {  	p0 =	sne.s32 s0, s8;
	_ =	swait.ge [sflag:s26], $0x2800  }
.Ltmp1:
0x96: {  	[sflag:s26] =	ssyncset.done $0x0;
	(pc) =	sbr.rel @p0 .LBB2_1-.Ltmp1, $4  }
0x97: {  	[sflag:s26] =	ssyncadd.s32 $0xFFFFD800  }
0x98: {  	_ =	swait.ge [sflag:s26], $0x2800  }
0x99: {  	[sflag:s26] =	ssyncset.done $0x0  }
0x9a: {  	[sflag:s26] =	ssyncadd.s32 $0xFFFFD800  }
0x9b: {  	_ =	sfence.sel $0x180000  }
0x9c: {  	[bflag:$0x0] =	sbarrier.arrive $0xFFFF  }
0x9d: {  	_ =	strace $0x9000004D  }
0x9e: {  	s0 =	stileid.u32;
	[bflag:$0x2] =	sbarrier.arrive $0xFFFF  }
0x9f: {  	p0 =	sne.s32 s0, $0x0;
	s0 =	rddreg [dreg:$0x1]  }
0xa0: {  	s0 =	sadd.s32 @!p0 $0x100000, s0  }
0xa1: {  	[sflag:s0] =	ssyncadd.tile.s32 @!p0 $0x1;
	_ =	shalt  }
.Lfunc_end2:
_tile_overlayer_lowered:
.L_overlay_start_2:
0xa2: {  	(tag) =	ssettag $0x2  }
0xa3: {  	s0 =	rddreg [dreg:$0x0];
	s2 =	stileid.u32  }
0xa4: {  	s1 =	rddreg [dreg:$0x1];
	p0 =	sne.s32 s2, $0x0  }
0xa5: {  	s3 =	rddreg [dreg:$0x2];
	[bflag:$0x3] =	sbarrier.arrive $0xFFFF;
	s2 =	simm.s32 @!p0 $0x1C05  }
0xa6: {  	[timem:s3], [sflag:s2] =	dma.local @!p0 [hbm:s0], s1  }
0xa7: {  	s0 =	simm.s32 @!p0 $0x5  }
0xa8: {  	_ =	swait.ge @!p0 [sflag:s0], s1  }
0xa9: {  	s1 =	ssub.s32 @!p0 $0x0, s1;
	[sflag:s0] =	ssyncset.done @!p0 $0x0  }
0xaa: {  	[sflag:s0] =	ssyncadd.s32 @!p0 s1  }
0xab: {  	[bflag:$0x3] =	sbarrier.arrive $0xFFFF  }
0xac: {  	_ =	shalt  }

// kernel: kernel.24.cloned.1.call-start
scs
__scs_entry_jumppad:
0x0: {  	(pc) =	sbr.rel $0x88, $3  }
0x1: {  	(tag) =	ssettag $0x0;
	lr =	simm.s32 $0x1  }
0x2: {  	[smem:$0x3F89] =	sst lr;
	_ =	strace $0xD0000000  }
0x3: {  	_ = 	snop  }
0x4: {  	_ = 	snop  }
0x5: {  	_ = 	snop  }
0x6: {  	_ = 	snop  }
0x7: {  	_ = 	snop  }
__scs_overlays_trampoline_lowered:
0x8: {  	[smem:$0x3F98] =	sst s0  }
0x9: {  	[smem:$0x3F99] =	sst s1  }
0xa: {  	[smem:$0x3F9A] =	sst s2  }
0xb: {  	[smem:$0x3F9B] =	sst s3  }
0xc: {  	[smem:$0x3F9C] =	sst s4  }
0xd: {  	[smem:$0x3F9D] =	sst s5  }
0xe: {  	[smem:$0x3F9E] =	sst s6  }
0xf: {  	[smem:$0x3F9F] =	sst s7  }
0x10: {  	[smem:$0x3FA0] =	sst s8  }
0x11: {  	[smem:$0x3FA1] =	sst s9;
	s0 =	simm.s32 @!p0 $0x0  }
0x12: {  	s1 =	sld [smem:$0x3F87];
	s0 =	simm.s32 @p0 $0x1  }
0x13: {  	[smem:$0x3FA2] =	sst s0;
	s0 =	simm.s32 @!p1 $0x0  }
0x14: {  	s2 =	sld [smem:$0x3F86];
	s0 =	simm.s32 @p1 $0x1  }
0x15: {  	[smem:$0x3FA3] =	sst s0;
	s0 =	simm.s32 @!p2 $0x0  }
0x16: {  	s3 =	sld [smem:$0x3FDB];
	s0 =	simm.s32 @p2 $0x1  }
0x17: {  	s4 =	simm.s32 $0x1BF5;
	[smem:$0x3FA5] =	sst s0  }
0x18: {  	s0 =	sld [smem:$0x3F88];
	_ =	swait.ge [sflag:s4], $0x0  }
0x19: {  	s7 =	sld [smem:$0x3F89]  }
0x1a: {  	s8 =	sadd.s32 $0xFFFFE003, lr  }
0x1b: {  	s9 =	sadd.s32 $0xFFFFFEF7, lr;
	s5 =	simm.s32 $0xFFFFFFFF;
	p2 =	slt.u32 s8, $0xFFFFF086  }
0x1c: {  	p1 =	slt.u32 s9, $0xF7A;
	s5 =	simm.s32 @!p2 $0x0  }
0x1d: {  	s5 =	simm.s32 @p1 $0x1;
	p0 =	seq.s32 s7, s2  }
0x1e: {  	s7 =	smul.u32 @!p0 $0xF7A, s2;
	p2 =	seq.s32 @!p0 s5, $0x0  }
0x1f: {  	s9 =	smul.u32 $0xF7A, s1;
	s8 =	simm.s32 @!p0 $0x1BF5;
	p2 =	por !p2, p0  }
0x20: {  	[sflag:s8] =	ssyncset.s32 @!p0 $0xFFFFF086;
	s6 =	sadd.s32 @!p0 s3, s7;
	s7 =	simm.s32 @!p0 $0x108  }
0x21: {  	s3 =	sadd.s32 s3, s9;
	s6 =	sadd.s32 @!p0 $0x88, s6;
	s7 =	simm.s32 @p2 $0x1082  }
0x22: {  	[simem:s7], [sflag:s8] =	dma.local @!p0 [hbm:s6], $0xF7A  }
0x23: {  	s9 =	sor.u32 $0xD0000000, s2;
	s6 =	simm.s32 $0x108;
	_ =	swait.ge @!p0 [sflag:s8], $0x0  }
0x24: {  	s3 =	sadd.s32 $0x88, s3;
	s6 =	simm.s32 @!p1 $0x1082;
	[sflag:s4] =	ssyncset.s32 $0xFFFFF086  }
0x25: {  	[simem:s6], [sflag:s4] =	dma.local [hbm:s3], $0xF7A  }
0x26: {  	[smem:$0x3F89] =	sst s1;
	(tag) =	ssettag s2;
	_ =	strace s9  }
0x27: {  	s1 =	sld [smem:$0x3F99]  }
0x28: {  	s2 =	sld [smem:$0x3F9A]  }
0x29: {  	s4 =	sld [smem:$0x3F9C]  }
0x2a: {  	p0 =	seq.s32 s5, $0x0;
	s5 =	sld [smem:$0x3F9D]  }
0x2b: {  	s6 =	sld [smem:$0x3F9E]  }
0x2c: {  	s7 =	sld [smem:$0x3F9F]  }
0x2d: {  	s3 =	simm.s32 $0x108;
	s8 =	sld [smem:$0x3FA0]  }
0x2e: {  	s3 =	simm.s32 @!p0 $0x1082;
	s9 =	sld [smem:$0x3FA1]  }
0x2f: {  	lr =	sadd.s32 s0, s3;
	s0 =	sld [smem:$0x3F98]  }
0x30: {  	s3 =	sld [smem:$0x3F9B]  }
0x31: {  	[smem:$0x3FA4] =	sst s10  }
0x32: {  	s10 =	sld [smem:$0x3FA2];
	_ =	sdelay $0x3  }
0x33: {  	p0 =	seq.s32 s10, $0x1;
	s10 =	sld [smem:$0x3FA4];
	_ =	sdelay $0x3  }
0x34: {  	[smem:$0x3FA4] =	sst s10  }
0x35: {  	s10 =	sld [smem:$0x3FA3];
	_ =	sdelay $0x3  }
0x36: {  	p1 =	seq.s32 s10, $0x1;
	s10 =	sld [smem:$0x3FA4];
	_ =	sdelay $0x3  }
0x37: {  	[smem:$0x3FA4] =	sst s10  }
0x38: {  	s10 =	sld [smem:$0x3FA5]  }
0x39: {  	_ = 	snop;
	(pc) =	sbr.ind lr, $3  }
0x3a: {  	_ = 	snop  }
0x3b: {  	_ = 	snop  }
0x3c: {  	p2 =	seq.s32 s10, $0x1;
	s10 =	sld [smem:$0x3FA4]  }
0x3d: {  	_ =	shalt  }
0x3e: {  	_ =	shalt  }
0x3f: {  	_ =	shalt  }
0x40: {  	_ =	shalt  }
0x41: {  	_ =	shalt  }
0x42: {  	_ =	shalt  }
0x43: {  	_ =	shalt  }
0x44: {  	_ =	shalt  }
0x45: {  	_ =	shalt  }
0x46: {  	_ =	shalt  }
0x47: {  	_ =	shalt  }
0x48: {  	_ =	shalt  }
0x49: {  	_ =	shalt  }
0x4a: {  	_ =	shalt  }
0x4b: {  	_ =	shalt  }
0x4c: {  	_ =	shalt  }
0x4d: {  	_ =	shalt  }
0x4e: {  	_ =	shalt  }
0x4f: {  	_ =	shalt  }
0x50: {  	_ =	shalt  }
0x51: {  	_ =	shalt  }
0x52: {  	_ =	shalt  }
0x53: {  	_ =	shalt  }
0x54: {  	_ =	shalt  }
0x55: {  	_ =	shalt  }
0x56: {  	_ =	shalt  }
0x57: {  	_ =	shalt  }
0x58: {  	_ =	shalt  }
0x59: {  	_ =	shalt  }
0x5a: {  	_ =	shalt  }
0x5b: {  	_ =	shalt  }
0x5c: {  	_ =	shalt  }
0x5d: {  	_ =	shalt  }
0x5e: {  	_ =	shalt  }
0x5f: {  	_ =	shalt  }
0x60: {  	_ =	shalt  }
0x61: {  	_ =	shalt  }
0x62: {  	_ =	shalt  }
0x63: {  	_ =	shalt  }
0x64: {  	_ =	shalt  }
0x65: {  	_ =	shalt  }
0x66: {  	_ =	shalt  }
0x67: {  	_ =	shalt  }
0x68: {  	_ =	shalt  }
0x69: {  	_ =	shalt  }
0x6a: {  	_ =	shalt  }
0x6b: {  	_ =	shalt  }
0x6c: {  	_ =	shalt  }
0x6d: {  	_ =	shalt  }
0x6e: {  	_ =	shalt  }
0x6f: {  	_ =	shalt  }
0x70: {  	_ =	shalt  }
0x71: {  	_ =	shalt  }
0x72: {  	_ =	shalt  }
0x73: {  	_ =	shalt  }
0x74: {  	_ =	shalt  }
0x75: {  	_ =	shalt  }
0x76: {  	_ =	shalt  }
0x77: {  	_ =	shalt  }
0x78: {  	_ =	shalt  }
0x79: {  	_ =	shalt  }
0x7a: {  	_ =	shalt  }
0x7b: {  	_ =	shalt  }
0x7c: {  	_ =	shalt  }
0x7d: {  	_ =	shalt  }
0x7e: {  	_ =	shalt  }
0x7f: {  	_ =	shalt  }
0x80: {  	_ =	shalt  }
0x81: {  	_ =	shalt  }
0x82: {  	_ =	shalt  }
0x83: {  	_ =	shalt  }
0x84: {  	_ =	shalt  }
0x85: {  	_ =	shalt  }
0x86: {  	_ =	shalt  }
0x87: {  	_ =	shalt  }
.Lfunc_end0:
.L_simem_size_0:
called_computation.3_lowered:
.L_overlay_start_0:
0x88: {  	s2 =	sld [smem:$0x3FD9]  }
0x89: {  	s3 =	sld [smem:$0x3FFE];
	_ =	sdelay $0x1  }
0x8a: {  	s1 =	srdreg.scid  }
0x8b: {  	s0 =	sand.u32 $0x1, s1  }
0x8c: {  	s16 =	sshll.u32 s0, $0xA;
	s2 =	sadd.s32 s3, s2  }
0x8d: {  	s2 =	sadd.s32 s2, s16  }
0x8e: {  	[smem:$0x3FB0] =	sst s2  }
0x8f: {  	_ = 	snop  }
0x90: {  	(tm) =	ssettm $0x1  }
0x91: {  	s17 =	sld [smem:$0x3FFB];
	_ =	sdelay $0x3  }
0x92: {  	_ =	strace s17  }
0x93: {  	s2 =	sld [smem:$0x3FFC];
	_ =	sdelay $0x3  }
0x94: {  	_ =	strace s2  }
0x95: {  	s2 =	sld [smem:$0x3FFD];
	_ =	sdelay $0x3  }
0x96: {  	_ =	strace s2  }
0x97: {  	_ =	strace $0x8FFFFFFF  }
0x98: {  	s18 =	sld [smem:$0x3FDB];
	_ =	sdelay $0x1  }
0x99: {  	s19 =	simm.s32 $_scs_section_size  }
0x9a: {  	s4 =	simm.s32 $_size__tile_overlayer_lowered;
	s5 =	simm.s32 $_tile_overlayer_lowered  }
0x9b: {  	s22 =	simm.s32 $0x1BFF;
	s21 =	sshll.u32 s5, $0x1;
	s2 =	sadd.s32 s19, s18  }
0x9c: {  	s6 =	simm.s32 $0x0;
	s20 =	sshll.u32 s4, $0x1;
	s4 =	sadd.s32 s21, s2  }
0x9d: {  	[timem:s6], [sflag:s22] =	dma.local [hbm:s4], s20  }
0x9e: {  	_ =	swait.ge [sflag:s22], s20  }
0x9f: {  	s3 =	ssub.s32 $0x0, s20;
	[sflag:s22] =	ssyncset.done $0x0  }
0xa0: {  	[sflag:s22] =	ssyncadd.s32 s3;
	_ =	sdelay $0x1  }
0xa1: {  	s23 =	simm.s32 $0x1B8B  }
0xa2: {  	_ =	swait.ge [sflag:s23], $0x1  }
0xa3: {  	[sflag:s23] =	ssyncset.done $0x0  }
0xa4: {  	s25 =	simm.s32 $0x1B8E;
	s24 =	sld [smem:$0x3FFE];
	[sflag:s23] =	ssyncadd.s32 $0xFFFFFFFF  }
0xa5: {  	s26 =	simm.s32 $execute0_lowered;
	[smem:$0x3FD2] =	sst s25  }
0xa6: {  	s4 =	sshll.u32 s26, $0x1;
	_ =	strace $0x8000004F;
	[dreg:$0x1] =	wrdreg $0xFFFFFFFF  }
0xa7: {  	s28 =	simm.s32 $_size_execute0_lowered;
	s2 =	sadd.s32 s2, s4;
	[dreg:$0x0] =	wrdreg $0x0  }
0xa8: {  	s4 =	sshll.u32 s28, $0x1;
	[dreg:$0x2] =	wrdreg s2  }
0xa9: {  	[dreg:$0x3] =	wrdreg s4  }
0xaa: {  	[dreg:$0x4] =	wrdreg $0xC0  }
0xab: {  	_ =	task [dreg:s6], $0x5FFFF  }
0xac: {  	[dreg:$0x1] =	wrdreg $0xFFFFFFFF  }
0xad: {  	[dreg:$0x0] =	wrdreg $0x60  }
0xae: {  	[dreg:$0x2] =	wrdreg s24  }
0xaf: {  	[dreg:$0x3] =	wrdreg $0x90000  }
0xb0: {  	[dreg:$0x4] =	wrdreg $0x9  }
0xb1: {  	_ =	task.clear_ibuf [dreg:s6], $0x5FFFF;
	_ =	strace $0x9000004F  }
0xb2: {  	s29 =	simm.s32 $0x9;
	_ =	strace $0x80000051  }
0xb3: {  	_ =	swait.ge [sflag:s29], $0x1  }
0xb4: {  	[sflag:s29] =	ssyncadd.s32 $0xFFFFFFFF  }
0xb5: {  	_ =	strace $0x90000051  }
0xb6: {  	_ =	sfence  }
0xb7: {  	s30 =	sld [smem:$0x0];
	_ =	sdelay $0x2  }
0xb8: {  	s31 =	sshll.u32 s1, $0xD;
	s1 =	sshrl.u32 s1, $0x2  }
0xb9: {  	s3 =	sand.u32 $0x4000, s31;
	s1 =	sadd.s32 s1, s30  }
0xba: {  	s0 =	sor.u32 s3, s0;
	s1 =	sshll.u32 s1, $0x11  }
0xbb: {  	s0 =	sor.u32 s1, s0  }
0xbc: {  	s0 =	sadd.s32 $0x8F2B, s0  }
0xbd: {  	[sflag:s0] =	ssyncadd.remote.s32 $0x1  }
0xbe: {  	_ =	sfence.sel $0xFFFF  }
0xbf: {  	[dreg:$0x0] =	wrdreg $0xFFFFFFFF;
	(pc) =	sbr.abs _section_cstart, $3  }
0xc0: {  	[dreg:$0x1] =	wrdreg $0xFFFFFFFF  }
0xc1: {  	_ =	task.clear_ibuf [dreg:s6], $0x2FFFF;
	_ =	strace $0x9FFFFFFF  }
0xc2: {  	(tm) =	ssettm $0x7FFFFFFF  }
0xc3: {  	_ =	shalt  }
tec
execute0_lowered:
.L_overlay_start_1:
0x0: {  	(tag) =	ssettag $0x1  }
0x1: {  	s4 =	rddreg [dreg:$0x0]  }
0x2: {  	s1 =	rddreg [dreg:$0x1]  }
0x3: {  	s0 =	rddreg [dreg:$0x2];
	s3 =	simm.s32 $0x0  }
0x4: {  	s5 =	srdreg.scid;
	s2 =	stileid.u32;
	s16 =	simm.s32 $0x50  }
0x5: {  	s17 =	simm.s32 $0x2;
	s18 =	simm.s32 $0x3E00;
	s19 =	simm.s32 $0x0  }
0x6: {  	[smem:$0x7FF] =	sst s3;
	s5 =	sand.u32 $0x1, s5;
	s7 =	smul.u32 $0x14000, s2  }
0x7: {  	s6 =	sshll.u32 s2, $0x1;
	s9 =	sadd.s32 $0x18A0A00, s4;
	s12 =	smul.u32 $0x50000, s2  }
0x8: {  	s28 =	smul.u32 $0x4E200, s2;
	s29 =	sshll.u32 s2, $0x6;
	_ =	strace $0x80000050  }
0x9: {  	s6 =	sor.u32 s5, s6;
	s8 =	smul.u32 $0x140000, s5;
	s23 =	ssub.s32 $0x2, s5  }
0xa: {  	s15 =	smul.u32 $0x27100, s5;
	s5 =	sor.u32 $0x1C03, s29;
	s10 =	sshll.u32 s6, $0xB  }
0xb: {  	s11 =	sshrl.u32 s7, $0x3;
	s24 =	sshrl.u32 s23, $0x1;
	s25 =	smul.u32 $0x27100, s6  }
0xc: {  	s26 =	sshrl.u32 s12, $0x2;
	s30 =	sadd.s32 s28, s9;
	s10 =	sadd.s32 s10, s4  }
0xd: {  	s11 =	sadd.s32 s11, s4;
	s7 =	sadd.s32 s7, s8;
	s14 =	ssub.s32 s23, s24  }
0xe: {  	s12 =	sadd.s32 s26, s1;
	s31 =	sadd.s32 s15, s30;
	s15 =	simm.s32 $0x1  }
0xf: {  	s7 =	sshrl.u32 s7, $0x3;
	s6 =	sadd.s32 $0x16200, s10;
	s10 =	sadd.s32 $0xA00, s31  }
0x10: {  	s13 =	sadd.s32 s7, s4;
	s4 =	sadd.s32 $0x26200, s11;
	s7 =	sadd.s32 s9, s25  }
0x11: {  	s9 =	smax.u32 s14, $0x1;
	s11 =	sshrl.u32 s12, $0x3;
	s12 =	simm.s32 $0x3  }
0x12: {  	s14 =	simm.s32 $0x6800;
	s8 =	sadd.s32 $0x4E200, s13;
	s13 =	simm.s32 $0x4000  }
.LBB2_1:
0x13: {  	[spmem:s11], [sflag:s5] =	dma.local [hbm:s4], $0x2800  }
0x14: {  	_ =	swait.ge [sflag:s12], $0x2800  }
0x15: {  	[sflag:s12] =	ssyncset.done $0x0  }
0x16: {  	[sflag:s12] =	ssyncadd.s32 $0xFFFFD800  }
0x17: {  	[tilespmem:s3], [sflag:$0x3] =	stream.linear.gather [hbm4b:s6+s3], $0x3E80, $0x38;
	[tilespmem:$0x1D000] =	vst v63  }
0x18: {  	_ =	swait.ge [sflag:s12], $0x3E80  }
0x19: {  	[sflag:s12] =	ssyncset.done $0x0  }
0x1a: {  	[sflag:s12] =	ssyncadd.s32 $0xFFFFC180  }
0x1b: {  	[bflag:$0x0] =	sbarrier.arrive $0xFFFF  }
0x1c: {  	[tilespmem:s13], [sflag:$0x1] =	stream.linear.gather [hbm4b:s7+s3], $0x2800, $0x38;
	[tilespmem:$0x1D000] =	vst v63  }
0x1d: {  	s20 =	sadd.s32 $0xFFFFFB00, s10  }
0x1e: {  	[tilespmem:s14], [sflag:$0x2] =	stream.linear.gather [hbm4b:s20+s3], $0x2800, $0x38;
	[tilespmem:$0x1D000] =	vst v63  }
0x1f: {  	_ =	swait.ge [sflag:s15], $0x2800  }
0x20: {  	[sflag:s15] =	ssyncset.done $0x0  }
0x21: {  	s30 =	simm.s32 $0x0;
	[sflag:s15] =	ssyncadd.s32 $0xFFFFD800  }
0x22: {  	[spmem:s1] =	stream.indirect.scatter.add.f32 [tilespmem:s13], [sflag:$0x3], $0x80, s30, s16, $0xb8;
	[tilespmem:$0x1D000] =	vst v63  }
0x23: {  	_ =	swait.ge [sflag:s12], $0x2800  }
0x24: {  	[sflag:s12] =	ssyncset.done $0x0  }
0x25: {  	[sflag:s12] =	ssyncadd.s32 $0xFFFFD800  }
0x26: {  	[tilespmem:s13], [sflag:$0x1] =	stream.linear.gather [hbm4b:s10+s3], $0x2800, $0x38;
	[tilespmem:$0x1D000] =	vst v63  }
0x27: {  	_ =	swait.ge [sflag:s17], $0x2800  }
0x28: {  	[sflag:s17] =	ssyncset.done $0x0  }
0x29: {  	s31 =	simm.s32 $0x80;
	[sflag:s17] =	ssyncadd.s32 $0xFFFFD800  }
0x2a: {  	[spmem:s1] =	stream.indirect.scatter.add.f32 [tilespmem:s14], [sflag:$0x3], $0x80, s31, s16, $0xb8;
	[tilespmem:$0x1D000] =	vst v63  }
0x2b: {  	s21 =	simm.s32 $0x400;
	_ =	swait.ge [sflag:s12], $0x2800  }
0x2c: {  	s22 =	simm.s32 $0x800;
	s20 =	sadd.s32 $0xA00, s10;
	[sflag:s12] =	ssyncset.done $0x0  }
.LBB2_2:
0x2d: {  	p0 =	sne.s32 s22, $0xF400;
	s23 =	sadd.s32 $0xFFFFFB00, s20;
	[sflag:s12] =	ssyncadd.s32 $0xFFFFD800  }
0x2e: {  	[tilespmem:s14], [sflag:$0x2] =	stream.linear.gather [hbm4b:s23+s3], $0x2800, $0x38;
	[tilespmem:$0x1D000] =	vst v63  }
0x2f: {  	s23 =	smov.u32 s22;
	s22 =	sadd.s32 $0x400, s22;
	_ =	swait.ge [sflag:s15], $0x2800  }
0x30: {  	[sflag:s15] =	ssyncset.done $0x0  }
0x31: {  	s24 =	sshra.s32 s21, $0x2;
	s21 =	smov.u32 s23;
	[sflag:s15] =	ssyncadd.s32 $0xFFFFD800  }
0x32: {  	[spmem:s1] =	stream.indirect.scatter.add.f32 [tilespmem:s13], [sflag:$0x3], $0x80, s24, s16, $0xb8;
	[tilespmem:$0x1D000] =	vst v63  }
0x33: {  	_ =	swait.ge [sflag:s12], $0x2800  }
0x34: {  	[sflag:s12] =	ssyncset.done $0x0  }
0x35: {  	[sflag:s12] =	ssyncadd.s32 $0xFFFFD800  }
0x36: {  	[tilespmem:s13], [sflag:$0x1] =	stream.linear.gather [hbm4b:s20+s3], $0x2800, $0x38;
	[tilespmem:$0x1D000] =	vst v63  }
0x37: {  	_ =	swait.ge [sflag:s17], $0x2800  }
.Ltmp0:
0x38: {  	[sflag:s17] =	ssyncset.done $0x0;
	(pc) =	sbr.rel @p0 .LBB2_2-.Ltmp0, $4  }
0x39: {  	s23 =	sadd.s32 $0x80, s24;
	[sflag:s17] =	ssyncadd.s32 $0xFFFFD800  }
0x3a: {  	[spmem:s1] =	stream.indirect.scatter.add.f32 [tilespmem:s14], [sflag:$0x3], $0x80, s23, s16, $0xb8;
	[tilespmem:$0x1D000] =	vst v63  }
0x3b: {  	_ =	swait.ge [sflag:s12], $0x2800  }
0x3c: {  	s20 =	sadd.s32 $0xA00, s20;
	[sflag:s12] =	ssyncset.done $0x0  }
0x3d: {  	s22 =	sadd.s32 $0xFFFFFB00, s20;
	[sflag:s12] =	ssyncadd.s32 $0xFFFFD800  }
0x3e: {  	[tilespmem:s14], [sflag:$0x2] =	stream.linear.gather [hbm4b:s22+s3], $0x2800, $0x38;
	[tilespmem:$0x1D000] =	vst v63  }
0x3f: {  	_ =	swait.ge [sflag:s15], $0x2800  }
0x40: {  	[sflag:s15] =	ssyncset.done $0x0  }
0x41: {  	s21 =	sshra.s32 s21, $0x2;
	[sflag:s15] =	ssyncadd.s32 $0xFFFFD800  }
0x42: {  	[spmem:s1] =	stream.indirect.scatter.add.f32 [tilespmem:s13], [sflag:$0x3], $0x80, s21, s16, $0xb8;
	[tilespmem:$0x1D000] =	vst v63  }
0x43: {  	_ =	swait.ge [sflag:s12], $0x2800  }
0x44: {  	[sflag:s12] =	ssyncset.done $0x0  }
0x45: {  	[sflag:s12] =	ssyncadd.s32 $0xFFFFD800  }
0x46: {  	[tilespmem:s13], [sflag:$0x1] =	stream.linear.gather [hbm4b:s20+s3], $0x2800, $0x38;
	[tilespmem:$0x1D000] =	vst v63  }
0x47: {  	_ =	swait.ge [sflag:s17], $0x2800  }
0x48: {  	[sflag:s17] =	ssyncset.done $0x0  }
0x49: {  	s31 =	sadd.s32 $0x80, s21;
	[sflag:s17] =	ssyncadd.s32 $0xFFFFD800  }
0x4a: {  	[spmem:s1] =	stream.indirect.scatter.add.f32 [tilespmem:s14], [sflag:$0x3], $0x80, s31, s16, $0xb8;
	[tilespmem:$0x1D000] =	vst v63  }
0x4b: {  	_ =	swait.ge [sflag:s12], $0x2800  }
0x4c: {  	[sflag:s12] =	ssyncset.done $0x0  }
0x4d: {  	[sflag:s12] =	ssyncadd.s32 $0xFFFFD800  }
0x4e: {  	_ =	swait.ge [sflag:s15], $0x2800  }
0x4f: {  	[sflag:s15] =	ssyncset.done $0x0  }
0x50: {  	[sflag:s15] =	ssyncadd.s32 $0xFFFFD800  }
0x51: {  	[spmem:s1] =	stream.indirect.scatter.add.f32 [tilespmem:s13], [sflag:$0x3], $0x80, s18, s16, $0xb8;
	[tilespmem:$0x1D000] =	vst v63  }
0x52: {  	_ =	swait.ge [sflag:s12], $0x2800  }
0x53: {  	s19 =	sadd.s32 $0x1, s19;
	[sflag:s12] =	ssyncset.done $0x0  }
0x54: {  	p0 =	sne.s32 s19, s9;
	[sflag:s12] =	ssyncadd.s32 $0xFFFFD800  }
.Ltmp1:
0x55: {  	[bflag:$0x0] =	sbarrier.arrive $0xFFFF;
	(pc) =	sbr.rel @p0 .LBB2_1-.Ltmp1, $4  }
0x56: {  	[hbm:s8], [sflag:s5] =	dma.local [spmem:s11], $0x2800  }
0x57: {  	_ =	swait.ge [sflag:s12], $0x2800  }
0x58: {  	[sflag:s12] =	ssyncset.done $0x0  }
0x59: {  	[sflag:s12] =	ssyncadd.s32 $0xFFFFD800  }
0x5a: {  	_ =	sfence.sel $0x180000  }
0x5b: {  	[bflag:$0x0] =	sbarrier.arrive $0xFFFF  }
0x5c: {  	p0 =	sne.s32 s2, $0x0;
	_ =	strace $0x90000050  }
0x5d: {  	s0 =	sadd.s32 @!p0 $0x100000, s0;
	[bflag:$0x2] =	sbarrier.arrive $0xFFFF  }
0x5e: {  	[sflag:s0] =	ssyncadd.tile.s32 @!p0 $0x1;
	_ =	shalt  }
.Lfunc_end2:
_tile_overlayer_lowered:
.L_overlay_start_2:
0x5f: {  	(tag) =	ssettag $0x2  }
0x60: {  	s0 =	rddreg [dreg:$0x0];
	s2 =	stileid.u32  }
0x61: {  	s1 =	rddreg [dreg:$0x1];
	p0 =	sne.s32 s2, $0x0  }
0x62: {  	s3 =	rddreg [dreg:$0x2];
	[bflag:$0x3] =	sbarrier.arrive $0xFFFF;
	s2 =	simm.s32 @!p0 $0x1C03  }
0x63: {  	[timem:s3], [sflag:s2] =	dma.local @!p0 [hbm:s0], s1  }
0x64: {  	s0 =	simm.s32 @!p0 $0x3  }
0x65: {  	_ =	swait.ge @!p0 [sflag:s0], s1  }
0x66: {  	s1 =	ssub.s32 @!p0 $0x0, s1;
	[sflag:s0] =	ssyncset.done @!p0 $0x0  }
0x67: {  	[sflag:s0] =	ssyncadd.s32 @!p0 s1  }
0x68: {  	[bflag:$0x3] =	sbarrier.arrive $0xFFFF  }
0x69: {  	_ =	shalt  }

</sc_bundles>
